<compile_context>
chip_gen: v7x
topology: tpu7x:2x2x1
jax: 0.10.2.dev20260603
libtpu: 0.0.44.dev20260713+nightly
codegen_flags: <defaults>
</compile_context>

<pallas_src>
import functools

import jax
import jax.numpy as jnp
from jax import lax
from jax.experimental import pallas as pl
from jax.experimental.pallas import tpu as pltpu
from jax.experimental.pallas import tpu_sc as plsc

N_NODES = 10000
D = 128
N_CLASSES = 10
BN_EPS = 1e-5

NC = 2
NS = 16
NW = NC * NS

N_PAD = 10240
RPT = N_PAD // NS
CH = 120


def _seg_body(h_hbm, eidx_hbm, zeros_hbm, out_hbm,
              ia, ib, ic, ra, rb, acc, sa, sb, sc, ga, gb, *, gc0, gc1):
    idx = [ia, ib, ic]
    isem = [sa, sb, sc]
    rows = [ra, rb]
    sems = [ga, gb]
    cid = lax.axis_index("c")
    sid = lax.axis_index("s")
    pltpu.sync_copy(zeros_hbm, ra)
    for j in range(RPT // CH):
        pltpu.sync_copy(ra, acc.at[pl.ds(sid * RPT + j * CH, CH)])
    rem = RPT - (RPT // CH) * CH
    if rem:
        pltpu.sync_copy(ra.at[pl.ds(0, rem)],
                        acc.at[pl.ds(sid * RPT + RPT - rem, rem)])
    plsc.subcore_barrier()
    gch = jnp.where(cid == 0, gc0, gc1)
    ibase = jnp.where(cid == 0, sid * gc0, NS * gc0 + sid * gc1)

    pltpu.sync_copy(eidx_hbm.at[ibase], ia)
    pltpu.async_copy(h_hbm.at[ia.at[0]], ra, ga)
    for j in (1, 2):
        @pl.when(j < gch)
        def _():
            pltpu.async_copy(eidx_hbm.at[ibase + j], idx[j], isem[j])

    def round_body(t, carry):
        for b in range(6):
            g = t * 6 + b
            cur, nxt = b % 2, 1 - b % 2
            icur, inxt, iref = b % 3, (b + 1) % 3, (b + 3) % 3

            @pl.when(g + 1 < gch)
            def _():
                pltpu.make_async_copy(eidx_hbm.at[ibase + g + 1], idx[inxt],
                                      isem[inxt]).wait()
                pltpu.async_copy(h_hbm.at[idx[inxt].at[0]], rows[nxt],
                                 sems[nxt])

            pltpu.make_async_copy(h_hbm.at[idx[icur].at[0]], rows[cur],
                                  sems[cur]).wait()
            pltpu.sync_copy(rows[cur], acc.at[idx[icur].at[1]], add=True)

            @pl.when(g + 3 < gch)
            def _():
                pltpu.async_copy(eidx_hbm.at[ibase + g + 3], idx[iref],
                                 isem[iref])
        return carry

    lax.fori_loop(0, gch // 6, round_body, 0)
    plsc.subcore_barrier()
    pltpu.sync_copy(acc.at[pl.ds(sid * RPT, RPT)],
                    out_hbm.at[pl.ds(cid * N_PAD + sid * RPT, RPT)])


CORE0_FRAC = 0.79


def _segment_partials(h, src_p, dst_p, zeros):
    tot = src_p.shape[0] // (NS * CH)
    gc0 = int(round(tot * CORE0_FRAC / 6)) * 6
    gc1 = tot - gc0
    mesh = plsc.VectorSubcoreMesh(core_axis_name="c", subcore_axis_name="s")
    kfn = pl.kernel(
        functools.partial(_seg_body, gc0=gc0, gc1=gc1),
        out_type=jax.ShapeDtypeStruct((NC * N_PAD, D), jnp.float32),
        mesh=mesh,
        scratch_types=[
            pltpu.VMEM((2, CH), jnp.int32),
            pltpu.VMEM((2, CH), jnp.int32),
            pltpu.VMEM((2, CH), jnp.int32),
            pltpu.VMEM((CH, D), jnp.float32),
            pltpu.VMEM((CH, D), jnp.float32),
            pltpu.VMEM_SHARED((N_PAD, D), jnp.float32),
            pltpu.SemaphoreType.DMA,
            pltpu.SemaphoreType.DMA,
            pltpu.SemaphoreType.DMA,
            pltpu.SemaphoreType.DMA,
            pltpu.SemaphoreType.DMA,
        ],
    )
    eidx = jnp.stack([src_p.reshape(-1, CH), dst_p.reshape(-1, CH)], axis=1)
    return kfn(h, eidx, zeros)


def _linear_body(x_ref, w_ref, b_ref, o_ref):
    o_ref[...] = jnp.dot(x_ref[...], w_ref[...],
                         preferred_element_type=jnp.float32) + b_ref[...]


def _linear(x, w, b):
    n = x.shape[0]
    return pl.pallas_call(
        _linear_body,
        out_shape=jax.ShapeDtypeStruct((n, w.shape[1]), jnp.float32),
    )(x, w, b.reshape(1, -1))


def _bn(h, g, e):
    m = jnp.mean(h, axis=0, keepdims=True)
    v = jnp.mean(jnp.square(h - m), axis=0, keepdims=True)
    return (h - m) * (g * lax.rsqrt(v + BN_EPS)) + e


def _mlp_core(h_ref, parts_ref, w1_ref, b1_ref, g1_ref, e1_ref,
              w2_ref, b2_ref, g2_ref, e2_ref):
    n = h_ref.shape[0]
    z = (h_ref[...] + parts_ref[0:n, :]
         + parts_ref[N_PAD:N_PAD + n, :])
    h1 = jnp.dot(z, w1_ref[...], preferred_element_type=jnp.float32) + b1_ref[...]
    h1 = jnp.maximum(_bn(h1, g1_ref[...], e1_ref[...]), 0.0)
    h2 = jnp.dot(h1, w2_ref[...], preferred_element_type=jnp.float32) + b2_ref[...]
    return jnp.maximum(_bn(h2, g2_ref[...], e2_ref[...]), 0.0)


def _mlp_body(h_ref, parts_ref, w1_ref, b1_ref, g1_ref, e1_ref,
              w2_ref, b2_ref, g2_ref, e2_ref, o_ref):
    o_ref[...] = _mlp_core(h_ref, parts_ref, w1_ref, b1_ref, g1_ref, e1_ref,
                           w2_ref, b2_ref, g2_ref, e2_ref)


def _mlp_final_body(h_ref, parts_ref, w1_ref, b1_ref, g1_ref, e1_ref,
                    w2_ref, b2_ref, g2_ref, e2_ref, m_ref, wl_ref, bl_ref,
                    o_ref):
    h3 = _mlp_core(h_ref, parts_ref, w1_ref, b1_ref, g1_ref, e1_ref,
                   w2_ref, b2_ref, g2_ref, e2_ref)
    o_ref[...] = jnp.dot(h3 * m_ref[...], wl_ref[...],
                         preferred_element_type=jnp.float32) + bl_ref[...]


def _mlp(h, parts, p):
    n = h.shape[0]
    r = lambda a: a.reshape(1, -1)
    return pl.pallas_call(
        _mlp_body,
        out_shape=jax.ShapeDtypeStruct((n, p['W2'].shape[1]), jnp.float32),
    )(h, parts, p['W1'], r(p['b1']), r(p['g1']), r(p['be1']),
      p['W2'], r(p['b2']), r(p['g2']), r(p['be2']))


def _mlp_final(h, parts, p, maskf, wl, bl):
    n = h.shape[0]
    r = lambda a: a.reshape(1, -1)
    return pl.pallas_call(
        _mlp_final_body,
        out_shape=jax.ShapeDtypeStruct((n, wl.shape[1]), jnp.float32),
    )(h, parts, p['W1'], r(p['b1']), r(p['g1']), r(p['be1']),
      p['W2'], r(p['b2']), r(p['g2']), r(p['be2']),
      maskf, wl, r(bl))


def kernel(x, edge_index, mask, params):
    n = x.shape[0]
    e = edge_index.shape[1]
    src = edge_index[0].astype(jnp.int32)
    dst = edge_index[1].astype(jnp.int32)
    epw = NW * CH * 6
    e_pad = ((e + epw - 1) // epw) * epw
    pad = e_pad - e
    if pad:
        src = jnp.concatenate([src, jnp.zeros((pad,), jnp.int32)])
        dst = jnp.concatenate([dst, jnp.full((pad,), N_PAD - 8, jnp.int32)])
    zeros = jnp.zeros((CH, D), jnp.float32)

    maskf = mask.astype(jnp.float32)[:, None]
    wp = jnp.pad(params['lin_W'], ((0, 0), (0, 16 - N_CLASSES)))
    bp = jnp.pad(params['lin_b'], (0, 16 - N_CLASSES))

    h = _linear(x, params['init_W'], params['init_b'])
    for p in params['convs'][:-1]:
        parts = _segment_partials(h, src, dst, zeros)
        h = _mlp(h, parts, p)
    parts = _segment_partials(h, src, dst, zeros)
    out = _mlp_final(h, parts, params['convs'][-1], maskf, wp, bp)
    return out[:, :N_CLASSES]

# --- scband reference (transcript-rebuilt; emitter-appended) ---
"""Pipeline reference for scband-ring-gin-10247791968545 (READ-ONLY COPY).

The authoritative reference and input builder live on the scoring server;
editing this copy changes nothing except your own understanding.
"""

import jax, jax.numpy as jnp
import numpy as np

N_NODES = 10000
N_EDGES = 320000
D_FEAT = 128
HIDDEN = 128
N_CLASSES = 10
NUM_LAYERS = 3
BN_EPS = 1e-5


def _linear_params(key, d_in, d_out):
    k1, k2 = jax.random.split(key)
    bound = 1.0 / np.sqrt(d_in)
    W = jax.random.uniform(k1, (d_in, d_out), minval=-bound, maxval=bound, dtype=jnp.float32)
    b = jax.random.uniform(k2, (d_out,), minval=-bound, maxval=bound, dtype=jnp.float32)
    return W, b


def _conv_params(key, d_in, d_hidden):
    k1, k2 = jax.random.split(key)
    W1, b1 = _linear_params(k1, d_in, d_hidden)
    W2, b2 = _linear_params(k2, d_hidden, d_hidden)
    return {
        'W1': W1, 'b1': b1,
        'g1': jnp.ones((d_hidden,), jnp.float32), 'be1': jnp.zeros((d_hidden,), jnp.float32),
        'W2': W2, 'b2': b2,
        'g2': jnp.ones((d_hidden,), jnp.float32), 'be2': jnp.zeros((d_hidden,), jnp.float32),
    }


def setup_inputs(seed: int = 0) -> dict:
    key = jax.random.key(seed)
    kx, ke, kp = jax.random.split(key, 3)
    x = jax.random.normal(kx, (N_NODES, D_FEAT), dtype=jnp.float32)
    edge_index = jax.random.randint(ke, (2, N_EDGES), 0, N_NODES, dtype=jnp.int64) if jax.config.jax_enable_x64 else jax.random.randint(ke, (2, N_EDGES), 0, N_NODES).astype(jnp.int32)
    mask = jnp.ones((N_NODES,), dtype=bool)

    keys = jax.random.split(kp, 2 + NUM_LAYERS)
    init_W, init_b = _linear_params(keys[0], D_FEAT, D_FEAT)
    convs = [_conv_params(keys[1], D_FEAT, HIDDEN)]
    for i in range(NUM_LAYERS - 1):
        convs.append(_conv_params(keys[2 + i], HIDDEN, HIDDEN))
    lin_W, lin_b = _linear_params(keys[1 + NUM_LAYERS], HIDDEN, N_CLASSES)
    params = {'init_W': init_W, 'init_b': init_b, 'convs': convs, 'lin_W': lin_W, 'lin_b': lin_b}
    return {'x': x, 'edge_index': edge_index, 'mask': mask, 'params': params}


def _batch_norm(h, g, b):
    m = jnp.mean(h, axis=0)
    v = jnp.var(h, axis=0)
    return (h - m) / jnp.sqrt(v + BN_EPS) * g + b


def _gin_conv(x, src, dst, p):
    # GINConv with train_eps=False (eps=0): nn(x + sum_{j in N(i)} x_j)
    agg = jax.ops.segment_sum(x[src], dst, num_segments=x.shape[0])
    h = x + agg
    h = h @ p['W1'] + p['b1']
    h = _batch_norm(h, p['g1'], p['be1'])
    h = jax.nn.relu(h)
    h = h @ p['W2'] + p['b2']
    h = _batch_norm(h, p['g2'], p['be2'])
    return jax.nn.relu(h)


def reference(x, edge_index, mask, params):
    src = edge_index[0]
    dst = edge_index[1]
    h = x @ params['init_W'] + params['init_b']
    h = jax.nn.relu(_gin_conv(h, src, dst, params['convs'][0]))
    for p in params['convs'][1:]:
        h = _gin_conv(h, src, dst, p)
    h = jnp.where(mask[:, None], h, jnp.zeros_like(h))
    out = h @ params['lin_W'] + params['lin_b']
    return out

if __name__ == "__main__":
    import jax
    _d = setup_inputs()
    print(jax.jit(kernel)(*tuple(_d.values())))

</pallas_src>

<mosaic_0001>
#map = affine_map<(d0, d1) -> (0, 0)>
#map1 = affine_map<(d0, d1) -> (0, 0, 0)>
module attributes {stable_mosaic.version = 14 : i64} {
  func.func @_seg_body(%arg0: i32, %arg1: i32, %arg2: memref<10000x128xf32, #tpu.memory_space<hbm>>, %arg3: memref<2688x2x120xi32, #tpu.memory_space<hbm>>, %arg4: memref<120x128xf32, #tpu.memory_space<hbm>>, %arg5: memref<20480x128xf32, #tpu.memory_space<hbm>>, %arg6: memref<2x120xi32, #tpu.memory_space<vmem>>, %arg7: memref<2x120xi32, #tpu.memory_space<vmem>>, %arg8: memref<2x120xi32, #tpu.memory_space<vmem>>, %arg9: memref<120x128xf32, #tpu.memory_space<vmem>>, %arg10: memref<120x128xf32, #tpu.memory_space<vmem>>, %arg11: memref<10240x128xf32, #tpu.memory_space<vmem_shared>>, %arg12: memref<!tpu.dma_semaphore, #tpu.memory_space<semaphore_mem>>, %arg13: memref<!tpu.dma_semaphore, #tpu.memory_space<semaphore_mem>>, %arg14: memref<!tpu.dma_semaphore, #tpu.memory_space<semaphore_mem>>, %arg15: memref<!tpu.dma_semaphore, #tpu.memory_space<semaphore_mem>>, %arg16: memref<!tpu.dma_semaphore, #tpu.memory_space<semaphore_mem>>) attributes {dimension_semantics = [#tpu.dimension_semantics<core_parallel>, #tpu.dimension_semantics<subcore_parallel>], iteration_bounds = array<i64: 2, 16>, scalar_prefetch = 0 : i64, scratch_operands = 11 : i64, tpu.core_type = #tpu.core_type<sc_vector_subcore>, window_params = [{transform_indices = #map}, {transform_indices = #map1}, {transform_indices = #map}, {transform_indices = #map}]} {
    "tpu.region"() ({
      %run_scoped3A = tpu.sem_alloc : memref<!tpu.dma_semaphore, #tpu.memory_space<semaphore_mem>>
      tpu.enqueue_dma source(%arg4 : memref<120x128xf32, #tpu.memory_space<hbm>>) target(%arg9 : memref<120x128xf32, #tpu.memory_space<vmem>>) target_semaphore(%run_scoped3A : memref<!tpu.dma_semaphore, #tpu.memory_space<semaphore_mem>>)
      tpu.wait_dma2 semaphore(%run_scoped3A : memref<!tpu.dma_semaphore, #tpu.memory_space<semaphore_mem>>) src(%arg4 : memref<120x128xf32, #tpu.memory_space<hbm>>) dst(%arg9 : memref<120x128xf32, #tpu.memory_space<vmem>>)
      tpu.yield
    }) : () -> ()
    %mul3A = arith.constant 640 : i32
    %mul3A_0 = arith.muli %arg1, %mul3A : i32
    %add3A = arith.constant 0 : i32
    %add3A_1 = arith.addi %mul3A_0, %add3A : i32
    "tpu.region"() ({
      %run_scoped3A = tpu.sem_alloc : memref<!tpu.dma_semaphore, #tpu.memory_space<semaphore_mem>>
      %dma_start3A_83 = arith.constant 0 : i32
      %dma_start3A_84 = tpu.memref_slice %arg11[%add3A_1, %dma_start3A_83] : memref<10240x128xf32, #tpu.memory_space<vmem_shared>> -> memref<120x128xf32, #tpu.memory_space<vmem_shared>>
      %dma_start3A_85 = arith.constant 0 : i32
      %dma_start3A_86 = tpu.memref_slice %arg11[%add3A_1, %dma_start3A_85] : memref<10240x128xf32, #tpu.memory_space<vmem_shared>> -> memref<120x128xf32, #tpu.memory_space<vmem_shared>>
      tpu.enqueue_dma source(%arg9 : memref<120x128xf32, #tpu.memory_space<vmem>>) target(%dma_start3A_86 : memref<120x128xf32, #tpu.memory_space<vmem_shared>>) target_semaphore(%run_scoped3A : memref<!tpu.dma_semaphore, #tpu.memory_space<semaphore_mem>>)
      %dma_wait3A = arith.constant 0 : i32
      %dma_wait3A_87 = tpu.memref_slice %arg11[%add3A_1, %dma_wait3A] : memref<10240x128xf32, #tpu.memory_space<vmem_shared>> -> memref<120x128xf32, #tpu.memory_space<vmem_shared>>
      %dma_wait3A_88 = arith.constant 0 : i32
      %dma_wait3A_89 = tpu.memref_slice %arg11[%add3A_1, %dma_wait3A_88] : memref<10240x128xf32, #tpu.memory_space<vmem_shared>> -> memref<120x128xf32, #tpu.memory_space<vmem_shared>>
      tpu.wait_dma2 semaphore(%run_scoped3A : memref<!tpu.dma_semaphore, #tpu.memory_space<semaphore_mem>>) src(%arg9 : memref<120x128xf32, #tpu.memory_space<vmem>>) dst(%dma_wait3A_89 : memref<120x128xf32, #tpu.memory_space<vmem_shared>>)
      tpu.yield
    }) : () -> ()
    %mul3A_2 = arith.constant 640 : i32
    %mul3A_3 = arith.muli %arg1, %mul3A_2 : i32
    %add3A_4 = arith.constant 120 : i32
    %add3A_5 = arith.addi %mul3A_3, %add3A_4 : i32
    "tpu.region"() ({
      %run_scoped3A = tpu.sem_alloc : memref<!tpu.dma_semaphore, #tpu.memory_space<semaphore_mem>>
      %dma_start3A_83 = arith.constant 0 : i32
      %dma_start3A_84 = tpu.memref_slice %arg11[%add3A_5, %dma_start3A_83] : memref<10240x128xf32, #tpu.memory_space<vmem_shared>> -> memref<120x128xf32, #tpu.memory_space<vmem_shared>>
      %dma_start3A_85 = arith.constant 0 : i32
      %dma_start3A_86 = tpu.memref_slice %arg11[%add3A_5, %dma_start3A_85] : memref<10240x128xf32, #tpu.memory_space<vmem_shared>> -> memref<120x128xf32, #tpu.memory_space<vmem_shared>>
      tpu.enqueue_dma source(%arg9 : memref<120x128xf32, #tpu.memory_space<vmem>>) target(%dma_start3A_86 : memref<120x128xf32, #tpu.memory_space<vmem_shared>>) target_semaphore(%run_scoped3A : memref<!tpu.dma_semaphore, #tpu.memory_space<semaphore_mem>>)
      %dma_wait3A = arith.constant 0 : i32
      %dma_wait3A_87 = tpu.memref_slice %arg11[%add3A_5, %dma_wait3A] : memref<10240x128xf32, #tpu.memory_space<vmem_shared>> -> memref<120x128xf32, #tpu.memory_space<vmem_shared>>
      %dma_wait3A_88 = arith.constant 0 : i32
      %dma_wait3A_89 = tpu.memref_slice %arg11[%add3A_5, %dma_wait3A_88] : memref<10240x128xf32, #tpu.memory_space<vmem_shared>> -> memref<120x128xf32, #tpu.memory_space<vmem_shared>>
      tpu.wait_dma2 semaphore(%run_scoped3A : memref<!tpu.dma_semaphore, #tpu.memory_space<semaphore_mem>>) src(%arg9 : memref<120x128xf32, #tpu.memory_space<vmem>>) dst(%dma_wait3A_89 : memref<120x128xf32, #tpu.memory_space<vmem_shared>>)
      tpu.yield
    }) : () -> ()
    %mul3A_6 = arith.constant 640 : i32
    %mul3A_7 = arith.muli %arg1, %mul3A_6 : i32
    %add3A_8 = arith.constant 240 : i32
    %add3A_9 = arith.addi %mul3A_7, %add3A_8 : i32
    "tpu.region"() ({
      %run_scoped3A = tpu.sem_alloc : memref<!tpu.dma_semaphore, #tpu.memory_space<semaphore_mem>>
      %dma_start3A_83 = arith.constant 0 : i32
      %dma_start3A_84 = tpu.memref_slice %arg11[%add3A_9, %dma_start3A_83] : memref<10240x128xf32, #tpu.memory_space<vmem_shared>> -> memref<120x128xf32, #tpu.memory_space<vmem_shared>>
      %dma_start3A_85 = arith.constant 0 : i32
      %dma_start3A_86 = tpu.memref_slice %arg11[%add3A_9, %dma_start3A_85] : memref<10240x128xf32, #tpu.memory_space<vmem_shared>> -> memref<120x128xf32, #tpu.memory_space<vmem_shared>>
      tpu.enqueue_dma source(%arg9 : memref<120x128xf32, #tpu.memory_space<vmem>>) target(%dma_start3A_86 : memref<120x128xf32, #tpu.memory_space<vmem_shared>>) target_semaphore(%run_scoped3A : memref<!tpu.dma_semaphore, #tpu.memory_space<semaphore_mem>>)
      %dma_wait3A = arith.constant 0 : i32
      %dma_wait3A_87 = tpu.memref_slice %arg11[%add3A_9, %dma_wait3A] : memref<10240x128xf32, #tpu.memory_space<vmem_shared>> -> memref<120x128xf32, #tpu.memory_space<vmem_shared>>
      %dma_wait3A_88 = arith.constant 0 : i32
      %dma_wait3A_89 = tpu.memref_slice %arg11[%add3A_9, %dma_wait3A_88] : memref<10240x128xf32, #tpu.memory_space<vmem_shared>> -> memref<120x128xf32, #tpu.memory_space<vmem_shared>>
      tpu.wait_dma2 semaphore(%run_scoped3A : memref<!tpu.dma_semaphore, #tpu.memory_space<semaphore_mem>>) src(%arg9 : memref<120x128xf32, #tpu.memory_space<vmem>>) dst(%dma_wait3A_89 : memref<120x128xf32, #tpu.memory_space<vmem_shared>>)
      tpu.yield
    }) : () -> ()
    %mul3A_10 = arith.constant 640 : i32
    %mul3A_11 = arith.muli %arg1, %mul3A_10 : i32
    %add3A_12 = arith.constant 360 : i32
    %add3A_13 = arith.addi %mul3A_11, %add3A_12 : i32
    "tpu.region"() ({
      %run_scoped3A = tpu.sem_alloc : memref<!tpu.dma_semaphore, #tpu.memory_space<semaphore_mem>>
      %dma_start3A_83 = arith.constant 0 : i32
      %dma_start3A_84 = tpu.memref_slice %arg11[%add3A_13, %dma_start3A_83] : memref<10240x128xf32, #tpu.memory_space<vmem_shared>> -> memref<120x128xf32, #tpu.memory_space<vmem_shared>>
      %dma_start3A_85 = arith.constant 0 : i32
      %dma_start3A_86 = tpu.memref_slice %arg11[%add3A_13, %dma_start3A_85] : memref<10240x128xf32, #tpu.memory_space<vmem_shared>> -> memref<120x128xf32, #tpu.memory_space<vmem_shared>>
      tpu.enqueue_dma source(%arg9 : memref<120x128xf32, #tpu.memory_space<vmem>>) target(%dma_start3A_86 : memref<120x128xf32, #tpu.memory_space<vmem_shared>>) target_semaphore(%run_scoped3A : memref<!tpu.dma_semaphore, #tpu.memory_space<semaphore_mem>>)
      %dma_wait3A = arith.constant 0 : i32
      %dma_wait3A_87 = tpu.memref_slice %arg11[%add3A_13, %dma_wait3A] : memref<10240x128xf32, #tpu.memory_space<vmem_shared>> -> memref<120x128xf32, #tpu.memory_space<vmem_shared>>
      %dma_wait3A_88 = arith.constant 0 : i32
      %dma_wait3A_89 = tpu.memref_slice %arg11[%add3A_13, %dma_wait3A_88] : memref<10240x128xf32, #tpu.memory_space<vmem_shared>> -> memref<120x128xf32, #tpu.memory_space<vmem_shared>>
      tpu.wait_dma2 semaphore(%run_scoped3A : memref<!tpu.dma_semaphore, #tpu.memory_space<semaphore_mem>>) src(%arg9 : memref<120x128xf32, #tpu.memory_space<vmem>>) dst(%dma_wait3A_89 : memref<120x128xf32, #tpu.memory_space<vmem_shared>>)
      tpu.yield
    }) : () -> ()
    %mul3A_14 = arith.constant 640 : i32
    %mul3A_15 = arith.muli %arg1, %mul3A_14 : i32
    %add3A_16 = arith.constant 480 : i32
    %add3A_17 = arith.addi %mul3A_15, %add3A_16 : i32
    "tpu.region"() ({
      %run_scoped3A = tpu.sem_alloc : memref<!tpu.dma_semaphore, #tpu.memory_space<semaphore_mem>>
      %dma_start3A_83 = arith.constant 0 : i32
      %dma_start3A_84 = tpu.memref_slice %arg11[%add3A_17, %dma_start3A_83] : memref<10240x128xf32, #tpu.memory_space<vmem_shared>> -> memref<120x128xf32, #tpu.memory_space<vmem_shared>>
      %dma_start3A_85 = arith.constant 0 : i32
      %dma_start3A_86 = tpu.memref_slice %arg11[%add3A_17, %dma_start3A_85] : memref<10240x128xf32, #tpu.memory_space<vmem_shared>> -> memref<120x128xf32, #tpu.memory_space<vmem_shared>>
      tpu.enqueue_dma source(%arg9 : memref<120x128xf32, #tpu.memory_space<vmem>>) target(%dma_start3A_86 : memref<120x128xf32, #tpu.memory_space<vmem_shared>>) target_semaphore(%run_scoped3A : memref<!tpu.dma_semaphore, #tpu.memory_space<semaphore_mem>>)
      %dma_wait3A = arith.constant 0 : i32
      %dma_wait3A_87 = tpu.memref_slice %arg11[%add3A_17, %dma_wait3A] : memref<10240x128xf32, #tpu.memory_space<vmem_shared>> -> memref<120x128xf32, #tpu.memory_space<vmem_shared>>
      %dma_wait3A_88 = arith.constant 0 : i32
      %dma_wait3A_89 = tpu.memref_slice %arg11[%add3A_17, %dma_wait3A_88] : memref<10240x128xf32, #tpu.memory_space<vmem_shared>> -> memref<120x128xf32, #tpu.memory_space<vmem_shared>>
      tpu.wait_dma2 semaphore(%run_scoped3A : memref<!tpu.dma_semaphore, #tpu.memory_space<semaphore_mem>>) src(%arg9 : memref<120x128xf32, #tpu.memory_space<vmem>>) dst(%dma_wait3A_89 : memref<120x128xf32, #tpu.memory_space<vmem_shared>>)
      tpu.yield
    }) : () -> ()
    %mul3A_18 = arith.constant 640 : i32
    %mul3A_19 = arith.muli %arg1, %mul3A_18 : i32
    %add3A_20 = arith.constant 640 : i32
    %add3A_21 = arith.addi %mul3A_19, %add3A_20 : i32
    %sub3A = arith.constant 40 : i32
    %sub3A_22 = arith.subi %add3A_21, %sub3A : i32
    "tpu.region"() ({
      %run_scoped3A = tpu.sem_alloc : memref<!tpu.dma_semaphore, #tpu.memory_space<semaphore_mem>>
      %dma_start3A_83 = arith.constant 0 : i32
      %dma_start3A_84 = arith.constant 0 : i32
      %dma_start3A_85 = tpu.memref_slice %arg9[%dma_start3A_83, %dma_start3A_84] : memref<120x128xf32, #tpu.memory_space<vmem>> -> memref<40x128xf32, #tpu.memory_space<vmem>>
      %dma_start3A_86 = arith.constant 0 : i32
      %dma_start3A_87 = tpu.memref_slice %arg11[%sub3A_22, %dma_start3A_86] : memref<10240x128xf32, #tpu.memory_space<vmem_shared>> -> memref<40x128xf32, #tpu.memory_space<vmem_shared>>
      %dma_start3A_88 = arith.constant 0 : i32
      %dma_start3A_89 = tpu.memref_slice %arg11[%sub3A_22, %dma_start3A_88] : memref<10240x128xf32, #tpu.memory_space<vmem_shared>> -> memref<40x128xf32, #tpu.memory_space<vmem_shared>>
      %dma_start3A_90 = arith.constant 0 : i32
      %dma_start3A_91 = arith.constant 0 : i32
      %dma_start3A_92 = tpu.memref_slice %arg9[%dma_start3A_90, %dma_start3A_91] : memref<120x128xf32, #tpu.memory_space<vmem>> -> memref<40x128xf32, #tpu.memory_space<vmem>>
      tpu.enqueue_dma source(%dma_start3A_92 : memref<40x128xf32, #tpu.memory_space<vmem>>) target(%dma_start3A_89 : memref<40x128xf32, #tpu.memory_space<vmem_shared>>) target_semaphore(%run_scoped3A : memref<!tpu.dma_semaphore, #tpu.memory_space<semaphore_mem>>)
      %dma_wait3A = arith.constant 0 : i32
      %dma_wait3A_93 = arith.constant 0 : i32
      %dma_wait3A_94 = tpu.memref_slice %arg9[%dma_wait3A, %dma_wait3A_93] : memref<120x128xf32, #tpu.memory_space<vmem>> -> memref<40x128xf32, #tpu.memory_space<vmem>>
      %dma_wait3A_95 = arith.constant 0 : i32
      %dma_wait3A_96 = tpu.memref_slice %arg11[%sub3A_22, %dma_wait3A_95] : memref<10240x128xf32, #tpu.memory_space<vmem_shared>> -> memref<40x128xf32, #tpu.memory_space<vmem_shared>>
      %dma_wait3A_97 = arith.constant 0 : i32
      %dma_wait3A_98 = tpu.memref_slice %arg11[%sub3A_22, %dma_wait3A_97] : memref<10240x128xf32, #tpu.memory_space<vmem_shared>> -> memref<40x128xf32, #tpu.memory_space<vmem_shared>>
      %dma_wait3A_99 = arith.constant 0 : i32
      %dma_wait3A_100 = arith.constant 0 : i32
      %dma_wait3A_101 = tpu.memref_slice %arg9[%dma_wait3A_99, %dma_wait3A_100] : memref<120x128xf32, #tpu.memory_space<vmem>> -> memref<40x128xf32, #tpu.memory_space<vmem>>
      tpu.wait_dma2 semaphore(%run_scoped3A : memref<!tpu.dma_semaphore, #tpu.memory_space<semaphore_mem>>) src(%dma_wait3A_101 : memref<40x128xf32, #tpu.memory_space<vmem>>) dst(%dma_wait3A_98 : memref<40x128xf32, #tpu.memory_space<vmem_shared>>)
      tpu.yield
    }) : () -> ()
    %barrier3A = arith.constant 0 : index
    tpu.barrier barrier_id(%barrier3A)
    %eq3A = arith.constant 0 : i32
    %eq3A_23 = arith.cmpi eq, %arg0, %eq3A : i32
    %jit3A = arith.constant 132 : i32
    %jit3A_24 = arith.constant 36 : i32
    %select_n3A = arith.select %eq3A_23, %jit3A, %jit3A_24 : i32
    %eq3A_25 = arith.constant 0 : i32
    %eq3A_26 = arith.cmpi eq, %arg0, %eq3A_25 : i32
    %mul3A_27 = arith.constant 132 : i32
    %mul3A_28 = arith.muli %arg1, %mul3A_27 : i32
    %mul3A_29 = arith.constant 36 : i32
    %mul3A_30 = arith.muli %arg1, %mul3A_29 : i32
    %add3A_31 = arith.constant 2112 : i32
    %add3A_32 = arith.addi %add3A_31, %mul3A_30 : i32
    %select_n3A_33 = arith.select %eq3A_26, %mul3A_28, %add3A_32 : i32
    "tpu.region"() ({
      %run_scoped3A = tpu.sem_alloc : memref<!tpu.dma_semaphore, #tpu.memory_space<semaphore_mem>>
      %dma_start3A_83 = arith.constant 0 : i32
      %dma_start3A_84 = arith.constant 0 : i32
      %dma_start3A_85 = tpu.memref_slice %arg3[%select_n3A_33, %dma_start3A_83, %dma_start3A_84] : memref<2688x2x120xi32, #tpu.memory_space<hbm>> -> memref<1x2x120xi32, #tpu.memory_space<hbm>>
      %dma_start3A_86 = tpu.memref_squeeze %dma_start3A_85 : memref<1x2x120xi32, #tpu.memory_space<hbm>> -> memref<2x120xi32, #tpu.memory_space<hbm>>
      %dma_start3A_87 = arith.constant 0 : i32
      %dma_start3A_88 = arith.constant 0 : i32
      %dma_start3A_89 = tpu.memref_slice %arg3[%select_n3A_33, %dma_start3A_87, %dma_start3A_88] : memref<2688x2x120xi32, #tpu.memory_space<hbm>> -> memref<1x2x120xi32, #tpu.memory_space<hbm>>
      %dma_start3A_90 = tpu.memref_squeeze %dma_start3A_89 : memref<1x2x120xi32, #tpu.memory_space<hbm>> -> memref<2x120xi32, #tpu.memory_space<hbm>>
      tpu.enqueue_dma source(%dma_start3A_90 : memref<2x120xi32, #tpu.memory_space<hbm>>) target(%arg6 : memref<2x120xi32, #tpu.memory_space<vmem>>) target_semaphore(%run_scoped3A : memref<!tpu.dma_semaphore, #tpu.memory_space<semaphore_mem>>)
      %dma_wait3A = arith.constant 0 : i32
      %dma_wait3A_91 = arith.constant 0 : i32
      %dma_wait3A_92 = tpu.memref_slice %arg3[%select_n3A_33, %dma_wait3A, %dma_wait3A_91] : memref<2688x2x120xi32, #tpu.memory_space<hbm>> -> memref<1x2x120xi32, #tpu.memory_space<hbm>>
      %dma_wait3A_93 = tpu.memref_squeeze %dma_wait3A_92 : memref<1x2x120xi32, #tpu.memory_space<hbm>> -> memref<2x120xi32, #tpu.memory_space<hbm>>
      %dma_wait3A_94 = arith.constant 0 : i32
      %dma_wait3A_95 = arith.constant 0 : i32
      %dma_wait3A_96 = tpu.memref_slice %arg3[%select_n3A_33, %dma_wait3A_94, %dma_wait3A_95] : memref<2688x2x120xi32, #tpu.memory_space<hbm>> -> memref<1x2x120xi32, #tpu.memory_space<hbm>>
      %dma_wait3A_97 = tpu.memref_squeeze %dma_wait3A_96 : memref<1x2x120xi32, #tpu.memory_space<hbm>> -> memref<2x120xi32, #tpu.memory_space<hbm>>
      tpu.wait_dma2 semaphore(%run_scoped3A : memref<!tpu.dma_semaphore, #tpu.memory_space<semaphore_mem>>) src(%dma_wait3A_97 : memref<2x120xi32, #tpu.memory_space<hbm>>) dst(%arg6 : memref<2x120xi32, #tpu.memory_space<vmem>>)
      tpu.yield
    }) : () -> ()
    %dma_start3A = arith.constant 0 : i32
    %dma_start3A_34 = arith.constant 0 : i32
    %dma_start3A_35 = tpu.memref_slice %arg6[%dma_start3A, %dma_start3A_34] : memref<2x120xi32, #tpu.memory_space<vmem>> -> memref<1x120xi32, #tpu.memory_space<vmem>>
    %dma_start3A_36 = tpu.memref_squeeze %dma_start3A_35 : memref<1x120xi32, #tpu.memory_space<vmem>> -> memref<120xi32, #tpu.memory_space<vmem>>
    %dma_start3A_37 = arith.constant 0 : i32
    %dma_start3A_38 = arith.constant 0 : i32
    %dma_start3A_39 = tpu.memref_slice %arg2[%dma_start3A_37, %dma_start3A_38] : memref<10000x128xf32, #tpu.memory_space<hbm>> -> memref<10000x128xf32, #tpu.memory_space<hbm>>
    tpu.enqueue_indirect_dma source(%dma_start3A_39 : memref<10000x128xf32, #tpu.memory_space<hbm>>) target(%arg9 : memref<120x128xf32, #tpu.memory_space<vmem>>) offsets(%dma_start3A_36 : memref<120xi32, #tpu.memory_space<vmem>>) semaphore(%arg15 : memref<!tpu.dma_semaphore, #tpu.memory_space<semaphore_mem>>)
    %gt3A = arith.constant 1 : i32
    %gt3A_40 = arith.cmpi sgt, %select_n3A, %gt3A : i32
    %convert_element_type3A = arith.extui %gt3A_40 : i1 to i32
    %cond3A = arith.constant 0 : i32
    %cond3A_41 = arith.cmpi ne, %convert_element_type3A, %cond3A : i32
    scf.if %cond3A_41 {
      %add3A_83 = arith.constant 1 : i32
      %add3A_84 = arith.addi %select_n3A_33, %add3A_83 : i32
      %dma_start3A_85 = arith.constant 0 : i32
      %dma_start3A_86 = arith.constant 0 : i32
      %dma_start3A_87 = tpu.memref_slice %arg3[%add3A_84, %dma_start3A_85, %dma_start3A_86] : memref<2688x2x120xi32, #tpu.memory_space<hbm>> -> memref<1x2x120xi32, #tpu.memory_space<hbm>>
      %dma_start3A_88 = tpu.memref_squeeze %dma_start3A_87 : memref<1x2x120xi32, #tpu.memory_space<hbm>> -> memref<2x120xi32, #tpu.memory_space<hbm>>
      %dma_start3A_89 = arith.constant 0 : i32
      %dma_start3A_90 = arith.constant 0 : i32
      %dma_start3A_91 = tpu.memref_slice %arg3[%add3A_84, %dma_start3A_89, %dma_start3A_90] : memref<2688x2x120xi32, #tpu.memory_space<hbm>> -> memref<1x2x120xi32, #tpu.memory_space<hbm>>
      %dma_start3A_92 = tpu.memref_squeeze %dma_start3A_91 : memref<1x2x120xi32, #tpu.memory_space<hbm>> -> memref<2x120xi32, #tpu.memory_space<hbm>>
      tpu.enqueue_dma source(%dma_start3A_92 : memref<2x120xi32, #tpu.memory_space<hbm>>) target(%arg7 : memref<2x120xi32, #tpu.memory_space<vmem>>) target_semaphore(%arg13 : memref<!tpu.dma_semaphore, #tpu.memory_space<semaphore_mem>>)
    } else {
    }
    %gt3A_42 = arith.constant 2 : i32
    %gt3A_43 = arith.cmpi sgt, %select_n3A, %gt3A_42 : i32
    %convert_element_type3A_44 = arith.extui %gt3A_43 : i1 to i32
    %cond3A_45 = arith.constant 0 : i32
    %cond3A_46 = arith.cmpi ne, %convert_element_type3A_44, %cond3A_45 : i32
    scf.if %cond3A_46 {
      %add3A_83 = arith.constant 2 : i32
      %add3A_84 = arith.addi %select_n3A_33, %add3A_83 : i32
      %dma_start3A_85 = arith.constant 0 : i32
      %dma_start3A_86 = arith.constant 0 : i32
      %dma_start3A_87 = tpu.memref_slice %arg3[%add3A_84, %dma_start3A_85, %dma_start3A_86] : memref<2688x2x120xi32, #tpu.memory_space<hbm>> -> memref<1x2x120xi32, #tpu.memory_space<hbm>>
      %dma_start3A_88 = tpu.memref_squeeze %dma_start3A_87 : memref<1x2x120xi32, #tpu.memory_space<hbm>> -> memref<2x120xi32, #tpu.memory_space<hbm>>
      %dma_start3A_89 = arith.constant 0 : i32
      %dma_start3A_90 = arith.constant 0 : i32
      %dma_start3A_91 = tpu.memref_slice %arg3[%add3A_84, %dma_start3A_89, %dma_start3A_90] : memref<2688x2x120xi32, #tpu.memory_space<hbm>> -> memref<1x2x120xi32, #tpu.memory_space<hbm>>
      %dma_start3A_92 = tpu.memref_squeeze %dma_start3A_91 : memref<1x2x120xi32, #tpu.memory_space<hbm>> -> memref<2x120xi32, #tpu.memory_space<hbm>>
      tpu.enqueue_dma source(%dma_start3A_92 : memref<2x120xi32, #tpu.memory_space<hbm>>) target(%arg8 : memref<2x120xi32, #tpu.memory_space<vmem>>) target_semaphore(%arg14 : memref<!tpu.dma_semaphore, #tpu.memory_space<semaphore_mem>>)
    } else {
    }
    %jit3A_47 = arith.constant 6 : i32
    %div3A = arith.divsi %select_n3A, %jit3A_47 : i32
    %sign3A = arith.constant 0 : i32
    %sign3A_48 = arith.cmpi sgt, %select_n3A, %sign3A : i32
    %sign3A_49 = arith.extui %sign3A_48 : i1 to i32
    %sign3A_50 = arith.constant 0 : i32
    %sign3A_51 = arith.cmpi slt, %select_n3A, %sign3A_50 : i32
    %sign3A_52 = arith.extui %sign3A_51 : i1 to i32
    %sign3A_53 = arith.subi %sign3A_49, %sign3A_52 : i32
    %sign3A_54 = arith.constant 0 : i32
    %sign3A_55 = arith.cmpi sgt, %jit3A_47, %sign3A_54 : i32
    %sign3A_56 = arith.extui %sign3A_55 : i1 to i32
    %sign3A_57 = arith.constant 0 : i32
    %sign3A_58 = arith.cmpi slt, %jit3A_47, %sign3A_57 : i32
    %sign3A_59 = arith.extui %sign3A_58 : i1 to i32
    %sign3A_60 = arith.subi %sign3A_56, %sign3A_59 : i32
    %ne3A = arith.cmpi ne, %sign3A_53, %sign3A_60 : i32
    %rem3A = arith.remsi %select_n3A, %jit3A_47 : i32
    %ne3A_61 = arith.constant 0 : i32
    %ne3A_62 = arith.cmpi ne, %rem3A, %ne3A_61 : i32
    %and3A = arith.andi %ne3A, %ne3A_62 : i1
    %sub3A_63 = arith.constant 1 : i32
    %sub3A_64 = arith.subi %div3A, %sub3A_63 : i32
    %select_n3A_65 = arith.select %and3A, %sub3A_64, %div3A : i32
    %while3A = arith.constant 0 : i32
    %while3A_66 = arith.constant 0 : i32
    %while3A_67 = arith.subi %select_n3A_65, %while3A_66 : i32
    %while3A_68 = arith.addi %while3A_66, %while3A_67 : i32
    %while3A_69 = arith.constant 1 : i32
    %while3A_70 = arith.divsi %while3A_67, %while3A_69 : i32
    %while3A_71 = arith.muli %while3A_70, %while3A_69 : i32
    %while3A_72 = arith.addi %while3A_66, %while3A_71 : i32
    %while3A_73 = arith.constant 1 : i32
    scf.for %while3A_83 = %while3A_66 to %while3A_72 step %while3A_73  : i32 {
      %mul3A_84 = arith.constant 6 : i32
      %mul3A_85 = arith.muli %while3A_83, %mul3A_84 : i32
      %add3A_86 = arith.constant 0 : i32
      %add3A_87 = arith.addi %mul3A_85, %add3A_86 : i32
      %add3A_88 = arith.constant 1 : i32
      %add3A_89 = arith.addi %add3A_87, %add3A_88 : i32
      %lt3A = arith.cmpi slt, %add3A_89, %select_n3A : i32
      %convert_element_type3A_90 = arith.extui %lt3A : i1 to i32
      %cond3A_91 = arith.constant 0 : i32
      %cond3A_92 = arith.cmpi ne, %convert_element_type3A_90, %cond3A_91 : i32
      scf.if %cond3A_92 {
        %add3A_225 = arith.addi %select_n3A_33, %add3A_87 : i32
        %add3A_226 = arith.constant 1 : i32
        %add3A_227 = arith.addi %add3A_225, %add3A_226 : i32
        %dma_wait3A_228 = arith.constant 0 : i32
        %dma_wait3A_229 = arith.constant 0 : i32
        %dma_wait3A_230 = tpu.memref_slice %arg3[%add3A_227, %dma_wait3A_228, %dma_wait3A_229] : memref<2688x2x120xi32, #tpu.memory_space<hbm>> -> memref<1x2x120xi32, #tpu.memory_space<hbm>>
        %dma_wait3A_231 = tpu.memref_squeeze %dma_wait3A_230 : memref<1x2x120xi32, #tpu.memory_space<hbm>> -> memref<2x120xi32, #tpu.memory_space<hbm>>
        %dma_wait3A_232 = arith.constant 0 : i32
        %dma_wait3A_233 = arith.constant 0 : i32
        %dma_wait3A_234 = tpu.memref_slice %arg3[%add3A_227, %dma_wait3A_232, %dma_wait3A_233] : memref<2688x2x120xi32, #tpu.memory_space<hbm>> -> memref<1x2x120xi32, #tpu.memory_space<hbm>>
        %dma_wait3A_235 = tpu.memref_squeeze %dma_wait3A_234 : memref<1x2x120xi32, #tpu.memory_space<hbm>> -> memref<2x120xi32, #tpu.memory_space<hbm>>
        tpu.wait_dma2 semaphore(%arg13 : memref<!tpu.dma_semaphore, #tpu.memory_space<semaphore_mem>>) src(%dma_wait3A_235 : memref<2x120xi32, #tpu.memory_space<hbm>>) dst(%arg7 : memref<2x120xi32, #tpu.memory_space<vmem>>)
        %dma_start3A_236 = arith.constant 0 : i32
        %dma_start3A_237 = arith.constant 0 : i32
        %dma_start3A_238 = tpu.memref_slice %arg7[%dma_start3A_236, %dma_start3A_237] : memref<2x120xi32, #tpu.memory_space<vmem>> -> memref<1x120xi32, #tpu.memory_space<vmem>>
        %dma_start3A_239 = tpu.memref_squeeze %dma_start3A_238 : memref<1x120xi32, #tpu.memory_space<vmem>> -> memref<120xi32, #tpu.memory_space<vmem>>
        %dma_start3A_240 = arith.constant 0 : i32
        %dma_start3A_241 = arith.constant 0 : i32
        %dma_start3A_242 = tpu.memref_slice %arg2[%dma_start3A_240, %dma_start3A_241] : memref<10000x128xf32, #tpu.memory_space<hbm>> -> memref<10000x128xf32, #tpu.memory_space<hbm>>
        tpu.enqueue_indirect_dma source(%dma_start3A_242 : memref<10000x128xf32, #tpu.memory_space<hbm>>) target(%arg10 : memref<120x128xf32, #tpu.memory_space<vmem>>) offsets(%dma_start3A_239 : memref<120xi32, #tpu.memory_space<vmem>>) semaphore(%arg16 : memref<!tpu.dma_semaphore, #tpu.memory_space<semaphore_mem>>)
      } else {
      }
      %dma_wait3A = arith.constant 0 : i32
      %dma_wait3A_93 = arith.constant 0 : i32
      %dma_wait3A_94 = tpu.memref_slice %arg6[%dma_wait3A, %dma_wait3A_93] : memref<2x120xi32, #tpu.memory_space<vmem>> -> memref<1x120xi32, #tpu.memory_space<vmem>>
      %dma_wait3A_95 = tpu.memref_squeeze %dma_wait3A_94 : memref<1x120xi32, #tpu.memory_space<vmem>> -> memref<120xi32, #tpu.memory_space<vmem>>
      %dma_wait3A_96 = arith.constant 0 : i32
      %dma_wait3A_97 = arith.constant 0 : i32
      %dma_wait3A_98 = tpu.memref_slice %arg2[%dma_wait3A_96, %dma_wait3A_97] : memref<10000x128xf32, #tpu.memory_space<hbm>> -> memref<10000x128xf32, #tpu.memory_space<hbm>>
      tpu.wait_indirect_dma semaphore(%arg15 : memref<!tpu.dma_semaphore, #tpu.memory_space<semaphore_mem>>) src(%dma_wait3A_98 : memref<10000x128xf32, #tpu.memory_space<hbm>>) dst(%arg9 : memref<120x128xf32, #tpu.memory_space<vmem>>)
      %run_scoped3A = arith.constant 1 : i32
      "tpu.region"() ({
        %run_scoped3A_225 = tpu.sem_alloc : memref<!tpu.dma_semaphore, #tpu.memory_space<semaphore_mem>>
        %dma_start3A_226 = arith.constant 0 : i32
        %dma_start3A_227 = tpu.memref_slice %arg6[%run_scoped3A, %dma_start3A_226] : memref<2x120xi32, #tpu.memory_space<vmem>> -> memref<1x120xi32, #tpu.memory_space<vmem>>
        %dma_start3A_228 = tpu.memref_squeeze %dma_start3A_227 : memref<1x120xi32, #tpu.memory_space<vmem>> -> memref<120xi32, #tpu.memory_space<vmem>>
        %dma_start3A_229 = arith.constant 0 : i32
        %dma_start3A_230 = arith.constant 0 : i32
        %dma_start3A_231 = tpu.memref_slice %arg11[%dma_start3A_229, %dma_start3A_230] : memref<10240x128xf32, #tpu.memory_space<vmem_shared>> -> memref<10240x128xf32, #tpu.memory_space<vmem_shared>>
        tpu.enqueue_indirect_dma source(%arg9 : memref<120x128xf32, #tpu.memory_space<vmem>>) target(%dma_start3A_231 : memref<10240x128xf32, #tpu.memory_space<vmem_shared>>) offsets(%dma_start3A_228 : memref<120xi32, #tpu.memory_space<vmem>>) semaphore(%run_scoped3A_225 : memref<!tpu.dma_semaphore, #tpu.memory_space<semaphore_mem>>) {add = true}
        %dma_wait3A_232 = arith.constant 0 : i32
        %dma_wait3A_233 = tpu.memref_slice %arg6[%run_scoped3A, %dma_wait3A_232] : memref<2x120xi32, #tpu.memory_space<vmem>> -> memref<1x120xi32, #tpu.memory_space<vmem>>
        %dma_wait3A_234 = tpu.memref_squeeze %dma_wait3A_233 : memref<1x120xi32, #tpu.memory_space<vmem>> -> memref<120xi32, #tpu.memory_space<vmem>>
        %dma_wait3A_235 = arith.constant 0 : i32
        %dma_wait3A_236 = arith.constant 0 : i32
        %dma_wait3A_237 = tpu.memref_slice %arg11[%dma_wait3A_235, %dma_wait3A_236] : memref<10240x128xf32, #tpu.memory_space<vmem_shared>> -> memref<10240x128xf32, #tpu.memory_space<vmem_shared>>
        tpu.wait_indirect_dma semaphore(%run_scoped3A_225 : memref<!tpu.dma_semaphore, #tpu.memory_space<semaphore_mem>>) src(%arg9 : memref<120x128xf32, #tpu.memory_space<vmem>>) dst(%dma_wait3A_237 : memref<10240x128xf32, #tpu.memory_space<vmem_shared>>)
        tpu.yield
      }) : () -> ()
      %add3A_99 = arith.constant 3 : i32
      %add3A_100 = arith.addi %add3A_87, %add3A_99 : i32
      %lt3A_101 = arith.cmpi slt, %add3A_100, %select_n3A : i32
      %convert_element_type3A_102 = arith.extui %lt3A_101 : i1 to i32
      %cond3A_103 = arith.constant 0 : i32
      %cond3A_104 = arith.cmpi ne, %convert_element_type3A_102, %cond3A_103 : i32
      scf.if %cond3A_104 {
        %add3A_225 = arith.addi %select_n3A_33, %add3A_87 : i32
        %add3A_226 = arith.constant 3 : i32
        %add3A_227 = arith.addi %add3A_225, %add3A_226 : i32
        %dma_start3A_228 = arith.constant 0 : i32
        %dma_start3A_229 = arith.constant 0 : i32
        %dma_start3A_230 = tpu.memref_slice %arg3[%add3A_227, %dma_start3A_228, %dma_start3A_229] : memref<2688x2x120xi32, #tpu.memory_space<hbm>> -> memref<1x2x120xi32, #tpu.memory_space<hbm>>
        %dma_start3A_231 = tpu.memref_squeeze %dma_start3A_230 : memref<1x2x120xi32, #tpu.memory_space<hbm>> -> memref<2x120xi32, #tpu.memory_space<hbm>>
        %dma_start3A_232 = arith.constant 0 : i32
        %dma_start3A_233 = arith.constant 0 : i32
        %dma_start3A_234 = tpu.memref_slice %arg3[%add3A_227, %dma_start3A_232, %dma_start3A_233] : memref<2688x2x120xi32, #tpu.memory_space<hbm>> -> memref<1x2x120xi32, #tpu.memory_space<hbm>>
        %dma_start3A_235 = tpu.memref_squeeze %dma_start3A_234 : memref<1x2x120xi32, #tpu.memory_space<hbm>> -> memref<2x120xi32, #tpu.memory_space<hbm>>
        tpu.enqueue_dma source(%dma_start3A_235 : memref<2x120xi32, #tpu.memory_space<hbm>>) target(%arg6 : memref<2x120xi32, #tpu.memory_space<vmem>>) target_semaphore(%arg12 : memref<!tpu.dma_semaphore, #tpu.memory_space<semaphore_mem>>)
      } else {
      }
      %mul3A_105 = arith.constant 6 : i32
      %mul3A_106 = arith.muli %while3A_83, %mul3A_105 : i32
      %add3A_107 = arith.constant 1 : i32
      %add3A_108 = arith.addi %mul3A_106, %add3A_107 : i32
      %add3A_109 = arith.constant 1 : i32
      %add3A_110 = arith.addi %add3A_108, %add3A_109 : i32
      %lt3A_111 = arith.cmpi slt, %add3A_110, %select_n3A : i32
      %convert_element_type3A_112 = arith.extui %lt3A_111 : i1 to i32
      %cond3A_113 = arith.constant 0 : i32
      %cond3A_114 = arith.cmpi ne, %convert_element_type3A_112, %cond3A_113 : i32
      scf.if %cond3A_114 {
        %add3A_225 = arith.addi %select_n3A_33, %add3A_108 : i32
        %add3A_226 = arith.constant 1 : i32
        %add3A_227 = arith.addi %add3A_225, %add3A_226 : i32
        %dma_wait3A_228 = arith.constant 0 : i32
        %dma_wait3A_229 = arith.constant 0 : i32
        %dma_wait3A_230 = tpu.memref_slice %arg3[%add3A_227, %dma_wait3A_228, %dma_wait3A_229] : memref<2688x2x120xi32, #tpu.memory_space<hbm>> -> memref<1x2x120xi32, #tpu.memory_space<hbm>>
        %dma_wait3A_231 = tpu.memref_squeeze %dma_wait3A_230 : memref<1x2x120xi32, #tpu.memory_space<hbm>> -> memref<2x120xi32, #tpu.memory_space<hbm>>
        %dma_wait3A_232 = arith.constant 0 : i32
        %dma_wait3A_233 = arith.constant 0 : i32
        %dma_wait3A_234 = tpu.memref_slice %arg3[%add3A_227, %dma_wait3A_232, %dma_wait3A_233] : memref<2688x2x120xi32, #tpu.memory_space<hbm>> -> memref<1x2x120xi32, #tpu.memory_space<hbm>>
        %dma_wait3A_235 = tpu.memref_squeeze %dma_wait3A_234 : memref<1x2x120xi32, #tpu.memory_space<hbm>> -> memref<2x120xi32, #tpu.memory_space<hbm>>
        tpu.wait_dma2 semaphore(%arg14 : memref<!tpu.dma_semaphore, #tpu.memory_space<semaphore_mem>>) src(%dma_wait3A_235 : memref<2x120xi32, #tpu.memory_space<hbm>>) dst(%arg8 : memref<2x120xi32, #tpu.memory_space<vmem>>)
        %dma_start3A_236 = arith.constant 0 : i32
        %dma_start3A_237 = arith.constant 0 : i32
        %dma_start3A_238 = tpu.memref_slice %arg8[%dma_start3A_236, %dma_start3A_237] : memref<2x120xi32, #tpu.memory_space<vmem>> -> memref<1x120xi32, #tpu.memory_space<vmem>>
        %dma_start3A_239 = tpu.memref_squeeze %dma_start3A_238 : memref<1x120xi32, #tpu.memory_space<vmem>> -> memref<120xi32, #tpu.memory_space<vmem>>
        %dma_start3A_240 = arith.constant 0 : i32
        %dma_start3A_241 = arith.constant 0 : i32
        %dma_start3A_242 = tpu.memref_slice %arg2[%dma_start3A_240, %dma_start3A_241] : memref<10000x128xf32, #tpu.memory_space<hbm>> -> memref<10000x128xf32, #tpu.memory_space<hbm>>
        tpu.enqueue_indirect_dma source(%dma_start3A_242 : memref<10000x128xf32, #tpu.memory_space<hbm>>) target(%arg9 : memref<120x128xf32, #tpu.memory_space<vmem>>) offsets(%dma_start3A_239 : memref<120xi32, #tpu.memory_space<vmem>>) semaphore(%arg15 : memref<!tpu.dma_semaphore, #tpu.memory_space<semaphore_mem>>)
      } else {
      }
      %dma_wait3A_115 = arith.constant 0 : i32
      %dma_wait3A_116 = arith.constant 0 : i32
      %dma_wait3A_117 = tpu.memref_slice %arg7[%dma_wait3A_115, %dma_wait3A_116] : memref<2x120xi32, #tpu.memory_space<vmem>> -> memref<1x120xi32, #tpu.memory_space<vmem>>
      %dma_wait3A_118 = tpu.memref_squeeze %dma_wait3A_117 : memref<1x120xi32, #tpu.memory_space<vmem>> -> memref<120xi32, #tpu.memory_space<vmem>>
      %dma_wait3A_119 = arith.constant 0 : i32
      %dma_wait3A_120 = arith.constant 0 : i32
      %dma_wait3A_121 = tpu.memref_slice %arg2[%dma_wait3A_119, %dma_wait3A_120] : memref<10000x128xf32, #tpu.memory_space<hbm>> -> memref<10000x128xf32, #tpu.memory_space<hbm>>
      tpu.wait_indirect_dma semaphore(%arg16 : memref<!tpu.dma_semaphore, #tpu.memory_space<semaphore_mem>>) src(%dma_wait3A_121 : memref<10000x128xf32, #tpu.memory_space<hbm>>) dst(%arg10 : memref<120x128xf32, #tpu.memory_space<vmem>>)
      %run_scoped3A_122 = arith.constant 1 : i32
      "tpu.region"() ({
        %run_scoped3A_225 = tpu.sem_alloc : memref<!tpu.dma_semaphore, #tpu.memory_space<semaphore_mem>>
        %dma_start3A_226 = arith.constant 0 : i32
        %dma_start3A_227 = tpu.memref_slice %arg7[%run_scoped3A_122, %dma_start3A_226] : memref<2x120xi32, #tpu.memory_space<vmem>> -> memref<1x120xi32, #tpu.memory_space<vmem>>
        %dma_start3A_228 = tpu.memref_squeeze %dma_start3A_227 : memref<1x120xi32, #tpu.memory_space<vmem>> -> memref<120xi32, #tpu.memory_space<vmem>>
        %dma_start3A_229 = arith.constant 0 : i32
        %dma_start3A_230 = arith.constant 0 : i32
        %dma_start3A_231 = tpu.memref_slice %arg11[%dma_start3A_229, %dma_start3A_230] : memref<10240x128xf32, #tpu.memory_space<vmem_shared>> -> memref<10240x128xf32, #tpu.memory_space<vmem_shared>>
        tpu.enqueue_indirect_dma source(%arg10 : memref<120x128xf32, #tpu.memory_space<vmem>>) target(%dma_start3A_231 : memref<10240x128xf32, #tpu.memory_space<vmem_shared>>) offsets(%dma_start3A_228 : memref<120xi32, #tpu.memory_space<vmem>>) semaphore(%run_scoped3A_225 : memref<!tpu.dma_semaphore, #tpu.memory_space<semaphore_mem>>) {add = true}
        %dma_wait3A_232 = arith.constant 0 : i32
        %dma_wait3A_233 = tpu.memref_slice %arg7[%run_scoped3A_122, %dma_wait3A_232] : memref<2x120xi32, #tpu.memory_space<vmem>> -> memref<1x120xi32, #tpu.memory_space<vmem>>
        %dma_wait3A_234 = tpu.memref_squeeze %dma_wait3A_233 : memref<1x120xi32, #tpu.memory_space<vmem>> -> memref<120xi32, #tpu.memory_space<vmem>>
        %dma_wait3A_235 = arith.constant 0 : i32
        %dma_wait3A_236 = arith.constant 0 : i32
        %dma_wait3A_237 = tpu.memref_slice %arg11[%dma_wait3A_235, %dma_wait3A_236] : memref<10240x128xf32, #tpu.memory_space<vmem_shared>> -> memref<10240x128xf32, #tpu.memory_space<vmem_shared>>
        tpu.wait_indirect_dma semaphore(%run_scoped3A_225 : memref<!tpu.dma_semaphore, #tpu.memory_space<semaphore_mem>>) src(%arg10 : memref<120x128xf32, #tpu.memory_space<vmem>>) dst(%dma_wait3A_237 : memref<10240x128xf32, #tpu.memory_space<vmem_shared>>)
        tpu.yield
      }) : () -> ()
      %add3A_123 = arith.constant 3 : i32
      %add3A_124 = arith.addi %add3A_108, %add3A_123 : i32
      %lt3A_125 = arith.cmpi slt, %add3A_124, %select_n3A : i32
      %convert_element_type3A_126 = arith.extui %lt3A_125 : i1 to i32
      %cond3A_127 = arith.constant 0 : i32
      %cond3A_128 = arith.cmpi ne, %convert_element_type3A_126, %cond3A_127 : i32
      scf.if %cond3A_128 {
        %add3A_225 = arith.addi %select_n3A_33, %add3A_108 : i32
        %add3A_226 = arith.constant 3 : i32
        %add3A_227 = arith.addi %add3A_225, %add3A_226 : i32
        %dma_start3A_228 = arith.constant 0 : i32
        %dma_start3A_229 = arith.constant 0 : i32
        %dma_start3A_230 = tpu.memref_slice %arg3[%add3A_227, %dma_start3A_228, %dma_start3A_229] : memref<2688x2x120xi32, #tpu.memory_space<hbm>> -> memref<1x2x120xi32, #tpu.memory_space<hbm>>
        %dma_start3A_231 = tpu.memref_squeeze %dma_start3A_230 : memref<1x2x120xi32, #tpu.memory_space<hbm>> -> memref<2x120xi32, #tpu.memory_space<hbm>>
        %dma_start3A_232 = arith.constant 0 : i32
        %dma_start3A_233 = arith.constant 0 : i32
        %dma_start3A_234 = tpu.memref_slice %arg3[%add3A_227, %dma_start3A_232, %dma_start3A_233] : memref<2688x2x120xi32, #tpu.memory_space<hbm>> -> memref<1x2x120xi32, #tpu.memory_space<hbm>>
        %dma_start3A_235 = tpu.memref_squeeze %dma_start3A_234 : memref<1x2x120xi32, #tpu.memory_space<hbm>> -> memref<2x120xi32, #tpu.memory_space<hbm>>
        tpu.enqueue_dma source(%dma_start3A_235 : memref<2x120xi32, #tpu.memory_space<hbm>>) target(%arg7 : memref<2x120xi32, #tpu.memory_space<vmem>>) target_semaphore(%arg13 : memref<!tpu.dma_semaphore, #tpu.memory_space<semaphore_mem>>)
      } else {
      }
      %mul3A_129 = arith.constant 6 : i32
      %mul3A_130 = arith.muli %while3A_83, %mul3A_129 : i32
      %add3A_131 = arith.constant 2 : i32
      %add3A_132 = arith.addi %mul3A_130, %add3A_131 : i32
      %add3A_133 = arith.constant 1 : i32
      %add3A_134 = arith.addi %add3A_132, %add3A_133 : i32
      %lt3A_135 = arith.cmpi slt, %add3A_134, %select_n3A : i32
      %convert_element_type3A_136 = arith.extui %lt3A_135 : i1 to i32
      %cond3A_137 = arith.constant 0 : i32
      %cond3A_138 = arith.cmpi ne, %convert_element_type3A_136, %cond3A_137 : i32
      scf.if %cond3A_138 {
        %add3A_225 = arith.addi %select_n3A_33, %add3A_132 : i32
        %add3A_226 = arith.constant 1 : i32
        %add3A_227 = arith.addi %add3A_225, %add3A_226 : i32
        %dma_wait3A_228 = arith.constant 0 : i32
        %dma_wait3A_229 = arith.constant 0 : i32
        %dma_wait3A_230 = tpu.memref_slice %arg3[%add3A_227, %dma_wait3A_228, %dma_wait3A_229] : memref<2688x2x120xi32, #tpu.memory_space<hbm>> -> memref<1x2x120xi32, #tpu.memory_space<hbm>>
        %dma_wait3A_231 = tpu.memref_squeeze %dma_wait3A_230 : memref<1x2x120xi32, #tpu.memory_space<hbm>> -> memref<2x120xi32, #tpu.memory_space<hbm>>
        %dma_wait3A_232 = arith.constant 0 : i32
        %dma_wait3A_233 = arith.constant 0 : i32
        %dma_wait3A_234 = tpu.memref_slice %arg3[%add3A_227, %dma_wait3A_232, %dma_wait3A_233] : memref<2688x2x120xi32, #tpu.memory_space<hbm>> -> memref<1x2x120xi32, #tpu.memory_space<hbm>>
        %dma_wait3A_235 = tpu.memref_squeeze %dma_wait3A_234 : memref<1x2x120xi32, #tpu.memory_space<hbm>> -> memref<2x120xi32, #tpu.memory_space<hbm>>
        tpu.wait_dma2 semaphore(%arg12 : memref<!tpu.dma_semaphore, #tpu.memory_space<semaphore_mem>>) src(%dma_wait3A_235 : memref<2x120xi32, #tpu.memory_space<hbm>>) dst(%arg6 : memref<2x120xi32, #tpu.memory_space<vmem>>)
        %dma_start3A_236 = arith.constant 0 : i32
        %dma_start3A_237 = arith.constant 0 : i32
        %dma_start3A_238 = tpu.memref_slice %arg6[%dma_start3A_236, %dma_start3A_237] : memref<2x120xi32, #tpu.memory_space<vmem>> -> memref<1x120xi32, #tpu.memory_space<vmem>>
        %dma_start3A_239 = tpu.memref_squeeze %dma_start3A_238 : memref<1x120xi32, #tpu.memory_space<vmem>> -> memref<120xi32, #tpu.memory_space<vmem>>
        %dma_start3A_240 = arith.constant 0 : i32
        %dma_start3A_241 = arith.constant 0 : i32
        %dma_start3A_242 = tpu.memref_slice %arg2[%dma_start3A_240, %dma_start3A_241] : memref<10000x128xf32, #tpu.memory_space<hbm>> -> memref<10000x128xf32, #tpu.memory_space<hbm>>
        tpu.enqueue_indirect_dma source(%dma_start3A_242 : memref<10000x128xf32, #tpu.memory_space<hbm>>) target(%arg10 : memref<120x128xf32, #tpu.memory_space<vmem>>) offsets(%dma_start3A_239 : memref<120xi32, #tpu.memory_space<vmem>>) semaphore(%arg16 : memref<!tpu.dma_semaphore, #tpu.memory_space<semaphore_mem>>)
      } else {
      }
      %dma_wait3A_139 = arith.constant 0 : i32
      %dma_wait3A_140 = arith.constant 0 : i32
      %dma_wait3A_141 = tpu.memref_slice %arg8[%dma_wait3A_139, %dma_wait3A_140] : memref<2x120xi32, #tpu.memory_space<vmem>> -> memref<1x120xi32, #tpu.memory_space<vmem>>
      %dma_wait3A_142 = tpu.memref_squeeze %dma_wait3A_141 : memref<1x120xi32, #tpu.memory_space<vmem>> -> memref<120xi32, #tpu.memory_space<vmem>>
      %dma_wait3A_143 = arith.constant 0 : i32
      %dma_wait3A_144 = arith.constant 0 : i32
      %dma_wait3A_145 = tpu.memref_slice %arg2[%dma_wait3A_143, %dma_wait3A_144] : memref<10000x128xf32, #tpu.memory_space<hbm>> -> memref<10000x128xf32, #tpu.memory_space<hbm>>
      tpu.wait_indirect_dma semaphore(%arg15 : memref<!tpu.dma_semaphore, #tpu.memory_space<semaphore_mem>>) src(%dma_wait3A_145 : memref<10000x128xf32, #tpu.memory_space<hbm>>) dst(%arg9 : memref<120x128xf32, #tpu.memory_space<vmem>>)
      %run_scoped3A_146 = arith.constant 1 : i32
      "tpu.region"() ({
        %run_scoped3A_225 = tpu.sem_alloc : memref<!tpu.dma_semaphore, #tpu.memory_space<semaphore_mem>>
        %dma_start3A_226 = arith.constant 0 : i32
        %dma_start3A_227 = tpu.memref_slice %arg8[%run_scoped3A_146, %dma_start3A_226] : memref<2x120xi32, #tpu.memory_space<vmem>> -> memref<1x120xi32, #tpu.memory_space<vmem>>
        %dma_start3A_228 = tpu.memref_squeeze %dma_start3A_227 : memref<1x120xi32, #tpu.memory_space<vmem>> -> memref<120xi32, #tpu.memory_space<vmem>>
        %dma_start3A_229 = arith.constant 0 : i32
        %dma_start3A_230 = arith.constant 0 : i32
        %dma_start3A_231 = tpu.memref_slice %arg11[%dma_start3A_229, %dma_start3A_230] : memref<10240x128xf32, #tpu.memory_space<vmem_shared>> -> memref<10240x128xf32, #tpu.memory_space<vmem_shared>>
        tpu.enqueue_indirect_dma source(%arg9 : memref<120x128xf32, #tpu.memory_space<vmem>>) target(%dma_start3A_231 : memref<10240x128xf32, #tpu.memory_space<vmem_shared>>) offsets(%dma_start3A_228 : memref<120xi32, #tpu.memory_space<vmem>>) semaphore(%run_scoped3A_225 : memref<!tpu.dma_semaphore, #tpu.memory_space<semaphore_mem>>) {add = true}
        %dma_wait3A_232 = arith.constant 0 : i32
        %dma_wait3A_233 = tpu.memref_slice %arg8[%run_scoped3A_146, %dma_wait3A_232] : memref<2x120xi32, #tpu.memory_space<vmem>> -> memref<1x120xi32, #tpu.memory_space<vmem>>
        %dma_wait3A_234 = tpu.memref_squeeze %dma_wait3A_233 : memref<1x120xi32, #tpu.memory_space<vmem>> -> memref<120xi32, #tpu.memory_space<vmem>>
        %dma_wait3A_235 = arith.constant 0 : i32
        %dma_wait3A_236 = arith.constant 0 : i32
        %dma_wait3A_237 = tpu.memref_slice %arg11[%dma_wait3A_235, %dma_wait3A_236] : memref<10240x128xf32, #tpu.memory_space<vmem_shared>> -> memref<10240x128xf32, #tpu.memory_space<vmem_shared>>
        tpu.wait_indirect_dma semaphore(%run_scoped3A_225 : memref<!tpu.dma_semaphore, #tpu.memory_space<semaphore_mem>>) src(%arg9 : memref<120x128xf32, #tpu.memory_space<vmem>>) dst(%dma_wait3A_237 : memref<10240x128xf32, #tpu.memory_space<vmem_shared>>)
        tpu.yield
      }) : () -> ()
      %add3A_147 = arith.constant 3 : i32
      %add3A_148 = arith.addi %add3A_132, %add3A_147 : i32
      %lt3A_149 = arith.cmpi slt, %add3A_148, %select_n3A : i32
      %convert_element_type3A_150 = arith.extui %lt3A_149 : i1 to i32
      %cond3A_151 = arith.constant 0 : i32
      %cond3A_152 = arith.cmpi ne, %convert_element_type3A_150, %cond3A_151 : i32
      scf.if %cond3A_152 {
        %add3A_225 = arith.addi %select_n3A_33, %add3A_132 : i32
        %add3A_226 = arith.constant 3 : i32
        %add3A_227 = arith.addi %add3A_225, %add3A_226 : i32
        %dma_start3A_228 = arith.constant 0 : i32
        %dma_start3A_229 = arith.constant 0 : i32
        %dma_start3A_230 = tpu.memref_slice %arg3[%add3A_227, %dma_start3A_228, %dma_start3A_229] : memref<2688x2x120xi32, #tpu.memory_space<hbm>> -> memref<1x2x120xi32, #tpu.memory_space<hbm>>
        %dma_start3A_231 = tpu.memref_squeeze %dma_start3A_230 : memref<1x2x120xi32, #tpu.memory_space<hbm>> -> memref<2x120xi32, #tpu.memory_space<hbm>>
        %dma_start3A_232 = arith.constant 0 : i32
        %dma_start3A_233 = arith.constant 0 : i32
        %dma_start3A_234 = tpu.memref_slice %arg3[%add3A_227, %dma_start3A_232, %dma_start3A_233] : memref<2688x2x120xi32, #tpu.memory_space<hbm>> -> memref<1x2x120xi32, #tpu.memory_space<hbm>>
        %dma_start3A_235 = tpu.memref_squeeze %dma_start3A_234 : memref<1x2x120xi32, #tpu.memory_space<hbm>> -> memref<2x120xi32, #tpu.memory_space<hbm>>
        tpu.enqueue_dma source(%dma_start3A_235 : memref<2x120xi32, #tpu.memory_space<hbm>>) target(%arg8 : memref<2x120xi32, #tpu.memory_space<vmem>>) target_semaphore(%arg14 : memref<!tpu.dma_semaphore, #tpu.memory_space<semaphore_mem>>)
      } else {
      }
      %mul3A_153 = arith.constant 6 : i32
      %mul3A_154 = arith.muli %while3A_83, %mul3A_153 : i32
      %add3A_155 = arith.constant 3 : i32
      %add3A_156 = arith.addi %mul3A_154, %add3A_155 : i32
      %add3A_157 = arith.constant 1 : i32
      %add3A_158 = arith.addi %add3A_156, %add3A_157 : i32
      %lt3A_159 = arith.cmpi slt, %add3A_158, %select_n3A : i32
      %convert_element_type3A_160 = arith.extui %lt3A_159 : i1 to i32
      %cond3A_161 = arith.constant 0 : i32
      %cond3A_162 = arith.cmpi ne, %convert_element_type3A_160, %cond3A_161 : i32
      scf.if %cond3A_162 {
        %add3A_225 = arith.addi %select_n3A_33, %add3A_156 : i32
        %add3A_226 = arith.constant 1 : i32
        %add3A_227 = arith.addi %add3A_225, %add3A_226 : i32
        %dma_wait3A_228 = arith.constant 0 : i32
        %dma_wait3A_229 = arith.constant 0 : i32
        %dma_wait3A_230 = tpu.memref_slice %arg3[%add3A_227, %dma_wait3A_228, %dma_wait3A_229] : memref<2688x2x120xi32, #tpu.memory_space<hbm>> -> memref<1x2x120xi32, #tpu.memory_space<hbm>>
        %dma_wait3A_231 = tpu.memref_squeeze %dma_wait3A_230 : memref<1x2x120xi32, #tpu.memory_space<hbm>> -> memref<2x120xi32, #tpu.memory_space<hbm>>
        %dma_wait3A_232 = arith.constant 0 : i32
        %dma_wait3A_233 = arith.constant 0 : i32
        %dma_wait3A_234 = tpu.memref_slice %arg3[%add3A_227, %dma_wait3A_232, %dma_wait3A_233] : memref<2688x2x120xi32, #tpu.memory_space<hbm>> -> memref<1x2x120xi32, #tpu.memory_space<hbm>>
        %dma_wait3A_235 = tpu.memref_squeeze %dma_wait3A_234 : memref<1x2x120xi32, #tpu.memory_space<hbm>> -> memref<2x120xi32, #tpu.memory_space<hbm>>
        tpu.wait_dma2 semaphore(%arg13 : memref<!tpu.dma_semaphore, #tpu.memory_space<semaphore_mem>>) src(%dma_wait3A_235 : memref<2x120xi32, #tpu.memory_space<hbm>>) dst(%arg7 : memref<2x120xi32, #tpu.memory_space<vmem>>)
        %dma_start3A_236 = arith.constant 0 : i32
        %dma_start3A_237 = arith.constant 0 : i32
        %dma_start3A_238 = tpu.memref_slice %arg7[%dma_start3A_236, %dma_start3A_237] : memref<2x120xi32, #tpu.memory_space<vmem>> -> memref<1x120xi32, #tpu.memory_space<vmem>>
        %dma_start3A_239 = tpu.memref_squeeze %dma_start3A_238 : memref<1x120xi32, #tpu.memory_space<vmem>> -> memref<120xi32, #tpu.memory_space<vmem>>
        %dma_start3A_240 = arith.constant 0 : i32
        %dma_start3A_241 = arith.constant 0 : i32
        %dma_start3A_242 = tpu.memref_slice %arg2[%dma_start3A_240, %dma_start3A_241] : memref<10000x128xf32, #tpu.memory_space<hbm>> -> memref<10000x128xf32, #tpu.memory_space<hbm>>
        tpu.enqueue_indirect_dma source(%dma_start3A_242 : memref<10000x128xf32, #tpu.memory_space<hbm>>) target(%arg9 : memref<120x128xf32, #tpu.memory_space<vmem>>) offsets(%dma_start3A_239 : memref<120xi32, #tpu.memory_space<vmem>>) semaphore(%arg15 : memref<!tpu.dma_semaphore, #tpu.memory_space<semaphore_mem>>)
      } else {
      }
      %dma_wait3A_163 = arith.constant 0 : i32
      %dma_wait3A_164 = arith.constant 0 : i32
      %dma_wait3A_165 = tpu.memref_slice %arg6[%dma_wait3A_163, %dma_wait3A_164] : memref<2x120xi32, #tpu.memory_space<vmem>> -> memref<1x120xi32, #tpu.memory_space<vmem>>
      %dma_wait3A_166 = tpu.memref_squeeze %dma_wait3A_165 : memref<1x120xi32, #tpu.memory_space<vmem>> -> memref<120xi32, #tpu.memory_space<vmem>>
      %dma_wait3A_167 = arith.constant 0 : i32
      %dma_wait3A_168 = arith.constant 0 : i32
      %dma_wait3A_169 = tpu.memref_slice %arg2[%dma_wait3A_167, %dma_wait3A_168] : memref<10000x128xf32, #tpu.memory_space<hbm>> -> memref<10000x128xf32, #tpu.memory_space<hbm>>
      tpu.wait_indirect_dma semaphore(%arg16 : memref<!tpu.dma_semaphore, #tpu.memory_space<semaphore_mem>>) src(%dma_wait3A_169 : memref<10000x128xf32, #tpu.memory_space<hbm>>) dst(%arg10 : memref<120x128xf32, #tpu.memory_space<vmem>>)
      %run_scoped3A_170 = arith.constant 1 : i32
      "tpu.region"() ({
        %run_scoped3A_225 = tpu.sem_alloc : memref<!tpu.dma_semaphore, #tpu.memory_space<semaphore_mem>>
        %dma_start3A_226 = arith.constant 0 : i32
        %dma_start3A_227 = tpu.memref_slice %arg6[%run_scoped3A_170, %dma_start3A_226] : memref<2x120xi32, #tpu.memory_space<vmem>> -> memref<1x120xi32, #tpu.memory_space<vmem>>
        %dma_start3A_228 = tpu.memref_squeeze %dma_start3A_227 : memref<1x120xi32, #tpu.memory_space<vmem>> -> memref<120xi32, #tpu.memory_space<vmem>>
        %dma_start3A_229 = arith.constant 0 : i32
        %dma_start3A_230 = arith.constant 0 : i32
        %dma_start3A_231 = tpu.memref_slice %arg11[%dma_start3A_229, %dma_start3A_230] : memref<10240x128xf32, #tpu.memory_space<vmem_shared>> -> memref<10240x128xf32, #tpu.memory_space<vmem_shared>>
        tpu.enqueue_indirect_dma source(%arg10 : memref<120x128xf32, #tpu.memory_space<vmem>>) target(%dma_start3A_231 : memref<10240x128xf32, #tpu.memory_space<vmem_shared>>) offsets(%dma_start3A_228 : memref<120xi32, #tpu.memory_space<vmem>>) semaphore(%run_scoped3A_225 : memref<!tpu.dma_semaphore, #tpu.memory_space<semaphore_mem>>) {add = true}
        %dma_wait3A_232 = arith.constant 0 : i32
        %dma_wait3A_233 = tpu.memref_slice %arg6[%run_scoped3A_170, %dma_wait3A_232] : memref<2x120xi32, #tpu.memory_space<vmem>> -> memref<1x120xi32, #tpu.memory_space<vmem>>
        %dma_wait3A_234 = tpu.memref_squeeze %dma_wait3A_233 : memref<1x120xi32, #tpu.memory_space<vmem>> -> memref<120xi32, #tpu.memory_space<vmem>>
        %dma_wait3A_235 = arith.constant 0 : i32
        %dma_wait3A_236 = arith.constant 0 : i32
        %dma_wait3A_237 = tpu.memref_slice %arg11[%dma_wait3A_235, %dma_wait3A_236] : memref<10240x128xf32, #tpu.memory_space<vmem_shared>> -> memref<10240x128xf32, #tpu.memory_space<vmem_shared>>
        tpu.wait_indirect_dma semaphore(%run_scoped3A_225 : memref<!tpu.dma_semaphore, #tpu.memory_space<semaphore_mem>>) src(%arg10 : memref<120x128xf32, #tpu.memory_space<vmem>>) dst(%dma_wait3A_237 : memref<10240x128xf32, #tpu.memory_space<vmem_shared>>)
        tpu.yield
      }) : () -> ()
      %add3A_171 = arith.constant 3 : i32
      %add3A_172 = arith.addi %add3A_156, %add3A_171 : i32
      %lt3A_173 = arith.cmpi slt, %add3A_172, %select_n3A : i32
      %convert_element_type3A_174 = arith.extui %lt3A_173 : i1 to i32
      %cond3A_175 = arith.constant 0 : i32
      %cond3A_176 = arith.cmpi ne, %convert_element_type3A_174, %cond3A_175 : i32
      scf.if %cond3A_176 {
        %add3A_225 = arith.addi %select_n3A_33, %add3A_156 : i32
        %add3A_226 = arith.constant 3 : i32
        %add3A_227 = arith.addi %add3A_225, %add3A_226 : i32
        %dma_start3A_228 = arith.constant 0 : i32
        %dma_start3A_229 = arith.constant 0 : i32
        %dma_start3A_230 = tpu.memref_slice %arg3[%add3A_227, %dma_start3A_228, %dma_start3A_229] : memref<2688x2x120xi32, #tpu.memory_space<hbm>> -> memref<1x2x120xi32, #tpu.memory_space<hbm>>
        %dma_start3A_231 = tpu.memref_squeeze %dma_start3A_230 : memref<1x2x120xi32, #tpu.memory_space<hbm>> -> memref<2x120xi32, #tpu.memory_space<hbm>>
        %dma_start3A_232 = arith.constant 0 : i32
        %dma_start3A_233 = arith.constant 0 : i32
        %dma_start3A_234 = tpu.memref_slice %arg3[%add3A_227, %dma_start3A_232, %dma_start3A_233] : memref<2688x2x120xi32, #tpu.memory_space<hbm>> -> memref<1x2x120xi32, #tpu.memory_space<hbm>>
        %dma_start3A_235 = tpu.memref_squeeze %dma_start3A_234 : memref<1x2x120xi32, #tpu.memory_space<hbm>> -> memref<2x120xi32, #tpu.memory_space<hbm>>
        tpu.enqueue_dma source(%dma_start3A_235 : memref<2x120xi32, #tpu.memory_space<hbm>>) target(%arg6 : memref<2x120xi32, #tpu.memory_space<vmem>>) target_semaphore(%arg12 : memref<!tpu.dma_semaphore, #tpu.memory_space<semaphore_mem>>)
      } else {
      }
      %mul3A_177 = arith.constant 6 : i32
      %mul3A_178 = arith.muli %while3A_83, %mul3A_177 : i32
      %add3A_179 = arith.constant 4 : i32
      %add3A_180 = arith.addi %mul3A_178, %add3A_179 : i32
      %add3A_181 = arith.constant 1 : i32
      %add3A_182 = arith.addi %add3A_180, %add3A_181 : i32
      %lt3A_183 = arith.cmpi slt, %add3A_182, %select_n3A : i32
      %convert_element_type3A_184 = arith.extui %lt3A_183 : i1 to i32
      %cond3A_185 = arith.constant 0 : i32
      %cond3A_186 = arith.cmpi ne, %convert_element_type3A_184, %cond3A_185 : i32
      scf.if %cond3A_186 {
        %add3A_225 = arith.addi %select_n3A_33, %add3A_180 : i32
        %add3A_226 = arith.constant 1 : i32
        %add3A_227 = arith.addi %add3A_225, %add3A_226 : i32
        %dma_wait3A_228 = arith.constant 0 : i32
        %dma_wait3A_229 = arith.constant 0 : i32
        %dma_wait3A_230 = tpu.memref_slice %arg3[%add3A_227, %dma_wait3A_228, %dma_wait3A_229] : memref<2688x2x120xi32, #tpu.memory_space<hbm>> -> memref<1x2x120xi32, #tpu.memory_space<hbm>>
        %dma_wait3A_231 = tpu.memref_squeeze %dma_wait3A_230 : memref<1x2x120xi32, #tpu.memory_space<hbm>> -> memref<2x120xi32, #tpu.memory_space<hbm>>
        %dma_wait3A_232 = arith.constant 0 : i32
        %dma_wait3A_233 = arith.constant 0 : i32
        %dma_wait3A_234 = tpu.memref_slice %arg3[%add3A_227, %dma_wait3A_232, %dma_wait3A_233] : memref<2688x2x120xi32, #tpu.memory_space<hbm>> -> memref<1x2x120xi32, #tpu.memory_space<hbm>>
        %dma_wait3A_235 = tpu.memref_squeeze %dma_wait3A_234 : memref<1x2x120xi32, #tpu.memory_space<hbm>> -> memref<2x120xi32, #tpu.memory_space<hbm>>
        tpu.wait_dma2 semaphore(%arg14 : memref<!tpu.dma_semaphore, #tpu.memory_space<semaphore_mem>>) src(%dma_wait3A_235 : memref<2x120xi32, #tpu.memory_space<hbm>>) dst(%arg8 : memref<2x120xi32, #tpu.memory_space<vmem>>)
        %dma_start3A_236 = arith.constant 0 : i32
        %dma_start3A_237 = arith.constant 0 : i32
        %dma_start3A_238 = tpu.memref_slice %arg8[%dma_start3A_236, %dma_start3A_237] : memref<2x120xi32, #tpu.memory_space<vmem>> -> memref<1x120xi32, #tpu.memory_space<vmem>>
        %dma_start3A_239 = tpu.memref_squeeze %dma_start3A_238 : memref<1x120xi32, #tpu.memory_space<vmem>> -> memref<120xi32, #tpu.memory_space<vmem>>
        %dma_start3A_240 = arith.constant 0 : i32
        %dma_start3A_241 = arith.constant 0 : i32
        %dma_start3A_242 = tpu.memref_slice %arg2[%dma_start3A_240, %dma_start3A_241] : memref<10000x128xf32, #tpu.memory_space<hbm>> -> memref<10000x128xf32, #tpu.memory_space<hbm>>
        tpu.enqueue_indirect_dma source(%dma_start3A_242 : memref<10000x128xf32, #tpu.memory_space<hbm>>) target(%arg10 : memref<120x128xf32, #tpu.memory_space<vmem>>) offsets(%dma_start3A_239 : memref<120xi32, #tpu.memory_space<vmem>>) semaphore(%arg16 : memref<!tpu.dma_semaphore, #tpu.memory_space<semaphore_mem>>)
      } else {
      }
      %dma_wait3A_187 = arith.constant 0 : i32
      %dma_wait3A_188 = arith.constant 0 : i32
      %dma_wait3A_189 = tpu.memref_slice %arg7[%dma_wait3A_187, %dma_wait3A_188] : memref<2x120xi32, #tpu.memory_space<vmem>> -> memref<1x120xi32, #tpu.memory_space<vmem>>
      %dma_wait3A_190 = tpu.memref_squeeze %dma_wait3A_189 : memref<1x120xi32, #tpu.memory_space<vmem>> -> memref<120xi32, #tpu.memory_space<vmem>>
      %dma_wait3A_191 = arith.constant 0 : i32
      %dma_wait3A_192 = arith.constant 0 : i32
      %dma_wait3A_193 = tpu.memref_slice %arg2[%dma_wait3A_191, %dma_wait3A_192] : memref<10000x128xf32, #tpu.memory_space<hbm>> -> memref<10000x128xf32, #tpu.memory_space<hbm>>
      tpu.wait_indirect_dma semaphore(%arg15 : memref<!tpu.dma_semaphore, #tpu.memory_space<semaphore_mem>>) src(%dma_wait3A_193 : memref<10000x128xf32, #tpu.memory_space<hbm>>) dst(%arg9 : memref<120x128xf32, #tpu.memory_space<vmem>>)
      %run_scoped3A_194 = arith.constant 1 : i32
      "tpu.region"() ({
        %run_scoped3A_225 = tpu.sem_alloc : memref<!tpu.dma_semaphore, #tpu.memory_space<semaphore_mem>>
        %dma_start3A_226 = arith.constant 0 : i32
        %dma_start3A_227 = tpu.memref_slice %arg7[%run_scoped3A_194, %dma_start3A_226] : memref<2x120xi32, #tpu.memory_space<vmem>> -> memref<1x120xi32, #tpu.memory_space<vmem>>
        %dma_start3A_228 = tpu.memref_squeeze %dma_start3A_227 : memref<1x120xi32, #tpu.memory_space<vmem>> -> memref<120xi32, #tpu.memory_space<vmem>>
        %dma_start3A_229 = arith.constant 0 : i32
        %dma_start3A_230 = arith.constant 0 : i32
        %dma_start3A_231 = tpu.memref_slice %arg11[%dma_start3A_229, %dma_start3A_230] : memref<10240x128xf32, #tpu.memory_space<vmem_shared>> -> memref<10240x128xf32, #tpu.memory_space<vmem_shared>>
        tpu.enqueue_indirect_dma source(%arg9 : memref<120x128xf32, #tpu.memory_space<vmem>>) target(%dma_start3A_231 : memref<10240x128xf32, #tpu.memory_space<vmem_shared>>) offsets(%dma_start3A_228 : memref<120xi32, #tpu.memory_space<vmem>>) semaphore(%run_scoped3A_225 : memref<!tpu.dma_semaphore, #tpu.memory_space<semaphore_mem>>) {add = true}
        %dma_wait3A_232 = arith.constant 0 : i32
        %dma_wait3A_233 = tpu.memref_slice %arg7[%run_scoped3A_194, %dma_wait3A_232] : memref<2x120xi32, #tpu.memory_space<vmem>> -> memref<1x120xi32, #tpu.memory_space<vmem>>
        %dma_wait3A_234 = tpu.memref_squeeze %dma_wait3A_233 : memref<1x120xi32, #tpu.memory_space<vmem>> -> memref<120xi32, #tpu.memory_space<vmem>>
        %dma_wait3A_235 = arith.constant 0 : i32
        %dma_wait3A_236 = arith.constant 0 : i32
        %dma_wait3A_237 = tpu.memref_slice %arg11[%dma_wait3A_235, %dma_wait3A_236] : memref<10240x128xf32, #tpu.memory_space<vmem_shared>> -> memref<10240x128xf32, #tpu.memory_space<vmem_shared>>
        tpu.wait_indirect_dma semaphore(%run_scoped3A_225 : memref<!tpu.dma_semaphore, #tpu.memory_space<semaphore_mem>>) src(%arg9 : memref<120x128xf32, #tpu.memory_space<vmem>>) dst(%dma_wait3A_237 : memref<10240x128xf32, #tpu.memory_space<vmem_shared>>)
        tpu.yield
      }) : () -> ()
      %add3A_195 = arith.constant 3 : i32
      %add3A_196 = arith.addi %add3A_180, %add3A_195 : i32
      %lt3A_197 = arith.cmpi slt, %add3A_196, %select_n3A : i32
      %convert_element_type3A_198 = arith.extui %lt3A_197 : i1 to i32
      %cond3A_199 = arith.constant 0 : i32
      %cond3A_200 = arith.cmpi ne, %convert_element_type3A_198, %cond3A_199 : i32
      scf.if %cond3A_200 {
        %add3A_225 = arith.addi %select_n3A_33, %add3A_180 : i32
        %add3A_226 = arith.constant 3 : i32
        %add3A_227 = arith.addi %add3A_225, %add3A_226 : i32
        %dma_start3A_228 = arith.constant 0 : i32
        %dma_start3A_229 = arith.constant 0 : i32
        %dma_start3A_230 = tpu.memref_slice %arg3[%add3A_227, %dma_start3A_228, %dma_start3A_229] : memref<2688x2x120xi32, #tpu.memory_space<hbm>> -> memref<1x2x120xi32, #tpu.memory_space<hbm>>
        %dma_start3A_231 = tpu.memref_squeeze %dma_start3A_230 : memref<1x2x120xi32, #tpu.memory_space<hbm>> -> memref<2x120xi32, #tpu.memory_space<hbm>>
        %dma_start3A_232 = arith.constant 0 : i32
        %dma_start3A_233 = arith.constant 0 : i32
        %dma_start3A_234 = tpu.memref_slice %arg3[%add3A_227, %dma_start3A_232, %dma_start3A_233] : memref<2688x2x120xi32, #tpu.memory_space<hbm>> -> memref<1x2x120xi32, #tpu.memory_space<hbm>>
        %dma_start3A_235 = tpu.memref_squeeze %dma_start3A_234 : memref<1x2x120xi32, #tpu.memory_space<hbm>> -> memref<2x120xi32, #tpu.memory_space<hbm>>
        tpu.enqueue_dma source(%dma_start3A_235 : memref<2x120xi32, #tpu.memory_space<hbm>>) target(%arg7 : memref<2x120xi32, #tpu.memory_space<vmem>>) target_semaphore(%arg13 : memref<!tpu.dma_semaphore, #tpu.memory_space<semaphore_mem>>)
      } else {
      }
      %mul3A_201 = arith.constant 6 : i32
      %mul3A_202 = arith.muli %while3A_83, %mul3A_201 : i32
      %add3A_203 = arith.constant 5 : i32
      %add3A_204 = arith.addi %mul3A_202, %add3A_203 : i32
      %add3A_205 = arith.constant 1 : i32
      %add3A_206 = arith.addi %add3A_204, %add3A_205 : i32
      %lt3A_207 = arith.cmpi slt, %add3A_206, %select_n3A : i32
      %convert_element_type3A_208 = arith.extui %lt3A_207 : i1 to i32
      %cond3A_209 = arith.constant 0 : i32
      %cond3A_210 = arith.cmpi ne, %convert_element_type3A_208, %cond3A_209 : i32
      scf.if %cond3A_210 {
        %add3A_225 = arith.addi %select_n3A_33, %add3A_204 : i32
        %add3A_226 = arith.constant 1 : i32
        %add3A_227 = arith.addi %add3A_225, %add3A_226 : i32
        %dma_wait3A_228 = arith.constant 0 : i32
        %dma_wait3A_229 = arith.constant 0 : i32
        %dma_wait3A_230 = tpu.memref_slice %arg3[%add3A_227, %dma_wait3A_228, %dma_wait3A_229] : memref<2688x2x120xi32, #tpu.memory_space<hbm>> -> memref<1x2x120xi32, #tpu.memory_space<hbm>>
        %dma_wait3A_231 = tpu.memref_squeeze %dma_wait3A_230 : memref<1x2x120xi32, #tpu.memory_space<hbm>> -> memref<2x120xi32, #tpu.memory_space<hbm>>
        %dma_wait3A_232 = arith.constant 0 : i32
        %dma_wait3A_233 = arith.constant 0 : i32
        %dma_wait3A_234 = tpu.memref_slice %arg3[%add3A_227, %dma_wait3A_232, %dma_wait3A_233] : memref<2688x2x120xi32, #tpu.memory_space<hbm>> -> memref<1x2x120xi32, #tpu.memory_space<hbm>>
        %dma_wait3A_235 = tpu.memref_squeeze %dma_wait3A_234 : memref<1x2x120xi32, #tpu.memory_space<hbm>> -> memref<2x120xi32, #tpu.memory_space<hbm>>
        tpu.wait_dma2 semaphore(%arg12 : memref<!tpu.dma_semaphore, #tpu.memory_space<semaphore_mem>>) src(%dma_wait3A_235 : memref<2x120xi32, #tpu.memory_space<hbm>>) dst(%arg6 : memref<2x120xi32, #tpu.memory_space<vmem>>)
        %dma_start3A_236 = arith.constant 0 : i32
        %dma_start3A_237 = arith.constant 0 : i32
        %dma_start3A_238 = tpu.memref_slice %arg6[%dma_start3A_236, %dma_start3A_237] : memref<2x120xi32, #tpu.memory_space<vmem>> -> memref<1x120xi32, #tpu.memory_space<vmem>>
        %dma_start3A_239 = tpu.memref_squeeze %dma_start3A_238 : memref<1x120xi32, #tpu.memory_space<vmem>> -> memref<120xi32, #tpu.memory_space<vmem>>
        %dma_start3A_240 = arith.constant 0 : i32
        %dma_start3A_241 = arith.constant 0 : i32
        %dma_start3A_242 = tpu.memref_slice %arg2[%dma_start3A_240, %dma_start3A_241] : memref<10000x128xf32, #tpu.memory_space<hbm>> -> memref<10000x128xf32, #tpu.memory_space<hbm>>
        tpu.enqueue_indirect_dma source(%dma_start3A_242 : memref<10000x128xf32, #tpu.memory_space<hbm>>) target(%arg9 : memref<120x128xf32, #tpu.memory_space<vmem>>) offsets(%dma_start3A_239 : memref<120xi32, #tpu.memory_space<vmem>>) semaphore(%arg15 : memref<!tpu.dma_semaphore, #tpu.memory_space<semaphore_mem>>)
      } else {
      }
      %dma_wait3A_211 = arith.constant 0 : i32
      %dma_wait3A_212 = arith.constant 0 : i32
      %dma_wait3A_213 = tpu.memref_slice %arg8[%dma_wait3A_211, %dma_wait3A_212] : memref<2x120xi32, #tpu.memory_space<vmem>> -> memref<1x120xi32, #tpu.memory_space<vmem>>
      %dma_wait3A_214 = tpu.memref_squeeze %dma_wait3A_213 : memref<1x120xi32, #tpu.memory_space<vmem>> -> memref<120xi32, #tpu.memory_space<vmem>>
      %dma_wait3A_215 = arith.constant 0 : i32
      %dma_wait3A_216 = arith.constant 0 : i32
      %dma_wait3A_217 = tpu.memref_slice %arg2[%dma_wait3A_215, %dma_wait3A_216] : memref<10000x128xf32, #tpu.memory_space<hbm>> -> memref<10000x128xf32, #tpu.memory_space<hbm>>
      tpu.wait_indirect_dma semaphore(%arg16 : memref<!tpu.dma_semaphore, #tpu.memory_space<semaphore_mem>>) src(%dma_wait3A_217 : memref<10000x128xf32, #tpu.memory_space<hbm>>) dst(%arg10 : memref<120x128xf32, #tpu.memory_space<vmem>>)
      %run_scoped3A_218 = arith.constant 1 : i32
      "tpu.region"() ({
        %run_scoped3A_225 = tpu.sem_alloc : memref<!tpu.dma_semaphore, #tpu.memory_space<semaphore_mem>>
        %dma_start3A_226 = arith.constant 0 : i32
        %dma_start3A_227 = tpu.memref_slice %arg8[%run_scoped3A_218, %dma_start3A_226] : memref<2x120xi32, #tpu.memory_space<vmem>> -> memref<1x120xi32, #tpu.memory_space<vmem>>
        %dma_start3A_228 = tpu.memref_squeeze %dma_start3A_227 : memref<1x120xi32, #tpu.memory_space<vmem>> -> memref<120xi32, #tpu.memory_space<vmem>>
        %dma_start3A_229 = arith.constant 0 : i32
        %dma_start3A_230 = arith.constant 0 : i32
        %dma_start3A_231 = tpu.memref_slice %arg11[%dma_start3A_229, %dma_start3A_230] : memref<10240x128xf32, #tpu.memory_space<vmem_shared>> -> memref<10240x128xf32, #tpu.memory_space<vmem_shared>>
        tpu.enqueue_indirect_dma source(%arg10 : memref<120x128xf32, #tpu.memory_space<vmem>>) target(%dma_start3A_231 : memref<10240x128xf32, #tpu.memory_space<vmem_shared>>) offsets(%dma_start3A_228 : memref<120xi32, #tpu.memory_space<vmem>>) semaphore(%run_scoped3A_225 : memref<!tpu.dma_semaphore, #tpu.memory_space<semaphore_mem>>) {add = true}
        %dma_wait3A_232 = arith.constant 0 : i32
        %dma_wait3A_233 = tpu.memref_slice %arg8[%run_scoped3A_218, %dma_wait3A_232] : memref<2x120xi32, #tpu.memory_space<vmem>> -> memref<1x120xi32, #tpu.memory_space<vmem>>
        %dma_wait3A_234 = tpu.memref_squeeze %dma_wait3A_233 : memref<1x120xi32, #tpu.memory_space<vmem>> -> memref<120xi32, #tpu.memory_space<vmem>>
        %dma_wait3A_235 = arith.constant 0 : i32
        %dma_wait3A_236 = arith.constant 0 : i32
        %dma_wait3A_237 = tpu.memref_slice %arg11[%dma_wait3A_235, %dma_wait3A_236] : memref<10240x128xf32, #tpu.memory_space<vmem_shared>> -> memref<10240x128xf32, #tpu.memory_space<vmem_shared>>
        tpu.wait_indirect_dma semaphore(%run_scoped3A_225 : memref<!tpu.dma_semaphore, #tpu.memory_space<semaphore_mem>>) src(%arg10 : memref<120x128xf32, #tpu.memory_space<vmem>>) dst(%dma_wait3A_237 : memref<10240x128xf32, #tpu.memory_space<vmem_shared>>)
        tpu.yield
      }) : () -> ()
      %add3A_219 = arith.constant 3 : i32
      %add3A_220 = arith.addi %add3A_204, %add3A_219 : i32
      %lt3A_221 = arith.cmpi slt, %add3A_220, %select_n3A : i32
      %convert_element_type3A_222 = arith.extui %lt3A_221 : i1 to i32
      %cond3A_223 = arith.constant 0 : i32
      %cond3A_224 = arith.cmpi ne, %convert_element_type3A_222, %cond3A_223 : i32
      scf.if %cond3A_224 {
        %add3A_225 = arith.addi %select_n3A_33, %add3A_204 : i32
        %add3A_226 = arith.constant 3 : i32
        %add3A_227 = arith.addi %add3A_225, %add3A_226 : i32
        %dma_start3A_228 = arith.constant 0 : i32
        %dma_start3A_229 = arith.constant 0 : i32
        %dma_start3A_230 = tpu.memref_slice %arg3[%add3A_227, %dma_start3A_228, %dma_start3A_229] : memref<2688x2x120xi32, #tpu.memory_space<hbm>> -> memref<1x2x120xi32, #tpu.memory_space<hbm>>
        %dma_start3A_231 = tpu.memref_squeeze %dma_start3A_230 : memref<1x2x120xi32, #tpu.memory_space<hbm>> -> memref<2x120xi32, #tpu.memory_space<hbm>>
        %dma_start3A_232 = arith.constant 0 : i32
        %dma_start3A_233 = arith.constant 0 : i32
        %dma_start3A_234 = tpu.memref_slice %arg3[%add3A_227, %dma_start3A_232, %dma_start3A_233] : memref<2688x2x120xi32, #tpu.memory_space<hbm>> -> memref<1x2x120xi32, #tpu.memory_space<hbm>>
        %dma_start3A_235 = tpu.memref_squeeze %dma_start3A_234 : memref<1x2x120xi32, #tpu.memory_space<hbm>> -> memref<2x120xi32, #tpu.memory_space<hbm>>
        tpu.enqueue_dma source(%dma_start3A_235 : memref<2x120xi32, #tpu.memory_space<hbm>>) target(%arg8 : memref<2x120xi32, #tpu.memory_space<vmem>>) target_semaphore(%arg14 : memref<!tpu.dma_semaphore, #tpu.memory_space<semaphore_mem>>)
      } else {
      }
    }
    %while3A_74 = arith.constant 1 : i32
    scf.for %while3A_83 = %while3A_72 to %while3A_68 step %while3A_74  : i32 {
      %mul3A_84 = arith.constant 6 : i32
      %mul3A_85 = arith.muli %while3A_83, %mul3A_84 : i32
      %add3A_86 = arith.constant 0 : i32
      %add3A_87 = arith.addi %mul3A_85, %add3A_86 : i32
      %add3A_88 = arith.constant 1 : i32
      %add3A_89 = arith.addi %add3A_87, %add3A_88 : i32
      %lt3A = arith.cmpi slt, %add3A_89, %select_n3A : i32
      %convert_element_type3A_90 = arith.extui %lt3A : i1 to i32
      %cond3A_91 = arith.constant 0 : i32
      %cond3A_92 = arith.cmpi ne, %convert_element_type3A_90, %cond3A_91 : i32
      scf.if %cond3A_92 {
        %add3A_225 = arith.addi %select_n3A_33, %add3A_87 : i32
        %add3A_226 = arith.constant 1 : i32
        %add3A_227 = arith.addi %add3A_225, %add3A_226 : i32
        %dma_wait3A_228 = arith.constant 0 : i32
        %dma_wait3A_229 = arith.constant 0 : i32
        %dma_wait3A_230 = tpu.memref_slice %arg3[%add3A_227, %dma_wait3A_228, %dma_wait3A_229] : memref<2688x2x120xi32, #tpu.memory_space<hbm>> -> memref<1x2x120xi32, #tpu.memory_space<hbm>>
        %dma_wait3A_231 = tpu.memref_squeeze %dma_wait3A_230 : memref<1x2x120xi32, #tpu.memory_space<hbm>> -> memref<2x120xi32, #tpu.memory_space<hbm>>
        %dma_wait3A_232 = arith.constant 0 : i32
        %dma_wait3A_233 = arith.constant 0 : i32
        %dma_wait3A_234 = tpu.memref_slice %arg3[%add3A_227, %dma_wait3A_232, %dma_wait3A_233] : memref<2688x2x120xi32, #tpu.memory_space<hbm>> -> memref<1x2x120xi32, #tpu.memory_space<hbm>>
        %dma_wait3A_235 = tpu.memref_squeeze %dma_wait3A_234 : memref<1x2x120xi32, #tpu.memory_space<hbm>> -> memref<2x120xi32, #tpu.memory_space<hbm>>
        tpu.wait_dma2 semaphore(%arg13 : memref<!tpu.dma_semaphore, #tpu.memory_space<semaphore_mem>>) src(%dma_wait3A_235 : memref<2x120xi32, #tpu.memory_space<hbm>>) dst(%arg7 : memref<2x120xi32, #tpu.memory_space<vmem>>)
        %dma_start3A_236 = arith.constant 0 : i32
        %dma_start3A_237 = arith.constant 0 : i32
        %dma_start3A_238 = tpu.memref_slice %arg7[%dma_start3A_236, %dma_start3A_237] : memref<2x120xi32, #tpu.memory_space<vmem>> -> memref<1x120xi32, #tpu.memory_space<vmem>>
        %dma_start3A_239 = tpu.memref_squeeze %dma_start3A_238 : memref<1x120xi32, #tpu.memory_space<vmem>> -> memref<120xi32, #tpu.memory_space<vmem>>
        %dma_start3A_240 = arith.constant 0 : i32
        %dma_start3A_241 = arith.constant 0 : i32
        %dma_start3A_242 = tpu.memref_slice %arg2[%dma_start3A_240, %dma_start3A_241] : memref<10000x128xf32, #tpu.memory_space<hbm>> -> memref<10000x128xf32, #tpu.memory_space<hbm>>
        tpu.enqueue_indirect_dma source(%dma_start3A_242 : memref<10000x128xf32, #tpu.memory_space<hbm>>) target(%arg10 : memref<120x128xf32, #tpu.memory_space<vmem>>) offsets(%dma_start3A_239 : memref<120xi32, #tpu.memory_space<vmem>>) semaphore(%arg16 : memref<!tpu.dma_semaphore, #tpu.memory_space<semaphore_mem>>)
      } else {
      }
      %dma_wait3A = arith.constant 0 : i32
      %dma_wait3A_93 = arith.constant 0 : i32
      %dma_wait3A_94 = tpu.memref_slice %arg6[%dma_wait3A, %dma_wait3A_93] : memref<2x120xi32, #tpu.memory_space<vmem>> -> memref<1x120xi32, #tpu.memory_space<vmem>>
      %dma_wait3A_95 = tpu.memref_squeeze %dma_wait3A_94 : memref<1x120xi32, #tpu.memory_space<vmem>> -> memref<120xi32, #tpu.memory_space<vmem>>
      %dma_wait3A_96 = arith.constant 0 : i32
      %dma_wait3A_97 = arith.constant 0 : i32
      %dma_wait3A_98 = tpu.memref_slice %arg2[%dma_wait3A_96, %dma_wait3A_97] : memref<10000x128xf32, #tpu.memory_space<hbm>> -> memref<10000x128xf32, #tpu.memory_space<hbm>>
      tpu.wait_indirect_dma semaphore(%arg15 : memref<!tpu.dma_semaphore, #tpu.memory_space<semaphore_mem>>) src(%dma_wait3A_98 : memref<10000x128xf32, #tpu.memory_space<hbm>>) dst(%arg9 : memref<120x128xf32, #tpu.memory_space<vmem>>)
      %run_scoped3A = arith.constant 1 : i32
      "tpu.region"() ({
        %run_scoped3A_225 = tpu.sem_alloc : memref<!tpu.dma_semaphore, #tpu.memory_space<semaphore_mem>>
        %dma_start3A_226 = arith.constant 0 : i32
        %dma_start3A_227 = tpu.memref_slice %arg6[%run_scoped3A, %dma_start3A_226] : memref<2x120xi32, #tpu.memory_space<vmem>> -> memref<1x120xi32, #tpu.memory_space<vmem>>
        %dma_start3A_228 = tpu.memref_squeeze %dma_start3A_227 : memref<1x120xi32, #tpu.memory_space<vmem>> -> memref<120xi32, #tpu.memory_space<vmem>>
        %dma_start3A_229 = arith.constant 0 : i32
        %dma_start3A_230 = arith.constant 0 : i32
        %dma_start3A_231 = tpu.memref_slice %arg11[%dma_start3A_229, %dma_start3A_230] : memref<10240x128xf32, #tpu.memory_space<vmem_shared>> -> memref<10240x128xf32, #tpu.memory_space<vmem_shared>>
        tpu.enqueue_indirect_dma source(%arg9 : memref<120x128xf32, #tpu.memory_space<vmem>>) target(%dma_start3A_231 : memref<10240x128xf32, #tpu.memory_space<vmem_shared>>) offsets(%dma_start3A_228 : memref<120xi32, #tpu.memory_space<vmem>>) semaphore(%run_scoped3A_225 : memref<!tpu.dma_semaphore, #tpu.memory_space<semaphore_mem>>) {add = true}
        %dma_wait3A_232 = arith.constant 0 : i32
        %dma_wait3A_233 = tpu.memref_slice %arg6[%run_scoped3A, %dma_wait3A_232] : memref<2x120xi32, #tpu.memory_space<vmem>> -> memref<1x120xi32, #tpu.memory_space<vmem>>
        %dma_wait3A_234 = tpu.memref_squeeze %dma_wait3A_233 : memref<1x120xi32, #tpu.memory_space<vmem>> -> memref<120xi32, #tpu.memory_space<vmem>>
        %dma_wait3A_235 = arith.constant 0 : i32
        %dma_wait3A_236 = arith.constant 0 : i32
        %dma_wait3A_237 = tpu.memref_slice %arg11[%dma_wait3A_235, %dma_wait3A_236] : memref<10240x128xf32, #tpu.memory_space<vmem_shared>> -> memref<10240x128xf32, #tpu.memory_space<vmem_shared>>
        tpu.wait_indirect_dma semaphore(%run_scoped3A_225 : memref<!tpu.dma_semaphore, #tpu.memory_space<semaphore_mem>>) src(%arg9 : memref<120x128xf32, #tpu.memory_space<vmem>>) dst(%dma_wait3A_237 : memref<10240x128xf32, #tpu.memory_space<vmem_shared>>)
        tpu.yield
      }) : () -> ()
      %add3A_99 = arith.constant 3 : i32
      %add3A_100 = arith.addi %add3A_87, %add3A_99 : i32
      %lt3A_101 = arith.cmpi slt, %add3A_100, %select_n3A : i32
      %convert_element_type3A_102 = arith.extui %lt3A_101 : i1 to i32
      %cond3A_103 = arith.constant 0 : i32
      %cond3A_104 = arith.cmpi ne, %convert_element_type3A_102, %cond3A_103 : i32
      scf.if %cond3A_104 {
        %add3A_225 = arith.addi %select_n3A_33, %add3A_87 : i32
        %add3A_226 = arith.constant 3 : i32
        %add3A_227 = arith.addi %add3A_225, %add3A_226 : i32
        %dma_start3A_228 = arith.constant 0 : i32
        %dma_start3A_229 = arith.constant 0 : i32
        %dma_start3A_230 = tpu.memref_slice %arg3[%add3A_227, %dma_start3A_228, %dma_start3A_229] : memref<2688x2x120xi32, #tpu.memory_space<hbm>> -> memref<1x2x120xi32, #tpu.memory_space<hbm>>
        %dma_start3A_231 = tpu.memref_squeeze %dma_start3A_230 : memref<1x2x120xi32, #tpu.memory_space<hbm>> -> memref<2x120xi32, #tpu.memory_space<hbm>>
        %dma_start3A_232 = arith.constant 0 : i32
        %dma_start3A_233 = arith.constant 0 : i32
        %dma_start3A_234 = tpu.memref_slice %arg3[%add3A_227, %dma_start3A_232, %dma_start3A_233] : memref<2688x2x120xi32, #tpu.memory_space<hbm>> -> memref<1x2x120xi32, #tpu.memory_space<hbm>>
        %dma_start3A_235 = tpu.memref_squeeze %dma_start3A_234 : memref<1x2x120xi32, #tpu.memory_space<hbm>> -> memref<2x120xi32, #tpu.memory_space<hbm>>
        tpu.enqueue_dma source(%dma_start3A_235 : memref<2x120xi32, #tpu.memory_space<hbm>>) target(%arg6 : memref<2x120xi32, #tpu.memory_space<vmem>>) target_semaphore(%arg12 : memref<!tpu.dma_semaphore, #tpu.memory_space<semaphore_mem>>)
      } else {
      }
      %mul3A_105 = arith.constant 6 : i32
      %mul3A_106 = arith.muli %while3A_83, %mul3A_105 : i32
      %add3A_107 = arith.constant 1 : i32
      %add3A_108 = arith.addi %mul3A_106, %add3A_107 : i32
      %add3A_109 = arith.constant 1 : i32
      %add3A_110 = arith.addi %add3A_108, %add3A_109 : i32
      %lt3A_111 = arith.cmpi slt, %add3A_110, %select_n3A : i32
      %convert_element_type3A_112 = arith.extui %lt3A_111 : i1 to i32
      %cond3A_113 = arith.constant 0 : i32
      %cond3A_114 = arith.cmpi ne, %convert_element_type3A_112, %cond3A_113 : i32
      scf.if %cond3A_114 {
        %add3A_225 = arith.addi %select_n3A_33, %add3A_108 : i32
        %add3A_226 = arith.constant 1 : i32
        %add3A_227 = arith.addi %add3A_225, %add3A_226 : i32
        %dma_wait3A_228 = arith.constant 0 : i32
        %dma_wait3A_229 = arith.constant 0 : i32
        %dma_wait3A_230 = tpu.memref_slice %arg3[%add3A_227, %dma_wait3A_228, %dma_wait3A_229] : memref<2688x2x120xi32, #tpu.memory_space<hbm>> -> memref<1x2x120xi32, #tpu.memory_space<hbm>>
        %dma_wait3A_231 = tpu.memref_squeeze %dma_wait3A_230 : memref<1x2x120xi32, #tpu.memory_space<hbm>> -> memref<2x120xi32, #tpu.memory_space<hbm>>
        %dma_wait3A_232 = arith.constant 0 : i32
        %dma_wait3A_233 = arith.constant 0 : i32
        %dma_wait3A_234 = tpu.memref_slice %arg3[%add3A_227, %dma_wait3A_232, %dma_wait3A_233] : memref<2688x2x120xi32, #tpu.memory_space<hbm>> -> memref<1x2x120xi32, #tpu.memory_space<hbm>>
        %dma_wait3A_235 = tpu.memref_squeeze %dma_wait3A_234 : memref<1x2x120xi32, #tpu.memory_space<hbm>> -> memref<2x120xi32, #tpu.memory_space<hbm>>
        tpu.wait_dma2 semaphore(%arg14 : memref<!tpu.dma_semaphore, #tpu.memory_space<semaphore_mem>>) src(%dma_wait3A_235 : memref<2x120xi32, #tpu.memory_space<hbm>>) dst(%arg8 : memref<2x120xi32, #tpu.memory_space<vmem>>)
        %dma_start3A_236 = arith.constant 0 : i32
        %dma_start3A_237 = arith.constant 0 : i32
        %dma_start3A_238 = tpu.memref_slice %arg8[%dma_start3A_236, %dma_start3A_237] : memref<2x120xi32, #tpu.memory_space<vmem>> -> memref<1x120xi32, #tpu.memory_space<vmem>>
        %dma_start3A_239 = tpu.memref_squeeze %dma_start3A_238 : memref<1x120xi32, #tpu.memory_space<vmem>> -> memref<120xi32, #tpu.memory_space<vmem>>
        %dma_start3A_240 = arith.constant 0 : i32
        %dma_start3A_241 = arith.constant 0 : i32
        %dma_start3A_242 = tpu.memref_slice %arg2[%dma_start3A_240, %dma_start3A_241] : memref<10000x128xf32, #tpu.memory_space<hbm>> -> memref<10000x128xf32, #tpu.memory_space<hbm>>
        tpu.enqueue_indirect_dma source(%dma_start3A_242 : memref<10000x128xf32, #tpu.memory_space<hbm>>) target(%arg9 : memref<120x128xf32, #tpu.memory_space<vmem>>) offsets(%dma_start3A_239 : memref<120xi32, #tpu.memory_space<vmem>>) semaphore(%arg15 : memref<!tpu.dma_semaphore, #tpu.memory_space<semaphore_mem>>)
      } else {
      }
      %dma_wait3A_115 = arith.constant 0 : i32
      %dma_wait3A_116 = arith.constant 0 : i32
      %dma_wait3A_117 = tpu.memref_slice %arg7[%dma_wait3A_115, %dma_wait3A_116] : memref<2x120xi32, #tpu.memory_space<vmem>> -> memref<1x120xi32, #tpu.memory_space<vmem>>
      %dma_wait3A_118 = tpu.memref_squeeze %dma_wait3A_117 : memref<1x120xi32, #tpu.memory_space<vmem>> -> memref<120xi32, #tpu.memory_space<vmem>>
      %dma_wait3A_119 = arith.constant 0 : i32
      %dma_wait3A_120 = arith.constant 0 : i32
      %dma_wait3A_121 = tpu.memref_slice %arg2[%dma_wait3A_119, %dma_wait3A_120] : memref<10000x128xf32, #tpu.memory_space<hbm>> -> memref<10000x128xf32, #tpu.memory_space<hbm>>
      tpu.wait_indirect_dma semaphore(%arg16 : memref<!tpu.dma_semaphore, #tpu.memory_space<semaphore_mem>>) src(%dma_wait3A_121 : memref<10000x128xf32, #tpu.memory_space<hbm>>) dst(%arg10 : memref<120x128xf32, #tpu.memory_space<vmem>>)
      %run_scoped3A_122 = arith.constant 1 : i32
      "tpu.region"() ({
        %run_scoped3A_225 = tpu.sem_alloc : memref<!tpu.dma_semaphore, #tpu.memory_space<semaphore_mem>>
        %dma_start3A_226 = arith.constant 0 : i32
        %dma_start3A_227 = tpu.memref_slice %arg7[%run_scoped3A_122, %dma_start3A_226] : memref<2x120xi32, #tpu.memory_space<vmem>> -> memref<1x120xi32, #tpu.memory_space<vmem>>
        %dma_start3A_228 = tpu.memref_squeeze %dma_start3A_227 : memref<1x120xi32, #tpu.memory_space<vmem>> -> memref<120xi32, #tpu.memory_space<vmem>>
        %dma_start3A_229 = arith.constant 0 : i32
        %dma_start3A_230 = arith.constant 0 : i32
        %dma_start3A_231 = tpu.memref_slice %arg11[%dma_start3A_229, %dma_start3A_230] : memref<10240x128xf32, #tpu.memory_space<vmem_shared>> -> memref<10240x128xf32, #tpu.memory_space<vmem_shared>>
        tpu.enqueue_indirect_dma source(%arg10 : memref<120x128xf32, #tpu.memory_space<vmem>>) target(%dma_start3A_231 : memref<10240x128xf32, #tpu.memory_space<vmem_shared>>) offsets(%dma_start3A_228 : memref<120xi32, #tpu.memory_space<vmem>>) semaphore(%run_scoped3A_225 : memref<!tpu.dma_semaphore, #tpu.memory_space<semaphore_mem>>) {add = true}
        %dma_wait3A_232 = arith.constant 0 : i32
        %dma_wait3A_233 = tpu.memref_slice %arg7[%run_scoped3A_122, %dma_wait3A_232] : memref<2x120xi32, #tpu.memory_space<vmem>> -> memref<1x120xi32, #tpu.memory_space<vmem>>
        %dma_wait3A_234 = tpu.memref_squeeze %dma_wait3A_233 : memref<1x120xi32, #tpu.memory_space<vmem>> -> memref<120xi32, #tpu.memory_space<vmem>>
        %dma_wait3A_235 = arith.constant 0 : i32
        %dma_wait3A_236 = arith.constant 0 : i32
        %dma_wait3A_237 = tpu.memref_slice %arg11[%dma_wait3A_235, %dma_wait3A_236] : memref<10240x128xf32, #tpu.memory_space<vmem_shared>> -> memref<10240x128xf32, #tpu.memory_space<vmem_shared>>
        tpu.wait_indirect_dma semaphore(%run_scoped3A_225 : memref<!tpu.dma_semaphore, #tpu.memory_space<semaphore_mem>>) src(%arg10 : memref<120x128xf32, #tpu.memory_space<vmem>>) dst(%dma_wait3A_237 : memref<10240x128xf32, #tpu.memory_space<vmem_shared>>)
        tpu.yield
      }) : () -> ()
      %add3A_123 = arith.constant 3 : i32
      %add3A_124 = arith.addi %add3A_108, %add3A_123 : i32
      %lt3A_125 = arith.cmpi slt, %add3A_124, %select_n3A : i32
      %convert_element_type3A_126 = arith.extui %lt3A_125 : i1 to i32
      %cond3A_127 = arith.constant 0 : i32
      %cond3A_128 = arith.cmpi ne, %convert_element_type3A_126, %cond3A_127 : i32
      scf.if %cond3A_128 {
        %add3A_225 = arith.addi %select_n3A_33, %add3A_108 : i32
        %add3A_226 = arith.constant 3 : i32
        %add3A_227 = arith.addi %add3A_225, %add3A_226 : i32
        %dma_start3A_228 = arith.constant 0 : i32
        %dma_start3A_229 = arith.constant 0 : i32
        %dma_start3A_230 = tpu.memref_slice %arg3[%add3A_227, %dma_start3A_228, %dma_start3A_229] : memref<2688x2x120xi32, #tpu.memory_space<hbm>> -> memref<1x2x120xi32, #tpu.memory_space<hbm>>
        %dma_start3A_231 = tpu.memref_squeeze %dma_start3A_230 : memref<1x2x120xi32, #tpu.memory_space<hbm>> -> memref<2x120xi32, #tpu.memory_space<hbm>>
        %dma_start3A_232 = arith.constant 0 : i32
        %dma_start3A_233 = arith.constant 0 : i32
        %dma_start3A_234 = tpu.memref_slice %arg3[%add3A_227, %dma_start3A_232, %dma_start3A_233] : memref<2688x2x120xi32, #tpu.memory_space<hbm>> -> memref<1x2x120xi32, #tpu.memory_space<hbm>>
        %dma_start3A_235 = tpu.memref_squeeze %dma_start3A_234 : memref<1x2x120xi32, #tpu.memory_space<hbm>> -> memref<2x120xi32, #tpu.memory_space<hbm>>
        tpu.enqueue_dma source(%dma_start3A_235 : memref<2x120xi32, #tpu.memory_space<hbm>>) target(%arg7 : memref<2x120xi32, #tpu.memory_space<vmem>>) target_semaphore(%arg13 : memref<!tpu.dma_semaphore, #tpu.memory_space<semaphore_mem>>)
      } else {
      }
      %mul3A_129 = arith.constant 6 : i32
      %mul3A_130 = arith.muli %while3A_83, %mul3A_129 : i32
      %add3A_131 = arith.constant 2 : i32
      %add3A_132 = arith.addi %mul3A_130, %add3A_131 : i32
      %add3A_133 = arith.constant 1 : i32
      %add3A_134 = arith.addi %add3A_132, %add3A_133 : i32
      %lt3A_135 = arith.cmpi slt, %add3A_134, %select_n3A : i32
      %convert_element_type3A_136 = arith.extui %lt3A_135 : i1 to i32
      %cond3A_137 = arith.constant 0 : i32
      %cond3A_138 = arith.cmpi ne, %convert_element_type3A_136, %cond3A_137 : i32
      scf.if %cond3A_138 {
        %add3A_225 = arith.addi %select_n3A_33, %add3A_132 : i32
        %add3A_226 = arith.constant 1 : i32
        %add3A_227 = arith.addi %add3A_225, %add3A_226 : i32
        %dma_wait3A_228 = arith.constant 0 : i32
        %dma_wait3A_229 = arith.constant 0 : i32
        %dma_wait3A_230 = tpu.memref_slice %arg3[%add3A_227, %dma_wait3A_228, %dma_wait3A_229] : memref<2688x2x120xi32, #tpu.memory_space<hbm>> -> memref<1x2x120xi32, #tpu.memory_space<hbm>>
        %dma_wait3A_231 = tpu.memref_squeeze %dma_wait3A_230 : memref<1x2x120xi32, #tpu.memory_space<hbm>> -> memref<2x120xi32, #tpu.memory_space<hbm>>
        %dma_wait3A_232 = arith.constant 0 : i32
        %dma_wait3A_233 = arith.constant 0 : i32
        %dma_wait3A_234 = tpu.memref_slice %arg3[%add3A_227, %dma_wait3A_232, %dma_wait3A_233] : memref<2688x2x120xi32, #tpu.memory_space<hbm>> -> memref<1x2x120xi32, #tpu.memory_space<hbm>>
        %dma_wait3A_235 = tpu.memref_squeeze %dma_wait3A_234 : memref<1x2x120xi32, #tpu.memory_space<hbm>> -> memref<2x120xi32, #tpu.memory_space<hbm>>
        tpu.wait_dma2 semaphore(%arg12 : memref<!tpu.dma_semaphore, #tpu.memory_space<semaphore_mem>>) src(%dma_wait3A_235 : memref<2x120xi32, #tpu.memory_space<hbm>>) dst(%arg6 : memref<2x120xi32, #tpu.memory_space<vmem>>)
        %dma_start3A_236 = arith.constant 0 : i32
        %dma_start3A_237 = arith.constant 0 : i32
        %dma_start3A_238 = tpu.memref_slice %arg6[%dma_start3A_236, %dma_start3A_237] : memref<2x120xi32, #tpu.memory_space<vmem>> -> memref<1x120xi32, #tpu.memory_space<vmem>>
        %dma_start3A_239 = tpu.memref_squeeze %dma_start3A_238 : memref<1x120xi32, #tpu.memory_space<vmem>> -> memref<120xi32, #tpu.memory_space<vmem>>
        %dma_start3A_240 = arith.constant 0 : i32
        %dma_start3A_241 = arith.constant 0 : i32
        %dma_start3A_242 = tpu.memref_slice %arg2[%dma_start3A_240, %dma_start3A_241] : memref<10000x128xf32, #tpu.memory_space<hbm>> -> memref<10000x128xf32, #tpu.memory_space<hbm>>
        tpu.enqueue_indirect_dma source(%dma_start3A_242 : memref<10000x128xf32, #tpu.memory_space<hbm>>) target(%arg10 : memref<120x128xf32, #tpu.memory_space<vmem>>) offsets(%dma_start3A_239 : memref<120xi32, #tpu.memory_space<vmem>>) semaphore(%arg16 : memref<!tpu.dma_semaphore, #tpu.memory_space<semaphore_mem>>)
      } else {
      }
      %dma_wait3A_139 = arith.constant 0 : i32
      %dma_wait3A_140 = arith.constant 0 : i32
      %dma_wait3A_141 = tpu.memref_slice %arg8[%dma_wait3A_139, %dma_wait3A_140] : memref<2x120xi32, #tpu.memory_space<vmem>> -> memref<1x120xi32, #tpu.memory_space<vmem>>
      %dma_wait3A_142 = tpu.memref_squeeze %dma_wait3A_141 : memref<1x120xi32, #tpu.memory_space<vmem>> -> memref<120xi32, #tpu.memory_space<vmem>>
      %dma_wait3A_143 = arith.constant 0 : i32
      %dma_wait3A_144 = arith.constant 0 : i32
      %dma_wait3A_145 = tpu.memref_slice %arg2[%dma_wait3A_143, %dma_wait3A_144] : memref<10000x128xf32, #tpu.memory_space<hbm>> -> memref<10000x128xf32, #tpu.memory_space<hbm>>
      tpu.wait_indirect_dma semaphore(%arg15 : memref<!tpu.dma_semaphore, #tpu.memory_space<semaphore_mem>>) src(%dma_wait3A_145 : memref<10000x128xf32, #tpu.memory_space<hbm>>) dst(%arg9 : memref<120x128xf32, #tpu.memory_space<vmem>>)
      %run_scoped3A_146 = arith.constant 1 : i32
      "tpu.region"() ({
        %run_scoped3A_225 = tpu.sem_alloc : memref<!tpu.dma_semaphore, #tpu.memory_space<semaphore_mem>>
        %dma_start3A_226 = arith.constant 0 : i32
        %dma_start3A_227 = tpu.memref_slice %arg8[%run_scoped3A_146, %dma_start3A_226] : memref<2x120xi32, #tpu.memory_space<vmem>> -> memref<1x120xi32, #tpu.memory_space<vmem>>
        %dma_start3A_228 = tpu.memref_squeeze %dma_start3A_227 : memref<1x120xi32, #tpu.memory_space<vmem>> -> memref<120xi32, #tpu.memory_space<vmem>>
        %dma_start3A_229 = arith.constant 0 : i32
        %dma_start3A_230 = arith.constant 0 : i32
        %dma_start3A_231 = tpu.memref_slice %arg11[%dma_start3A_229, %dma_start3A_230] : memref<10240x128xf32, #tpu.memory_space<vmem_shared>> -> memref<10240x128xf32, #tpu.memory_space<vmem_shared>>
        tpu.enqueue_indirect_dma source(%arg9 : memref<120x128xf32, #tpu.memory_space<vmem>>) target(%dma_start3A_231 : memref<10240x128xf32, #tpu.memory_space<vmem_shared>>) offsets(%dma_start3A_228 : memref<120xi32, #tpu.memory_space<vmem>>) semaphore(%run_scoped3A_225 : memref<!tpu.dma_semaphore, #tpu.memory_space<semaphore_mem>>) {add = true}
        %dma_wait3A_232 = arith.constant 0 : i32
        %dma_wait3A_233 = tpu.memref_slice %arg8[%run_scoped3A_146, %dma_wait3A_232] : memref<2x120xi32, #tpu.memory_space<vmem>> -> memref<1x120xi32, #tpu.memory_space<vmem>>
        %dma_wait3A_234 = tpu.memref_squeeze %dma_wait3A_233 : memref<1x120xi32, #tpu.memory_space<vmem>> -> memref<120xi32, #tpu.memory_space<vmem>>
        %dma_wait3A_235 = arith.constant 0 : i32
        %dma_wait3A_236 = arith.constant 0 : i32
        %dma_wait3A_237 = tpu.memref_slice %arg11[%dma_wait3A_235, %dma_wait3A_236] : memref<10240x128xf32, #tpu.memory_space<vmem_shared>> -> memref<10240x128xf32, #tpu.memory_space<vmem_shared>>
        tpu.wait_indirect_dma semaphore(%run_scoped3A_225 : memref<!tpu.dma_semaphore, #tpu.memory_space<semaphore_mem>>) src(%arg9 : memref<120x128xf32, #tpu.memory_space<vmem>>) dst(%dma_wait3A_237 : memref<10240x128xf32, #tpu.memory_space<vmem_shared>>)
        tpu.yield
      }) : () -> ()
      %add3A_147 = arith.constant 3 : i32
      %add3A_148 = arith.addi %add3A_132, %add3A_147 : i32
      %lt3A_149 = arith.cmpi slt, %add3A_148, %select_n3A : i32
      %convert_element_type3A_150 = arith.extui %lt3A_149 : i1 to i32
      %cond3A_151 = arith.constant 0 : i32
      %cond3A_152 = arith.cmpi ne, %convert_element_type3A_150, %cond3A_151 : i32
      scf.if %cond3A_152 {
        %add3A_225 = arith.addi %select_n3A_33, %add3A_132 : i32
        %add3A_226 = arith.constant 3 : i32
        %add3A_227 = arith.addi %add3A_225, %add3A_226 : i32
        %dma_start3A_228 = arith.constant 0 : i32
        %dma_start3A_229 = arith.constant 0 : i32
        %dma_start3A_230 = tpu.memref_slice %arg3[%add3A_227, %dma_start3A_228, %dma_start3A_229] : memref<2688x2x120xi32, #tpu.memory_space<hbm>> -> memref<1x2x120xi32, #tpu.memory_space<hbm>>
        %dma_start3A_231 = tpu.memref_squeeze %dma_start3A_230 : memref<1x2x120xi32, #tpu.memory_space<hbm>> -> memref<2x120xi32, #tpu.memory_space<hbm>>
        %dma_start3A_232 = arith.constant 0 : i32
        %dma_start3A_233 = arith.constant 0 : i32
        %dma_start3A_234 = tpu.memref_slice %arg3[%add3A_227, %dma_start3A_232, %dma_start3A_233] : memref<2688x2x120xi32, #tpu.memory_space<hbm>> -> memref<1x2x120xi32, #tpu.memory_space<hbm>>
        %dma_start3A_235 = tpu.memref_squeeze %dma_start3A_234 : memref<1x2x120xi32, #tpu.memory_space<hbm>> -> memref<2x120xi32, #tpu.memory_space<hbm>>
        tpu.enqueue_dma source(%dma_start3A_235 : memref<2x120xi32, #tpu.memory_space<hbm>>) target(%arg8 : memref<2x120xi32, #tpu.memory_space<vmem>>) target_semaphore(%arg14 : memref<!tpu.dma_semaphore, #tpu.memory_space<semaphore_mem>>)
      } else {
      }
      %mul3A_153 = arith.constant 6 : i32
      %mul3A_154 = arith.muli %while3A_83, %mul3A_153 : i32
      %add3A_155 = arith.constant 3 : i32
      %add3A_156 = arith.addi %mul3A_154, %add3A_155 : i32
      %add3A_157 = arith.constant 1 : i32
      %add3A_158 = arith.addi %add3A_156, %add3A_157 : i32
      %lt3A_159 = arith.cmpi slt, %add3A_158, %select_n3A : i32
      %convert_element_type3A_160 = arith.extui %lt3A_159 : i1 to i32
      %cond3A_161 = arith.constant 0 : i32
      %cond3A_162 = arith.cmpi ne, %convert_element_type3A_160, %cond3A_161 : i32
      scf.if %cond3A_162 {
        %add3A_225 = arith.addi %select_n3A_33, %add3A_156 : i32
        %add3A_226 = arith.constant 1 : i32
        %add3A_227 = arith.addi %add3A_225, %add3A_226 : i32
        %dma_wait3A_228 = arith.constant 0 : i32
        %dma_wait3A_229 = arith.constant 0 : i32
        %dma_wait3A_230 = tpu.memref_slice %arg3[%add3A_227, %dma_wait3A_228, %dma_wait3A_229] : memref<2688x2x120xi32, #tpu.memory_space<hbm>> -> memref<1x2x120xi32, #tpu.memory_space<hbm>>
        %dma_wait3A_231 = tpu.memref_squeeze %dma_wait3A_230 : memref<1x2x120xi32, #tpu.memory_space<hbm>> -> memref<2x120xi32, #tpu.memory_space<hbm>>
        %dma_wait3A_232 = arith.constant 0 : i32
        %dma_wait3A_233 = arith.constant 0 : i32
        %dma_wait3A_234 = tpu.memref_slice %arg3[%add3A_227, %dma_wait3A_232, %dma_wait3A_233] : memref<2688x2x120xi32, #tpu.memory_space<hbm>> -> memref<1x2x120xi32, #tpu.memory_space<hbm>>
        %dma_wait3A_235 = tpu.memref_squeeze %dma_wait3A_234 : memref<1x2x120xi32, #tpu.memory_space<hbm>> -> memref<2x120xi32, #tpu.memory_space<hbm>>
        tpu.wait_dma2 semaphore(%arg13 : memref<!tpu.dma_semaphore, #tpu.memory_space<semaphore_mem>>) src(%dma_wait3A_235 : memref<2x120xi32, #tpu.memory_space<hbm>>) dst(%arg7 : memref<2x120xi32, #tpu.memory_space<vmem>>)
        %dma_start3A_236 = arith.constant 0 : i32
        %dma_start3A_237 = arith.constant 0 : i32
        %dma_start3A_238 = tpu.memref_slice %arg7[%dma_start3A_236, %dma_start3A_237] : memref<2x120xi32, #tpu.memory_space<vmem>> -> memref<1x120xi32, #tpu.memory_space<vmem>>
        %dma_start3A_239 = tpu.memref_squeeze %dma_start3A_238 : memref<1x120xi32, #tpu.memory_space<vmem>> -> memref<120xi32, #tpu.memory_space<vmem>>
        %dma_start3A_240 = arith.constant 0 : i32
        %dma_start3A_241 = arith.constant 0 : i32
        %dma_start3A_242 = tpu.memref_slice %arg2[%dma_start3A_240, %dma_start3A_241] : memref<10000x128xf32, #tpu.memory_space<hbm>> -> memref<10000x128xf32, #tpu.memory_space<hbm>>
        tpu.enqueue_indirect_dma source(%dma_start3A_242 : memref<10000x128xf32, #tpu.memory_space<hbm>>) target(%arg9 : memref<120x128xf32, #tpu.memory_space<vmem>>) offsets(%dma_start3A_239 : memref<120xi32, #tpu.memory_space<vmem>>) semaphore(%arg15 : memref<!tpu.dma_semaphore, #tpu.memory_space<semaphore_mem>>)
      } else {
      }
      %dma_wait3A_163 = arith.constant 0 : i32
      %dma_wait3A_164 = arith.constant 0 : i32
      %dma_wait3A_165 = tpu.memref_slice %arg6[%dma_wait3A_163, %dma_wait3A_164] : memref<2x120xi32, #tpu.memory_space<vmem>> -> memref<1x120xi32, #tpu.memory_space<vmem>>
      %dma_wait3A_166 = tpu.memref_squeeze %dma_wait3A_165 : memref<1x120xi32, #tpu.memory_space<vmem>> -> memref<120xi32, #tpu.memory_space<vmem>>
      %dma_wait3A_167 = arith.constant 0 : i32
      %dma_wait3A_168 = arith.constant 0 : i32
      %dma_wait3A_169 = tpu.memref_slice %arg2[%dma_wait3A_167, %dma_wait3A_168] : memref<10000x128xf32, #tpu.memory_space<hbm>> -> memref<10000x128xf32, #tpu.memory_space<hbm>>
      tpu.wait_indirect_dma semaphore(%arg16 : memref<!tpu.dma_semaphore, #tpu.memory_space<semaphore_mem>>) src(%dma_wait3A_169 : memref<10000x128xf32, #tpu.memory_space<hbm>>) dst(%arg10 : memref<120x128xf32, #tpu.memory_space<vmem>>)
      %run_scoped3A_170 = arith.constant 1 : i32
      "tpu.region"() ({
        %run_scoped3A_225 = tpu.sem_alloc : memref<!tpu.dma_semaphore, #tpu.memory_space<semaphore_mem>>
        %dma_start3A_226 = arith.constant 0 : i32
        %dma_start3A_227 = tpu.memref_slice %arg6[%run_scoped3A_170, %dma_start3A_226] : memref<2x120xi32, #tpu.memory_space<vmem>> -> memref<1x120xi32, #tpu.memory_space<vmem>>
        %dma_start3A_228 = tpu.memref_squeeze %dma_start3A_227 : memref<1x120xi32, #tpu.memory_space<vmem>> -> memref<120xi32, #tpu.memory_space<vmem>>
        %dma_start3A_229 = arith.constant 0 : i32
        %dma_start3A_230 = arith.constant 0 : i32
        %dma_start3A_231 = tpu.memref_slice %arg11[%dma_start3A_229, %dma_start3A_230] : memref<10240x128xf32, #tpu.memory_space<vmem_shared>> -> memref<10240x128xf32, #tpu.memory_space<vmem_shared>>
        tpu.enqueue_indirect_dma source(%arg10 : memref<120x128xf32, #tpu.memory_space<vmem>>) target(%dma_start3A_231 : memref<10240x128xf32, #tpu.memory_space<vmem_shared>>) offsets(%dma_start3A_228 : memref<120xi32, #tpu.memory_space<vmem>>) semaphore(%run_scoped3A_225 : memref<!tpu.dma_semaphore, #tpu.memory_space<semaphore_mem>>) {add = true}
        %dma_wait3A_232 = arith.constant 0 : i32
        %dma_wait3A_233 = tpu.memref_slice %arg6[%run_scoped3A_170, %dma_wait3A_232] : memref<2x120xi32, #tpu.memory_space<vmem>> -> memref<1x120xi32, #tpu.memory_space<vmem>>
        %dma_wait3A_234 = tpu.memref_squeeze %dma_wait3A_233 : memref<1x120xi32, #tpu.memory_space<vmem>> -> memref<120xi32, #tpu.memory_space<vmem>>
        %dma_wait3A_235 = arith.constant 0 : i32
        %dma_wait3A_236 = arith.constant 0 : i32
        %dma_wait3A_237 = tpu.memref_slice %arg11[%dma_wait3A_235, %dma_wait3A_236] : memref<10240x128xf32, #tpu.memory_space<vmem_shared>> -> memref<10240x128xf32, #tpu.memory_space<vmem_shared>>
        tpu.wait_indirect_dma semaphore(%run_scoped3A_225 : memref<!tpu.dma_semaphore, #tpu.memory_space<semaphore_mem>>) src(%arg10 : memref<120x128xf32, #tpu.memory_space<vmem>>) dst(%dma_wait3A_237 : memref<10240x128xf32, #tpu.memory_space<vmem_shared>>)
        tpu.yield
      }) : () -> ()
      %add3A_171 = arith.constant 3 : i32
      %add3A_172 = arith.addi %add3A_156, %add3A_171 : i32
      %lt3A_173 = arith.cmpi slt, %add3A_172, %select_n3A : i32
      %convert_element_type3A_174 = arith.extui %lt3A_173 : i1 to i32
      %cond3A_175 = arith.constant 0 : i32
      %cond3A_176 = arith.cmpi ne, %convert_element_type3A_174, %cond3A_175 : i32
      scf.if %cond3A_176 {
        %add3A_225 = arith.addi %select_n3A_33, %add3A_156 : i32
        %add3A_226 = arith.constant 3 : i32
        %add3A_227 = arith.addi %add3A_225, %add3A_226 : i32
        %dma_start3A_228 = arith.constant 0 : i32
        %dma_start3A_229 = arith.constant 0 : i32
        %dma_start3A_230 = tpu.memref_slice %arg3[%add3A_227, %dma_start3A_228, %dma_start3A_229] : memref<2688x2x120xi32, #tpu.memory_space<hbm>> -> memref<1x2x120xi32, #tpu.memory_space<hbm>>
        %dma_start3A_231 = tpu.memref_squeeze %dma_start3A_230 : memref<1x2x120xi32, #tpu.memory_space<hbm>> -> memref<2x120xi32, #tpu.memory_space<hbm>>
        %dma_start3A_232 = arith.constant 0 : i32
        %dma_start3A_233 = arith.constant 0 : i32
        %dma_start3A_234 = tpu.memref_slice %arg3[%add3A_227, %dma_start3A_232, %dma_start3A_233] : memref<2688x2x120xi32, #tpu.memory_space<hbm>> -> memref<1x2x120xi32, #tpu.memory_space<hbm>>
        %dma_start3A_235 = tpu.memref_squeeze %dma_start3A_234 : memref<1x2x120xi32, #tpu.memory_space<hbm>> -> memref<2x120xi32, #tpu.memory_space<hbm>>
        tpu.enqueue_dma source(%dma_start3A_235 : memref<2x120xi32, #tpu.memory_space<hbm>>) target(%arg6 : memref<2x120xi32, #tpu.memory_space<vmem>>) target_semaphore(%arg12 : memref<!tpu.dma_semaphore, #tpu.memory_space<semaphore_mem>>)
      } else {
      }
      %mul3A_177 = arith.constant 6 : i32
      %mul3A_178 = arith.muli %while3A_83, %mul3A_177 : i32
      %add3A_179 = arith.constant 4 : i32
      %add3A_180 = arith.addi %mul3A_178, %add3A_179 : i32
      %add3A_181 = arith.constant 1 : i32
      %add3A_182 = arith.addi %add3A_180, %add3A_181 : i32
      %lt3A_183 = arith.cmpi slt, %add3A_182, %select_n3A : i32
      %convert_element_type3A_184 = arith.extui %lt3A_183 : i1 to i32
      %cond3A_185 = arith.constant 0 : i32
      %cond3A_186 = arith.cmpi ne, %convert_element_type3A_184, %cond3A_185 : i32
      scf.if %cond3A_186 {
        %add3A_225 = arith.addi %select_n3A_33, %add3A_180 : i32
        %add3A_226 = arith.constant 1 : i32
        %add3A_227 = arith.addi %add3A_225, %add3A_226 : i32
        %dma_wait3A_228 = arith.constant 0 : i32
        %dma_wait3A_229 = arith.constant 0 : i32
        %dma_wait3A_230 = tpu.memref_slice %arg3[%add3A_227, %dma_wait3A_228, %dma_wait3A_229] : memref<2688x2x120xi32, #tpu.memory_space<hbm>> -> memref<1x2x120xi32, #tpu.memory_space<hbm>>
        %dma_wait3A_231 = tpu.memref_squeeze %dma_wait3A_230 : memref<1x2x120xi32, #tpu.memory_space<hbm>> -> memref<2x120xi32, #tpu.memory_space<hbm>>
        %dma_wait3A_232 = arith.constant 0 : i32
        %dma_wait3A_233 = arith.constant 0 : i32
        %dma_wait3A_234 = tpu.memref_slice %arg3[%add3A_227, %dma_wait3A_232, %dma_wait3A_233] : memref<2688x2x120xi32, #tpu.memory_space<hbm>> -> memref<1x2x120xi32, #tpu.memory_space<hbm>>
        %dma_wait3A_235 = tpu.memref_squeeze %dma_wait3A_234 : memref<1x2x120xi32, #tpu.memory_space<hbm>> -> memref<2x120xi32, #tpu.memory_space<hbm>>
        tpu.wait_dma2 semaphore(%arg14 : memref<!tpu.dma_semaphore, #tpu.memory_space<semaphore_mem>>) src(%dma_wait3A_235 : memref<2x120xi32, #tpu.memory_space<hbm>>) dst(%arg8 : memref<2x120xi32, #tpu.memory_space<vmem>>)
        %dma_start3A_236 = arith.constant 0 : i32
        %dma_start3A_237 = arith.constant 0 : i32
        %dma_start3A_238 = tpu.memref_slice %arg8[%dma_start3A_236, %dma_start3A_237] : memref<2x120xi32, #tpu.memory_space<vmem>> -> memref<1x120xi32, #tpu.memory_space<vmem>>
        %dma_start3A_239 = tpu.memref_squeeze %dma_start3A_238 : memref<1x120xi32, #tpu.memory_space<vmem>> -> memref<120xi32, #tpu.memory_space<vmem>>
        %dma_start3A_240 = arith.constant 0 : i32
        %dma_start3A_241 = arith.constant 0 : i32
        %dma_start3A_242 = tpu.memref_slice %arg2[%dma_start3A_240, %dma_start3A_241] : memref<10000x128xf32, #tpu.memory_space<hbm>> -> memref<10000x128xf32, #tpu.memory_space<hbm>>
        tpu.enqueue_indirect_dma source(%dma_start3A_242 : memref<10000x128xf32, #tpu.memory_space<hbm>>) target(%arg10 : memref<120x128xf32, #tpu.memory_space<vmem>>) offsets(%dma_start3A_239 : memref<120xi32, #tpu.memory_space<vmem>>) semaphore(%arg16 : memref<!tpu.dma_semaphore, #tpu.memory_space<semaphore_mem>>)
      } else {
      }
      %dma_wait3A_187 = arith.constant 0 : i32
      %dma_wait3A_188 = arith.constant 0 : i32
      %dma_wait3A_189 = tpu.memref_slice %arg7[%dma_wait3A_187, %dma_wait3A_188] : memref<2x120xi32, #tpu.memory_space<vmem>> -> memref<1x120xi32, #tpu.memory_space<vmem>>
      %dma_wait3A_190 = tpu.memref_squeeze %dma_wait3A_189 : memref<1x120xi32, #tpu.memory_space<vmem>> -> memref<120xi32, #tpu.memory_space<vmem>>
      %dma_wait3A_191 = arith.constant 0 : i32
      %dma_wait3A_192 = arith.constant 0 : i32
      %dma_wait3A_193 = tpu.memref_slice %arg2[%dma_wait3A_191, %dma_wait3A_192] : memref<10000x128xf32, #tpu.memory_space<hbm>> -> memref<10000x128xf32, #tpu.memory_space<hbm>>
      tpu.wait_indirect_dma semaphore(%arg15 : memref<!tpu.dma_semaphore, #tpu.memory_space<semaphore_mem>>) src(%dma_wait3A_193 : memref<10000x128xf32, #tpu.memory_space<hbm>>) dst(%arg9 : memref<120x128xf32, #tpu.memory_space<vmem>>)
      %run_scoped3A_194 = arith.constant 1 : i32
      "tpu.region"() ({
        %run_scoped3A_225 = tpu.sem_alloc : memref<!tpu.dma_semaphore, #tpu.memory_space<semaphore_mem>>
        %dma_start3A_226 = arith.constant 0 : i32
        %dma_start3A_227 = tpu.memref_slice %arg7[%run_scoped3A_194, %dma_start3A_226] : memref<2x120xi32, #tpu.memory_space<vmem>> -> memref<1x120xi32, #tpu.memory_space<vmem>>
        %dma_start3A_228 = tpu.memref_squeeze %dma_start3A_227 : memref<1x120xi32, #tpu.memory_space<vmem>> -> memref<120xi32, #tpu.memory_space<vmem>>
        %dma_start3A_229 = arith.constant 0 : i32
        %dma_start3A_230 = arith.constant 0 : i32
        %dma_start3A_231 = tpu.memref_slice %arg11[%dma_start3A_229, %dma_start3A_230] : memref<10240x128xf32, #tpu.memory_space<vmem_shared>> -> memref<10240x128xf32, #tpu.memory_space<vmem_shared>>
        tpu.enqueue_indirect_dma source(%arg9 : memref<120x128xf32, #tpu.memory_space<vmem>>) target(%dma_start3A_231 : memref<10240x128xf32, #tpu.memory_space<vmem_shared>>) offsets(%dma_start3A_228 : memref<120xi32, #tpu.memory_space<vmem>>) semaphore(%run_scoped3A_225 : memref<!tpu.dma_semaphore, #tpu.memory_space<semaphore_mem>>) {add = true}
        %dma_wait3A_232 = arith.constant 0 : i32
        %dma_wait3A_233 = tpu.memref_slice %arg7[%run_scoped3A_194, %dma_wait3A_232] : memref<2x120xi32, #tpu.memory_space<vmem>> -> memref<1x120xi32, #tpu.memory_space<vmem>>
        %dma_wait3A_234 = tpu.memref_squeeze %dma_wait3A_233 : memref<1x120xi32, #tpu.memory_space<vmem>> -> memref<120xi32, #tpu.memory_space<vmem>>
        %dma_wait3A_235 = arith.constant 0 : i32
        %dma_wait3A_236 = arith.constant 0 : i32
        %dma_wait3A_237 = tpu.memref_slice %arg11[%dma_wait3A_235, %dma_wait3A_236] : memref<10240x128xf32, #tpu.memory_space<vmem_shared>> -> memref<10240x128xf32, #tpu.memory_space<vmem_shared>>
        tpu.wait_indirect_dma semaphore(%run_scoped3A_225 : memref<!tpu.dma_semaphore, #tpu.memory_space<semaphore_mem>>) src(%arg9 : memref<120x128xf32, #tpu.memory_space<vmem>>) dst(%dma_wait3A_237 : memref<10240x128xf32, #tpu.memory_space<vmem_shared>>)
        tpu.yield
      }) : () -> ()
      %add3A_195 = arith.constant 3 : i32
      %add3A_196 = arith.addi %add3A_180, %add3A_195 : i32
      %lt3A_197 = arith.cmpi slt, %add3A_196, %select_n3A : i32
      %convert_element_type3A_198 = arith.extui %lt3A_197 : i1 to i32
      %cond3A_199 = arith.constant 0 : i32
      %cond3A_200 = arith.cmpi ne, %convert_element_type3A_198, %cond3A_199 : i32
      scf.if %cond3A_200 {
        %add3A_225 = arith.addi %select_n3A_33, %add3A_180 : i32
        %add3A_226 = arith.constant 3 : i32
        %add3A_227 = arith.addi %add3A_225, %add3A_226 : i32
        %dma_start3A_228 = arith.constant 0 : i32
        %dma_start3A_229 = arith.constant 0 : i32
        %dma_start3A_230 = tpu.memref_slice %arg3[%add3A_227, %dma_start3A_228, %dma_start3A_229] : memref<2688x2x120xi32, #tpu.memory_space<hbm>> -> memref<1x2x120xi32, #tpu.memory_space<hbm>>
        %dma_start3A_231 = tpu.memref_squeeze %dma_start3A_230 : memref<1x2x120xi32, #tpu.memory_space<hbm>> -> memref<2x120xi32, #tpu.memory_space<hbm>>
        %dma_start3A_232 = arith.constant 0 : i32
        %dma_start3A_233 = arith.constant 0 : i32
        %dma_start3A_234 = tpu.memref_slice %arg3[%add3A_227, %dma_start3A_232, %dma_start3A_233] : memref<2688x2x120xi32, #tpu.memory_space<hbm>> -> memref<1x2x120xi32, #tpu.memory_space<hbm>>
        %dma_start3A_235 = tpu.memref_squeeze %dma_start3A_234 : memref<1x2x120xi32, #tpu.memory_space<hbm>> -> memref<2x120xi32, #tpu.memory_space<hbm>>
        tpu.enqueue_dma source(%dma_start3A_235 : memref<2x120xi32, #tpu.memory_space<hbm>>) target(%arg7 : memref<2x120xi32, #tpu.memory_space<vmem>>) target_semaphore(%arg13 : memref<!tpu.dma_semaphore, #tpu.memory_space<semaphore_mem>>)
      } else {
      }
      %mul3A_201 = arith.constant 6 : i32
      %mul3A_202 = arith.muli %while3A_83, %mul3A_201 : i32
      %add3A_203 = arith.constant 5 : i32
      %add3A_204 = arith.addi %mul3A_202, %add3A_203 : i32
      %add3A_205 = arith.constant 1 : i32
      %add3A_206 = arith.addi %add3A_204, %add3A_205 : i32
      %lt3A_207 = arith.cmpi slt, %add3A_206, %select_n3A : i32
      %convert_element_type3A_208 = arith.extui %lt3A_207 : i1 to i32
      %cond3A_209 = arith.constant 0 : i32
      %cond3A_210 = arith.cmpi ne, %convert_element_type3A_208, %cond3A_209 : i32
      scf.if %cond3A_210 {
        %add3A_225 = arith.addi %select_n3A_33, %add3A_204 : i32
        %add3A_226 = arith.constant 1 : i32
        %add3A_227 = arith.addi %add3A_225, %add3A_226 : i32
        %dma_wait3A_228 = arith.constant 0 : i32
        %dma_wait3A_229 = arith.constant 0 : i32
        %dma_wait3A_230 = tpu.memref_slice %arg3[%add3A_227, %dma_wait3A_228, %dma_wait3A_229] : memref<2688x2x120xi32, #tpu.memory_space<hbm>> -> memref<1x2x120xi32, #tpu.memory_space<hbm>>
        %dma_wait3A_231 = tpu.memref_squeeze %dma_wait3A_230 : memref<1x2x120xi32, #tpu.memory_space<hbm>> -> memref<2x120xi32, #tpu.memory_space<hbm>>
        %dma_wait3A_232 = arith.constant 0 : i32
        %dma_wait3A_233 = arith.constant 0 : i32
        %dma_wait3A_234 = tpu.memref_slice %arg3[%add3A_227, %dma_wait3A_232, %dma_wait3A_233] : memref<2688x2x120xi32, #tpu.memory_space<hbm>> -> memref<1x2x120xi32, #tpu.memory_space<hbm>>
        %dma_wait3A_235 = tpu.memref_squeeze %dma_wait3A_234 : memref<1x2x120xi32, #tpu.memory_space<hbm>> -> memref<2x120xi32, #tpu.memory_space<hbm>>
        tpu.wait_dma2 semaphore(%arg12 : memref<!tpu.dma_semaphore, #tpu.memory_space<semaphore_mem>>) src(%dma_wait3A_235 : memref<2x120xi32, #tpu.memory_space<hbm>>) dst(%arg6 : memref<2x120xi32, #tpu.memory_space<vmem>>)
        %dma_start3A_236 = arith.constant 0 : i32
        %dma_start3A_237 = arith.constant 0 : i32
        %dma_start3A_238 = tpu.memref_slice %arg6[%dma_start3A_236, %dma_start3A_237] : memref<2x120xi32, #tpu.memory_space<vmem>> -> memref<1x120xi32, #tpu.memory_space<vmem>>
        %dma_start3A_239 = tpu.memref_squeeze %dma_start3A_238 : memref<1x120xi32, #tpu.memory_space<vmem>> -> memref<120xi32, #tpu.memory_space<vmem>>
        %dma_start3A_240 = arith.constant 0 : i32
        %dma_start3A_241 = arith.constant 0 : i32
        %dma_start3A_242 = tpu.memref_slice %arg2[%dma_start3A_240, %dma_start3A_241] : memref<10000x128xf32, #tpu.memory_space<hbm>> -> memref<10000x128xf32, #tpu.memory_space<hbm>>
        tpu.enqueue_indirect_dma source(%dma_start3A_242 : memref<10000x128xf32, #tpu.memory_space<hbm>>) target(%arg9 : memref<120x128xf32, #tpu.memory_space<vmem>>) offsets(%dma_start3A_239 : memref<120xi32, #tpu.memory_space<vmem>>) semaphore(%arg15 : memref<!tpu.dma_semaphore, #tpu.memory_space<semaphore_mem>>)
      } else {
      }
      %dma_wait3A_211 = arith.constant 0 : i32
      %dma_wait3A_212 = arith.constant 0 : i32
      %dma_wait3A_213 = tpu.memref_slice %arg8[%dma_wait3A_211, %dma_wait3A_212] : memref<2x120xi32, #tpu.memory_space<vmem>> -> memref<1x120xi32, #tpu.memory_space<vmem>>
      %dma_wait3A_214 = tpu.memref_squeeze %dma_wait3A_213 : memref<1x120xi32, #tpu.memory_space<vmem>> -> memref<120xi32, #tpu.memory_space<vmem>>
      %dma_wait3A_215 = arith.constant 0 : i32
      %dma_wait3A_216 = arith.constant 0 : i32
      %dma_wait3A_217 = tpu.memref_slice %arg2[%dma_wait3A_215, %dma_wait3A_216] : memref<10000x128xf32, #tpu.memory_space<hbm>> -> memref<10000x128xf32, #tpu.memory_space<hbm>>
      tpu.wait_indirect_dma semaphore(%arg16 : memref<!tpu.dma_semaphore, #tpu.memory_space<semaphore_mem>>) src(%dma_wait3A_217 : memref<10000x128xf32, #tpu.memory_space<hbm>>) dst(%arg10 : memref<120x128xf32, #tpu.memory_space<vmem>>)
      %run_scoped3A_218 = arith.constant 1 : i32
      "tpu.region"() ({
        %run_scoped3A_225 = tpu.sem_alloc : memref<!tpu.dma_semaphore, #tpu.memory_space<semaphore_mem>>
        %dma_start3A_226 = arith.constant 0 : i32
        %dma_start3A_227 = tpu.memref_slice %arg8[%run_scoped3A_218, %dma_start3A_226] : memref<2x120xi32, #tpu.memory_space<vmem>> -> memref<1x120xi32, #tpu.memory_space<vmem>>
        %dma_start3A_228 = tpu.memref_squeeze %dma_start3A_227 : memref<1x120xi32, #tpu.memory_space<vmem>> -> memref<120xi32, #tpu.memory_space<vmem>>
        %dma_start3A_229 = arith.constant 0 : i32
        %dma_start3A_230 = arith.constant 0 : i32
        %dma_start3A_231 = tpu.memref_slice %arg11[%dma_start3A_229, %dma_start3A_230] : memref<10240x128xf32, #tpu.memory_space<vmem_shared>> -> memref<10240x128xf32, #tpu.memory_space<vmem_shared>>
        tpu.enqueue_indirect_dma source(%arg10 : memref<120x128xf32, #tpu.memory_space<vmem>>) target(%dma_start3A_231 : memref<10240x128xf32, #tpu.memory_space<vmem_shared>>) offsets(%dma_start3A_228 : memref<120xi32, #tpu.memory_space<vmem>>) semaphore(%run_scoped3A_225 : memref<!tpu.dma_semaphore, #tpu.memory_space<semaphore_mem>>) {add = true}
        %dma_wait3A_232 = arith.constant 0 : i32
        %dma_wait3A_233 = tpu.memref_slice %arg8[%run_scoped3A_218, %dma_wait3A_232] : memref<2x120xi32, #tpu.memory_space<vmem>> -> memref<1x120xi32, #tpu.memory_space<vmem>>
        %dma_wait3A_234 = tpu.memref_squeeze %dma_wait3A_233 : memref<1x120xi32, #tpu.memory_space<vmem>> -> memref<120xi32, #tpu.memory_space<vmem>>
        %dma_wait3A_235 = arith.constant 0 : i32
        %dma_wait3A_236 = arith.constant 0 : i32
        %dma_wait3A_237 = tpu.memref_slice %arg11[%dma_wait3A_235, %dma_wait3A_236] : memref<10240x128xf32, #tpu.memory_space<vmem_shared>> -> memref<10240x128xf32, #tpu.memory_space<vmem_shared>>
        tpu.wait_indirect_dma semaphore(%run_scoped3A_225 : memref<!tpu.dma_semaphore, #tpu.memory_space<semaphore_mem>>) src(%arg10 : memref<120x128xf32, #tpu.memory_space<vmem>>) dst(%dma_wait3A_237 : memref<10240x128xf32, #tpu.memory_space<vmem_shared>>)
        tpu.yield
      }) : () -> ()
      %add3A_219 = arith.constant 3 : i32
      %add3A_220 = arith.addi %add3A_204, %add3A_219 : i32
      %lt3A_221 = arith.cmpi slt, %add3A_220, %select_n3A : i32
      %convert_element_type3A_222 = arith.extui %lt3A_221 : i1 to i32
      %cond3A_223 = arith.constant 0 : i32
      %cond3A_224 = arith.cmpi ne, %convert_element_type3A_222, %cond3A_223 : i32
      scf.if %cond3A_224 {
        %add3A_225 = arith.addi %select_n3A_33, %add3A_204 : i32
        %add3A_226 = arith.constant 3 : i32
        %add3A_227 = arith.addi %add3A_225, %add3A_226 : i32
        %dma_start3A_228 = arith.constant 0 : i32
        %dma_start3A_229 = arith.constant 0 : i32
        %dma_start3A_230 = tpu.memref_slice %arg3[%add3A_227, %dma_start3A_228, %dma_start3A_229] : memref<2688x2x120xi32, #tpu.memory_space<hbm>> -> memref<1x2x120xi32, #tpu.memory_space<hbm>>
        %dma_start3A_231 = tpu.memref_squeeze %dma_start3A_230 : memref<1x2x120xi32, #tpu.memory_space<hbm>> -> memref<2x120xi32, #tpu.memory_space<hbm>>
        %dma_start3A_232 = arith.constant 0 : i32
        %dma_start3A_233 = arith.constant 0 : i32
        %dma_start3A_234 = tpu.memref_slice %arg3[%add3A_227, %dma_start3A_232, %dma_start3A_233] : memref<2688x2x120xi32, #tpu.memory_space<hbm>> -> memref<1x2x120xi32, #tpu.memory_space<hbm>>
        %dma_start3A_235 = tpu.memref_squeeze %dma_start3A_234 : memref<1x2x120xi32, #tpu.memory_space<hbm>> -> memref<2x120xi32, #tpu.memory_space<hbm>>
        tpu.enqueue_dma source(%dma_start3A_235 : memref<2x120xi32, #tpu.memory_space<hbm>>) target(%arg8 : memref<2x120xi32, #tpu.memory_space<vmem>>) target_semaphore(%arg14 : memref<!tpu.dma_semaphore, #tpu.memory_space<semaphore_mem>>)
      } else {
      }
    }
    %barrier3A_75 = arith.constant 0 : index
    tpu.barrier barrier_id(%barrier3A_75)
    %mul3A_76 = arith.constant 640 : i32
    %mul3A_77 = arith.muli %arg1, %mul3A_76 : i32
    %mul3A_78 = arith.constant 10240 : i32
    %mul3A_79 = arith.muli %arg0, %mul3A_78 : i32
    %mul3A_80 = arith.constant 640 : i32
    %mul3A_81 = arith.muli %arg1, %mul3A_80 : i32
    %add3A_82 = arith.addi %mul3A_79, %mul3A_81 : i32
    "tpu.region"() ({
      %run_scoped3A = tpu.sem_alloc : memref<!tpu.dma_semaphore, #tpu.memory_space<semaphore_mem>>
      %dma_start3A_83 = arith.constant 0 : i32
      %dma_start3A_84 = tpu.memref_slice %arg5[%add3A_82, %dma_start3A_83] : memref<20480x128xf32, #tpu.memory_space<hbm>> -> memref<640x128xf32, #tpu.memory_space<hbm>>
      %dma_start3A_85 = arith.constant 0 : i32
      %dma_start3A_86 = tpu.memref_slice %arg11[%mul3A_77, %dma_start3A_85] : memref<10240x128xf32, #tpu.memory_space<vmem_shared>> -> memref<640x128xf32, #tpu.memory_space<vmem_shared>>
      tpu.enqueue_dma source(%dma_start3A_86 : memref<640x128xf32, #tpu.memory_space<vmem_shared>>) target(%dma_start3A_84 : memref<640x128xf32, #tpu.memory_space<hbm>>) target_semaphore(%run_scoped3A : memref<!tpu.dma_semaphore, #tpu.memory_space<semaphore_mem>>)
      %dma_wait3A = arith.constant 0 : i32
      %dma_wait3A_87 = tpu.memref_slice %arg5[%add3A_82, %dma_wait3A] : memref<20480x128xf32, #tpu.memory_space<hbm>> -> memref<640x128xf32, #tpu.memory_space<hbm>>
      %dma_wait3A_88 = arith.constant 0 : i32
      %dma_wait3A_89 = tpu.memref_slice %arg11[%mul3A_77, %dma_wait3A_88] : memref<10240x128xf32, #tpu.memory_space<vmem_shared>> -> memref<640x128xf32, #tpu.memory_space<vmem_shared>>
      tpu.wait_dma2 semaphore(%run_scoped3A : memref<!tpu.dma_semaphore, #tpu.memory_space<semaphore_mem>>) src(%dma_wait3A_89 : memref<640x128xf32, #tpu.memory_space<vmem_shared>>) dst(%dma_wait3A_87 : memref<640x128xf32, #tpu.memory_space<hbm>>)
      tpu.yield
    }) : () -> ()
    return
  }
}

#map = affine_map<(d0, d1) -> (0, 0)>
#map1 = affine_map<(d0, d1) -> (0, 0, 0)>
module attributes {stable_mosaic.version = 14 : i64} {
  func.func @_seg_body(%arg0: i32, %arg1: i32, %arg2: memref<10000x128xf32, #tpu.memory_space<hbm>>, %arg3: memref<2688x2x120xi32, #tpu.memory_space<hbm>>, %arg4: memref<120x128xf32, #tpu.memory_space<hbm>>, %arg5: memref<20480x128xf32, #tpu.memory_space<hbm>>, %arg6: memref<2x120xi32, #tpu.memory_space<vmem>>, %arg7: memref<2x120xi32, #tpu.memory_space<vmem>>, %arg8: memref<2x120xi32, #tpu.memory_space<vmem>>, %arg9: memref<120x128xf32, #tpu.memory_space<vmem>>, %arg10: memref<120x128xf32, #tpu.memory_space<vmem>>, %arg11: memref<10240x128xf32, #tpu.memory_space<vmem_shared>>, %arg12: memref<!tpu.dma_semaphore, #tpu.memory_space<semaphore_mem>>, %arg13: memref<!tpu.dma_semaphore, #tpu.memory_space<semaphore_mem>>, %arg14: memref<!tpu.dma_semaphore, #tpu.memory_space<semaphore_mem>>, %arg15: memref<!tpu.dma_semaphore, #tpu.memory_space<semaphore_mem>>, %arg16: memref<!tpu.dma_semaphore, #tpu.memory_space<semaphore_mem>>) attributes {dimension_semantics = [#tpu.dimension_semantics<core_parallel>, #tpu.dimension_semantics<subcore_parallel>], iteration_bounds = array<i64: 2, 16>, scalar_prefetch = 0 : i64, scratch_operands = 11 : i64, tpu.core_type = #tpu.core_type<sc_vector_subcore>, window_params = [{transform_indices = #map}, {transform_indices = #map1}, {transform_indices = #map}, {transform_indices = #map}]} {
    "tpu.region"() ({
      %run_scoped3A = tpu.sem_alloc : memref<!tpu.dma_semaphore, #tpu.memory_space<semaphore_mem>>
      tpu.enqueue_dma source(%arg4 : memref<120x128xf32, #tpu.memory_space<hbm>>) target(%arg9 : memref<120x128xf32, #tpu.memory_space<vmem>>) target_semaphore(%run_scoped3A : memref<!tpu.dma_semaphore, #tpu.memory_space<semaphore_mem>>)
      tpu.wait_dma2 semaphore(%run_scoped3A : memref<!tpu.dma_semaphore, #tpu.memory_space<semaphore_mem>>) src(%arg4 : memref<120x128xf32, #tpu.memory_space<hbm>>) dst(%arg9 : memref<120x128xf32, #tpu.memory_space<vmem>>)
      tpu.yield
    }) : () -> ()
    %mul3A = arith.constant 640 : i32
    %mul3A_0 = arith.muli %arg1, %mul3A : i32
    %add3A = arith.constant 0 : i32
    %add3A_1 = arith.addi %mul3A_0, %add3A : i32
    "tpu.region"() ({
      %run_scoped3A = tpu.sem_alloc : memref<!tpu.dma_semaphore, #tpu.memory_space<semaphore_mem>>
      %dma_start3A_83 = arith.constant 0 : i32
      %dma_start3A_84 = tpu.memref_slice %arg11[%add3A_1, %dma_start3A_83] : memref<10240x128xf32, #tpu.memory_space<vmem_shared>> -> memref<120x128xf32, #tpu.memory_space<vmem_shared>>
      %dma_start3A_85 = arith.constant 0 : i32
      %dma_start3A_86 = tpu.memref_slice %arg11[%add3A_1, %dma_start3A_85] : memref<10240x128xf32, #tpu.memory_space<vmem_shared>> -> memref<120x128xf32, #tpu.memory_space<vmem_shared>>
      tpu.enqueue_dma source(%arg9 : memref<120x128xf32, #tpu.memory_space<vmem>>) target(%dma_start3A_86 : memref<120x128xf32, #tpu.memory_space<vmem_shared>>) target_semaphore(%run_scoped3A : memref<!tpu.dma_semaphore, #tpu.memory_space<semaphore_mem>>)
      %dma_wait3A = arith.constant 0 : i32
      %dma_wait3A_87 = tpu.memref_slice %arg11[%add3A_1, %dma_wait3A] : memref<10240x128xf32, #tpu.memory_space<vmem_shared>> -> memref<120x128xf32, #tpu.memory_space<vmem_shared>>
      %dma_wait3A_88 = arith.constant 0 : i32
      %dma_wait3A_89 = tpu.memref_slice %arg11[%add3A_1, %dma_wait3A_88] : memref<10240x128xf32, #tpu.memory_space<vmem_shared>> -> memref<120x128xf32, #tpu.memory_space<vmem_shared>>
      tpu.wait_dma2 semaphore(%run_scoped3A : memref<!tpu.dma_semaphore, #tpu.memory_space<semaphore_mem>>) src(%arg9 : memref<120x128xf32, #tpu.memory_space<vmem>>) dst(%dma_wait3A_89 : memref<120x128xf32, #tpu.memory_space<vmem_shared>>)
      tpu.yield
    }) : () -> ()
    %mul3A_2 = arith.constant 640 : i32
    %mul3A_3 = arith.muli %arg1, %mul3A_2 : i32
    %add3A_4 = arith.constant 120 : i32
    %add3A_5 = arith.addi %mul3A_3, %add3A_4 : i32
    "tpu.region"() ({
      %run_scoped3A = tpu.sem_alloc : memref<!tpu.dma_semaphore, #tpu.memory_space<semaphore_mem>>
      %dma_start3A_83 = arith.constant 0 : i32
      %dma_start3A_84 = tpu.memref_slice %arg11[%add3A_5, %dma_start3A_83] : memref<10240x128xf32, #tpu.memory_space<vmem_shared>> -> memref<120x128xf32, #tpu.memory_space<vmem_shared>>
      %dma_start3A_85 = arith.constant 0 : i32
      %dma_start3A_86 = tpu.memref_slice %arg11[%add3A_5, %dma_start3A_85] : memref<10240x128xf32, #tpu.memory_space<vmem_shared>> -> memref<120x128xf32, #tpu.memory_space<vmem_shared>>
      tpu.enqueue_dma source(%arg9 : memref<120x128xf32, #tpu.memory_space<vmem>>) target(%dma_start3A_86 : memref<120x128xf32, #tpu.memory_space<vmem_shared>>) target_semaphore(%run_scoped3A : memref<!tpu.dma_semaphore, #tpu.memory_space<semaphore_mem>>)
      %dma_wait3A = arith.constant 0 : i32
      %dma_wait3A_87 = tpu.memref_slice %arg11[%add3A_5, %dma_wait3A] : memref<10240x128xf32, #tpu.memory_space<vmem_shared>> -> memref<120x128xf32, #tpu.memory_space<vmem_shared>>
      %dma_wait3A_88 = arith.constant 0 : i32
      %dma_wait3A_89 = tpu.memref_slice %arg11[%add3A_5, %dma_wait3A_88] : memref<10240x128xf32, #tpu.memory_space<vmem_shared>> -> memref<120x128xf32, #tpu.memory_space<vmem_shared>>
      tpu.wait_dma2 semaphore(%run_scoped3A : memref<!tpu.dma_semaphore, #tpu.memory_space<semaphore_mem>>) src(%arg9 : memref<120x128xf32, #tpu.memory_space<vmem>>) dst(%dma_wait3A_89 : memref<120x128xf32, #tpu.memory_space<vmem_shared>>)
      tpu.yield
    }) : () -> ()
    %mul3A_6 = arith.constant 640 : i32
    %mul3A_7 = arith.muli %arg1, %mul3A_6 : i32
    %add3A_8 = arith.constant 240 : i32
    %add3A_9 = arith.addi %mul3A_7, %add3A_8 : i32
    "tpu.region"() ({
      %run_scoped3A = tpu.sem_alloc : memref<!tpu.dma_semaphore, #tpu.memory_space<semaphore_mem>>
      %dma_start3A_83 = arith.constant 0 : i32
      %dma_start3A_84 = tpu.memref_slice %arg11[%add3A_9, %dma_start3A_83] : memref<10240x128xf32, #tpu.memory_space<vmem_shared>> -> memref<120x128xf32, #tpu.memory_space<vmem_shared>>
      %dma_start3A_85 = arith.constant 0 : i32
      %dma_start3A_86 = tpu.memref_slice %arg11[%add3A_9, %dma_start3A_85] : memref<10240x128xf32, #tpu.memory_space<vmem_shared>> -> memref<120x128xf32, #tpu.memory_space<vmem_shared>>
      tpu.enqueue_dma source(%arg9 : memref<120x128xf32, #tpu.memory_space<vmem>>) target(%dma_start3A_86 : memref<120x128xf32, #tpu.memory_space<vmem_shared>>) target_semaphore(%run_scoped3A : memref<!tpu.dma_semaphore, #tpu.memory_space<semaphore_mem>>)
      %dma_wait3A = arith.constant 0 : i32
      %dma_wait3A_87 = tpu.memref_slice %arg11[%add3A_9, %dma_wait3A] : memref<10240x128xf32, #tpu.memory_space<vmem_shared>> -> memref<120x128xf32, #tpu.memory_space<vmem_shared>>
      %dma_wait3A_88 = arith.constant 0 : i32
      %dma_wait3A_89 = tpu.memref_slice %arg11[%add3A_9, %dma_wait3A_88] : memref<10240x128xf32, #tpu.memory_space<vmem_shared>> -> memref<120x128xf32, #tpu.memory_space<vmem_shared>>
      tpu.wait_dma2 semaphore(%run_scoped3A : memref<!tpu.dma_semaphore, #tpu.memory_space<semaphore_mem>>) src(%arg9 : memref<120x128xf32, #tpu.memory_space<vmem>>) dst(%dma_wait3A_89 : memref<120x128xf32, #tpu.memory_space<vmem_shared>>)
      tpu.yield
    }) : () -> ()
    %mul3A_10 = arith.constant 640 : i32
    %mul3A_11 = arith.muli %arg1, %mul3A_10 : i32
    %add3A_12 = arith.constant 360 : i32
    %add3A_13 = arith.addi %mul3A_11, %add3A_12 : i32
    "tpu.region"() ({
      %run_scoped3A = tpu.sem_alloc : memref<!tpu.dma_semaphore, #tpu.memory_space<semaphore_mem>>
      %dma_start3A_83 = arith.constant 0 : i32
      %dma_start3A_84 = tpu.memref_slice %arg11[%add3A_13, %dma_start3A_83] : memref<10240x128xf32, #tpu.memory_space<vmem_shared>> -> memref<120x128xf32, #tpu.memory_space<vmem_shared>>
      %dma_start3A_85 = arith.constant 0 : i32
      %dma_start3A_86 = tpu.memref_slice %arg11[%add3A_13, %dma_start3A_85] : memref<10240x128xf32, #tpu.memory_space<vmem_shared>> -> memref<120x128xf32, #tpu.memory_space<vmem_shared>>
      tpu.enqueue_dma source(%arg9 : memref<120x128xf32, #tpu.memory_space<vmem>>) target(%dma_start3A_86 : memref<120x128xf32, #tpu.memory_space<vmem_shared>>) target_semaphore(%run_scoped3A : memref<!tpu.dma_semaphore, #tpu.memory_space<semaphore_mem>>)
      %dma_wait3A = arith.constant 0 : i32
      %dma_wait3A_87 = tpu.memref_slice %arg11[%add3A_13, %dma_wait3A] : memref<10240x128xf32, #tpu.memory_space<vmem_shared>> -> memref<120x128xf32, #tpu.memory_space<vmem_shared>>
      %dma_wait3A_88 = arith.constant 0 : i32
      %dma_wait3A_89 = tpu.memref_slice %arg11[%add3A_13, %dma_wait3A_88] : memref<10240x128xf32, #tpu.memory_space<vmem_shared>> -> memref<120x128xf32, #tpu.memory_space<vmem_shared>>
      tpu.wait_dma2 semaphore(%run_scoped3A : memref<!tpu.dma_semaphore, #tpu.memory_space<semaphore_mem>>) src(%arg9 : memref<120x128xf32, #tpu.memory_space<vmem>>) dst(%dma_wait3A_89 : memref<120x128xf32, #tpu.memory_space<vmem_shared>>)
      tpu.yield
    }) : () -> ()
    %mul3A_14 = arith.constant 640 : i32
    %mul3A_15 = arith.muli %arg1, %mul3A_14 : i32
    %add3A_16 = arith.constant 480 : i32
    %add3A_17 = arith.addi %mul3A_15, %add3A_16 : i32
    "tpu.region"() ({
      %run_scoped3A = tpu.sem_alloc : memref<!tpu.dma_semaphore, #tpu.memory_space<semaphore_mem>>
      %dma_start3A_83 = arith.constant 0 : i32
      %dma_start3A_84 = tpu.memref_slice %arg11[%add3A_17, %dma_start3A_83] : memref<10240x128xf32, #tpu.memory_space<vmem_shared>> -> memref<120x128xf32, #tpu.memory_space<vmem_shared>>
      %dma_start3A_85 = arith.constant 0 : i32
      %dma_start3A_86 = tpu.memref_slice %arg11[%add3A_17, %dma_start3A_85] : memref<10240x128xf32, #tpu.memory_space<vmem_shared>> -> memref<120x128xf32, #tpu.memory_space<vmem_shared>>
      tpu.enqueue_dma source(%arg9 : memref<120x128xf32, #tpu.memory_space<vmem>>) target(%dma_start3A_86 : memref<120x128xf32, #tpu.memory_space<vmem_shared>>) target_semaphore(%run_scoped3A : memref<!tpu.dma_semaphore, #tpu.memory_space<semaphore_mem>>)
      %dma_wait3A = arith.constant 0 : i32
      %dma_wait3A_87 = tpu.memref_slice %arg11[%add3A_17, %dma_wait3A] : memref<10240x128xf32, #tpu.memory_space<vmem_shared>> -> memref<120x128xf32, #tpu.memory_space<vmem_shared>>
      %dma_wait3A_88 = arith.constant 0 : i32
      %dma_wait3A_89 = tpu.memref_slice %arg11[%add3A_17, %dma_wait3A_88] : memref<10240x128xf32, #tpu.memory_space<vmem_shared>> -> memref<120x128xf32, #tpu.memory_space<vmem_shared>>
      tpu.wait_dma2 semaphore(%run_scoped3A : memref<!tpu.dma_semaphore, #tpu.memory_space<semaphore_mem>>) src(%arg9 : memref<120x128xf32, #tpu.memory_space<vmem>>) dst(%dma_wait3A_89 : memref<120x128xf32, #tpu.memory_space<vmem_shared>>)
      tpu.yield
    }) : () -> ()
    %mul3A_18 = arith.constant 640 : i32
    %mul3A_19 = arith.muli %arg1, %mul3A_18 : i32
    %add3A_20 = arith.constant 640 : i32
    %add3A_21 = arith.addi %mul3A_19, %add3A_20 : i32
    %sub3A = arith.constant 40 : i32
    %sub3A_22 = arith.subi %add3A_21, %sub3A : i32
    "tpu.region"() ({
      %run_scoped3A = tpu.sem_alloc : memref<!tpu.dma_semaphore, #tpu.memory_space<semaphore_mem>>
      %dma_start3A_83 = arith.constant 0 : i32
      %dma_start3A_84 = arith.constant 0 : i32
      %dma_start3A_85 = tpu.memref_slice %arg9[%dma_start3A_83, %dma_start3A_84] : memref<120x128xf32, #tpu.memory_space<vmem>> -> memref<40x128xf32, #tpu.memory_space<vmem>>
      %dma_start3A_86 = arith.constant 0 : i32
      %dma_start3A_87 = tpu.memref_slice %arg11[%sub3A_22, %dma_start3A_86] : memref<10240x128xf32, #tpu.memory_space<vmem_shared>> -> memref<40x128xf32, #tpu.memory_space<vmem_shared>>
      %dma_start3A_88 = arith.constant 0 : i32
      %dma_start3A_89 = tpu.memref_slice %arg11[%sub3A_22, %dma_start3A_88] : memref<10240x128xf32, #tpu.memory_space<vmem_shared>> -> memref<40x128xf32, #tpu.memory_space<vmem_shared>>
      %dma_start3A_90 = arith.constant 0 : i32
      %dma_start3A_91 = arith.constant 0 : i32
      %dma_start3A_92 = tpu.memref_slice %arg9[%dma_start3A_90, %dma_start3A_91] : memref<120x128xf32, #tpu.memory_space<vmem>> -> memref<40x128xf32, #tpu.memory_space<vmem>>
      tpu.enqueue_dma source(%dma_start3A_92 : memref<40x128xf32, #tpu.memory_space<vmem>>) target(%dma_start3A_89 : memref<40x128xf32, #tpu.memory_space<vmem_shared>>) target_semaphore(%run_scoped3A : memref<!tpu.dma_semaphore, #tpu.memory_space<semaphore_mem>>)
      %dma_wait3A = arith.constant 0 : i32
      %dma_wait3A_93 = arith.constant 0 : i32
      %dma_wait3A_94 = tpu.memref_slice %arg9[%dma_wait3A, %dma_wait3A_93] : memref<120x128xf32, #tpu.memory_space<vmem>> -> memref<40x128xf32, #tpu.memory_space<vmem>>
      %dma_wait3A_95 = arith.constant 0 : i32
      %dma_wait3A_96 = tpu.memref_slice %arg11[%sub3A_22, %dma_wait3A_95] : memref<10240x128xf32, #tpu.memory_space<vmem_shared>> -> memref<40x128xf32, #tpu.memory_space<vmem_shared>>
      %dma_wait3A_97 = arith.constant 0 : i32
      %dma_wait3A_98 = tpu.memref_slice %arg11[%sub3A_22, %dma_wait3A_97] : memref<10240x128xf32, #tpu.memory_space<vmem_shared>> -> memref<40x128xf32, #tpu.memory_space<vmem_shared>>
      %dma_wait3A_99 = arith.constant 0 : i32
      %dma_wait3A_100 = arith.constant 0 : i32
      %dma_wait3A_101 = tpu.memref_slice %arg9[%dma_wait3A_99, %dma_wait3A_100] : memref<120x128xf32, #tpu.memory_space<vmem>> -> memref<40x128xf32, #tpu.memory_space<vmem>>
      tpu.wait_dma2 semaphore(%run_scoped3A : memref<!tpu.dma_semaphore, #tpu.memory_space<semaphore_mem>>) src(%dma_wait3A_101 : memref<40x128xf32, #tpu.memory_space<vmem>>) dst(%dma_wait3A_98 : memref<40x128xf32, #tpu.memory_space<vmem_shared>>)
      tpu.yield
    }) : () -> ()
    %barrier3A = arith.constant 0 : index
    tpu.barrier barrier_id(%barrier3A)
    %eq3A = arith.constant 0 : i32
    %eq3A_23 = arith.cmpi eq, %arg0, %eq3A : i32
    %jit3A = arith.constant 132 : i32
    %jit3A_24 = arith.constant 36 : i32
    %select_n3A = arith.select %eq3A_23, %jit3A, %jit3A_24 : i32
    %eq3A_25 = arith.constant 0 : i32
    %eq3A_26 = arith.cmpi eq, %arg0, %eq3A_25 : i32
    %mul3A_27 = arith.constant 132 : i32
    %mul3A_28 = arith.muli %arg1, %mul3A_27 : i32
    %mul3A_29 = arith.constant 36 : i32
    %mul3A_30 = arith.muli %arg1, %mul3A_29 : i32
    %add3A_31 = arith.constant 2112 : i32
    %add3A_32 = arith.addi %add3A_31, %mul3A_30 : i32
    %select_n3A_33 = arith.select %eq3A_26, %mul3A_28, %add3A_32 : i32
    "tpu.region"() ({
      %run_scoped3A = tpu.sem_alloc : memref<!tpu.dma_semaphore, #tpu.memory_space<semaphore_mem>>
      %dma_start3A_83 = arith.constant 0 : i32
      %dma_start3A_84 = arith.constant 0 : i32
      %dma_start3A_85 = tpu.memref_slice %arg3[%select_n3A_33, %dma_start3A_83, %dma_start3A_84] : memref<2688x2x120xi32, #tpu.memory_space<hbm>> -> memref<1x2x120xi32, #tpu.memory_space<hbm>>
      %dma_start3A_86 = tpu.memref_squeeze %dma_start3A_85 : memref<1x2x120xi32, #tpu.memory_space<hbm>> -> memref<2x120xi32, #tpu.memory_space<hbm>>
      %dma_start3A_87 = arith.constant 0 : i32
      %dma_start3A_88 = arith.constant 0 : i32
      %dma_start3A_89 = tpu.memref_slice %arg3[%select_n3A_33, %dma_start3A_87, %dma_start3A_88] : memref<2688x2x120xi32, #tpu.memory_space<hbm>> -> memref<1x2x120xi32, #tpu.memory_space<hbm>>
      %dma_start3A_90 = tpu.memref_squeeze %dma_start3A_89 : memref<1x2x120xi32, #tpu.memory_space<hbm>> -> memref<2x120xi32, #tpu.memory_space<hbm>>
      tpu.enqueue_dma source(%dma_start3A_90 : memref<2x120xi32, #tpu.memory_space<hbm>>) target(%arg6 : memref<2x120xi32, #tpu.memory_space<vmem>>) target_semaphore(%run_scoped3A : memref<!tpu.dma_semaphore, #tpu.memory_space<semaphore_mem>>)
      %dma_wait3A = arith.constant 0 : i32
      %dma_wait3A_91 = arith.constant 0 : i32
      %dma_wait3A_92 = tpu.memref_slice %arg3[%select_n3A_33, %dma_wait3A, %dma_wait3A_91] : memref<2688x2x120xi32, #tpu.memory_space<hbm>> -> memref<1x2x120xi32, #tpu.memory_space<hbm>>
      %dma_wait3A_93 = tpu.memref_squeeze %dma_wait3A_92 : memref<1x2x120xi32, #tpu.memory_space<hbm>> -> memref<2x120xi32, #tpu.memory_space<hbm>>
      %dma_wait3A_94 = arith.constant 0 : i32
      %dma_wait3A_95 = arith.constant 0 : i32
      %dma_wait3A_96 = tpu.memref_slice %arg3[%select_n3A_33, %dma_wait3A_94, %dma_wait3A_95] : memref<2688x2x120xi32, #tpu.memory_space<hbm>> -> memref<1x2x120xi32, #tpu.memory_space<hbm>>
      %dma_wait3A_97 = tpu.memref_squeeze %dma_wait3A_96 : memref<1x2x120xi32, #tpu.memory_space<hbm>> -> memref<2x120xi32, #tpu.memory_space<hbm>>
      tpu.wait_dma2 semaphore(%run_scoped3A : memref<!tpu.dma_semaphore, #tpu.memory_space<semaphore_mem>>) src(%dma_wait3A_97 : memref<2x120xi32, #tpu.memory_space<hbm>>) dst(%arg6 : memref<2x120xi32, #tpu.memory_space<vmem>>)
      tpu.yield
    }) : () -> ()
    %dma_start3A = arith.constant 0 : i32
    %dma_start3A_34 = arith.constant 0 : i32
    %dma_start3A_35 = tpu.memref_slice %arg6[%dma_start3A, %dma_start3A_34] : memref<2x120xi32, #tpu.memory_space<vmem>> -> memref<1x120xi32, #tpu.memory_space<vmem>>
    %dma_start3A_36 = tpu.memref_squeeze %dma_start3A_35 : memref<1x120xi32, #tpu.memory_space<vmem>> -> memref<120xi32, #tpu.memory_space<vmem>>
    %dma_start3A_37 = arith.constant 0 : i32
    %dma_start3A_38 = arith.constant 0 : i32
    %dma_start3A_39 = tpu.memref_slice %arg2[%dma_start3A_37, %dma_start3A_38] : memref<10000x128xf32, #tpu.memory_space<hbm>> -> memref<10000x128xf32, #tpu.memory_space<hbm>>
    tpu.enqueue_indirect_dma source(%dma_start3A_39 : memref<10000x128xf32, #tpu.memory_space<hbm>>) target(%arg9 : memref<120x128xf32, #tpu.memory_space<vmem>>) offsets(%dma_start3A_36 : memref<120xi32, #tpu.memory_space<vmem>>) semaphore(%arg15 : memref<!tpu.dma_semaphore, #tpu.memory_space<semaphore_mem>>)
    %gt3A = arith.constant 1 : i32
    %gt3A_40 = arith.cmpi sgt, %select_n3A, %gt3A : i32
    %convert_element_type3A = arith.extui %gt3A_40 : i1 to i32
    %cond3A = arith.constant 0 : i32
    %cond3A_41 = arith.cmpi ne, %convert_element_type3A, %cond3A : i32
    scf.if %cond3A_41 {
      %add3A_83 = arith.constant 1 : i32
      %add3A_84 = arith.addi %select_n3A_33, %add3A_83 : i32
      %dma_start3A_85 = arith.constant 0 : i32
      %dma_start3A_86 = arith.constant 0 : i32
      %dma_start3A_87 = tpu.memref_slice %arg3[%add3A_84, %dma_start3A_85, %dma_start3A_86] : memref<2688x2x120xi32, #tpu.memory_space<hbm>> -> memref<1x2x120xi32, #tpu.memory_space<hbm>>
      %dma_start3A_88 = tpu.memref_squeeze %dma_start3A_87 : memref<1x2x120xi32, #tpu.memory_space<hbm>> -> memref<2x120xi32, #tpu.memory_space<hbm>>
      %dma_start3A_89 = arith.constant 0 : i32
      %dma_start3A_90 = arith.constant 0 : i32
      %dma_start3A_91 = tpu.memref_slice %arg3[%add3A_84, %dma_start3A_89, %dma_start3A_90] : memref<2688x2x120xi32, #tpu.memory_space<hbm>> -> memref<1x2x120xi32, #tpu.memory_space<hbm>>
      %dma_start3A_92 = tpu.memref_squeeze %dma_start3A_91 : memref<1x2x120xi32, #tpu.memory_space<hbm>> -> memref<2x120xi32, #tpu.memory_space<hbm>>
      tpu.enqueue_dma source(%dma_start3A_92 : memref<2x120xi32, #tpu.memory_space<hbm>>) target(%arg7 : memref<2x120xi32, #tpu.memory_space<vmem>>) target_semaphore(%arg13 : memref<!tpu.dma_semaphore, #tpu.memory_space<semaphore_mem>>)
    } else {
    }
    %gt3A_42 = arith.constant 2 : i32
    %gt3A_43 = arith.cmpi sgt, %select_n3A, %gt3A_42 : i32
    %convert_element_type3A_44 = arith.extui %gt3A_43 : i1 to i32
    %cond3A_45 = arith.constant 0 : i32
    %cond3A_46 = arith.cmpi ne, %convert_element_type3A_44, %cond3A_45 : i32
    scf.if %cond3A_46 {
      %add3A_83 = arith.constant 2 : i32
      %add3A_84 = arith.addi %select_n3A_33, %add3A_83 : i32
      %dma_start3A_85 = arith.constant 0 : i32
      %dma_start3A_86 = arith.constant 0 : i32
      %dma_start3A_87 = tpu.memref_slice %arg3[%add3A_84, %dma_start3A_85, %dma_start3A_86] : memref<2688x2x120xi32, #tpu.memory_space<hbm>> -> memref<1x2x120xi32, #tpu.memory_space<hbm>>
      %dma_start3A_88 = tpu.memref_squeeze %dma_start3A_87 : memref<1x2x120xi32, #tpu.memory_space<hbm>> -> memref<2x120xi32, #tpu.memory_space<hbm>>
      %dma_start3A_89 = arith.constant 0 : i32
      %dma_start3A_90 = arith.constant 0 : i32
      %dma_start3A_91 = tpu.memref_slice %arg3[%add3A_84, %dma_start3A_89, %dma_start3A_90] : memref<2688x2x120xi32, #tpu.memory_space<hbm>> -> memref<1x2x120xi32, #tpu.memory_space<hbm>>
      %dma_start3A_92 = tpu.memref_squeeze %dma_start3A_91 : memref<1x2x120xi32, #tpu.memory_space<hbm>> -> memref<2x120xi32, #tpu.memory_space<hbm>>
      tpu.enqueue_dma source(%dma_start3A_92 : memref<2x120xi32, #tpu.memory_space<hbm>>) target(%arg8 : memref<2x120xi32, #tpu.memory_space<vmem>>) target_semaphore(%arg14 : memref<!tpu.dma_semaphore, #tpu.memory_space<semaphore_mem>>)
    } else {
    }
    %jit3A_47 = arith.constant 6 : i32
    %div3A = arith.divsi %select_n3A, %jit3A_47 : i32
    %sign3A = arith.constant 0 : i32
    %sign3A_48 = arith.cmpi sgt, %select_n3A, %sign3A : i32
    %sign3A_49 = arith.extui %sign3A_48 : i1 to i32
    %sign3A_50 = arith.constant 0 : i32
    %sign3A_51 = arith.cmpi slt, %select_n3A, %sign3A_50 : i32
    %sign3A_52 = arith.extui %sign3A_51 : i1 to i32
    %sign3A_53 = arith.subi %sign3A_49, %sign3A_52 : i32
    %sign3A_54 = arith.constant 0 : i32
    %sign3A_55 = arith.cmpi sgt, %jit3A_47, %sign3A_54 : i32
    %sign3A_56 = arith.extui %sign3A_55 : i1 to i32
    %sign3A_57 = arith.constant 0 : i32
    %sign3A_58 = arith.cmpi slt, %jit3A_47, %sign3A_57 : i32
    %sign3A_59 = arith.extui %sign3A_58 : i1 to i32
    %sign3A_60 = arith.subi %sign3A_56, %sign3A_59 : i32
    %ne3A = arith.cmpi ne, %sign3A_53, %sign3A_60 : i32
    %rem3A = arith.remsi %select_n3A, %jit3A_47 : i32
    %ne3A_61 = arith.constant 0 : i32
    %ne3A_62 = arith.cmpi ne, %rem3A, %ne3A_61 : i32
    %and3A = arith.andi %ne3A, %ne3A_62 : i1
    %sub3A_63 = arith.constant 1 : i32
    %sub3A_64 = arith.subi %div3A, %sub3A_63 : i32
    %select_n3A_65 = arith.select %and3A, %sub3A_64, %div3A : i32
    %while3A = arith.constant 0 : i32
    %while3A_66 = arith.constant 0 : i32
    %while3A_67 = arith.subi %select_n3A_65, %while3A_66 : i32
    %while3A_68 = arith.addi %while3A_66, %while3A_67 : i32
    %while3A_69 = arith.constant 1 : i32
    %while3A_70 = arith.divsi %while3A_67, %while3A_69 : i32
    %while3A_71 = arith.muli %while3A_70, %while3A_69 : i32
    %while3A_72 = arith.addi %while3A_66, %while3A_71 : i32
    %while3A_73 = arith.constant 1 : i32
    scf.for %while3A_83 = %while3A_66 to %while3A_72 step %while3A_73  : i32 {
      %mul3A_84 = arith.constant 6 : i32
      %mul3A_85 = arith.muli %while3A_83, %mul3A_84 : i32
      %add3A_86 = arith.constant 0 : i32
      %add3A_87 = arith.addi %mul3A_85, %add3A_86 : i32
      %add3A_88 = arith.constant 1 : i32
      %add3A_89 = arith.addi %add3A_87, %add3A_88 : i32
      %lt3A = arith.cmpi slt, %add3A_89, %select_n3A : i32
      %convert_element_type3A_90 = arith.extui %lt3A : i1 to i32
      %cond3A_91 = arith.constant 0 : i32
      %cond3A_92 = arith.cmpi ne, %convert_element_type3A_90, %cond3A_91 : i32
      scf.if %cond3A_92 {
        %add3A_225 = arith.addi %select_n3A_33, %add3A_87 : i32
        %add3A_226 = arith.constant 1 : i32
        %add3A_227 = arith.addi %add3A_225, %add3A_226 : i32
        %dma_wait3A_228 = arith.constant 0 : i32
        %dma_wait3A_229 = arith.constant 0 : i32
        %dma_wait3A_230 = tpu.memref_slice %arg3[%add3A_227, %dma_wait3A_228, %dma_wait3A_229] : memref<2688x2x120xi32, #tpu.memory_space<hbm>> -> memref<1x2x120xi32, #tpu.memory_space<hbm>>
        %dma_wait3A_231 = tpu.memref_squeeze %dma_wait3A_230 : memref<1x2x120xi32, #tpu.memory_space<hbm>> -> memref<2x120xi32, #tpu.memory_space<hbm>>
        %dma_wait3A_232 = arith.constant 0 : i32
        %dma_wait3A_233 = arith.constant 0 : i32
        %dma_wait3A_234 = tpu.memref_slice %arg3[%add3A_227, %dma_wait3A_232, %dma_wait3A_233] : memref<2688x2x120xi32, #tpu.memory_space<hbm>> -> memref<1x2x120xi32, #tpu.memory_space<hbm>>
        %dma_wait3A_235 = tpu.memref_squeeze %dma_wait3A_234 : memref<1x2x120xi32, #tpu.memory_space<hbm>> -> memref<2x120xi32, #tpu.memory_space<hbm>>
        tpu.wait_dma2 semaphore(%arg13 : memref<!tpu.dma_semaphore, #tpu.memory_space<semaphore_mem>>) src(%dma_wait3A_235 : memref<2x120xi32, #tpu.memory_space<hbm>>) dst(%arg7 : memref<2x120xi32, #tpu.memory_space<vmem>>)
        %dma_start3A_236 = arith.constant 0 : i32
        %dma_start3A_237 = arith.constant 0 : i32
        %dma_start3A_238 = tpu.memref_slice %arg7[%dma_start3A_236, %dma_start3A_237] : memref<2x120xi32, #tpu.memory_space<vmem>> -> memref<1x120xi32, #tpu.memory_space<vmem>>
        %dma_start3A_239 = tpu.memref_squeeze %dma_start3A_238 : memref<1x120xi32, #tpu.memory_space<vmem>> -> memref<120xi32, #tpu.memory_space<vmem>>
        %dma_start3A_240 = arith.constant 0 : i32
        %dma_start3A_241 = arith.constant 0 : i32
        %dma_start3A_242 = tpu.memref_slice %arg2[%dma_start3A_240, %dma_start3A_241] : memref<10000x128xf32, #tpu.memory_space<hbm>> -> memref<10000x128xf32, #tpu.memory_space<hbm>>
        tpu.enqueue_indirect_dma source(%dma_start3A_242 : memref<10000x128xf32, #tpu.memory_space<hbm>>) target(%arg10 : memref<120x128xf32, #tpu.memory_space<vmem>>) offsets(%dma_start3A_239 : memref<120xi32, #tpu.memory_space<vmem>>) semaphore(%arg16 : memref<!tpu.dma_semaphore, #tpu.memory_space<semaphore_mem>>)
      } else {
      }
      %dma_wait3A = arith.constant 0 : i32
      %dma_wait3A_93 = arith.constant 0 : i32
      %dma_wait3A_94 = tpu.memref_slice %arg6[%dma_wait3A, %dma_wait3A_93] : memref<2x120xi32, #tpu.memory_space<vmem>> -> memref<1x120xi32, #tpu.memory_space<vmem>>
      %dma_wait3A_95 = tpu.memref_squeeze %dma_wait3A_94 : memref<1x120xi32, #tpu.memory_space<vmem>> -> memref<120xi32, #tpu.memory_space<vmem>>
      %dma_wait3A_96 = arith.constant 0 : i32
      %dma_wait3A_97 = arith.constant 0 : i32
      %dma_wait3A_98 = tpu.memref_slice %arg2[%dma_wait3A_96, %dma_wait3A_97] : memref<10000x128xf32, #tpu.memory_space<hbm>> -> memref<10000x128xf32, #tpu.memory_space<hbm>>
      tpu.wait_indirect_dma semaphore(%arg15 : memref<!tpu.dma_semaphore, #tpu.memory_space<semaphore_mem>>) src(%dma_wait3A_98 : memref<10000x128xf32, #tpu.memory_space<hbm>>) dst(%arg9 : memref<120x128xf32, #tpu.memory_space<vmem>>)
      %run_scoped3A = arith.constant 1 : i32
      "tpu.region"() ({
        %run_scoped3A_225 = tpu.sem_alloc : memref<!tpu.dma_semaphore, #tpu.memory_space<semaphore_mem>>
        %dma_start3A_226 = arith.constant 0 : i32
        %dma_start3A_227 = tpu.memref_slice %arg6[%run_scoped3A, %dma_start3A_226] : memref<2x120xi32, #tpu.memory_space<vmem>> -> memref<1x120xi32, #tpu.memory_space<vmem>>
        %dma_start3A_228 = tpu.memref_squeeze %dma_start3A_227 : memref<1x120xi32, #tpu.memory_space<vmem>> -> memref<120xi32, #tpu.memory_space<vmem>>
        %dma_start3A_229 = arith.constant 0 : i32
        %dma_start3A_230 = arith.constant 0 : i32
        %dma_start3A_231 = tpu.memref_slice %arg11[%dma_start3A_229, %dma_start3A_230] : memref<10240x128xf32, #tpu.memory_space<vmem_shared>> -> memref<10240x128xf32, #tpu.memory_space<vmem_shared>>
        tpu.enqueue_indirect_dma source(%arg9 : memref<120x128xf32, #tpu.memory_space<vmem>>) target(%dma_start3A_231 : memref<10240x128xf32, #tpu.memory_space<vmem_shared>>) offsets(%dma_start3A_228 : memref<120xi32, #tpu.memory_space<vmem>>) semaphore(%run_scoped3A_225 : memref<!tpu.dma_semaphore, #tpu.memory_space<semaphore_mem>>) {add = true}
        %dma_wait3A_232 = arith.constant 0 : i32
        %dma_wait3A_233 = tpu.memref_slice %arg6[%run_scoped3A, %dma_wait3A_232] : memref<2x120xi32, #tpu.memory_space<vmem>> -> memref<1x120xi32, #tpu.memory_space<vmem>>
        %dma_wait3A_234 = tpu.memref_squeeze %dma_wait3A_233 : memref<1x120xi32, #tpu.memory_space<vmem>> -> memref<120xi32, #tpu.memory_space<vmem>>
        %dma_wait3A_235 = arith.constant 0 : i32
        %dma_wait3A_236 = arith.constant 0 : i32
        %dma_wait3A_237 = tpu.memref_slice %arg11[%dma_wait3A_235, %dma_wait3A_236] : memref<10240x128xf32, #tpu.memory_space<vmem_shared>> -> memref<10240x128xf32, #tpu.memory_space<vmem_shared>>
        tpu.wait_indirect_dma semaphore(%run_scoped3A_225 : memref<!tpu.dma_semaphore, #tpu.memory_space<semaphore_mem>>) src(%arg9 : memref<120x128xf32, #tpu.memory_space<vmem>>) dst(%dma_wait3A_237 : memref<10240x128xf32, #tpu.memory_space<vmem_shared>>)
        tpu.yield
      }) : () -> ()
      %add3A_99 = arith.constant 3 : i32
      %add3A_100 = arith.addi %add3A_87, %add3A_99 : i32
      %lt3A_101 = arith.cmpi slt, %add3A_100, %select_n3A : i32
      %convert_element_type3A_102 = arith.extui %lt3A_101 : i1 to i32
      %cond3A_103 = arith.constant 0 : i32
      %cond3A_104 = arith.cmpi ne, %convert_element_type3A_102, %cond3A_103 : i32
      scf.if %cond3A_104 {
        %add3A_225 = arith.addi %select_n3A_33, %add3A_87 : i32
        %add3A_226 = arith.constant 3 : i32
        %add3A_227 = arith.addi %add3A_225, %add3A_226 : i32
        %dma_start3A_228 = arith.constant 0 : i32
        %dma_start3A_229 = arith.constant 0 : i32
        %dma_start3A_230 = tpu.memref_slice %arg3[%add3A_227, %dma_start3A_228, %dma_start3A_229] : memref<2688x2x120xi32, #tpu.memory_space<hbm>> -> memref<1x2x120xi32, #tpu.memory_space<hbm>>
        %dma_start3A_231 = tpu.memref_squeeze %dma_start3A_230 : memref<1x2x120xi32, #tpu.memory_space<hbm>> -> memref<2x120xi32, #tpu.memory_space<hbm>>
        %dma_start3A_232 = arith.constant 0 : i32
        %dma_start3A_233 = arith.constant 0 : i32
        %dma_start3A_234 = tpu.memref_slice %arg3[%add3A_227, %dma_start3A_232, %dma_start3A_233] : memref<2688x2x120xi32, #tpu.memory_space<hbm>> -> memref<1x2x120xi32, #tpu.memory_space<hbm>>
        %dma_start3A_235 = tpu.memref_squeeze %dma_start3A_234 : memref<1x2x120xi32, #tpu.memory_space<hbm>> -> memref<2x120xi32, #tpu.memory_space<hbm>>
        tpu.enqueue_dma source(%dma_start3A_235 : memref<2x120xi32, #tpu.memory_space<hbm>>) target(%arg6 : memref<2x120xi32, #tpu.memory_space<vmem>>) target_semaphore(%arg12 : memref<!tpu.dma_semaphore, #tpu.memory_space<semaphore_mem>>)
      } else {
      }
      %mul3A_105 = arith.constant 6 : i32
      %mul3A_106 = arith.muli %while3A_83, %mul3A_105 : i32
      %add3A_107 = arith.constant 1 : i32
      %add3A_108 = arith.addi %mul3A_106, %add3A_107 : i32
      %add3A_109 = arith.constant 1 : i32
      %add3A_110 = arith.addi %add3A_108, %add3A_109 : i32
      %lt3A_111 = arith.cmpi slt, %add3A_110, %select_n3A : i32
      %convert_element_type3A_112 = arith.extui %lt3A_111 : i1 to i32
      %cond3A_113 = arith.constant 0 : i32
      %cond3A_114 = arith.cmpi ne, %convert_element_type3A_112, %cond3A_113 : i32
      scf.if %cond3A_114 {
        %add3A_225 = arith.addi %select_n3A_33, %add3A_108 : i32
        %add3A_226 = arith.constant 1 : i32
        %add3A_227 = arith.addi %add3A_225, %add3A_226 : i32
        %dma_wait3A_228 = arith.constant 0 : i32
        %dma_wait3A_229 = arith.constant 0 : i32
        %dma_wait3A_230 = tpu.memref_slice %arg3[%add3A_227, %dma_wait3A_228, %dma_wait3A_229] : memref<2688x2x120xi32, #tpu.memory_space<hbm>> -> memref<1x2x120xi32, #tpu.memory_space<hbm>>
        %dma_wait3A_231 = tpu.memref_squeeze %dma_wait3A_230 : memref<1x2x120xi32, #tpu.memory_space<hbm>> -> memref<2x120xi32, #tpu.memory_space<hbm>>
        %dma_wait3A_232 = arith.constant 0 : i32
        %dma_wait3A_233 = arith.constant 0 : i32
        %dma_wait3A_234 = tpu.memref_slice %arg3[%add3A_227, %dma_wait3A_232, %dma_wait3A_233] : memref<2688x2x120xi32, #tpu.memory_space<hbm>> -> memref<1x2x120xi32, #tpu.memory_space<hbm>>
        %dma_wait3A_235 = tpu.memref_squeeze %dma_wait3A_234 : memref<1x2x120xi32, #tpu.memory_space<hbm>> -> memref<2x120xi32, #tpu.memory_space<hbm>>
        tpu.wait_dma2 semaphore(%arg14 : memref<!tpu.dma_semaphore, #tpu.memory_space<semaphore_mem>>) src(%dma_wait3A_235 : memref<2x120xi32, #tpu.memory_space<hbm>>) dst(%arg8 : memref<2x120xi32, #tpu.memory_space<vmem>>)
        %dma_start3A_236 = arith.constant 0 : i32
        %dma_start3A_237 = arith.constant 0 : i32
        %dma_start3A_238 = tpu.memref_slice %arg8[%dma_start3A_236, %dma_start3A_237] : memref<2x120xi32, #tpu.memory_space<vmem>> -> memref<1x120xi32, #tpu.memory_space<vmem>>
        %dma_start3A_239 = tpu.memref_squeeze %dma_start3A_238 : memref<1x120xi32, #tpu.memory_space<vmem>> -> memref<120xi32, #tpu.memory_space<vmem>>
        %dma_start3A_240 = arith.constant 0 : i32
        %dma_start3A_241 = arith.constant 0 : i32
        %dma_start3A_242 = tpu.memref_slice %arg2[%dma_start3A_240, %dma_start3A_241] : memref<10000x128xf32, #tpu.memory_space<hbm>> -> memref<10000x128xf32, #tpu.memory_space<hbm>>
        tpu.enqueue_indirect_dma source(%dma_start3A_242 : memref<10000x128xf32, #tpu.memory_space<hbm>>) target(%arg9 : memref<120x128xf32, #tpu.memory_space<vmem>>) offsets(%dma_start3A_239 : memref<120xi32, #tpu.memory_space<vmem>>) semaphore(%arg15 : memref<!tpu.dma_semaphore, #tpu.memory_space<semaphore_mem>>)
      } else {
      }
      %dma_wait3A_115 = arith.constant 0 : i32
      %dma_wait3A_116 = arith.constant 0 : i32
      %dma_wait3A_117 = tpu.memref_slice %arg7[%dma_wait3A_115, %dma_wait3A_116] : memref<2x120xi32, #tpu.memory_space<vmem>> -> memref<1x120xi32, #tpu.memory_space<vmem>>
      %dma_wait3A_118 = tpu.memref_squeeze %dma_wait3A_117 : memref<1x120xi32, #tpu.memory_space<vmem>> -> memref<120xi32, #tpu.memory_space<vmem>>
      %dma_wait3A_119 = arith.constant 0 : i32
      %dma_wait3A_120 = arith.constant 0 : i32
      %dma_wait3A_121 = tpu.memref_slice %arg2[%dma_wait3A_119, %dma_wait3A_120] : memref<10000x128xf32, #tpu.memory_space<hbm>> -> memref<10000x128xf32, #tpu.memory_space<hbm>>
      tpu.wait_indirect_dma semaphore(%arg16 : memref<!tpu.dma_semaphore, #tpu.memory_space<semaphore_mem>>) src(%dma_wait3A_121 : memref<10000x128xf32, #tpu.memory_space<hbm>>) dst(%arg10 : memref<120x128xf32, #tpu.memory_space<vmem>>)
      %run_scoped3A_122 = arith.constant 1 : i32
      "tpu.region"() ({
        %run_scoped3A_225 = tpu.sem_alloc : memref<!tpu.dma_semaphore, #tpu.memory_space<semaphore_mem>>
        %dma_start3A_226 = arith.constant 0 : i32
        %dma_start3A_227 = tpu.memref_slice %arg7[%run_scoped3A_122, %dma_start3A_226] : memref<2x120xi32, #tpu.memory_space<vmem>> -> memref<1x120xi32, #tpu.memory_space<vmem>>
        %dma_start3A_228 = tpu.memref_squeeze %dma_start3A_227 : memref<1x120xi32, #tpu.memory_space<vmem>> -> memref<120xi32, #tpu.memory_space<vmem>>
        %dma_start3A_229 = arith.constant 0 : i32
        %dma_start3A_230 = arith.constant 0 : i32
        %dma_start3A_231 = tpu.memref_slice %arg11[%dma_start3A_229, %dma_start3A_230] : memref<10240x128xf32, #tpu.memory_space<vmem_shared>> -> memref<10240x128xf32, #tpu.memory_space<vmem_shared>>
        tpu.enqueue_indirect_dma source(%arg10 : memref<120x128xf32, #tpu.memory_space<vmem>>) target(%dma_start3A_231 : memref<10240x128xf32, #tpu.memory_space<vmem_shared>>) offsets(%dma_start3A_228 : memref<120xi32, #tpu.memory_space<vmem>>) semaphore(%run_scoped3A_225 : memref<!tpu.dma_semaphore, #tpu.memory_space<semaphore_mem>>) {add = true}
        %dma_wait3A_232 = arith.constant 0 : i32
        %dma_wait3A_233 = tpu.memref_slice %arg7[%run_scoped3A_122, %dma_wait3A_232] : memref<2x120xi32, #tpu.memory_space<vmem>> -> memref<1x120xi32, #tpu.memory_space<vmem>>
        %dma_wait3A_234 = tpu.memref_squeeze %dma_wait3A_233 : memref<1x120xi32, #tpu.memory_space<vmem>> -> memref<120xi32, #tpu.memory_space<vmem>>
        %dma_wait3A_235 = arith.constant 0 : i32
        %dma_wait3A_236 = arith.constant 0 : i32
        %dma_wait3A_237 = tpu.memref_slice %arg11[%dma_wait3A_235, %dma_wait3A_236] : memref<10240x128xf32, #tpu.memory_space<vmem_shared>> -> memref<10240x128xf32, #tpu.memory_space<vmem_shared>>
        tpu.wait_indirect_dma semaphore(%run_scoped3A_225 : memref<!tpu.dma_semaphore, #tpu.memory_space<semaphore_mem>>) src(%arg10 : memref<120x128xf32, #tpu.memory_space<vmem>>) dst(%dma_wait3A_237 : memref<10240x128xf32, #tpu.memory_space<vmem_shared>>)
        tpu.yield
      }) : () -> ()
      %add3A_123 = arith.constant 3 : i32
      %add3A_124 = arith.addi %add3A_108, %add3A_123 : i32
      %lt3A_125 = arith.cmpi slt, %add3A_124, %select_n3A : i32
      %convert_element_type3A_126 = arith.extui %lt3A_125 : i1 to i32
      %cond3A_127 = arith.constant 0 : i32
      %cond3A_128 = arith.cmpi ne, %convert_element_type3A_126, %cond3A_127 : i32
      scf.if %cond3A_128 {
        %add3A_225 = arith.addi %select_n3A_33, %add3A_108 : i32
        %add3A_226 = arith.constant 3 : i32
        %add3A_227 = arith.addi %add3A_225, %add3A_226 : i32
        %dma_start3A_228 = arith.constant 0 : i32
        %dma_start3A_229 = arith.constant 0 : i32
        %dma_start3A_230 = tpu.memref_slice %arg3[%add3A_227, %dma_start3A_228, %dma_start3A_229] : memref<2688x2x120xi32, #tpu.memory_space<hbm>> -> memref<1x2x120xi32, #tpu.memory_space<hbm>>
        %dma_start3A_231 = tpu.memref_squeeze %dma_start3A_230 : memref<1x2x120xi32, #tpu.memory_space<hbm>> -> memref<2x120xi32, #tpu.memory_space<hbm>>
        %dma_start3A_232 = arith.constant 0 : i32
        %dma_start3A_233 = arith.constant 0 : i32
        %dma_start3A_234 = tpu.memref_slice %arg3[%add3A_227, %dma_start3A_232, %dma_start3A_233] : memref<2688x2x120xi32, #tpu.memory_space<hbm>> -> memref<1x2x120xi32, #tpu.memory_space<hbm>>
        %dma_start3A_235 = tpu.memref_squeeze %dma_start3A_234 : memref<1x2x120xi32, #tpu.memory_space<hbm>> -> memref<2x120xi32, #tpu.memory_space<hbm>>
        tpu.enqueue_dma source(%dma_start3A_235 : memref<2x120xi32, #tpu.memory_space<hbm>>) target(%arg7 : memref<2x120xi32, #tpu.memory_space<vmem>>) target_semaphore(%arg13 : memref<!tpu.dma_semaphore, #tpu.memory_space<semaphore_mem>>)
      } else {
      }
      %mul3A_129 = arith.constant 6 : i32
      %mul3A_130 = arith.muli %while3A_83, %mul3A_129 : i32
      %add3A_131 = arith.constant 2 : i32
      %add3A_132 = arith.addi %mul3A_130, %add3A_131 : i32
      %add3A_133 = arith.constant 1 : i32
      %add3A_134 = arith.addi %add3A_132, %add3A_133 : i32
      %lt3A_135 = arith.cmpi slt, %add3A_134, %select_n3A : i32
      %convert_element_type3A_136 = arith.extui %lt3A_135 : i1 to i32
      %cond3A_137 = arith.constant 0 : i32
      %cond3A_138 = arith.cmpi ne, %convert_element_type3A_136, %cond3A_137 : i32
      scf.if %cond3A_138 {
        %add3A_225 = arith.addi %select_n3A_33, %add3A_132 : i32
        %add3A_226 = arith.constant 1 : i32
        %add3A_227 = arith.addi %add3A_225, %add3A_226 : i32
        %dma_wait3A_228 = arith.constant 0 : i32
        %dma_wait3A_229 = arith.constant 0 : i32
        %dma_wait3A_230 = tpu.memref_slice %arg3[%add3A_227, %dma_wait3A_228, %dma_wait3A_229] : memref<2688x2x120xi32, #tpu.memory_space<hbm>> -> memref<1x2x120xi32, #tpu.memory_space<hbm>>
        %dma_wait3A_231 = tpu.memref_squeeze %dma_wait3A_230 : memref<1x2x120xi32, #tpu.memory_space<hbm>> -> memref<2x120xi32, #tpu.memory_space<hbm>>
        %dma_wait3A_232 = arith.constant 0 : i32
        %dma_wait3A_233 = arith.constant 0 : i32
        %dma_wait3A_234 = tpu.memref_slice %arg3[%add3A_227, %dma_wait3A_232, %dma_wait3A_233] : memref<2688x2x120xi32, #tpu.memory_space<hbm>> -> memref<1x2x120xi32, #tpu.memory_space<hbm>>
        %dma_wait3A_235 = tpu.memref_squeeze %dma_wait3A_234 : memref<1x2x120xi32, #tpu.memory_space<hbm>> -> memref<2x120xi32, #tpu.memory_space<hbm>>
        tpu.wait_dma2 semaphore(%arg12 : memref<!tpu.dma_semaphore, #tpu.memory_space<semaphore_mem>>) src(%dma_wait3A_235 : memref<2x120xi32, #tpu.memory_space<hbm>>) dst(%arg6 : memref<2x120xi32, #tpu.memory_space<vmem>>)
        %dma_start3A_236 = arith.constant 0 : i32
        %dma_start3A_237 = arith.constant 0 : i32
        %dma_start3A_238 = tpu.memref_slice %arg6[%dma_start3A_236, %dma_start3A_237] : memref<2x120xi32, #tpu.memory_space<vmem>> -> memref<1x120xi32, #tpu.memory_space<vmem>>
        %dma_start3A_239 = tpu.memref_squeeze %dma_start3A_238 : memref<1x120xi32, #tpu.memory_space<vmem>> -> memref<120xi32, #tpu.memory_space<vmem>>
        %dma_start3A_240 = arith.constant 0 : i32
        %dma_start3A_241 = arith.constant 0 : i32
        %dma_start3A_242 = tpu.memref_slice %arg2[%dma_start3A_240, %dma_start3A_241] : memref<10000x128xf32, #tpu.memory_space<hbm>> -> memref<10000x128xf32, #tpu.memory_space<hbm>>
        tpu.enqueue_indirect_dma source(%dma_start3A_242 : memref<10000x128xf32, #tpu.memory_space<hbm>>) target(%arg10 : memref<120x128xf32, #tpu.memory_space<vmem>>) offsets(%dma_start3A_239 : memref<120xi32, #tpu.memory_space<vmem>>) semaphore(%arg16 : memref<!tpu.dma_semaphore, #tpu.memory_space<semaphore_mem>>)
      } else {
      }
      %dma_wait3A_139 = arith.constant 0 : i32
      %dma_wait3A_140 = arith.constant 0 : i32
      %dma_wait3A_141 = tpu.memref_slice %arg8[%dma_wait3A_139, %dma_wait3A_140] : memref<2x120xi32, #tpu.memory_space<vmem>> -> memref<1x120xi32, #tpu.memory_space<vmem>>
      %dma_wait3A_142 = tpu.memref_squeeze %dma_wait3A_141 : memref<1x120xi32, #tpu.memory_space<vmem>> -> memref<120xi32, #tpu.memory_space<vmem>>
      %dma_wait3A_143 = arith.constant 0 : i32
      %dma_wait3A_144 = arith.constant 0 : i32
      %dma_wait3A_145 = tpu.memref_slice %arg2[%dma_wait3A_143, %dma_wait3A_144] : memref<10000x128xf32, #tpu.memory_space<hbm>> -> memref<10000x128xf32, #tpu.memory_space<hbm>>
      tpu.wait_indirect_dma semaphore(%arg15 : memref<!tpu.dma_semaphore, #tpu.memory_space<semaphore_mem>>) src(%dma_wait3A_145 : memref<10000x128xf32, #tpu.memory_space<hbm>>) dst(%arg9 : memref<120x128xf32, #tpu.memory_space<vmem>>)
      %run_scoped3A_146 = arith.constant 1 : i32
      "tpu.region"() ({
        %run_scoped3A_225 = tpu.sem_alloc : memref<!tpu.dma_semaphore, #tpu.memory_space<semaphore_mem>>
        %dma_start3A_226 = arith.constant 0 : i32
        %dma_start3A_227 = tpu.memref_slice %arg8[%run_scoped3A_146, %dma_start3A_226] : memref<2x120xi32, #tpu.memory_space<vmem>> -> memref<1x120xi32, #tpu.memory_space<vmem>>
        %dma_start3A_228 = tpu.memref_squeeze %dma_start3A_227 : memref<1x120xi32, #tpu.memory_space<vmem>> -> memref<120xi32, #tpu.memory_space<vmem>>
        %dma_start3A_229 = arith.constant 0 : i32
        %dma_start3A_230 = arith.constant 0 : i32
        %dma_start3A_231 = tpu.memref_slice %arg11[%dma_start3A_229, %dma_start3A_230] : memref<10240x128xf32, #tpu.memory_space<vmem_shared>> -> memref<10240x128xf32, #tpu.memory_space<vmem_shared>>
        tpu.enqueue_indirect_dma source(%arg9 : memref<120x128xf32, #tpu.memory_space<vmem>>) target(%dma_start3A_231 : memref<10240x128xf32, #tpu.memory_space<vmem_shared>>) offsets(%dma_start3A_228 : memref<120xi32, #tpu.memory_space<vmem>>) semaphore(%run_scoped3A_225 : memref<!tpu.dma_semaphore, #tpu.memory_space<semaphore_mem>>) {add = true}
        %dma_wait3A_232 = arith.constant 0 : i32
        %dma_wait3A_233 = tpu.memref_slice %arg8[%run_scoped3A_146, %dma_wait3A_232] : memref<2x120xi32, #tpu.memory_space<vmem>> -> memref<1x120xi32, #tpu.memory_space<vmem>>
        %dma_wait3A_234 = tpu.memref_squeeze %dma_wait3A_233 : memref<1x120xi32, #tpu.memory_space<vmem>> -> memref<120xi32, #tpu.memory_space<vmem>>
        %dma_wait3A_235 = arith.constant 0 : i32
        %dma_wait3A_236 = arith.constant 0 : i32
        %dma_wait3A_237 = tpu.memref_slice %arg11[%dma_wait3A_235, %dma_wait3A_236] : memref<10240x128xf32, #tpu.memory_space<vmem_shared>> -> memref<10240x128xf32, #tpu.memory_space<vmem_shared>>
        tpu.wait_indirect_dma semaphore(%run_scoped3A_225 : memref<!tpu.dma_semaphore, #tpu.memory_space<semaphore_mem>>) src(%arg9 : memref<120x128xf32, #tpu.memory_space<vmem>>) dst(%dma_wait3A_237 : memref<10240x128xf32, #tpu.memory_space<vmem_shared>>)
        tpu.yield
      }) : () -> ()
      %add3A_147 = arith.constant 3 : i32
      %add3A_148 = arith.addi %add3A_132, %add3A_147 : i32
      %lt3A_149 = arith.cmpi slt, %add3A_148, %select_n3A : i32
      %convert_element_type3A_150 = arith.extui %lt3A_149 : i1 to i32
      %cond3A_151 = arith.constant 0 : i32
      %cond3A_152 = arith.cmpi ne, %convert_element_type3A_150, %cond3A_151 : i32
      scf.if %cond3A_152 {
        %add3A_225 = arith.addi %select_n3A_33, %add3A_132 : i32
        %add3A_226 = arith.constant 3 : i32
        %add3A_227 = arith.addi %add3A_225, %add3A_226 : i32
        %dma_start3A_228 = arith.constant 0 : i32
        %dma_start3A_229 = arith.constant 0 : i32
        %dma_start3A_230 = tpu.memref_slice %arg3[%add3A_227, %dma_start3A_228, %dma_start3A_229] : memref<2688x2x120xi32, #tpu.memory_space<hbm>> -> memref<1x2x120xi32, #tpu.memory_space<hbm>>
        %dma_start3A_231 = tpu.memref_squeeze %dma_start3A_230 : memref<1x2x120xi32, #tpu.memory_space<hbm>> -> memref<2x120xi32, #tpu.memory_space<hbm>>
        %dma_start3A_232 = arith.constant 0 : i32
        %dma_start3A_233 = arith.constant 0 : i32
        %dma_start3A_234 = tpu.memref_slice %arg3[%add3A_227, %dma_start3A_232, %dma_start3A_233] : memref<2688x2x120xi32, #tpu.memory_space<hbm>> -> memref<1x2x120xi32, #tpu.memory_space<hbm>>
        %dma_start3A_235 = tpu.memref_squeeze %dma_start3A_234 : memref<1x2x120xi32, #tpu.memory_space<hbm>> -> memref<2x120xi32, #tpu.memory_space<hbm>>
        tpu.enqueue_dma source(%dma_start3A_235 : memref<2x120xi32, #tpu.memory_space<hbm>>) target(%arg8 : memref<2x120xi32, #tpu.memory_space<vmem>>) target_semaphore(%arg14 : memref<!tpu.dma_semaphore, #tpu.memory_space<semaphore_mem>>)
      } else {
      }
      %mul3A_153 = arith.constant 6 : i32
      %mul3A_154 = arith.muli %while3A_83, %mul3A_153 : i32
      %add3A_155 = arith.constant 3 : i32
      %add3A_156 = arith.addi %mul3A_154, %add3A_155 : i32
      %add3A_157 = arith.constant 1 : i32
      %add3A_158 = arith.addi %add3A_156, %add3A_157 : i32
      %lt3A_159 = arith.cmpi slt, %add3A_158, %select_n3A : i32
      %convert_element_type3A_160 = arith.extui %lt3A_159 : i1 to i32
      %cond3A_161 = arith.constant 0 : i32
      %cond3A_162 = arith.cmpi ne, %convert_element_type3A_160, %cond3A_161 : i32
      scf.if %cond3A_162 {
        %add3A_225 = arith.addi %select_n3A_33, %add3A_156 : i32
        %add3A_226 = arith.constant 1 : i32
        %add3A_227 = arith.addi %add3A_225, %add3A_226 : i32
        %dma_wait3A_228 = arith.constant 0 : i32
        %dma_wait3A_229 = arith.constant 0 : i32
        %dma_wait3A_230 = tpu.memref_slice %arg3[%add3A_227, %dma_wait3A_228, %dma_wait3A_229] : memref<2688x2x120xi32, #tpu.memory_space<hbm>> -> memref<1x2x120xi32, #tpu.memory_space<hbm>>
        %dma_wait3A_231 = tpu.memref_squeeze %dma_wait3A_230 : memref<1x2x120xi32, #tpu.memory_space<hbm>> -> memref<2x120xi32, #tpu.memory_space<hbm>>
        %dma_wait3A_232 = arith.constant 0 : i32
        %dma_wait3A_233 = arith.constant 0 : i32
        %dma_wait3A_234 = tpu.memref_slice %arg3[%add3A_227, %dma_wait3A_232, %dma_wait3A_233] : memref<2688x2x120xi32, #tpu.memory_space<hbm>> -> memref<1x2x120xi32, #tpu.memory_space<hbm>>
        %dma_wait3A_235 = tpu.memref_squeeze %dma_wait3A_234 : memref<1x2x120xi32, #tpu.memory_space<hbm>> -> memref<2x120xi32, #tpu.memory_space<hbm>>
        tpu.wait_dma2 semaphore(%arg13 : memref<!tpu.dma_semaphore, #tpu.memory_space<semaphore_mem>>) src(%dma_wait3A_235 : memref<2x120xi32, #tpu.memory_space<hbm>>) dst(%arg7 : memref<2x120xi32, #tpu.memory_space<vmem>>)
        %dma_start3A_236 = arith.constant 0 : i32
        %dma_start3A_237 = arith.constant 0 : i32
        %dma_start3A_238 = tpu.memref_slice %arg7[%dma_start3A_236, %dma_start3A_237] : memref<2x120xi32, #tpu.memory_space<vmem>> -> memref<1x120xi32, #tpu.memory_space<vmem>>
        %dma_start3A_239 = tpu.memref_squeeze %dma_start3A_238 : memref<1x120xi32, #tpu.memory_space<vmem>> -> memref<120xi32, #tpu.memory_space<vmem>>
        %dma_start3A_240 = arith.constant 0 : i32
        %dma_start3A_241 = arith.constant 0 : i32
        %dma_start3A_242 = tpu.memref_slice %arg2[%dma_start3A_240, %dma_start3A_241] : memref<10000x128xf32, #tpu.memory_space<hbm>> -> memref<10000x128xf32, #tpu.memory_space<hbm>>
        tpu.enqueue_indirect_dma source(%dma_start3A_242 : memref<10000x128xf32, #tpu.memory_space<hbm>>) target(%arg9 : memref<120x128xf32, #tpu.memory_space<vmem>>) offsets(%dma_start3A_239 : memref<120xi32, #tpu.memory_space<vmem>>) semaphore(%arg15 : memref<!tpu.dma_semaphore, #tpu.memory_space<semaphore_mem>>)
      } else {
      }
      %dma_wait3A_163 = arith.constant 0 : i32
      %dma_wait3A_164 = arith.constant 0 : i32
      %dma_wait3A_165 = tpu.memref_slice %arg6[%dma_wait3A_163, %dma_wait3A_164] : memref<2x120xi32, #tpu.memory_space<vmem>> -> memref<1x120xi32, #tpu.memory_space<vmem>>
      %dma_wait3A_166 = tpu.memref_squeeze %dma_wait3A_165 : memref<1x120xi32, #tpu.memory_space<vmem>> -> memref<120xi32, #tpu.memory_space<vmem>>
      %dma_wait3A_167 = arith.constant 0 : i32
      %dma_wait3A_168 = arith.constant 0 : i32
      %dma_wait3A_169 = tpu.memref_slice %arg2[%dma_wait3A_167, %dma_wait3A_168] : memref<10000x128xf32, #tpu.memory_space<hbm>> -> memref<10000x128xf32, #tpu.memory_space<hbm>>
      tpu.wait_indirect_dma semaphore(%arg16 : memref<!tpu.dma_semaphore, #tpu.memory_space<semaphore_mem>>) src(%dma_wait3A_169 : memref<10000x128xf32, #tpu.memory_space<hbm>>) dst(%arg10 : memref<120x128xf32, #tpu.memory_space<vmem>>)
      %run_scoped3A_170 = arith.constant 1 : i32
      "tpu.region"() ({
        %run_scoped3A_225 = tpu.sem_alloc : memref<!tpu.dma_semaphore, #tpu.memory_space<semaphore_mem>>
        %dma_start3A_226 = arith.constant 0 : i32
        %dma_start3A_227 = tpu.memref_slice %arg6[%run_scoped3A_170, %dma_start3A_226] : memref<2x120xi32, #tpu.memory_space<vmem>> -> memref<1x120xi32, #tpu.memory_space<vmem>>
        %dma_start3A_228 = tpu.memref_squeeze %dma_start3A_227 : memref<1x120xi32, #tpu.memory_space<vmem>> -> memref<120xi32, #tpu.memory_space<vmem>>
        %dma_start3A_229 = arith.constant 0 : i32
        %dma_start3A_230 = arith.constant 0 : i32
        %dma_start3A_231 = tpu.memref_slice %arg11[%dma_start3A_229, %dma_start3A_230] : memref<10240x128xf32, #tpu.memory_space<vmem_shared>> -> memref<10240x128xf32, #tpu.memory_space<vmem_shared>>
        tpu.enqueue_indirect_dma source(%arg10 : memref<120x128xf32, #tpu.memory_space<vmem>>) target(%dma_start3A_231 : memref<10240x128xf32, #tpu.memory_space<vmem_shared>>) offsets(%dma_start3A_228 : memref<120xi32, #tpu.memory_space<vmem>>) semaphore(%run_scoped3A_225 : memref<!tpu.dma_semaphore, #tpu.memory_space<semaphore_mem>>) {add = true}
        %dma_wait3A_232 = arith.constant 0 : i32
        %dma_wait3A_233 = tpu.memref_slice %arg6[%run_scoped3A_170, %dma_wait3A_232] : memref<2x120xi32, #tpu.memory_space<vmem>> -> memref<1x120xi32, #tpu.memory_space<vmem>>
        %dma_wait3A_234 = tpu.memref_squeeze %dma_wait3A_233 : memref<1x120xi32, #tpu.memory_space<vmem>> -> memref<120xi32, #tpu.memory_space<vmem>>
        %dma_wait3A_235 = arith.constant 0 : i32
        %dma_wait3A_236 = arith.constant 0 : i32
        %dma_wait3A_237 = tpu.memref_slice %arg11[%dma_wait3A_235, %dma_wait3A_236] : memref<10240x128xf32, #tpu.memory_space<vmem_shared>> -> memref<10240x128xf32, #tpu.memory_space<vmem_shared>>
        tpu.wait_indirect_dma semaphore(%run_scoped3A_225 : memref<!tpu.dma_semaphore, #tpu.memory_space<semaphore_mem>>) src(%arg10 : memref<120x128xf32, #tpu.memory_space<vmem>>) dst(%dma_wait3A_237 : memref<10240x128xf32, #tpu.memory_space<vmem_shared>>)
        tpu.yield
      }) : () -> ()
      %add3A_171 = arith.constant 3 : i32
      %add3A_172 = arith.addi %add3A_156, %add3A_171 : i32
      %lt3A_173 = arith.cmpi slt, %add3A_172, %select_n3A : i32
      %convert_element_type3A_174 = arith.extui %lt3A_173 : i1 to i32
      %cond3A_175 = arith.constant 0 : i32
      %cond3A_176 = arith.cmpi ne, %convert_element_type3A_174, %cond3A_175 : i32
      scf.if %cond3A_176 {
        %add3A_225 = arith.addi %select_n3A_33, %add3A_156 : i32
        %add3A_226 = arith.constant 3 : i32
        %add3A_227 = arith.addi %add3A_225, %add3A_226 : i32
        %dma_start3A_228 = arith.constant 0 : i32
        %dma_start3A_229 = arith.constant 0 : i32
        %dma_start3A_230 = tpu.memref_slice %arg3[%add3A_227, %dma_start3A_228, %dma_start3A_229] : memref<2688x2x120xi32, #tpu.memory_space<hbm>> -> memref<1x2x120xi32, #tpu.memory_space<hbm>>
        %dma_start3A_231 = tpu.memref_squeeze %dma_start3A_230 : memref<1x2x120xi32, #tpu.memory_space<hbm>> -> memref<2x120xi32, #tpu.memory_space<hbm>>
        %dma_start3A_232 = arith.constant 0 : i32
        %dma_start3A_233 = arith.constant 0 : i32
        %dma_start3A_234 = tpu.memref_slice %arg3[%add3A_227, %dma_start3A_232, %dma_start3A_233] : memref<2688x2x120xi32, #tpu.memory_space<hbm>> -> memref<1x2x120xi32, #tpu.memory_space<hbm>>
        %dma_start3A_235 = tpu.memref_squeeze %dma_start3A_234 : memref<1x2x120xi32, #tpu.memory_space<hbm>> -> memref<2x120xi32, #tpu.memory_space<hbm>>
        tpu.enqueue_dma source(%dma_start3A_235 : memref<2x120xi32, #tpu.memory_space<hbm>>) target(%arg6 : memref<2x120xi32, #tpu.memory_space<vmem>>) target_semaphore(%arg12 : memref<!tpu.dma_semaphore, #tpu.memory_space<semaphore_mem>>)
      } else {
      }
      %mul3A_177 = arith.constant 6 : i32
      %mul3A_178 = arith.muli %while3A_83, %mul3A_177 : i32
      %add3A_179 = arith.constant 4 : i32
      %add3A_180 = arith.addi %mul3A_178, %add3A_179 : i32
      %add3A_181 = arith.constant 1 : i32
      %add3A_182 = arith.addi %add3A_180, %add3A_181 : i32
      %lt3A_183 = arith.cmpi slt, %add3A_182, %select_n3A : i32
      %convert_element_type3A_184 = arith.extui %lt3A_183 : i1 to i32
      %cond3A_185 = arith.constant 0 : i32
      %cond3A_186 = arith.cmpi ne, %convert_element_type3A_184, %cond3A_185 : i32
      scf.if %cond3A_186 {
        %add3A_225 = arith.addi %select_n3A_33, %add3A_180 : i32
        %add3A_226 = arith.constant 1 : i32
        %add3A_227 = arith.addi %add3A_225, %add3A_226 : i32
        %dma_wait3A_228 = arith.constant 0 : i32
        %dma_wait3A_229 = arith.constant 0 : i32
        %dma_wait3A_230 = tpu.memref_slice %arg3[%add3A_227, %dma_wait3A_228, %dma_wait3A_229] : memref<2688x2x120xi32, #tpu.memory_space<hbm>> -> memref<1x2x120xi32, #tpu.memory_space<hbm>>
        %dma_wait3A_231 = tpu.memref_squeeze %dma_wait3A_230 : memref<1x2x120xi32, #tpu.memory_space<hbm>> -> memref<2x120xi32, #tpu.memory_space<hbm>>
        %dma_wait3A_232 = arith.constant 0 : i32
        %dma_wait3A_233 = arith.constant 0 : i32
        %dma_wait3A_234 = tpu.memref_slice %arg3[%add3A_227, %dma_wait3A_232, %dma_wait3A_233] : memref<2688x2x120xi32, #tpu.memory_space<hbm>> -> memref<1x2x120xi32, #tpu.memory_space<hbm>>
        %dma_wait3A_235 = tpu.memref_squeeze %dma_wait3A_234 : memref<1x2x120xi32, #tpu.memory_space<hbm>> -> memref<2x120xi32, #tpu.memory_space<hbm>>
        tpu.wait_dma2 semaphore(%arg14 : memref<!tpu.dma_semaphore, #tpu.memory_space<semaphore_mem>>) src(%dma_wait3A_235 : memref<2x120xi32, #tpu.memory_space<hbm>>) dst(%arg8 : memref<2x120xi32, #tpu.memory_space<vmem>>)
        %dma_start3A_236 = arith.constant 0 : i32
        %dma_start3A_237 = arith.constant 0 : i32
        %dma_start3A_238 = tpu.memref_slice %arg8[%dma_start3A_236, %dma_start3A_237] : memref<2x120xi32, #tpu.memory_space<vmem>> -> memref<1x120xi32, #tpu.memory_space<vmem>>
        %dma_start3A_239 = tpu.memref_squeeze %dma_start3A_238 : memref<1x120xi32, #tpu.memory_space<vmem>> -> memref<120xi32, #tpu.memory_space<vmem>>
        %dma_start3A_240 = arith.constant 0 : i32
        %dma_start3A_241 = arith.constant 0 : i32
        %dma_start3A_242 = tpu.memref_slice %arg2[%dma_start3A_240, %dma_start3A_241] : memref<10000x128xf32, #tpu.memory_space<hbm>> -> memref<10000x128xf32, #tpu.memory_space<hbm>>
        tpu.enqueue_indirect_dma source(%dma_start3A_242 : memref<10000x128xf32, #tpu.memory_space<hbm>>) target(%arg10 : memref<120x128xf32, #tpu.memory_space<vmem>>) offsets(%dma_start3A_239 : memref<120xi32, #tpu.memory_space<vmem>>) semaphore(%arg16 : memref<!tpu.dma_semaphore, #tpu.memory_space<semaphore_mem>>)
      } else {
      }
      %dma_wait3A_187 = arith.constant 0 : i32
      %dma_wait3A_188 = arith.constant 0 : i32
      %dma_wait3A_189 = tpu.memref_slice %arg7[%dma_wait3A_187, %dma_wait3A_188] : memref<2x120xi32, #tpu.memory_space<vmem>> -> memref<1x120xi32, #tpu.memory_space<vmem>>
      %dma_wait3A_190 = tpu.memref_squeeze %dma_wait3A_189 : memref<1x120xi32, #tpu.memory_space<vmem>> -> memref<120xi32, #tpu.memory_space<vmem>>
      %dma_wait3A_191 = arith.constant 0 : i32
      %dma_wait3A_192 = arith.constant 0 : i32
      %dma_wait3A_193 = tpu.memref_slice %arg2[%dma_wait3A_191, %dma_wait3A_192] : memref<10000x128xf32, #tpu.memory_space<hbm>> -> memref<10000x128xf32, #tpu.memory_space<hbm>>
      tpu.wait_indirect_dma semaphore(%arg15 : memref<!tpu.dma_semaphore, #tpu.memory_space<semaphore_mem>>) src(%dma_wait3A_193 : memref<10000x128xf32, #tpu.memory_space<hbm>>) dst(%arg9 : memref<120x128xf32, #tpu.memory_space<vmem>>)
      %run_scoped3A_194 = arith.constant 1 : i32
      "tpu.region"() ({
        %run_scoped3A_225 = tpu.sem_alloc : memref<!tpu.dma_semaphore, #tpu.memory_space<semaphore_mem>>
        %dma_start3A_226 = arith.constant 0 : i32
        %dma_start3A_227 = tpu.memref_slice %arg7[%run_scoped3A_194, %dma_start3A_226] : memref<2x120xi32, #tpu.memory_space<vmem>> -> memref<1x120xi32, #tpu.memory_space<vmem>>
        %dma_start3A_228 = tpu.memref_squeeze %dma_start3A_227 : memref<1x120xi32, #tpu.memory_space<vmem>> -> memref<120xi32, #tpu.memory_space<vmem>>
        %dma_start3A_229 = arith.constant 0 : i32
        %dma_start3A_230 = arith.constant 0 : i32
        %dma_start3A_231 = tpu.memref_slice %arg11[%dma_start3A_229, %dma_start3A_230] : memref<10240x128xf32, #tpu.memory_space<vmem_shared>> -> memref<10240x128xf32, #tpu.memory_space<vmem_shared>>
        tpu.enqueue_indirect_dma source(%arg9 : memref<120x128xf32, #tpu.memory_space<vmem>>) target(%dma_start3A_231 : memref<10240x128xf32, #tpu.memory_space<vmem_shared>>) offsets(%dma_start3A_228 : memref<120xi32, #tpu.memory_space<vmem>>) semaphore(%run_scoped3A_225 : memref<!tpu.dma_semaphore, #tpu.memory_space<semaphore_mem>>) {add = true}
        %dma_wait3A_232 = arith.constant 0 : i32
        %dma_wait3A_233 = tpu.memref_slice %arg7[%run_scoped3A_194, %dma_wait3A_232] : memref<2x120xi32, #tpu.memory_space<vmem>> -> memref<1x120xi32, #tpu.memory_space<vmem>>
        %dma_wait3A_234 = tpu.memref_squeeze %dma_wait3A_233 : memref<1x120xi32, #tpu.memory_space<vmem>> -> memref<120xi32, #tpu.memory_space<vmem>>
        %dma_wait3A_235 = arith.constant 0 : i32
        %dma_wait3A_236 = arith.constant 0 : i32
        %dma_wait3A_237 = tpu.memref_slice %arg11[%dma_wait3A_235, %dma_wait3A_236] : memref<10240x128xf32, #tpu.memory_space<vmem_shared>> -> memref<10240x128xf32, #tpu.memory_space<vmem_shared>>
        tpu.wait_indirect_dma semaphore(%run_scoped3A_225 : memref<!tpu.dma_semaphore, #tpu.memory_space<semaphore_mem>>) src(%arg9 : memref<120x128xf32, #tpu.memory_space<vmem>>) dst(%dma_wait3A_237 : memref<10240x128xf32, #tpu.memory_space<vmem_shared>>)
        tpu.yield
      }) : () -> ()
      %add3A_195 = arith.constant 3 : i32
      %add3A_196 = arith.addi %add3A_180, %add3A_195 : i32
      %lt3A_197 = arith.cmpi slt, %add3A_196, %select_n3A : i32
      %convert_element_type3A_198 = arith.extui %lt3A_197 : i1 to i32
      %cond3A_199 = arith.constant 0 : i32
      %cond3A_200 = arith.cmpi ne, %convert_element_type3A_198, %cond3A_199 : i32
      scf.if %cond3A_200 {
        %add3A_225 = arith.addi %select_n3A_33, %add3A_180 : i32
        %add3A_226 = arith.constant 3 : i32
        %add3A_227 = arith.addi %add3A_225, %add3A_226 : i32
        %dma_start3A_228 = arith.constant 0 : i32
        %dma_start3A_229 = arith.constant 0 : i32
        %dma_start3A_230 = tpu.memref_slice %arg3[%add3A_227, %dma_start3A_228, %dma_start3A_229] : memref<2688x2x120xi32, #tpu.memory_space<hbm>> -> memref<1x2x120xi32, #tpu.memory_space<hbm>>
        %dma_start3A_231 = tpu.memref_squeeze %dma_start3A_230 : memref<1x2x120xi32, #tpu.memory_space<hbm>> -> memref<2x120xi32, #tpu.memory_space<hbm>>
        %dma_start3A_232 = arith.constant 0 : i32
        %dma_start3A_233 = arith.constant 0 : i32
        %dma_start3A_234 = tpu.memref_slice %arg3[%add3A_227, %dma_start3A_232, %dma_start3A_233] : memref<2688x2x120xi32, #tpu.memory_space<hbm>> -> memref<1x2x120xi32, #tpu.memory_space<hbm>>
        %dma_start3A_235 = tpu.memref_squeeze %dma_start3A_234 : memref<1x2x120xi32, #tpu.memory_space<hbm>> -> memref<2x120xi32, #tpu.memory_space<hbm>>
        tpu.enqueue_dma source(%dma_start3A_235 : memref<2x120xi32, #tpu.memory_space<hbm>>) target(%arg7 : memref<2x120xi32, #tpu.memory_space<vmem>>) target_semaphore(%arg13 : memref<!tpu.dma_semaphore, #tpu.memory_space<semaphore_mem>>)
      } else {
      }
      %mul3A_201 = arith.constant 6 : i32
      %mul3A_202 = arith.muli %while3A_83, %mul3A_201 : i32
      %add3A_203 = arith.constant 5 : i32
      %add3A_204 = arith.addi %mul3A_202, %add3A_203 : i32
      %add3A_205 = arith.constant 1 : i32
      %add3A_206 = arith.addi %add3A_204, %add3A_205 : i32
      %lt3A_207 = arith.cmpi slt, %add3A_206, %select_n3A : i32
      %convert_element_type3A_208 = arith.extui %lt3A_207 : i1 to i32
      %cond3A_209 = arith.constant 0 : i32
      %cond3A_210 = arith.cmpi ne, %convert_element_type3A_208, %cond3A_209 : i32
      scf.if %cond3A_210 {
        %add3A_225 = arith.addi %select_n3A_33, %add3A_204 : i32
        %add3A_226 = arith.constant 1 : i32
        %add3A_227 = arith.addi %add3A_225, %add3A_226 : i32
        %dma_wait3A_228 = arith.constant 0 : i32
        %dma_wait3A_229 = arith.constant 0 : i32
        %dma_wait3A_230 = tpu.memref_slice %arg3[%add3A_227, %dma_wait3A_228, %dma_wait3A_229] : memref<2688x2x120xi32, #tpu.memory_space<hbm>> -> memref<1x2x120xi32, #tpu.memory_space<hbm>>
        %dma_wait3A_231 = tpu.memref_squeeze %dma_wait3A_230 : memref<1x2x120xi32, #tpu.memory_space<hbm>> -> memref<2x120xi32, #tpu.memory_space<hbm>>
        %dma_wait3A_232 = arith.constant 0 : i32
        %dma_wait3A_233 = arith.constant 0 : i32
        %dma_wait3A_234 = tpu.memref_slice %arg3[%add3A_227, %dma_wait3A_232, %dma_wait3A_233] : memref<2688x2x120xi32, #tpu.memory_space<hbm>> -> memref<1x2x120xi32, #tpu.memory_space<hbm>>
        %dma_wait3A_235 = tpu.memref_squeeze %dma_wait3A_234 : memref<1x2x120xi32, #tpu.memory_space<hbm>> -> memref<2x120xi32, #tpu.memory_space<hbm>>
        tpu.wait_dma2 semaphore(%arg12 : memref<!tpu.dma_semaphore, #tpu.memory_space<semaphore_mem>>) src(%dma_wait3A_235 : memref<2x120xi32, #tpu.memory_space<hbm>>) dst(%arg6 : memref<2x120xi32, #tpu.memory_space<vmem>>)
        %dma_start3A_236 = arith.constant 0 : i32
        %dma_start3A_237 = arith.constant 0 : i32
        %dma_start3A_238 = tpu.memref_slice %arg6[%dma_start3A_236, %dma_start3A_237] : memref<2x120xi32, #tpu.memory_space<vmem>> -> memref<1x120xi32, #tpu.memory_space<vmem>>
        %dma_start3A_239 = tpu.memref_squeeze %dma_start3A_238 : memref<1x120xi32, #tpu.memory_space<vmem>> -> memref<120xi32, #tpu.memory_space<vmem>>
        %dma_start3A_240 = arith.constant 0 : i32
        %dma_start3A_241 = arith.constant 0 : i32
        %dma_start3A_242 = tpu.memref_slice %arg2[%dma_start3A_240, %dma_start3A_241] : memref<10000x128xf32, #tpu.memory_space<hbm>> -> memref<10000x128xf32, #tpu.memory_space<hbm>>
        tpu.enqueue_indirect_dma source(%dma_start3A_242 : memref<10000x128xf32, #tpu.memory_space<hbm>>) target(%arg9 : memref<120x128xf32, #tpu.memory_space<vmem>>) offsets(%dma_start3A_239 : memref<120xi32, #tpu.memory_space<vmem>>) semaphore(%arg15 : memref<!tpu.dma_semaphore, #tpu.memory_space<semaphore_mem>>)
      } else {
      }
      %dma_wait3A_211 = arith.constant 0 : i32
      %dma_wait3A_212 = arith.constant 0 : i32
      %dma_wait3A_213 = tpu.memref_slice %arg8[%dma_wait3A_211, %dma_wait3A_212] : memref<2x120xi32, #tpu.memory_space<vmem>> -> memref<1x120xi32, #tpu.memory_space<vmem>>
      %dma_wait3A_214 = tpu.memref_squeeze %dma_wait3A_213 : memref<1x120xi32, #tpu.memory_space<vmem>> -> memref<120xi32, #tpu.memory_space<vmem>>
      %dma_wait3A_215 = arith.constant 0 : i32
      %dma_wait3A_216 = arith.constant 0 : i32
      %dma_wait3A_217 = tpu.memref_slice %arg2[%dma_wait3A_215, %dma_wait3A_216] : memref<10000x128xf32, #tpu.memory_space<hbm>> -> memref<10000x128xf32, #tpu.memory_space<hbm>>
      tpu.wait_indirect_dma semaphore(%arg16 : memref<!tpu.dma_semaphore, #tpu.memory_space<semaphore_mem>>) src(%dma_wait3A_217 : memref<10000x128xf32, #tpu.memory_space<hbm>>) dst(%arg10 : memref<120x128xf32, #tpu.memory_space<vmem>>)
      %run_scoped3A_218 = arith.constant 1 : i32
      "tpu.region"() ({
        %run_scoped3A_225 = tpu.sem_alloc : memref<!tpu.dma_semaphore, #tpu.memory_space<semaphore_mem>>
        %dma_start3A_226 = arith.constant 0 : i32
        %dma_start3A_227 = tpu.memref_slice %arg8[%run_scoped3A_218, %dma_start3A_226] : memref<2x120xi32, #tpu.memory_space<vmem>> -> memref<1x120xi32, #tpu.memory_space<vmem>>
        %dma_start3A_228 = tpu.memref_squeeze %dma_start3A_227 : memref<1x120xi32, #tpu.memory_space<vmem>> -> memref<120xi32, #tpu.memory_space<vmem>>
        %dma_start3A_229 = arith.constant 0 : i32
        %dma_start3A_230 = arith.constant 0 : i32
        %dma_start3A_231 = tpu.memref_slice %arg11[%dma_start3A_229, %dma_start3A_230] : memref<10240x128xf32, #tpu.memory_space<vmem_shared>> -> memref<10240x128xf32, #tpu.memory_space<vmem_shared>>
        tpu.enqueue_indirect_dma source(%arg10 : memref<120x128xf32, #tpu.memory_space<vmem>>) target(%dma_start3A_231 : memref<10240x128xf32, #tpu.memory_space<vmem_shared>>) offsets(%dma_start3A_228 : memref<120xi32, #tpu.memory_space<vmem>>) semaphore(%run_scoped3A_225 : memref<!tpu.dma_semaphore, #tpu.memory_space<semaphore_mem>>) {add = true}
        %dma_wait3A_232 = arith.constant 0 : i32
        %dma_wait3A_233 = tpu.memref_slice %arg8[%run_scoped3A_218, %dma_wait3A_232] : memref<2x120xi32, #tpu.memory_space<vmem>> -> memref<1x120xi32, #tpu.memory_space<vmem>>
        %dma_wait3A_234 = tpu.memref_squeeze %dma_wait3A_233 : memref<1x120xi32, #tpu.memory_space<vmem>> -> memref<120xi32, #tpu.memory_space<vmem>>
        %dma_wait3A_235 = arith.constant 0 : i32
        %dma_wait3A_236 = arith.constant 0 : i32
        %dma_wait3A_237 = tpu.memref_slice %arg11[%dma_wait3A_235, %dma_wait3A_236] : memref<10240x128xf32, #tpu.memory_space<vmem_shared>> -> memref<10240x128xf32, #tpu.memory_space<vmem_shared>>
        tpu.wait_indirect_dma semaphore(%run_scoped3A_225 : memref<!tpu.dma_semaphore, #tpu.memory_space<semaphore_mem>>) src(%arg10 : memref<120x128xf32, #tpu.memory_space<vmem>>) dst(%dma_wait3A_237 : memref<10240x128xf32, #tpu.memory_space<vmem_shared>>)
        tpu.yield
      }) : () -> ()
      %add3A_219 = arith.constant 3 : i32
      %add3A_220 = arith.addi %add3A_204, %add3A_219 : i32
      %lt3A_221 = arith.cmpi slt, %add3A_220, %select_n3A : i32
      %convert_element_type3A_222 = arith.extui %lt3A_221 : i1 to i32
      %cond3A_223 = arith.constant 0 : i32
      %cond3A_224 = arith.cmpi ne, %convert_element_type3A_222, %cond3A_223 : i32
      scf.if %cond3A_224 {
        %add3A_225 = arith.addi %select_n3A_33, %add3A_204 : i32
        %add3A_226 = arith.constant 3 : i32
        %add3A_227 = arith.addi %add3A_225, %add3A_226 : i32
        %dma_start3A_228 = arith.constant 0 : i32
        %dma_start3A_229 = arith.constant 0 : i32
        %dma_start3A_230 = tpu.memref_slice %arg3[%add3A_227, %dma_start3A_228, %dma_start3A_229] : memref<2688x2x120xi32, #tpu.memory_space<hbm>> -> memref<1x2x120xi32, #tpu.memory_space<hbm>>
        %dma_start3A_231 = tpu.memref_squeeze %dma_start3A_230 : memref<1x2x120xi32, #tpu.memory_space<hbm>> -> memref<2x120xi32, #tpu.memory_space<hbm>>
        %dma_start3A_232 = arith.constant 0 : i32
        %dma_start3A_233 = arith.constant 0 : i32
        %dma_start3A_234 = tpu.memref_slice %arg3[%add3A_227, %dma_start3A_232, %dma_start3A_233] : memref<2688x2x120xi32, #tpu.memory_space<hbm>> -> memref<1x2x120xi32, #tpu.memory_space<hbm>>
        %dma_start3A_235 = tpu.memref_squeeze %dma_start3A_234 : memref<1x2x120xi32, #tpu.memory_space<hbm>> -> memref<2x120xi32, #tpu.memory_space<hbm>>
        tpu.enqueue_dma source(%dma_start3A_235 : memref<2x120xi32, #tpu.memory_space<hbm>>) target(%arg8 : memref<2x120xi32, #tpu.memory_space<vmem>>) target_semaphore(%arg14 : memref<!tpu.dma_semaphore, #tpu.memory_space<semaphore_mem>>)
      } else {
      }
    }
    %while3A_74 = arith.constant 1 : i32
    scf.for %while3A_83 = %while3A_72 to %while3A_68 step %while3A_74  : i32 {
      %mul3A_84 = arith.constant 6 : i32
      %mul3A_85 = arith.muli %while3A_83, %mul3A_84 : i32
      %add3A_86 = arith.constant 0 : i32
      %add3A_87 = arith.addi %mul3A_85, %add3A_86 : i32
      %add3A_88 = arith.constant 1 : i32
      %add3A_89 = arith.addi %add3A_87, %add3A_88 : i32
      %lt3A = arith.cmpi slt, %add3A_89, %select_n3A : i32
      %convert_element_type3A_90 = arith.extui %lt3A : i1 to i32
      %cond3A_91 = arith.constant 0 : i32
      %cond3A_92 = arith.cmpi ne, %convert_element_type3A_90, %cond3A_91 : i32
      scf.if %cond3A_92 {
        %add3A_225 = arith.addi %select_n3A_33, %add3A_87 : i32
        %add3A_226 = arith.constant 1 : i32
        %add3A_227 = arith.addi %add3A_225, %add3A_226 : i32
        %dma_wait3A_228 = arith.constant 0 : i32
        %dma_wait3A_229 = arith.constant 0 : i32
        %dma_wait3A_230 = tpu.memref_slice %arg3[%add3A_227, %dma_wait3A_228, %dma_wait3A_229] : memref<2688x2x120xi32, #tpu.memory_space<hbm>> -> memref<1x2x120xi32, #tpu.memory_space<hbm>>
        %dma_wait3A_231 = tpu.memref_squeeze %dma_wait3A_230 : memref<1x2x120xi32, #tpu.memory_space<hbm>> -> memref<2x120xi32, #tpu.memory_space<hbm>>
        %dma_wait3A_232 = arith.constant 0 : i32
        %dma_wait3A_233 = arith.constant 0 : i32
        %dma_wait3A_234 = tpu.memref_slice %arg3[%add3A_227, %dma_wait3A_232, %dma_wait3A_233] : memref<2688x2x120xi32, #tpu.memory_space<hbm>> -> memref<1x2x120xi32, #tpu.memory_space<hbm>>
        %dma_wait3A_235 = tpu.memref_squeeze %dma_wait3A_234 : memref<1x2x120xi32, #tpu.memory_space<hbm>> -> memref<2x120xi32, #tpu.memory_space<hbm>>
        tpu.wait_dma2 semaphore(%arg13 : memref<!tpu.dma_semaphore, #tpu.memory_space<semaphore_mem>>) src(%dma_wait3A_235 : memref<2x120xi32, #tpu.memory_space<hbm>>) dst(%arg7 : memref<2x120xi32, #tpu.memory_space<vmem>>)
        %dma_start3A_236 = arith.constant 0 : i32
        %dma_start3A_237 = arith.constant 0 : i32
        %dma_start3A_238 = tpu.memref_slice %arg7[%dma_start3A_236, %dma_start3A_237] : memref<2x120xi32, #tpu.memory_space<vmem>> -> memref<1x120xi32, #tpu.memory_space<vmem>>
        %dma_start3A_239 = tpu.memref_squeeze %dma_start3A_238 : memref<1x120xi32, #tpu.memory_space<vmem>> -> memref<120xi32, #tpu.memory_space<vmem>>
        %dma_start3A_240 = arith.constant 0 : i32
        %dma_start3A_241 = arith.constant 0 : i32
        %dma_start3A_242 = tpu.memref_slice %arg2[%dma_start3A_240, %dma_start3A_241] : memref<10000x128xf32, #tpu.memory_space<hbm>> -> memref<10000x128xf32, #tpu.memory_space<hbm>>
        tpu.enqueue_indirect_dma source(%dma_start3A_242 : memref<10000x128xf32, #tpu.memory_space<hbm>>) target(%arg10 : memref<120x128xf32, #tpu.memory_space<vmem>>) offsets(%dma_start3A_239 : memref<120xi32, #tpu.memory_space<vmem>>) semaphore(%arg16 : memref<!tpu.dma_semaphore, #tpu.memory_space<semaphore_mem>>)
      } else {
      }
      %dma_wait3A = arith.constant 0 : i32
      %dma_wait3A_93 = arith.constant 0 : i32
      %dma_wait3A_94 = tpu.memref_slice %arg6[%dma_wait3A, %dma_wait3A_93] : memref<2x120xi32, #tpu.memory_space<vmem>> -> memref<1x120xi32, #tpu.memory_space<vmem>>
      %dma_wait3A_95 = tpu.memref_squeeze %dma_wait3A_94 : memref<1x120xi32, #tpu.memory_space<vmem>> -> memref<120xi32, #tpu.memory_space<vmem>>
      %dma_wait3A_96 = arith.constant 0 : i32
      %dma_wait3A_97 = arith.constant 0 : i32
      %dma_wait3A_98 = tpu.memref_slice %arg2[%dma_wait3A_96, %dma_wait3A_97] : memref<10000x128xf32, #tpu.memory_space<hbm>> -> memref<10000x128xf32, #tpu.memory_space<hbm>>
      tpu.wait_indirect_dma semaphore(%arg15 : memref<!tpu.dma_semaphore, #tpu.memory_space<semaphore_mem>>) src(%dma_wait3A_98 : memref<10000x128xf32, #tpu.memory_space<hbm>>) dst(%arg9 : memref<120x128xf32, #tpu.memory_space<vmem>>)
      %run_scoped3A = arith.constant 1 : i32
      "tpu.region"() ({
        %run_scoped3A_225 = tpu.sem_alloc : memref<!tpu.dma_semaphore, #tpu.memory_space<semaphore_mem>>
        %dma_start3A_226 = arith.constant 0 : i32
        %dma_start3A_227 = tpu.memref_slice %arg6[%run_scoped3A, %dma_start3A_226] : memref<2x120xi32, #tpu.memory_space<vmem>> -> memref<1x120xi32, #tpu.memory_space<vmem>>
        %dma_start3A_228 = tpu.memref_squeeze %dma_start3A_227 : memref<1x120xi32, #tpu.memory_space<vmem>> -> memref<120xi32, #tpu.memory_space<vmem>>
        %dma_start3A_229 = arith.constant 0 : i32
        %dma_start3A_230 = arith.constant 0 : i32
        %dma_start3A_231 = tpu.memref_slice %arg11[%dma_start3A_229, %dma_start3A_230] : memref<10240x128xf32, #tpu.memory_space<vmem_shared>> -> memref<10240x128xf32, #tpu.memory_space<vmem_shared>>
        tpu.enqueue_indirect_dma source(%arg9 : memref<120x128xf32, #tpu.memory_space<vmem>>) target(%dma_start3A_231 : memref<10240x128xf32, #tpu.memory_space<vmem_shared>>) offsets(%dma_start3A_228 : memref<120xi32, #tpu.memory_space<vmem>>) semaphore(%run_scoped3A_225 : memref<!tpu.dma_semaphore, #tpu.memory_space<semaphore_mem>>) {add = true}
        %dma_wait3A_232 = arith.constant 0 : i32
        %dma_wait3A_233 = tpu.memref_slice %arg6[%run_scoped3A, %dma_wait3A_232] : memref<2x120xi32, #tpu.memory_space<vmem>> -> memref<1x120xi32, #tpu.memory_space<vmem>>
        %dma_wait3A_234 = tpu.memref_squeeze %dma_wait3A_233 : memref<1x120xi32, #tpu.memory_space<vmem>> -> memref<120xi32, #tpu.memory_space<vmem>>
        %dma_wait3A_235 = arith.constant 0 : i32
        %dma_wait3A_236 = arith.constant 0 : i32
        %dma_wait3A_237 = tpu.memref_slice %arg11[%dma_wait3A_235, %dma_wait3A_236] : memref<10240x128xf32, #tpu.memory_space<vmem_shared>> -> memref<10240x128xf32, #tpu.memory_space<vmem_shared>>
        tpu.wait_indirect_dma semaphore(%run_scoped3A_225 : memref<!tpu.dma_semaphore, #tpu.memory_space<semaphore_mem>>) src(%arg9 : memref<120x128xf32, #tpu.memory_space<vmem>>) dst(%dma_wait3A_237 : memref<10240x128xf32, #tpu.memory_space<vmem_shared>>)
        tpu.yield
      }) : () -> ()
      %add3A_99 = arith.constant 3 : i32
      %add3A_100 = arith.addi %add3A_87, %add3A_99 : i32
      %lt3A_101 = arith.cmpi slt, %add3A_100, %select_n3A : i32
      %convert_element_type3A_102 = arith.extui %lt3A_101 : i1 to i32
      %cond3A_103 = arith.constant 0 : i32
      %cond3A_104 = arith.cmpi ne, %convert_element_type3A_102, %cond3A_103 : i32
      scf.if %cond3A_104 {
        %add3A_225 = arith.addi %select_n3A_33, %add3A_87 : i32
        %add3A_226 = arith.constant 3 : i32
        %add3A_227 = arith.addi %add3A_225, %add3A_226 : i32
        %dma_start3A_228 = arith.constant 0 : i32
        %dma_start3A_229 = arith.constant 0 : i32
        %dma_start3A_230 = tpu.memref_slice %arg3[%add3A_227, %dma_start3A_228, %dma_start3A_229] : memref<2688x2x120xi32, #tpu.memory_space<hbm>> -> memref<1x2x120xi32, #tpu.memory_space<hbm>>
        %dma_start3A_231 = tpu.memref_squeeze %dma_start3A_230 : memref<1x2x120xi32, #tpu.memory_space<hbm>> -> memref<2x120xi32, #tpu.memory_space<hbm>>
        %dma_start3A_232 = arith.constant 0 : i32
        %dma_start3A_233 = arith.constant 0 : i32
        %dma_start3A_234 = tpu.memref_slice %arg3[%add3A_227, %dma_start3A_232, %dma_start3A_233] : memref<2688x2x120xi32, #tpu.memory_space<hbm>> -> memref<1x2x120xi32, #tpu.memory_space<hbm>>
        %dma_start3A_235 = tpu.memref_squeeze %dma_start3A_234 : memref<1x2x120xi32, #tpu.memory_space<hbm>> -> memref<2x120xi32, #tpu.memory_space<hbm>>
        tpu.enqueue_dma source(%dma_start3A_235 : memref<2x120xi32, #tpu.memory_space<hbm>>) target(%arg6 : memref<2x120xi32, #tpu.memory_space<vmem>>) target_semaphore(%arg12 : memref<!tpu.dma_semaphore, #tpu.memory_space<semaphore_mem>>)
      } else {
      }
      %mul3A_105 = arith.constant 6 : i32
      %mul3A_106 = arith.muli %while3A_83, %mul3A_105 : i32
      %add3A_107 = arith.constant 1 : i32
      %add3A_108 = arith.addi %mul3A_106, %add3A_107 : i32
      %add3A_109 = arith.constant 1 : i32
      %add3A_110 = arith.addi %add3A_108, %add3A_109 : i32
      %lt3A_111 = arith.cmpi slt, %add3A_110, %select_n3A : i32
      %convert_element_type3A_112 = arith.extui %lt3A_111 : i1 to i32
      %cond3A_113 = arith.constant 0 : i32
      %cond3A_114 = arith.cmpi ne, %convert_element_type3A_112, %cond3A_113 : i32
      scf.if %cond3A_114 {
        %add3A_225 = arith.addi %select_n3A_33, %add3A_108 : i32
        %add3A_226 = arith.constant 1 : i32
        %add3A_227 = arith.addi %add3A_225, %add3A_226 : i32
        %dma_wait3A_228 = arith.constant 0 : i32
        %dma_wait3A_229 = arith.constant 0 : i32
        %dma_wait3A_230 = tpu.memref_slice %arg3[%add3A_227, %dma_wait3A_228, %dma_wait3A_229] : memref<2688x2x120xi32, #tpu.memory_space<hbm>> -> memref<1x2x120xi32, #tpu.memory_space<hbm>>
        %dma_wait3A_231 = tpu.memref_squeeze %dma_wait3A_230 : memref<1x2x120xi32, #tpu.memory_space<hbm>> -> memref<2x120xi32, #tpu.memory_space<hbm>>
        %dma_wait3A_232 = arith.constant 0 : i32
        %dma_wait3A_233 = arith.constant 0 : i32
        %dma_wait3A_234 = tpu.memref_slice %arg3[%add3A_227, %dma_wait3A_232, %dma_wait3A_233] : memref<2688x2x120xi32, #tpu.memory_space<hbm>> -> memref<1x2x120xi32, #tpu.memory_space<hbm>>
        %dma_wait3A_235 = tpu.memref_squeeze %dma_wait3A_234 : memref<1x2x120xi32, #tpu.memory_space<hbm>> -> memref<2x120xi32, #tpu.memory_space<hbm>>
        tpu.wait_dma2 semaphore(%arg14 : memref<!tpu.dma_semaphore, #tpu.memory_space<semaphore_mem>>) src(%dma_wait3A_235 : memref<2x120xi32, #tpu.memory_space<hbm>>) dst(%arg8 : memref<2x120xi32, #tpu.memory_space<vmem>>)
        %dma_start3A_236 = arith.constant 0 : i32
        %dma_start3A_237 = arith.constant 0 : i32
        %dma_start3A_238 = tpu.memref_slice %arg8[%dma_start3A_236, %dma_start3A_237] : memref<2x120xi32, #tpu.memory_space<vmem>> -> memref<1x120xi32, #tpu.memory_space<vmem>>
        %dma_start3A_239 = tpu.memref_squeeze %dma_start3A_238 : memref<1x120xi32, #tpu.memory_space<vmem>> -> memref<120xi32, #tpu.memory_space<vmem>>
        %dma_start3A_240 = arith.constant 0 : i32
        %dma_start3A_241 = arith.constant 0 : i32
        %dma_start3A_242 = tpu.memref_slice %arg2[%dma_start3A_240, %dma_start3A_241] : memref<10000x128xf32, #tpu.memory_space<hbm>> -> memref<10000x128xf32, #tpu.memory_space<hbm>>
        tpu.enqueue_indirect_dma source(%dma_start3A_242 : memref<10000x128xf32, #tpu.memory_space<hbm>>) target(%arg9 : memref<120x128xf32, #tpu.memory_space<vmem>>) offsets(%dma_start3A_239 : memref<120xi32, #tpu.memory_space<vmem>>) semaphore(%arg15 : memref<!tpu.dma_semaphore, #tpu.memory_space<semaphore_mem>>)
      } else {
      }
      %dma_wait3A_115 = arith.constant 0 : i32
      %dma_wait3A_116 = arith.constant 0 : i32
      %dma_wait3A_117 = tpu.memref_slice %arg7[%dma_wait3A_115, %dma_wait3A_116] : memref<2x120xi32, #tpu.memory_space<vmem>> -> memref<1x120xi32, #tpu.memory_space<vmem>>
      %dma_wait3A_118 = tpu.memref_squeeze %dma_wait3A_117 : memref<1x120xi32, #tpu.memory_space<vmem>> -> memref<120xi32, #tpu.memory_space<vmem>>
      %dma_wait3A_119 = arith.constant 0 : i32
      %dma_wait3A_120 = arith.constant 0 : i32
      %dma_wait3A_121 = tpu.memref_slice %arg2[%dma_wait3A_119, %dma_wait3A_120] : memref<10000x128xf32, #tpu.memory_space<hbm>> -> memref<10000x128xf32, #tpu.memory_space<hbm>>
      tpu.wait_indirect_dma semaphore(%arg16 : memref<!tpu.dma_semaphore, #tpu.memory_space<semaphore_mem>>) src(%dma_wait3A_121 : memref<10000x128xf32, #tpu.memory_space<hbm>>) dst(%arg10 : memref<120x128xf32, #tpu.memory_space<vmem>>)
      %run_scoped3A_122 = arith.constant 1 : i32
      "tpu.region"() ({
        %run_scoped3A_225 = tpu.sem_alloc : memref<!tpu.dma_semaphore, #tpu.memory_space<semaphore_mem>>
        %dma_start3A_226 = arith.constant 0 : i32
        %dma_start3A_227 = tpu.memref_slice %arg7[%run_scoped3A_122, %dma_start3A_226] : memref<2x120xi32, #tpu.memory_space<vmem>> -> memref<1x120xi32, #tpu.memory_space<vmem>>
        %dma_start3A_228 = tpu.memref_squeeze %dma_start3A_227 : memref<1x120xi32, #tpu.memory_space<vmem>> -> memref<120xi32, #tpu.memory_space<vmem>>
        %dma_start3A_229 = arith.constant 0 : i32
        %dma_start3A_230 = arith.constant 0 : i32
        %dma_start3A_231 = tpu.memref_slice %arg11[%dma_start3A_229, %dma_start3A_230] : memref<10240x128xf32, #tpu.memory_space<vmem_shared>> -> memref<10240x128xf32, #tpu.memory_space<vmem_shared>>
        tpu.enqueue_indirect_dma source(%arg10 : memref<120x128xf32, #tpu.memory_space<vmem>>) target(%dma_start3A_231 : memref<10240x128xf32, #tpu.memory_space<vmem_shared>>) offsets(%dma_start3A_228 : memref<120xi32, #tpu.memory_space<vmem>>) semaphore(%run_scoped3A_225 : memref<!tpu.dma_semaphore, #tpu.memory_space<semaphore_mem>>) {add = true}
        %dma_wait3A_232 = arith.constant 0 : i32
        %dma_wait3A_233 = tpu.memref_slice %arg7[%run_scoped3A_122, %dma_wait3A_232] : memref<2x120xi32, #tpu.memory_space<vmem>> -> memref<1x120xi32, #tpu.memory_space<vmem>>
        %dma_wait3A_234 = tpu.memref_squeeze %dma_wait3A_233 : memref<1x120xi32, #tpu.memory_space<vmem>> -> memref<120xi32, #tpu.memory_space<vmem>>
        %dma_wait3A_235 = arith.constant 0 : i32
        %dma_wait3A_236 = arith.constant 0 : i32
        %dma_wait3A_237 = tpu.memref_slice %arg11[%dma_wait3A_235, %dma_wait3A_236] : memref<10240x128xf32, #tpu.memory_space<vmem_shared>> -> memref<10240x128xf32, #tpu.memory_space<vmem_shared>>
        tpu.wait_indirect_dma semaphore(%run_scoped3A_225 : memref<!tpu.dma_semaphore, #tpu.memory_space<semaphore_mem>>) src(%arg10 : memref<120x128xf32, #tpu.memory_space<vmem>>) dst(%dma_wait3A_237 : memref<10240x128xf32, #tpu.memory_space<vmem_shared>>)
        tpu.yield
      }) : () -> ()
      %add3A_123 = arith.constant 3 : i32
      %add3A_124 = arith.addi %add3A_108, %add3A_123 : i32
      %lt3A_125 = arith.cmpi slt, %add3A_124, %select_n3A : i32
      %convert_element_type3A_126 = arith.extui %lt3A_125 : i1 to i32
      %cond3A_127 = arith.constant 0 : i32
      %cond3A_128 = arith.cmpi ne, %convert_element_type3A_126, %cond3A_127 : i32
      scf.if %cond3A_128 {
        %add3A_225 = arith.addi %select_n3A_33, %add3A_108 : i32
        %add3A_226 = arith.constant 3 : i32
        %add3A_227 = arith.addi %add3A_225, %add3A_226 : i32
        %dma_start3A_228 = arith.constant 0 : i32
        %dma_start3A_229 = arith.constant 0 : i32
        %dma_start3A_230 = tpu.memref_slice %arg3[%add3A_227, %dma_start3A_228, %dma_start3A_229] : memref<2688x2x120xi32, #tpu.memory_space<hbm>> -> memref<1x2x120xi32, #tpu.memory_space<hbm>>
        %dma_start3A_231 = tpu.memref_squeeze %dma_start3A_230 : memref<1x2x120xi32, #tpu.memory_space<hbm>> -> memref<2x120xi32, #tpu.memory_space<hbm>>
        %dma_start3A_232 = arith.constant 0 : i32
        %dma_start3A_233 = arith.constant 0 : i32
        %dma_start3A_234 = tpu.memref_slice %arg3[%add3A_227, %dma_start3A_232, %dma_start3A_233] : memref<2688x2x120xi32, #tpu.memory_space<hbm>> -> memref<1x2x120xi32, #tpu.memory_space<hbm>>
        %dma_start3A_235 = tpu.memref_squeeze %dma_start3A_234 : memref<1x2x120xi32, #tpu.memory_space<hbm>> -> memref<2x120xi32, #tpu.memory_space<hbm>>
        tpu.enqueue_dma source(%dma_start3A_235 : memref<2x120xi32, #tpu.memory_space<hbm>>) target(%arg7 : memref<2x120xi32, #tpu.memory_space<vmem>>) target_semaphore(%arg13 : memref<!tpu.dma_semaphore, #tpu.memory_space<semaphore_mem>>)
      } else {
      }
      %mul3A_129 = arith.constant 6 : i32
      %mul3A_130 = arith.muli %while3A_83, %mul3A_129 : i32
      %add3A_131 = arith.constant 2 : i32
      %add3A_132 = arith.addi %mul3A_130, %add3A_131 : i32
      %add3A_133 = arith.constant 1 : i32
      %add3A_134 = arith.addi %add3A_132, %add3A_133 : i32
      %lt3A_135 = arith.cmpi slt, %add3A_134, %select_n3A : i32
      %convert_element_type3A_136 = arith.extui %lt3A_135 : i1 to i32
      %cond3A_137 = arith.constant 0 : i32
      %cond3A_138 = arith.cmpi ne, %convert_element_type3A_136, %cond3A_137 : i32
      scf.if %cond3A_138 {
        %add3A_225 = arith.addi %select_n3A_33, %add3A_132 : i32
        %add3A_226 = arith.constant 1 : i32
        %add3A_227 = arith.addi %add3A_225, %add3A_226 : i32
        %dma_wait3A_228 = arith.constant 0 : i32
        %dma_wait3A_229 = arith.constant 0 : i32
        %dma_wait3A_230 = tpu.memref_slice %arg3[%add3A_227, %dma_wait3A_228, %dma_wait3A_229] : memref<2688x2x120xi32, #tpu.memory_space<hbm>> -> memref<1x2x120xi32, #tpu.memory_space<hbm>>
        %dma_wait3A_231 = tpu.memref_squeeze %dma_wait3A_230 : memref<1x2x120xi32, #tpu.memory_space<hbm>> -> memref<2x120xi32, #tpu.memory_space<hbm>>
        %dma_wait3A_232 = arith.constant 0 : i32
        %dma_wait3A_233 = arith.constant 0 : i32
        %dma_wait3A_234 = tpu.memref_slice %arg3[%add3A_227, %dma_wait3A_232, %dma_wait3A_233] : memref<2688x2x120xi32, #tpu.memory_space<hbm>> -> memref<1x2x120xi32, #tpu.memory_space<hbm>>
        %dma_wait3A_235 = tpu.memref_squeeze %dma_wait3A_234 : memref<1x2x120xi32, #tpu.memory_space<hbm>> -> memref<2x120xi32, #tpu.memory_space<hbm>>
        tpu.wait_dma2 semaphore(%arg12 : memref<!tpu.dma_semaphore, #tpu.memory_space<semaphore_mem>>) src(%dma_wait3A_235 : memref<2x120xi32, #tpu.memory_space<hbm>>) dst(%arg6 : memref<2x120xi32, #tpu.memory_space<vmem>>)
        %dma_start3A_236 = arith.constant 0 : i32
        %dma_start3A_237 = arith.constant 0 : i32
        %dma_start3A_238 = tpu.memref_slice %arg6[%dma_start3A_236, %dma_start3A_237] : memref<2x120xi32, #tpu.memory_space<vmem>> -> memref<1x120xi32, #tpu.memory_space<vmem>>
        %dma_start3A_239 = tpu.memref_squeeze %dma_start3A_238 : memref<1x120xi32, #tpu.memory_space<vmem>> -> memref<120xi32, #tpu.memory_space<vmem>>
        %dma_start3A_240 = arith.constant 0 : i32
        %dma_start3A_241 = arith.constant 0 : i32
        %dma_start3A_242 = tpu.memref_slice %arg2[%dma_start3A_240, %dma_start3A_241] : memref<10000x128xf32, #tpu.memory_space<hbm>> -> memref<10000x128xf32, #tpu.memory_space<hbm>>
        tpu.enqueue_indirect_dma source(%dma_start3A_242 : memref<10000x128xf32, #tpu.memory_space<hbm>>) target(%arg10 : memref<120x128xf32, #tpu.memory_space<vmem>>) offsets(%dma_start3A_239 : memref<120xi32, #tpu.memory_space<vmem>>) semaphore(%arg16 : memref<!tpu.dma_semaphore, #tpu.memory_space<semaphore_mem>>)
      } else {
      }
      %dma_wait3A_139 = arith.constant 0 : i32
      %dma_wait3A_140 = arith.constant 0 : i32
      %dma_wait3A_141 = tpu.memref_slice %arg8[%dma_wait3A_139, %dma_wait3A_140] : memref<2x120xi32, #tpu.memory_space<vmem>> -> memref<1x120xi32, #tpu.memory_space<vmem>>
      %dma_wait3A_142 = tpu.memref_squeeze %dma_wait3A_141 : memref<1x120xi32, #tpu.memory_space<vmem>> -> memref<120xi32, #tpu.memory_space<vmem>>
      %dma_wait3A_143 = arith.constant 0 : i32
      %dma_wait3A_144 = arith.constant 0 : i32
      %dma_wait3A_145 = tpu.memref_slice %arg2[%dma_wait3A_143, %dma_wait3A_144] : memref<10000x128xf32, #tpu.memory_space<hbm>> -> memref<10000x128xf32, #tpu.memory_space<hbm>>
      tpu.wait_indirect_dma semaphore(%arg15 : memref<!tpu.dma_semaphore, #tpu.memory_space<semaphore_mem>>) src(%dma_wait3A_145 : memref<10000x128xf32, #tpu.memory_space<hbm>>) dst(%arg9 : memref<120x128xf32, #tpu.memory_space<vmem>>)
      %run_scoped3A_146 = arith.constant 1 : i32
      "tpu.region"() ({
        %run_scoped3A_225 = tpu.sem_alloc : memref<!tpu.dma_semaphore, #tpu.memory_space<semaphore_mem>>
        %dma_start3A_226 = arith.constant 0 : i32
        %dma_start3A_227 = tpu.memref_slice %arg8[%run_scoped3A_146, %dma_start3A_226] : memref<2x120xi32, #tpu.memory_space<vmem>> -> memref<1x120xi32, #tpu.memory_space<vmem>>
        %dma_start3A_228 = tpu.memref_squeeze %dma_start3A_227 : memref<1x120xi32, #tpu.memory_space<vmem>> -> memref<120xi32, #tpu.memory_space<vmem>>
        %dma_start3A_229 = arith.constant 0 : i32
        %dma_start3A_230 = arith.constant 0 : i32
        %dma_start3A_231 = tpu.memref_slice %arg11[%dma_start3A_229, %dma_start3A_230] : memref<10240x128xf32, #tpu.memory_space<vmem_shared>> -> memref<10240x128xf32, #tpu.memory_space<vmem_shared>>
        tpu.enqueue_indirect_dma source(%arg9 : memref<120x128xf32, #tpu.memory_space<vmem>>) target(%dma_start3A_231 : memref<10240x128xf32, #tpu.memory_space<vmem_shared>>) offsets(%dma_start3A_228 : memref<120xi32, #tpu.memory_space<vmem>>) semaphore(%run_scoped3A_225 : memref<!tpu.dma_semaphore, #tpu.memory_space<semaphore_mem>>) {add = true}
        %dma_wait3A_232 = arith.constant 0 : i32
        %dma_wait3A_233 = tpu.memref_slice %arg8[%run_scoped3A_146, %dma_wait3A_232] : memref<2x120xi32, #tpu.memory_space<vmem>> -> memref<1x120xi32, #tpu.memory_space<vmem>>
        %dma_wait3A_234 = tpu.memref_squeeze %dma_wait3A_233 : memref<1x120xi32, #tpu.memory_space<vmem>> -> memref<120xi32, #tpu.memory_space<vmem>>
        %dma_wait3A_235 = arith.constant 0 : i32
        %dma_wait3A_236 = arith.constant 0 : i32
        %dma_wait3A_237 = tpu.memref_slice %arg11[%dma_wait3A_235, %dma_wait3A_236] : memref<10240x128xf32, #tpu.memory_space<vmem_shared>> -> memref<10240x128xf32, #tpu.memory_space<vmem_shared>>
        tpu.wait_indirect_dma semaphore(%run_scoped3A_225 : memref<!tpu.dma_semaphore, #tpu.memory_space<semaphore_mem>>) src(%arg9 : memref<120x128xf32, #tpu.memory_space<vmem>>) dst(%dma_wait3A_237 : memref<10240x128xf32, #tpu.memory_space<vmem_shared>>)
        tpu.yield
      }) : () -> ()
      %add3A_147 = arith.constant 3 : i32
      %add3A_148 = arith.addi %add3A_132, %add3A_147 : i32
      %lt3A_149 = arith.cmpi slt, %add3A_148, %select_n3A : i32
      %convert_element_type3A_150 = arith.extui %lt3A_149 : i1 to i32
      %cond3A_151 = arith.constant 0 : i32
      %cond3A_152 = arith.cmpi ne, %convert_element_type3A_150, %cond3A_151 : i32
      scf.if %cond3A_152 {
        %add3A_225 = arith.addi %select_n3A_33, %add3A_132 : i32
        %add3A_226 = arith.constant 3 : i32
        %add3A_227 = arith.addi %add3A_225, %add3A_226 : i32
        %dma_start3A_228 = arith.constant 0 : i32
        %dma_start3A_229 = arith.constant 0 : i32
        %dma_start3A_230 = tpu.memref_slice %arg3[%add3A_227, %dma_start3A_228, %dma_start3A_229] : memref<2688x2x120xi32, #tpu.memory_space<hbm>> -> memref<1x2x120xi32, #tpu.memory_space<hbm>>
        %dma_start3A_231 = tpu.memref_squeeze %dma_start3A_230 : memref<1x2x120xi32, #tpu.memory_space<hbm>> -> memref<2x120xi32, #tpu.memory_space<hbm>>
        %dma_start3A_232 = arith.constant 0 : i32
        %dma_start3A_233 = arith.constant 0 : i32
        %dma_start3A_234 = tpu.memref_slice %arg3[%add3A_227, %dma_start3A_232, %dma_start3A_233] : memref<2688x2x120xi32, #tpu.memory_space<hbm>> -> memref<1x2x120xi32, #tpu.memory_space<hbm>>
        %dma_start3A_235 = tpu.memref_squeeze %dma_start3A_234 : memref<1x2x120xi32, #tpu.memory_space<hbm>> -> memref<2x120xi32, #tpu.memory_space<hbm>>
        tpu.enqueue_dma source(%dma_start3A_235 : memref<2x120xi32, #tpu.memory_space<hbm>>) target(%arg8 : memref<2x120xi32, #tpu.memory_space<vmem>>) target_semaphore(%arg14 : memref<!tpu.dma_semaphore, #tpu.memory_space<semaphore_mem>>)
      } else {
      }
      %mul3A_153 = arith.constant 6 : i32
      %mul3A_154 = arith.muli %while3A_83, %mul3A_153 : i32
      %add3A_155 = arith.constant 3 : i32
      %add3A_156 = arith.addi %mul3A_154, %add3A_155 : i32
      %add3A_157 = arith.constant 1 : i32
      %add3A_158 = arith.addi %add3A_156, %add3A_157 : i32
      %lt3A_159 = arith.cmpi slt, %add3A_158, %select_n3A : i32
      %convert_element_type3A_160 = arith.extui %lt3A_159 : i1 to i32
      %cond3A_161 = arith.constant 0 : i32
      %cond3A_162 = arith.cmpi ne, %convert_element_type3A_160, %cond3A_161 : i32
      scf.if %cond3A_162 {
        %add3A_225 = arith.addi %select_n3A_33, %add3A_156 : i32
        %add3A_226 = arith.constant 1 : i32
        %add3A_227 = arith.addi %add3A_225, %add3A_226 : i32
        %dma_wait3A_228 = arith.constant 0 : i32
        %dma_wait3A_229 = arith.constant 0 : i32
        %dma_wait3A_230 = tpu.memref_slice %arg3[%add3A_227, %dma_wait3A_228, %dma_wait3A_229] : memref<2688x2x120xi32, #tpu.memory_space<hbm>> -> memref<1x2x120xi32, #tpu.memory_space<hbm>>
        %dma_wait3A_231 = tpu.memref_squeeze %dma_wait3A_230 : memref<1x2x120xi32, #tpu.memory_space<hbm>> -> memref<2x120xi32, #tpu.memory_space<hbm>>
        %dma_wait3A_232 = arith.constant 0 : i32
        %dma_wait3A_233 = arith.constant 0 : i32
        %dma_wait3A_234 = tpu.memref_slice %arg3[%add3A_227, %dma_wait3A_232, %dma_wait3A_233] : memref<2688x2x120xi32, #tpu.memory_space<hbm>> -> memref<1x2x120xi32, #tpu.memory_space<hbm>>
        %dma_wait3A_235 = tpu.memref_squeeze %dma_wait3A_234 : memref<1x2x120xi32, #tpu.memory_space<hbm>> -> memref<2x120xi32, #tpu.memory_space<hbm>>
        tpu.wait_dma2 semaphore(%arg13 : memref<!tpu.dma_semaphore, #tpu.memory_space<semaphore_mem>>) src(%dma_wait3A_235 : memref<2x120xi32, #tpu.memory_space<hbm>>) dst(%arg7 : memref<2x120xi32, #tpu.memory_space<vmem>>)
        %dma_start3A_236 = arith.constant 0 : i32
        %dma_start3A_237 = arith.constant 0 : i32
        %dma_start3A_238 = tpu.memref_slice %arg7[%dma_start3A_236, %dma_start3A_237] : memref<2x120xi32, #tpu.memory_space<vmem>> -> memref<1x120xi32, #tpu.memory_space<vmem>>
        %dma_start3A_239 = tpu.memref_squeeze %dma_start3A_238 : memref<1x120xi32, #tpu.memory_space<vmem>> -> memref<120xi32, #tpu.memory_space<vmem>>
        %dma_start3A_240 = arith.constant 0 : i32
        %dma_start3A_241 = arith.constant 0 : i32
        %dma_start3A_242 = tpu.memref_slice %arg2[%dma_start3A_240, %dma_start3A_241] : memref<10000x128xf32, #tpu.memory_space<hbm>> -> memref<10000x128xf32, #tpu.memory_space<hbm>>
        tpu.enqueue_indirect_dma source(%dma_start3A_242 : memref<10000x128xf32, #tpu.memory_space<hbm>>) target(%arg9 : memref<120x128xf32, #tpu.memory_space<vmem>>) offsets(%dma_start3A_239 : memref<120xi32, #tpu.memory_space<vmem>>) semaphore(%arg15 : memref<!tpu.dma_semaphore, #tpu.memory_space<semaphore_mem>>)
      } else {
      }
      %dma_wait3A_163 = arith.constant 0 : i32
      %dma_wait3A_164 = arith.constant 0 : i32
      %dma_wait3A_165 = tpu.memref_slice %arg6[%dma_wait3A_163, %dma_wait3A_164] : memref<2x120xi32, #tpu.memory_space<vmem>> -> memref<1x120xi32, #tpu.memory_space<vmem>>
      %dma_wait3A_166 = tpu.memref_squeeze %dma_wait3A_165 : memref<1x120xi32, #tpu.memory_space<vmem>> -> memref<120xi32, #tpu.memory_space<vmem>>
      %dma_wait3A_167 = arith.constant 0 : i32
      %dma_wait3A_168 = arith.constant 0 : i32
      %dma_wait3A_169 = tpu.memref_slice %arg2[%dma_wait3A_167, %dma_wait3A_168] : memref<10000x128xf32, #tpu.memory_space<hbm>> -> memref<10000x128xf32, #tpu.memory_space<hbm>>
      tpu.wait_indirect_dma semaphore(%arg16 : memref<!tpu.dma_semaphore, #tpu.memory_space<semaphore_mem>>) src(%dma_wait3A_169 : memref<10000x128xf32, #tpu.memory_space<hbm>>) dst(%arg10 : memref<120x128xf32, #tpu.memory_space<vmem>>)
      %run_scoped3A_170 = arith.constant 1 : i32
      "tpu.region"() ({
        %run_scoped3A_225 = tpu.sem_alloc : memref<!tpu.dma_semaphore, #tpu.memory_space<semaphore_mem>>
        %dma_start3A_226 = arith.constant 0 : i32
        %dma_start3A_227 = tpu.memref_slice %arg6[%run_scoped3A_170, %dma_start3A_226] : memref<2x120xi32, #tpu.memory_space<vmem>> -> memref<1x120xi32, #tpu.memory_space<vmem>>
        %dma_start3A_228 = tpu.memref_squeeze %dma_start3A_227 : memref<1x120xi32, #tpu.memory_space<vmem>> -> memref<120xi32, #tpu.memory_space<vmem>>
        %dma_start3A_229 = arith.constant 0 : i32
        %dma_start3A_230 = arith.constant 0 : i32
        %dma_start3A_231 = tpu.memref_slice %arg11[%dma_start3A_229, %dma_start3A_230] : memref<10240x128xf32, #tpu.memory_space<vmem_shared>> -> memref<10240x128xf32, #tpu.memory_space<vmem_shared>>
        tpu.enqueue_indirect_dma source(%arg10 : memref<120x128xf32, #tpu.memory_space<vmem>>) target(%dma_start3A_231 : memref<10240x128xf32, #tpu.memory_space<vmem_shared>>) offsets(%dma_start3A_228 : memref<120xi32, #tpu.memory_space<vmem>>) semaphore(%run_scoped3A_225 : memref<!tpu.dma_semaphore, #tpu.memory_space<semaphore_mem>>) {add = true}
        %dma_wait3A_232 = arith.constant 0 : i32
        %dma_wait3A_233 = tpu.memref_slice %arg6[%run_scoped3A_170, %dma_wait3A_232] : memref<2x120xi32, #tpu.memory_space<vmem>> -> memref<1x120xi32, #tpu.memory_space<vmem>>
        %dma_wait3A_234 = tpu.memref_squeeze %dma_wait3A_233 : memref<1x120xi32, #tpu.memory_space<vmem>> -> memref<120xi32, #tpu.memory_space<vmem>>
        %dma_wait3A_235 = arith.constant 0 : i32
        %dma_wait3A_236 = arith.constant 0 : i32
        %dma_wait3A_237 = tpu.memref_slice %arg11[%dma_wait3A_235, %dma_wait3A_236] : memref<10240x128xf32, #tpu.memory_space<vmem_shared>> -> memref<10240x128xf32, #tpu.memory_space<vmem_shared>>
        tpu.wait_indirect_dma semaphore(%run_scoped3A_225 : memref<!tpu.dma_semaphore, #tpu.memory_space<semaphore_mem>>) src(%arg10 : memref<120x128xf32, #tpu.memory_space<vmem>>) dst(%dma_wait3A_237 : memref<10240x128xf32, #tpu.memory_space<vmem_shared>>)
        tpu.yield
      }) : () -> ()
      %add3A_171 = arith.constant 3 : i32
      %add3A_172 = arith.addi %add3A_156, %add3A_171 : i32
      %lt3A_173 = arith.cmpi slt, %add3A_172, %select_n3A : i32
      %convert_element_type3A_174 = arith.extui %lt3A_173 : i1 to i32
      %cond3A_175 = arith.constant 0 : i32
      %cond3A_176 = arith.cmpi ne, %convert_element_type3A_174, %cond3A_175 : i32
      scf.if %cond3A_176 {
        %add3A_225 = arith.addi %select_n3A_33, %add3A_156 : i32
        %add3A_226 = arith.constant 3 : i32
        %add3A_227 = arith.addi %add3A_225, %add3A_226 : i32
        %dma_start3A_228 = arith.constant 0 : i32
        %dma_start3A_229 = arith.constant 0 : i32
        %dma_start3A_230 = tpu.memref_slice %arg3[%add3A_227, %dma_start3A_228, %dma_start3A_229] : memref<2688x2x120xi32, #tpu.memory_space<hbm>> -> memref<1x2x120xi32, #tpu.memory_space<hbm>>
        %dma_start3A_231 = tpu.memref_squeeze %dma_start3A_230 : memref<1x2x120xi32, #tpu.memory_space<hbm>> -> memref<2x120xi32, #tpu.memory_space<hbm>>
        %dma_start3A_232 = arith.constant 0 : i32
        %dma_start3A_233 = arith.constant 0 : i32
        %dma_start3A_234 = tpu.memref_slice %arg3[%add3A_227, %dma_start3A_232, %dma_start3A_233] : memref<2688x2x120xi32, #tpu.memory_space<hbm>> -> memref<1x2x120xi32, #tpu.memory_space<hbm>>
        %dma_start3A_235 = tpu.memref_squeeze %dma_start3A_234 : memref<1x2x120xi32, #tpu.memory_space<hbm>> -> memref<2x120xi32, #tpu.memory_space<hbm>>
        tpu.enqueue_dma source(%dma_start3A_235 : memref<2x120xi32, #tpu.memory_space<hbm>>) target(%arg6 : memref<2x120xi32, #tpu.memory_space<vmem>>) target_semaphore(%arg12 : memref<!tpu.dma_semaphore, #tpu.memory_space<semaphore_mem>>)
      } else {
      }
      %mul3A_177 = arith.constant 6 : i32
      %mul3A_178 = arith.muli %while3A_83, %mul3A_177 : i32
      %add3A_179 = arith.constant 4 : i32
      %add3A_180 = arith.addi %mul3A_178, %add3A_179 : i32
      %add3A_181 = arith.constant 1 : i32
      %add3A_182 = arith.addi %add3A_180, %add3A_181 : i32
      %lt3A_183 = arith.cmpi slt, %add3A_182, %select_n3A : i32
      %convert_element_type3A_184 = arith.extui %lt3A_183 : i1 to i32
      %cond3A_185 = arith.constant 0 : i32
      %cond3A_186 = arith.cmpi ne, %convert_element_type3A_184, %cond3A_185 : i32
      scf.if %cond3A_186 {
        %add3A_225 = arith.addi %select_n3A_33, %add3A_180 : i32
        %add3A_226 = arith.constant 1 : i32
        %add3A_227 = arith.addi %add3A_225, %add3A_226 : i32
        %dma_wait3A_228 = arith.constant 0 : i32
        %dma_wait3A_229 = arith.constant 0 : i32
        %dma_wait3A_230 = tpu.memref_slice %arg3[%add3A_227, %dma_wait3A_228, %dma_wait3A_229] : memref<2688x2x120xi32, #tpu.memory_space<hbm>> -> memref<1x2x120xi32, #tpu.memory_space<hbm>>
        %dma_wait3A_231 = tpu.memref_squeeze %dma_wait3A_230 : memref<1x2x120xi32, #tpu.memory_space<hbm>> -> memref<2x120xi32, #tpu.memory_space<hbm>>
        %dma_wait3A_232 = arith.constant 0 : i32
        %dma_wait3A_233 = arith.constant 0 : i32
        %dma_wait3A_234 = tpu.memref_slice %arg3[%add3A_227, %dma_wait3A_232, %dma_wait3A_233] : memref<2688x2x120xi32, #tpu.memory_space<hbm>> -> memref<1x2x120xi32, #tpu.memory_space<hbm>>
        %dma_wait3A_235 = tpu.memref_squeeze %dma_wait3A_234 : memref<1x2x120xi32, #tpu.memory_space<hbm>> -> memref<2x120xi32, #tpu.memory_space<hbm>>
        tpu.wait_dma2 semaphore(%arg14 : memref<!tpu.dma_semaphore, #tpu.memory_space<semaphore_mem>>) src(%dma_wait3A_235 : memref<2x120xi32, #tpu.memory_space<hbm>>) dst(%arg8 : memref<2x120xi32, #tpu.memory_space<vmem>>)
        %dma_start3A_236 = arith.constant 0 : i32
        %dma_start3A_237 = arith.constant 0 : i32
        %dma_start3A_238 = tpu.memref_slice %arg8[%dma_start3A_236, %dma_start3A_237] : memref<2x120xi32, #tpu.memory_space<vmem>> -> memref<1x120xi32, #tpu.memory_space<vmem>>
        %dma_start3A_239 = tpu.memref_squeeze %dma_start3A_238 : memref<1x120xi32, #tpu.memory_space<vmem>> -> memref<120xi32, #tpu.memory_space<vmem>>
        %dma_start3A_240 = arith.constant 0 : i32
        %dma_start3A_241 = arith.constant 0 : i32
        %dma_start3A_242 = tpu.memref_slice %arg2[%dma_start3A_240, %dma_start3A_241] : memref<10000x128xf32, #tpu.memory_space<hbm>> -> memref<10000x128xf32, #tpu.memory_space<hbm>>
        tpu.enqueue_indirect_dma source(%dma_start3A_242 : memref<10000x128xf32, #tpu.memory_space<hbm>>) target(%arg10 : memref<120x128xf32, #tpu.memory_space<vmem>>) offsets(%dma_start3A_239 : memref<120xi32, #tpu.memory_space<vmem>>) semaphore(%arg16 : memref<!tpu.dma_semaphore, #tpu.memory_space<semaphore_mem>>)
      } else {
      }
      %dma_wait3A_187 = arith.constant 0 : i32
      %dma_wait3A_188 = arith.constant 0 : i32
      %dma_wait3A_189 = tpu.memref_slice %arg7[%dma_wait3A_187, %dma_wait3A_188] : memref<2x120xi32, #tpu.memory_space<vmem>> -> memref<1x120xi32, #tpu.memory_space<vmem>>
      %dma_wait3A_190 = tpu.memref_squeeze %dma_wait3A_189 : memref<1x120xi32, #tpu.memory_space<vmem>> -> memref<120xi32, #tpu.memory_space<vmem>>
      %dma_wait3A_191 = arith.constant 0 : i32
      %dma_wait3A_192 = arith.constant 0 : i32
      %dma_wait3A_193 = tpu.memref_slice %arg2[%dma_wait3A_191, %dma_wait3A_192] : memref<10000x128xf32, #tpu.memory_space<hbm>> -> memref<10000x128xf32, #tpu.memory_space<hbm>>
      tpu.wait_indirect_dma semaphore(%arg15 : memref<!tpu.dma_semaphore, #tpu.memory_space<semaphore_mem>>) src(%dma_wait3A_193 : memref<10000x128xf32, #tpu.memory_space<hbm>>) dst(%arg9 : memref<120x128xf32, #tpu.memory_space<vmem>>)
      %run_scoped3A_194 = arith.constant 1 : i32
      "tpu.region"() ({
        %run_scoped3A_225 = tpu.sem_alloc : memref<!tpu.dma_semaphore, #tpu.memory_space<semaphore_mem>>
        %dma_start3A_226 = arith.constant 0 : i32
        %dma_start3A_227 = tpu.memref_slice %arg7[%run_scoped3A_194, %dma_start3A_226] : memref<2x120xi32, #tpu.memory_space<vmem>> -> memref<1x120xi32, #tpu.memory_space<vmem>>
        %dma_start3A_228 = tpu.memref_squeeze %dma_start3A_227 : memref<1x120xi32, #tpu.memory_space<vmem>> -> memref<120xi32, #tpu.memory_space<vmem>>
        %dma_start3A_229 = arith.constant 0 : i32
        %dma_start3A_230 = arith.constant 0 : i32
        %dma_start3A_231 = tpu.memref_slice %arg11[%dma_start3A_229, %dma_start3A_230] : memref<10240x128xf32, #tpu.memory_space<vmem_shared>> -> memref<10240x128xf32, #tpu.memory_space<vmem_shared>>
        tpu.enqueue_indirect_dma source(%arg9 : memref<120x128xf32, #tpu.memory_space<vmem>>) target(%dma_start3A_231 : memref<10240x128xf32, #tpu.memory_space<vmem_shared>>) offsets(%dma_start3A_228 : memref<120xi32, #tpu.memory_space<vmem>>) semaphore(%run_scoped3A_225 : memref<!tpu.dma_semaphore, #tpu.memory_space<semaphore_mem>>) {add = true}
        %dma_wait3A_232 = arith.constant 0 : i32
        %dma_wait3A_233 = tpu.memref_slice %arg7[%run_scoped3A_194, %dma_wait3A_232] : memref<2x120xi32, #tpu.memory_space<vmem>> -> memref<1x120xi32, #tpu.memory_space<vmem>>
        %dma_wait3A_234 = tpu.memref_squeeze %dma_wait3A_233 : memref<1x120xi32, #tpu.memory_space<vmem>> -> memref<120xi32, #tpu.memory_space<vmem>>
        %dma_wait3A_235 = arith.constant 0 : i32
        %dma_wait3A_236 = arith.constant 0 : i32
        %dma_wait3A_237 = tpu.memref_slice %arg11[%dma_wait3A_235, %dma_wait3A_236] : memref<10240x128xf32, #tpu.memory_space<vmem_shared>> -> memref<10240x128xf32, #tpu.memory_space<vmem_shared>>
        tpu.wait_indirect_dma semaphore(%run_scoped3A_225 : memref<!tpu.dma_semaphore, #tpu.memory_space<semaphore_mem>>) src(%arg9 : memref<120x128xf32, #tpu.memory_space<vmem>>) dst(%dma_wait3A_237 : memref<10240x128xf32, #tpu.memory_space<vmem_shared>>)
        tpu.yield
      }) : () -> ()
      %add3A_195 = arith.constant 3 : i32
      %add3A_196 = arith.addi %add3A_180, %add3A_195 : i32
      %lt3A_197 = arith.cmpi slt, %add3A_196, %select_n3A : i32
      %convert_element_type3A_198 = arith.extui %lt3A_197 : i1 to i32
      %cond3A_199 = arith.constant 0 : i32
      %cond3A_200 = arith.cmpi ne, %convert_element_type3A_198, %cond3A_199 : i32
      scf.if %cond3A_200 {
        %add3A_225 = arith.addi %select_n3A_33, %add3A_180 : i32
        %add3A_226 = arith.constant 3 : i32
        %add3A_227 = arith.addi %add3A_225, %add3A_226 : i32
        %dma_start3A_228 = arith.constant 0 : i32
        %dma_start3A_229 = arith.constant 0 : i32
        %dma_start3A_230 = tpu.memref_slice %arg3[%add3A_227, %dma_start3A_228, %dma_start3A_229] : memref<2688x2x120xi32, #tpu.memory_space<hbm>> -> memref<1x2x120xi32, #tpu.memory_space<hbm>>
        %dma_start3A_231 = tpu.memref_squeeze %dma_start3A_230 : memref<1x2x120xi32, #tpu.memory_space<hbm>> -> memref<2x120xi32, #tpu.memory_space<hbm>>
        %dma_start3A_232 = arith.constant 0 : i32
        %dma_start3A_233 = arith.constant 0 : i32
        %dma_start3A_234 = tpu.memref_slice %arg3[%add3A_227, %dma_start3A_232, %dma_start3A_233] : memref<2688x2x120xi32, #tpu.memory_space<hbm>> -> memref<1x2x120xi32, #tpu.memory_space<hbm>>
        %dma_start3A_235 = tpu.memref_squeeze %dma_start3A_234 : memref<1x2x120xi32, #tpu.memory_space<hbm>> -> memref<2x120xi32, #tpu.memory_space<hbm>>
        tpu.enqueue_dma source(%dma_start3A_235 : memref<2x120xi32, #tpu.memory_space<hbm>>) target(%arg7 : memref<2x120xi32, #tpu.memory_space<vmem>>) target_semaphore(%arg13 : memref<!tpu.dma_semaphore, #tpu.memory_space<semaphore_mem>>)
      } else {
      }
      %mul3A_201 = arith.constant 6 : i32
      %mul3A_202 = arith.muli %while3A_83, %mul3A_201 : i32
      %add3A_203 = arith.constant 5 : i32
      %add3A_204 = arith.addi %mul3A_202, %add3A_203 : i32
      %add3A_205 = arith.constant 1 : i32
      %add3A_206 = arith.addi %add3A_204, %add3A_205 : i32
      %lt3A_207 = arith.cmpi slt, %add3A_206, %select_n3A : i32
      %convert_element_type3A_208 = arith.extui %lt3A_207 : i1 to i32
      %cond3A_209 = arith.constant 0 : i32
      %cond3A_210 = arith.cmpi ne, %convert_element_type3A_208, %cond3A_209 : i32
      scf.if %cond3A_210 {
        %add3A_225 = arith.addi %select_n3A_33, %add3A_204 : i32
        %add3A_226 = arith.constant 1 : i32
        %add3A_227 = arith.addi %add3A_225, %add3A_226 : i32
        %dma_wait3A_228 = arith.constant 0 : i32
        %dma_wait3A_229 = arith.constant 0 : i32
        %dma_wait3A_230 = tpu.memref_slice %arg3[%add3A_227, %dma_wait3A_228, %dma_wait3A_229] : memref<2688x2x120xi32, #tpu.memory_space<hbm>> -> memref<1x2x120xi32, #tpu.memory_space<hbm>>
        %dma_wait3A_231 = tpu.memref_squeeze %dma_wait3A_230 : memref<1x2x120xi32, #tpu.memory_space<hbm>> -> memref<2x120xi32, #tpu.memory_space<hbm>>
        %dma_wait3A_232 = arith.constant 0 : i32
        %dma_wait3A_233 = arith.constant 0 : i32
        %dma_wait3A_234 = tpu.memref_slice %arg3[%add3A_227, %dma_wait3A_232, %dma_wait3A_233] : memref<2688x2x120xi32, #tpu.memory_space<hbm>> -> memref<1x2x120xi32, #tpu.memory_space<hbm>>
        %dma_wait3A_235 = tpu.memref_squeeze %dma_wait3A_234 : memref<1x2x120xi32, #tpu.memory_space<hbm>> -> memref<2x120xi32, #tpu.memory_space<hbm>>
        tpu.wait_dma2 semaphore(%arg12 : memref<!tpu.dma_semaphore, #tpu.memory_space<semaphore_mem>>) src(%dma_wait3A_235 : memref<2x120xi32, #tpu.memory_space<hbm>>) dst(%arg6 : memref<2x120xi32, #tpu.memory_space<vmem>>)
        %dma_start3A_236 = arith.constant 0 : i32
        %dma_start3A_237 = arith.constant 0 : i32
        %dma_start3A_238 = tpu.memref_slice %arg6[%dma_start3A_236, %dma_start3A_237] : memref<2x120xi32, #tpu.memory_space<vmem>> -> memref<1x120xi32, #tpu.memory_space<vmem>>
        %dma_start3A_239 = tpu.memref_squeeze %dma_start3A_238 : memref<1x120xi32, #tpu.memory_space<vmem>> -> memref<120xi32, #tpu.memory_space<vmem>>
        %dma_start3A_240 = arith.constant 0 : i32
        %dma_start3A_241 = arith.constant 0 : i32
        %dma_start3A_242 = tpu.memref_slice %arg2[%dma_start3A_240, %dma_start3A_241] : memref<10000x128xf32, #tpu.memory_space<hbm>> -> memref<10000x128xf32, #tpu.memory_space<hbm>>
        tpu.enqueue_indirect_dma source(%dma_start3A_242 : memref<10000x128xf32, #tpu.memory_space<hbm>>) target(%arg9 : memref<120x128xf32, #tpu.memory_space<vmem>>) offsets(%dma_start3A_239 : memref<120xi32, #tpu.memory_space<vmem>>) semaphore(%arg15 : memref<!tpu.dma_semaphore, #tpu.memory_space<semaphore_mem>>)
      } else {
      }
      %dma_wait3A_211 = arith.constant 0 : i32
      %dma_wait3A_212 = arith.constant 0 : i32
      %dma_wait3A_213 = tpu.memref_slice %arg8[%dma_wait3A_211, %dma_wait3A_212] : memref<2x120xi32, #tpu.memory_space<vmem>> -> memref<1x120xi32, #tpu.memory_space<vmem>>
      %dma_wait3A_214 = tpu.memref_squeeze %dma_wait3A_213 : memref<1x120xi32, #tpu.memory_space<vmem>> -> memref<120xi32, #tpu.memory_space<vmem>>
      %dma_wait3A_215 = arith.constant 0 : i32
      %dma_wait3A_216 = arith.constant 0 : i32
      %dma_wait3A_217 = tpu.memref_slice %arg2[%dma_wait3A_215, %dma_wait3A_216] : memref<10000x128xf32, #tpu.memory_space<hbm>> -> memref<10000x128xf32, #tpu.memory_space<hbm>>
      tpu.wait_indirect_dma semaphore(%arg16 : memref<!tpu.dma_semaphore, #tpu.memory_space<semaphore_mem>>) src(%dma_wait3A_217 : memref<10000x128xf32, #tpu.memory_space<hbm>>) dst(%arg10 : memref<120x128xf32, #tpu.memory_space<vmem>>)
      %run_scoped3A_218 = arith.constant 1 : i32
      "tpu.region"() ({
        %run_scoped3A_225 = tpu.sem_alloc : memref<!tpu.dma_semaphore, #tpu.memory_space<semaphore_mem>>
        %dma_start3A_226 = arith.constant 0 : i32
        %dma_start3A_227 = tpu.memref_slice %arg8[%run_scoped3A_218, %dma_start3A_226] : memref<2x120xi32, #tpu.memory_space<vmem>> -> memref<1x120xi32, #tpu.memory_space<vmem>>
        %dma_start3A_228 = tpu.memref_squeeze %dma_start3A_227 : memref<1x120xi32, #tpu.memory_space<vmem>> -> memref<120xi32, #tpu.memory_space<vmem>>
        %dma_start3A_229 = arith.constant 0 : i32
        %dma_start3A_230 = arith.constant 0 : i32
        %dma_start3A_231 = tpu.memref_slice %arg11[%dma_start3A_229, %dma_start3A_230] : memref<10240x128xf32, #tpu.memory_space<vmem_shared>> -> memref<10240x128xf32, #tpu.memory_space<vmem_shared>>
        tpu.enqueue_indirect_dma source(%arg10 : memref<120x128xf32, #tpu.memory_space<vmem>>) target(%dma_start3A_231 : memref<10240x128xf32, #tpu.memory_space<vmem_shared>>) offsets(%dma_start3A_228 : memref<120xi32, #tpu.memory_space<vmem>>) semaphore(%run_scoped3A_225 : memref<!tpu.dma_semaphore, #tpu.memory_space<semaphore_mem>>) {add = true}
        %dma_wait3A_232 = arith.constant 0 : i32
        %dma_wait3A_233 = tpu.memref_slice %arg8[%run_scoped3A_218, %dma_wait3A_232] : memref<2x120xi32, #tpu.memory_space<vmem>> -> memref<1x120xi32, #tpu.memory_space<vmem>>
        %dma_wait3A_234 = tpu.memref_squeeze %dma_wait3A_233 : memref<1x120xi32, #tpu.memory_space<vmem>> -> memref<120xi32, #tpu.memory_space<vmem>>
        %dma_wait3A_235 = arith.constant 0 : i32
        %dma_wait3A_236 = arith.constant 0 : i32
        %dma_wait3A_237 = tpu.memref_slice %arg11[%dma_wait3A_235, %dma_wait3A_236] : memref<10240x128xf32, #tpu.memory_space<vmem_shared>> -> memref<10240x128xf32, #tpu.memory_space<vmem_shared>>
        tpu.wait_indirect_dma semaphore(%run_scoped3A_225 : memref<!tpu.dma_semaphore, #tpu.memory_space<semaphore_mem>>) src(%arg10 : memref<120x128xf32, #tpu.memory_space<vmem>>) dst(%dma_wait3A_237 : memref<10240x128xf32, #tpu.memory_space<vmem_shared>>)
        tpu.yield
      }) : () -> ()
      %add3A_219 = arith.constant 3 : i32
      %add3A_220 = arith.addi %add3A_204, %add3A_219 : i32
      %lt3A_221 = arith.cmpi slt, %add3A_220, %select_n3A : i32
      %convert_element_type3A_222 = arith.extui %lt3A_221 : i1 to i32
      %cond3A_223 = arith.constant 0 : i32
      %cond3A_224 = arith.cmpi ne, %convert_element_type3A_222, %cond3A_223 : i32
      scf.if %cond3A_224 {
        %add3A_225 = arith.addi %select_n3A_33, %add3A_204 : i32
        %add3A_226 = arith.constant 3 : i32
        %add3A_227 = arith.addi %add3A_225, %add3A_226 : i32
        %dma_start3A_228 = arith.constant 0 : i32
        %dma_start3A_229 = arith.constant 0 : i32
        %dma_start3A_230 = tpu.memref_slice %arg3[%add3A_227, %dma_start3A_228, %dma_start3A_229] : memref<2688x2x120xi32, #tpu.memory_space<hbm>> -> memref<1x2x120xi32, #tpu.memory_space<hbm>>
        %dma_start3A_231 = tpu.memref_squeeze %dma_start3A_230 : memref<1x2x120xi32, #tpu.memory_space<hbm>> -> memref<2x120xi32, #tpu.memory_space<hbm>>
        %dma_start3A_232 = arith.constant 0 : i32
        %dma_start3A_233 = arith.constant 0 : i32
        %dma_start3A_234 = tpu.memref_slice %arg3[%add3A_227, %dma_start3A_232, %dma_start3A_233] : memref<2688x2x120xi32, #tpu.memory_space<hbm>> -> memref<1x2x120xi32, #tpu.memory_space<hbm>>
        %dma_start3A_235 = tpu.memref_squeeze %dma_start3A_234 : memref<1x2x120xi32, #tpu.memory_space<hbm>> -> memref<2x120xi32, #tpu.memory_space<hbm>>
        tpu.enqueue_dma source(%dma_start3A_235 : memref<2x120xi32, #tpu.memory_space<hbm>>) target(%arg8 : memref<2x120xi32, #tpu.memory_space<vmem>>) target_semaphore(%arg14 : memref<!tpu.dma_semaphore, #tpu.memory_space<semaphore_mem>>)
      } else {
      }
    }
    %barrier3A_75 = arith.constant 0 : index
    tpu.barrier barrier_id(%barrier3A_75)
    %mul3A_76 = arith.constant 640 : i32
    %mul3A_77 = arith.muli %arg1, %mul3A_76 : i32
    %mul3A_78 = arith.constant 10240 : i32
    %mul3A_79 = arith.muli %arg0, %mul3A_78 : i32
    %mul3A_80 = arith.constant 640 : i32
    %mul3A_81 = arith.muli %arg1, %mul3A_80 : i32
    %add3A_82 = arith.addi %mul3A_79, %mul3A_81 : i32
    "tpu.region"() ({
      %run_scoped3A = tpu.sem_alloc : memref<!tpu.dma_semaphore, #tpu.memory_space<semaphore_mem>>
      %dma_start3A_83 = arith.constant 0 : i32
      %dma_start3A_84 = tpu.memref_slice %arg5[%add3A_82, %dma_start3A_83] : memref<20480x128xf32, #tpu.memory_space<hbm>> -> memref<640x128xf32, #tpu.memory_space<hbm>>
      %dma_start3A_85 = arith.constant 0 : i32
      %dma_start3A_86 = tpu.memref_slice %arg11[%mul3A_77, %dma_start3A_85] : memref<10240x128xf32, #tpu.memory_space<vmem_shared>> -> memref<640x128xf32, #tpu.memory_space<vmem_shared>>
      tpu.enqueue_dma source(%dma_start3A_86 : memref<640x128xf32, #tpu.memory_space<vmem_shared>>) target(%dma_start3A_84 : memref<640x128xf32, #tpu.memory_space<hbm>>) target_semaphore(%run_scoped3A : memref<!tpu.dma_semaphore, #tpu.memory_space<semaphore_mem>>)
      %dma_wait3A = arith.constant 0 : i32
      %dma_wait3A_87 = tpu.memref_slice %arg5[%add3A_82, %dma_wait3A] : memref<20480x128xf32, #tpu.memory_space<hbm>> -> memref<640x128xf32, #tpu.memory_space<hbm>>
      %dma_wait3A_88 = arith.constant 0 : i32
      %dma_wait3A_89 = tpu.memref_slice %arg11[%mul3A_77, %dma_wait3A_88] : memref<10240x128xf32, #tpu.memory_space<vmem_shared>> -> memref<640x128xf32, #tpu.memory_space<vmem_shared>>
      tpu.wait_dma2 semaphore(%run_scoped3A : memref<!tpu.dma_semaphore, #tpu.memory_space<semaphore_mem>>) src(%dma_wait3A_89 : memref<640x128xf32, #tpu.memory_space<vmem_shared>>) dst(%dma_wait3A_87 : memref<640x128xf32, #tpu.memory_space<hbm>>)
      tpu.yield
    }) : () -> ()
    return
  }
}

#map = affine_map<(d0, d1) -> (0, 0)>
#map1 = affine_map<(d0, d1) -> (0, 0, 0)>
module attributes {stable_mosaic.version = 14 : i64} {
  func.func @_seg_body(%arg0: i32, %arg1: i32, %arg2: memref<10000x128xf32, #tpu.memory_space<hbm>>, %arg3: memref<2688x2x120xi32, #tpu.memory_space<hbm>>, %arg4: memref<120x128xf32, #tpu.memory_space<hbm>>, %arg5: memref<20480x128xf32, #tpu.memory_space<hbm>>, %arg6: memref<2x120xi32, #tpu.memory_space<vmem>>, %arg7: memref<2x120xi32, #tpu.memory_space<vmem>>, %arg8: memref<2x120xi32, #tpu.memory_space<vmem>>, %arg9: memref<120x128xf32, #tpu.memory_space<vmem>>, %arg10: memref<120x128xf32, #tpu.memory_space<vmem>>, %arg11: memref<10240x128xf32, #tpu.memory_space<vmem_shared>>, %arg12: memref<!tpu.dma_semaphore, #tpu.memory_space<semaphore_mem>>, %arg13: memref<!tpu.dma_semaphore, #tpu.memory_space<semaphore_mem>>, %arg14: memref<!tpu.dma_semaphore, #tpu.memory_space<semaphore_mem>>, %arg15: memref<!tpu.dma_semaphore, #tpu.memory_space<semaphore_mem>>, %arg16: memref<!tpu.dma_semaphore, #tpu.memory_space<semaphore_mem>>) attributes {dimension_semantics = [#tpu.dimension_semantics<core_parallel>, #tpu.dimension_semantics<subcore_parallel>], iteration_bounds = array<i64: 2, 16>, scalar_prefetch = 0 : i64, scratch_operands = 11 : i64, tpu.core_type = #tpu.core_type<sc_vector_subcore>, window_params = [{transform_indices = #map}, {transform_indices = #map1}, {transform_indices = #map}, {transform_indices = #map}]} {
    "tpu.region"() ({
      %run_scoped3A = tpu.sem_alloc : memref<!tpu.dma_semaphore, #tpu.memory_space<semaphore_mem>>
      tpu.enqueue_dma source(%arg4 : memref<120x128xf32, #tpu.memory_space<hbm>>) target(%arg9 : memref<120x128xf32, #tpu.memory_space<vmem>>) target_semaphore(%run_scoped3A : memref<!tpu.dma_semaphore, #tpu.memory_space<semaphore_mem>>)
      tpu.wait_dma2 semaphore(%run_scoped3A : memref<!tpu.dma_semaphore, #tpu.memory_space<semaphore_mem>>) src(%arg4 : memref<120x128xf32, #tpu.memory_space<hbm>>) dst(%arg9 : memref<120x128xf32, #tpu.memory_space<vmem>>)
      tpu.yield
    }) : () -> ()
    %mul3A = arith.constant 640 : i32
    %mul3A_0 = arith.muli %arg1, %mul3A : i32
    %add3A = arith.constant 0 : i32
    %add3A_1 = arith.addi %mul3A_0, %add3A : i32
    "tpu.region"() ({
      %run_scoped3A = tpu.sem_alloc : memref<!tpu.dma_semaphore, #tpu.memory_space<semaphore_mem>>
      %dma_start3A_83 = arith.constant 0 : i32
      %dma_start3A_84 = tpu.memref_slice %arg11[%add3A_1, %dma_start3A_83] : memref<10240x128xf32, #tpu.memory_space<vmem_shared>> -> memref<120x128xf32, #tpu.memory_space<vmem_shared>>
      %dma_start3A_85 = arith.constant 0 : i32
      %dma_start3A_86 = tpu.memref_slice %arg11[%add3A_1, %dma_start3A_85] : memref<10240x128xf32, #tpu.memory_space<vmem_shared>> -> memref<120x128xf32, #tpu.memory_space<vmem_shared>>
      tpu.enqueue_dma source(%arg9 : memref<120x128xf32, #tpu.memory_space<vmem>>) target(%dma_start3A_86 : memref<120x128xf32, #tpu.memory_space<vmem_shared>>) target_semaphore(%run_scoped3A : memref<!tpu.dma_semaphore, #tpu.memory_space<semaphore_mem>>)
      %dma_wait3A = arith.constant 0 : i32
      %dma_wait3A_87 = tpu.memref_slice %arg11[%add3A_1, %dma_wait3A] : memref<10240x128xf32, #tpu.memory_space<vmem_shared>> -> memref<120x128xf32, #tpu.memory_space<vmem_shared>>
      %dma_wait3A_88 = arith.constant 0 : i32
      %dma_wait3A_89 = tpu.memref_slice %arg11[%add3A_1, %dma_wait3A_88] : memref<10240x128xf32, #tpu.memory_space<vmem_shared>> -> memref<120x128xf32, #tpu.memory_space<vmem_shared>>
      tpu.wait_dma2 semaphore(%run_scoped3A : memref<!tpu.dma_semaphore, #tpu.memory_space<semaphore_mem>>) src(%arg9 : memref<120x128xf32, #tpu.memory_space<vmem>>) dst(%dma_wait3A_89 : memref<120x128xf32, #tpu.memory_space<vmem_shared>>)
      tpu.yield
    }) : () -> ()
    %mul3A_2 = arith.constant 640 : i32
    %mul3A_3 = arith.muli %arg1, %mul3A_2 : i32
    %add3A_4 = arith.constant 120 : i32
    %add3A_5 = arith.addi %mul3A_3, %add3A_4 : i32
    "tpu.region"() ({
      %run_scoped3A = tpu.sem_alloc : memref<!tpu.dma_semaphore, #tpu.memory_space<semaphore_mem>>
      %dma_start3A_83 = arith.constant 0 : i32
      %dma_start3A_84 = tpu.memref_slice %arg11[%add3A_5, %dma_start3A_83] : memref<10240x128xf32, #tpu.memory_space<vmem_shared>> -> memref<120x128xf32, #tpu.memory_space<vmem_shared>>
      %dma_start3A_85 = arith.constant 0 : i32
      %dma_start3A_86 = tpu.memref_slice %arg11[%add3A_5, %dma_start3A_85] : memref<10240x128xf32, #tpu.memory_space<vmem_shared>> -> memref<120x128xf32, #tpu.memory_space<vmem_shared>>
      tpu.enqueue_dma source(%arg9 : memref<120x128xf32, #tpu.memory_space<vmem>>) target(%dma_start3A_86 : memref<120x128xf32, #tpu.memory_space<vmem_shared>>) target_semaphore(%run_scoped3A : memref<!tpu.dma_semaphore, #tpu.memory_space<semaphore_mem>>)
      %dma_wait3A = arith.constant 0 : i32
      %dma_wait3A_87 = tpu.memref_slice %arg11[%add3A_5, %dma_wait3A] : memref<10240x128xf32, #tpu.memory_space<vmem_shared>> -> memref<120x128xf32, #tpu.memory_space<vmem_shared>>
      %dma_wait3A_88 = arith.constant 0 : i32
      %dma_wait3A_89 = tpu.memref_slice %arg11[%add3A_5, %dma_wait3A_88] : memref<10240x128xf32, #tpu.memory_space<vmem_shared>> -> memref<120x128xf32, #tpu.memory_space<vmem_shared>>
      tpu.wait_dma2 semaphore(%run_scoped3A : memref<!tpu.dma_semaphore, #tpu.memory_space<semaphore_mem>>) src(%arg9 : memref<120x128xf32, #tpu.memory_space<vmem>>) dst(%dma_wait3A_89 : memref<120x128xf32, #tpu.memory_space<vmem_shared>>)
      tpu.yield
    }) : () -> ()
    %mul3A_6 = arith.constant 640 : i32
    %mul3A_7 = arith.muli %arg1, %mul3A_6 : i32
    %add3A_8 = arith.constant 240 : i32
    %add3A_9 = arith.addi %mul3A_7, %add3A_8 : i32
    "tpu.region"() ({
      %run_scoped3A = tpu.sem_alloc : memref<!tpu.dma_semaphore, #tpu.memory_space<semaphore_mem>>
      %dma_start3A_83 = arith.constant 0 : i32
      %dma_start3A_84 = tpu.memref_slice %arg11[%add3A_9, %dma_start3A_83] : memref<10240x128xf32, #tpu.memory_space<vmem_shared>> -> memref<120x128xf32, #tpu.memory_space<vmem_shared>>
      %dma_start3A_85 = arith.constant 0 : i32
      %dma_start3A_86 = tpu.memref_slice %arg11[%add3A_9, %dma_start3A_85] : memref<10240x128xf32, #tpu.memory_space<vmem_shared>> -> memref<120x128xf32, #tpu.memory_space<vmem_shared>>
      tpu.enqueue_dma source(%arg9 : memref<120x128xf32, #tpu.memory_space<vmem>>) target(%dma_start3A_86 : memref<120x128xf32, #tpu.memory_space<vmem_shared>>) target_semaphore(%run_scoped3A : memref<!tpu.dma_semaphore, #tpu.memory_space<semaphore_mem>>)
      %dma_wait3A = arith.constant 0 : i32
      %dma_wait3A_87 = tpu.memref_slice %arg11[%add3A_9, %dma_wait3A] : memref<10240x128xf32, #tpu.memory_space<vmem_shared>> -> memref<120x128xf32, #tpu.memory_space<vmem_shared>>
      %dma_wait3A_88 = arith.constant 0 : i32
      %dma_wait3A_89 = tpu.memref_slice %arg11[%add3A_9, %dma_wait3A_88] : memref<10240x128xf32, #tpu.memory_space<vmem_shared>> -> memref<120x128xf32, #tpu.memory_space<vmem_shared>>
      tpu.wait_dma2 semaphore(%run_scoped3A : memref<!tpu.dma_semaphore, #tpu.memory_space<semaphore_mem>>) src(%arg9 : memref<120x128xf32, #tpu.memory_space<vmem>>) dst(%dma_wait3A_89 : memref<120x128xf32, #tpu.memory_space<vmem_shared>>)
      tpu.yield
    }) : () -> ()
    %mul3A_10 = arith.constant 640 : i32
    %mul3A_11 = arith.muli %arg1, %mul3A_10 : i32
    %add3A_12 = arith.constant 360 : i32
    %add3A_13 = arith.addi %mul3A_11, %add3A_12 : i32
    "tpu.region"() ({
      %run_scoped3A = tpu.sem_alloc : memref<!tpu.dma_semaphore, #tpu.memory_space<semaphore_mem>>
      %dma_start3A_83 = arith.constant 0 : i32
      %dma_start3A_84 = tpu.memref_slice %arg11[%add3A_13, %dma_start3A_83] : memref<10240x128xf32, #tpu.memory_space<vmem_shared>> -> memref<120x128xf32, #tpu.memory_space<vmem_shared>>
      %dma_start3A_85 = arith.constant 0 : i32
      %dma_start3A_86 = tpu.memref_slice %arg11[%add3A_13, %dma_start3A_85] : memref<10240x128xf32, #tpu.memory_space<vmem_shared>> -> memref<120x128xf32, #tpu.memory_space<vmem_shared>>
      tpu.enqueue_dma source(%arg9 : memref<120x128xf32, #tpu.memory_space<vmem>>) target(%dma_start3A_86 : memref<120x128xf32, #tpu.memory_space<vmem_shared>>) target_semaphore(%run_scoped3A : memref<!tpu.dma_semaphore, #tpu.memory_space<semaphore_mem>>)
      %dma_wait3A = arith.constant 0 : i32
      %dma_wait3A_87 = tpu.memref_slice %arg11[%add3A_13, %dma_wait3A] : memref<10240x128xf32, #tpu.memory_space<vmem_shared>> -> memref<120x128xf32, #tpu.memory_space<vmem_shared>>
      %dma_wait3A_88 = arith.constant 0 : i32
      %dma_wait3A_89 = tpu.memref_slice %arg11[%add3A_13, %dma_wait3A_88] : memref<10240x128xf32, #tpu.memory_space<vmem_shared>> -> memref<120x128xf32, #tpu.memory_space<vmem_shared>>
      tpu.wait_dma2 semaphore(%run_scoped3A : memref<!tpu.dma_semaphore, #tpu.memory_space<semaphore_mem>>) src(%arg9 : memref<120x128xf32, #tpu.memory_space<vmem>>) dst(%dma_wait3A_89 : memref<120x128xf32, #tpu.memory_space<vmem_shared>>)
      tpu.yield
    }) : () -> ()
    %mul3A_14 = arith.constant 640 : i32
    %mul3A_15 = arith.muli %arg1, %mul3A_14 : i32
    %add3A_16 = arith.constant 480 : i32
    %add3A_17 = arith.addi %mul3A_15, %add3A_16 : i32
    "tpu.region"() ({
      %run_scoped3A = tpu.sem_alloc : memref<!tpu.dma_semaphore, #tpu.memory_space<semaphore_mem>>
      %dma_start3A_83 = arith.constant 0 : i32
      %dma_start3A_84 = tpu.memref_slice %arg11[%add3A_17, %dma_start3A_83] : memref<10240x128xf32, #tpu.memory_space<vmem_shared>> -> memref<120x128xf32, #tpu.memory_space<vmem_shared>>
      %dma_start3A_85 = arith.constant 0 : i32
      %dma_start3A_86 = tpu.memref_slice %arg11[%add3A_17, %dma_start3A_85] : memref<10240x128xf32, #tpu.memory_space<vmem_shared>> -> memref<120x128xf32, #tpu.memory_space<vmem_shared>>
      tpu.enqueue_dma source(%arg9 : memref<120x128xf32, #tpu.memory_space<vmem>>) target(%dma_start3A_86 : memref<120x128xf32, #tpu.memory_space<vmem_shared>>) target_semaphore(%run_scoped3A : memref<!tpu.dma_semaphore, #tpu.memory_space<semaphore_mem>>)
      %dma_wait3A = arith.constant 0 : i32
      %dma_wait3A_87 = tpu.memref_slice %arg11[%add3A_17, %dma_wait3A] : memref<10240x128xf32, #tpu.memory_space<vmem_shared>> -> memref<120x128xf32, #tpu.memory_space<vmem_shared>>
      %dma_wait3A_88 = arith.constant 0 : i32
      %dma_wait3A_89 = tpu.memref_slice %arg11[%add3A_17, %dma_wait3A_88] : memref<10240x128xf32, #tpu.memory_space<vmem_shared>> -> memref<120x128xf32, #tpu.memory_space<vmem_shared>>
      tpu.wait_dma2 semaphore(%run_scoped3A : memref<!tpu.dma_semaphore, #tpu.memory_space<semaphore_mem>>) src(%arg9 : memref<120x128xf32, #tpu.memory_space<vmem>>) dst(%dma_wait3A_89 : memref<120x128xf32, #tpu.memory_space<vmem_shared>>)
      tpu.yield
    }) : () -> ()
    %mul3A_18 = arith.constant 640 : i32
    %mul3A_19 = arith.muli %arg1, %mul3A_18 : i32
    %add3A_20 = arith.constant 640 : i32
    %add3A_21 = arith.addi %mul3A_19, %add3A_20 : i32
    %sub3A = arith.constant 40 : i32
    %sub3A_22 = arith.subi %add3A_21, %sub3A : i32
    "tpu.region"() ({
      %run_scoped3A = tpu.sem_alloc : memref<!tpu.dma_semaphore, #tpu.memory_space<semaphore_mem>>
      %dma_start3A_83 = arith.constant 0 : i32
      %dma_start3A_84 = arith.constant 0 : i32
      %dma_start3A_85 = tpu.memref_slice %arg9[%dma_start3A_83, %dma_start3A_84] : memref<120x128xf32, #tpu.memory_space<vmem>> -> memref<40x128xf32, #tpu.memory_space<vmem>>
      %dma_start3A_86 = arith.constant 0 : i32
      %dma_start3A_87 = tpu.memref_slice %arg11[%sub3A_22, %dma_start3A_86] : memref<10240x128xf32, #tpu.memory_space<vmem_shared>> -> memref<40x128xf32, #tpu.memory_space<vmem_shared>>
      %dma_start3A_88 = arith.constant 0 : i32
      %dma_start3A_89 = tpu.memref_slice %arg11[%sub3A_22, %dma_start3A_88] : memref<10240x128xf32, #tpu.memory_space<vmem_shared>> -> memref<40x128xf32, #tpu.memory_space<vmem_shared>>
      %dma_start3A_90 = arith.constant 0 : i32
      %dma_start3A_91 = arith.constant 0 : i32
      %dma_start3A_92 = tpu.memref_slice %arg9[%dma_start3A_90, %dma_start3A_91] : memref<120x128xf32, #tpu.memory_space<vmem>> -> memref<40x128xf32, #tpu.memory_space<vmem>>
      tpu.enqueue_dma source(%dma_start3A_92 : memref<40x128xf32, #tpu.memory_space<vmem>>) target(%dma_start3A_89 : memref<40x128xf32, #tpu.memory_space<vmem_shared>>) target_semaphore(%run_scoped3A : memref<!tpu.dma_semaphore, #tpu.memory_space<semaphore_mem>>)
      %dma_wait3A = arith.constant 0 : i32
      %dma_wait3A_93 = arith.constant 0 : i32
      %dma_wait3A_94 = tpu.memref_slice %arg9[%dma_wait3A, %dma_wait3A_93] : memref<120x128xf32, #tpu.memory_space<vmem>> -> memref<40x128xf32, #tpu.memory_space<vmem>>
      %dma_wait3A_95 = arith.constant 0 : i32
      %dma_wait3A_96 = tpu.memref_slice %arg11[%sub3A_22, %dma_wait3A_95] : memref<10240x128xf32, #tpu.memory_space<vmem_shared>> -> memref<40x128xf32, #tpu.memory_space<vmem_shared>>
      %dma_wait3A_97 = arith.constant 0 : i32
      %dma_wait3A_98 = tpu.memref_slice %arg11[%sub3A_22, %dma_wait3A_97] : memref<10240x128xf32, #tpu.memory_space<vmem_shared>> -> memref<40x128xf32, #tpu.memory_space<vmem_shared>>
      %dma_wait3A_99 = arith.constant 0 : i32
      %dma_wait3A_100 = arith.constant 0 : i32
      %dma_wait3A_101 = tpu.memref_slice %arg9[%dma_wait3A_99, %dma_wait3A_100] : memref<120x128xf32, #tpu.memory_space<vmem>> -> memref<40x128xf32, #tpu.memory_space<vmem>>
      tpu.wait_dma2 semaphore(%run_scoped3A : memref<!tpu.dma_semaphore, #tpu.memory_space<semaphore_mem>>) src(%dma_wait3A_101 : memref<40x128xf32, #tpu.memory_space<vmem>>) dst(%dma_wait3A_98 : memref<40x128xf32, #tpu.memory_space<vmem_shared>>)
      tpu.yield
    }) : () -> ()
    %barrier3A = arith.constant 0 : index
    tpu.barrier barrier_id(%barrier3A)
    %eq3A = arith.constant 0 : i32
    %eq3A_23 = arith.cmpi eq, %arg0, %eq3A : i32
    %jit3A = arith.constant 132 : i32
    %jit3A_24 = arith.constant 36 : i32
    %select_n3A = arith.select %eq3A_23, %jit3A, %jit3A_24 : i32
    %eq3A_25 = arith.constant 0 : i32
    %eq3A_26 = arith.cmpi eq, %arg0, %eq3A_25 : i32
    %mul3A_27 = arith.constant 132 : i32
    %mul3A_28 = arith.muli %arg1, %mul3A_27 : i32
    %mul3A_29 = arith.constant 36 : i32
    %mul3A_30 = arith.muli %arg1, %mul3A_29 : i32
    %add3A_31 = arith.constant 2112 : i32
    %add3A_32 = arith.addi %add3A_31, %mul3A_30 : i32
    %select_n3A_33 = arith.select %eq3A_26, %mul3A_28, %add3A_32 : i32
    "tpu.region"() ({
      %run_scoped3A = tpu.sem_alloc : memref<!tpu.dma_semaphore, #tpu.memory_space<semaphore_mem>>
      %dma_start3A_83 = arith.constant 0 : i32
      %dma_start3A_84 = arith.constant 0 : i32
      %dma_start3A_85 = tpu.memref_slice %arg3[%select_n3A_33, %dma_start3A_83, %dma_start3A_84] : memref<2688x2x120xi32, #tpu.memory_space<hbm>> -> memref<1x2x120xi32, #tpu.memory_space<hbm>>
      %dma_start3A_86 = tpu.memref_squeeze %dma_start3A_85 : memref<1x2x120xi32, #tpu.memory_space<hbm>> -> memref<2x120xi32, #tpu.memory_space<hbm>>
      %dma_start3A_87 = arith.constant 0 : i32
      %dma_start3A_88 = arith.constant 0 : i32
      %dma_start3A_89 = tpu.memref_slice %arg3[%select_n3A_33, %dma_start3A_87, %dma_start3A_88] : memref<2688x2x120xi32, #tpu.memory_space<hbm>> -> memref<1x2x120xi32, #tpu.memory_space<hbm>>
      %dma_start3A_90 = tpu.memref_squeeze %dma_start3A_89 : memref<1x2x120xi32, #tpu.memory_space<hbm>> -> memref<2x120xi32, #tpu.memory_space<hbm>>
      tpu.enqueue_dma source(%dma_start3A_90 : memref<2x120xi32, #tpu.memory_space<hbm>>) target(%arg6 : memref<2x120xi32, #tpu.memory_space<vmem>>) target_semaphore(%run_scoped3A : memref<!tpu.dma_semaphore, #tpu.memory_space<semaphore_mem>>)
      %dma_wait3A = arith.constant 0 : i32
      %dma_wait3A_91 = arith.constant 0 : i32
      %dma_wait3A_92 = tpu.memref_slice %arg3[%select_n3A_33, %dma_wait3A, %dma_wait3A_91] : memref<2688x2x120xi32, #tpu.memory_space<hbm>> -> memref<1x2x120xi32, #tpu.memory_space<hbm>>
      %dma_wait3A_93 = tpu.memref_squeeze %dma_wait3A_92 : memref<1x2x120xi32, #tpu.memory_space<hbm>> -> memref<2x120xi32, #tpu.memory_space<hbm>>
      %dma_wait3A_94 = arith.constant 0 : i32
      %dma_wait3A_95 = arith.constant 0 : i32
      %dma_wait3A_96 = tpu.memref_slice %arg3[%select_n3A_33, %dma_wait3A_94, %dma_wait3A_95] : memref<2688x2x120xi32, #tpu.memory_space<hbm>> -> memref<1x2x120xi32, #tpu.memory_space<hbm>>
      %dma_wait3A_97 = tpu.memref_squeeze %dma_wait3A_96 : memref<1x2x120xi32, #tpu.memory_space<hbm>> -> memref<2x120xi32, #tpu.memory_space<hbm>>
      tpu.wait_dma2 semaphore(%run_scoped3A : memref<!tpu.dma_semaphore, #tpu.memory_space<semaphore_mem>>) src(%dma_wait3A_97 : memref<2x120xi32, #tpu.memory_space<hbm>>) dst(%arg6 : memref<2x120xi32, #tpu.memory_space<vmem>>)
      tpu.yield
    }) : () -> ()
    %dma_start3A = arith.constant 0 : i32
    %dma_start3A_34 = arith.constant 0 : i32
    %dma_start3A_35 = tpu.memref_slice %arg6[%dma_start3A, %dma_start3A_34] : memref<2x120xi32, #tpu.memory_space<vmem>> -> memref<1x120xi32, #tpu.memory_space<vmem>>
    %dma_start3A_36 = tpu.memref_squeeze %dma_start3A_35 : memref<1x120xi32, #tpu.memory_space<vmem>> -> memref<120xi32, #tpu.memory_space<vmem>>
    %dma_start3A_37 = arith.constant 0 : i32
    %dma_start3A_38 = arith.constant 0 : i32
    %dma_start3A_39 = tpu.memref_slice %arg2[%dma_start3A_37, %dma_start3A_38] : memref<10000x128xf32, #tpu.memory_space<hbm>> -> memref<10000x128xf32, #tpu.memory_space<hbm>>
    tpu.enqueue_indirect_dma source(%dma_start3A_39 : memref<10000x128xf32, #tpu.memory_space<hbm>>) target(%arg9 : memref<120x128xf32, #tpu.memory_space<vmem>>) offsets(%dma_start3A_36 : memref<120xi32, #tpu.memory_space<vmem>>) semaphore(%arg15 : memref<!tpu.dma_semaphore, #tpu.memory_space<semaphore_mem>>)
    %gt3A = arith.constant 1 : i32
    %gt3A_40 = arith.cmpi sgt, %select_n3A, %gt3A : i32
    %convert_element_type3A = arith.extui %gt3A_40 : i1 to i32
    %cond3A = arith.constant 0 : i32
    %cond3A_41 = arith.cmpi ne, %convert_element_type3A, %cond3A : i32
    scf.if %cond3A_41 {
      %add3A_83 = arith.constant 1 : i32
      %add3A_84 = arith.addi %select_n3A_33, %add3A_83 : i32
      %dma_start3A_85 = arith.constant 0 : i32
      %dma_start3A_86 = arith.constant 0 : i32
      %dma_start3A_87 = tpu.memref_slice %arg3[%add3A_84, %dma_start3A_85, %dma_start3A_86] : memref<2688x2x120xi32, #tpu.memory_space<hbm>> -> memref<1x2x120xi32, #tpu.memory_space<hbm>>
      %dma_start3A_88 = tpu.memref_squeeze %dma_start3A_87 : memref<1x2x120xi32, #tpu.memory_space<hbm>> -> memref<2x120xi32, #tpu.memory_space<hbm>>
      %dma_start3A_89 = arith.constant 0 : i32
      %dma_start3A_90 = arith.constant 0 : i32
      %dma_start3A_91 = tpu.memref_slice %arg3[%add3A_84, %dma_start3A_89, %dma_start3A_90] : memref<2688x2x120xi32, #tpu.memory_space<hbm>> -> memref<1x2x120xi32, #tpu.memory_space<hbm>>
      %dma_start3A_92 = tpu.memref_squeeze %dma_start3A_91 : memref<1x2x120xi32, #tpu.memory_space<hbm>> -> memref<2x120xi32, #tpu.memory_space<hbm>>
      tpu.enqueue_dma source(%dma_start3A_92 : memref<2x120xi32, #tpu.memory_space<hbm>>) target(%arg7 : memref<2x120xi32, #tpu.memory_space<vmem>>) target_semaphore(%arg13 : memref<!tpu.dma_semaphore, #tpu.memory_space<semaphore_mem>>)
    } else {
    }
    %gt3A_42 = arith.constant 2 : i32
    %gt3A_43 = arith.cmpi sgt, %select_n3A, %gt3A_42 : i32
    %convert_element_type3A_44 = arith.extui %gt3A_43 : i1 to i32
    %cond3A_45 = arith.constant 0 : i32
    %cond3A_46 = arith.cmpi ne, %convert_element_type3A_44, %cond3A_45 : i32
    scf.if %cond3A_46 {
      %add3A_83 = arith.constant 2 : i32
      %add3A_84 = arith.addi %select_n3A_33, %add3A_83 : i32
      %dma_start3A_85 = arith.constant 0 : i32
      %dma_start3A_86 = arith.constant 0 : i32
      %dma_start3A_87 = tpu.memref_slice %arg3[%add3A_84, %dma_start3A_85, %dma_start3A_86] : memref<2688x2x120xi32, #tpu.memory_space<hbm>> -> memref<1x2x120xi32, #tpu.memory_space<hbm>>
      %dma_start3A_88 = tpu.memref_squeeze %dma_start3A_87 : memref<1x2x120xi32, #tpu.memory_space<hbm>> -> memref<2x120xi32, #tpu.memory_space<hbm>>
      %dma_start3A_89 = arith.constant 0 : i32
      %dma_start3A_90 = arith.constant 0 : i32
      %dma_start3A_91 = tpu.memref_slice %arg3[%add3A_84, %dma_start3A_89, %dma_start3A_90] : memref<2688x2x120xi32, #tpu.memory_space<hbm>> -> memref<1x2x120xi32, #tpu.memory_space<hbm>>
      %dma_start3A_92 = tpu.memref_squeeze %dma_start3A_91 : memref<1x2x120xi32, #tpu.memory_space<hbm>> -> memref<2x120xi32, #tpu.memory_space<hbm>>
      tpu.enqueue_dma source(%dma_start3A_92 : memref<2x120xi32, #tpu.memory_space<hbm>>) target(%arg8 : memref<2x120xi32, #tpu.memory_space<vmem>>) target_semaphore(%arg14 : memref<!tpu.dma_semaphore, #tpu.memory_space<semaphore_mem>>)
    } else {
    }
    %jit3A_47 = arith.constant 6 : i32
    %div3A = arith.divsi %select_n3A, %jit3A_47 : i32
    %sign3A = arith.constant 0 : i32
    %sign3A_48 = arith.cmpi sgt, %select_n3A, %sign3A : i32
    %sign3A_49 = arith.extui %sign3A_48 : i1 to i32
    %sign3A_50 = arith.constant 0 : i32
    %sign3A_51 = arith.cmpi slt, %select_n3A, %sign3A_50 : i32
    %sign3A_52 = arith.extui %sign3A_51 : i1 to i32
    %sign3A_53 = arith.subi %sign3A_49, %sign3A_52 : i32
    %sign3A_54 = arith.constant 0 : i32
    %sign3A_55 = arith.cmpi sgt, %jit3A_47, %sign3A_54 : i32
    %sign3A_56 = arith.extui %sign3A_55 : i1 to i32
    %sign3A_57 = arith.constant 0 : i32
    %sign3A_58 = arith.cmpi slt, %jit3A_47, %sign3A_57 : i32
    %sign3A_59 = arith.extui %sign3A_58 : i1 to i32
    %sign3A_60 = arith.subi %sign3A_56, %sign3A_59 : i32
    %ne3A = arith.cmpi ne, %sign3A_53, %sign3A_60 : i32
    %rem3A = arith.remsi %select_n3A, %jit3A_47 : i32
    %ne3A_61 = arith.constant 0 : i32
    %ne3A_62 = arith.cmpi ne, %rem3A, %ne3A_61 : i32
    %and3A = arith.andi %ne3A, %ne3A_62 : i1
    %sub3A_63 = arith.constant 1 : i32
    %sub3A_64 = arith.subi %div3A, %sub3A_63 : i32
    %select_n3A_65 = arith.select %and3A, %sub3A_64, %div3A : i32
    %while3A = arith.constant 0 : i32
    %while3A_66 = arith.constant 0 : i32
    %while3A_67 = arith.subi %select_n3A_65, %while3A_66 : i32
    %while3A_68 = arith.addi %while3A_66, %while3A_67 : i32
    %while3A_69 = arith.constant 1 : i32
    %while3A_70 = arith.divsi %while3A_67, %while3A_69 : i32
    %while3A_71 = arith.muli %while3A_70, %while3A_69 : i32
    %while3A_72 = arith.addi %while3A_66, %while3A_71 : i32
    %while3A_73 = arith.constant 1 : i32
    scf.for %while3A_83 = %while3A_66 to %while3A_72 step %while3A_73  : i32 {
      %mul3A_84 = arith.constant 6 : i32
      %mul3A_85 = arith.muli %while3A_83, %mul3A_84 : i32
      %add3A_86 = arith.constant 0 : i32
      %add3A_87 = arith.addi %mul3A_85, %add3A_86 : i32
      %add3A_88 = arith.constant 1 : i32
      %add3A_89 = arith.addi %add3A_87, %add3A_88 : i32
      %lt3A = arith.cmpi slt, %add3A_89, %select_n3A : i32
      %convert_element_type3A_90 = arith.extui %lt3A : i1 to i32
      %cond3A_91 = arith.constant 0 : i32
      %cond3A_92 = arith.cmpi ne, %convert_element_type3A_90, %cond3A_91 : i32
      scf.if %cond3A_92 {
        %add3A_225 = arith.addi %select_n3A_33, %add3A_87 : i32
        %add3A_226 = arith.constant 1 : i32
        %add3A_227 = arith.addi %add3A_225, %add3A_226 : i32
        %dma_wait3A_228 = arith.constant 0 : i32
        %dma_wait3A_229 = arith.constant 0 : i32
        %dma_wait3A_230 = tpu.memref_slice %arg3[%add3A_227, %dma_wait3A_228, %dma_wait3A_229] : memref<2688x2x120xi32, #tpu.memory_space<hbm>> -> memref<1x2x120xi32, #tpu.memory_space<hbm>>
        %dma_wait3A_231 = tpu.memref_squeeze %dma_wait3A_230 : memref<1x2x120xi32, #tpu.memory_space<hbm>> -> memref<2x120xi32, #tpu.memory_space<hbm>>
        %dma_wait3A_232 = arith.constant 0 : i32
        %dma_wait3A_233 = arith.constant 0 : i32
        %dma_wait3A_234 = tpu.memref_slice %arg3[%add3A_227, %dma_wait3A_232, %dma_wait3A_233] : memref<2688x2x120xi32, #tpu.memory_space<hbm>> -> memref<1x2x120xi32, #tpu.memory_space<hbm>>
        %dma_wait3A_235 = tpu.memref_squeeze %dma_wait3A_234 : memref<1x2x120xi32, #tpu.memory_space<hbm>> -> memref<2x120xi32, #tpu.memory_space<hbm>>
        tpu.wait_dma2 semaphore(%arg13 : memref<!tpu.dma_semaphore, #tpu.memory_space<semaphore_mem>>) src(%dma_wait3A_235 : memref<2x120xi32, #tpu.memory_space<hbm>>) dst(%arg7 : memref<2x120xi32, #tpu.memory_space<vmem>>)
        %dma_start3A_236 = arith.constant 0 : i32
        %dma_start3A_237 = arith.constant 0 : i32
        %dma_start3A_238 = tpu.memref_slice %arg7[%dma_start3A_236, %dma_start3A_237] : memref<2x120xi32, #tpu.memory_space<vmem>> -> memref<1x120xi32, #tpu.memory_space<vmem>>
        %dma_start3A_239 = tpu.memref_squeeze %dma_start3A_238 : memref<1x120xi32, #tpu.memory_space<vmem>> -> memref<120xi32, #tpu.memory_space<vmem>>
        %dma_start3A_240 = arith.constant 0 : i32
        %dma_start3A_241 = arith.constant 0 : i32
        %dma_start3A_242 = tpu.memref_slice %arg2[%dma_start3A_240, %dma_start3A_241] : memref<10000x128xf32, #tpu.memory_space<hbm>> -> memref<10000x128xf32, #tpu.memory_space<hbm>>
        tpu.enqueue_indirect_dma source(%dma_start3A_242 : memref<10000x128xf32, #tpu.memory_space<hbm>>) target(%arg10 : memref<120x128xf32, #tpu.memory_space<vmem>>) offsets(%dma_start3A_239 : memref<120xi32, #tpu.memory_space<vmem>>) semaphore(%arg16 : memref<!tpu.dma_semaphore, #tpu.memory_space<semaphore_mem>>)
      } else {
      }
      %dma_wait3A = arith.constant 0 : i32
      %dma_wait3A_93 = arith.constant 0 : i32
      %dma_wait3A_94 = tpu.memref_slice %arg6[%dma_wait3A, %dma_wait3A_93] : memref<2x120xi32, #tpu.memory_space<vmem>> -> memref<1x120xi32, #tpu.memory_space<vmem>>
      %dma_wait3A_95 = tpu.memref_squeeze %dma_wait3A_94 : memref<1x120xi32, #tpu.memory_space<vmem>> -> memref<120xi32, #tpu.memory_space<vmem>>
      %dma_wait3A_96 = arith.constant 0 : i32
      %dma_wait3A_97 = arith.constant 0 : i32
      %dma_wait3A_98 = tpu.memref_slice %arg2[%dma_wait3A_96, %dma_wait3A_97] : memref<10000x128xf32, #tpu.memory_space<hbm>> -> memref<10000x128xf32, #tpu.memory_space<hbm>>
      tpu.wait_indirect_dma semaphore(%arg15 : memref<!tpu.dma_semaphore, #tpu.memory_space<semaphore_mem>>) src(%dma_wait3A_98 : memref<10000x128xf32, #tpu.memory_space<hbm>>) dst(%arg9 : memref<120x128xf32, #tpu.memory_space<vmem>>)
      %run_scoped3A = arith.constant 1 : i32
      "tpu.region"() ({
        %run_scoped3A_225 = tpu.sem_alloc : memref<!tpu.dma_semaphore, #tpu.memory_space<semaphore_mem>>
        %dma_start3A_226 = arith.constant 0 : i32
        %dma_start3A_227 = tpu.memref_slice %arg6[%run_scoped3A, %dma_start3A_226] : memref<2x120xi32, #tpu.memory_space<vmem>> -> memref<1x120xi32, #tpu.memory_space<vmem>>
        %dma_start3A_228 = tpu.memref_squeeze %dma_start3A_227 : memref<1x120xi32, #tpu.memory_space<vmem>> -> memref<120xi32, #tpu.memory_space<vmem>>
        %dma_start3A_229 = arith.constant 0 : i32
        %dma_start3A_230 = arith.constant 0 : i32
        %dma_start3A_231 = tpu.memref_slice %arg11[%dma_start3A_229, %dma_start3A_230] : memref<10240x128xf32, #tpu.memory_space<vmem_shared>> -> memref<10240x128xf32, #tpu.memory_space<vmem_shared>>
        tpu.enqueue_indirect_dma source(%arg9 : memref<120x128xf32, #tpu.memory_space<vmem>>) target(%dma_start3A_231 : memref<10240x128xf32, #tpu.memory_space<vmem_shared>>) offsets(%dma_start3A_228 : memref<120xi32, #tpu.memory_space<vmem>>) semaphore(%run_scoped3A_225 : memref<!tpu.dma_semaphore, #tpu.memory_space<semaphore_mem>>) {add = true}
        %dma_wait3A_232 = arith.constant 0 : i32
        %dma_wait3A_233 = tpu.memref_slice %arg6[%run_scoped3A, %dma_wait3A_232] : memref<2x120xi32, #tpu.memory_space<vmem>> -> memref<1x120xi32, #tpu.memory_space<vmem>>
        %dma_wait3A_234 = tpu.memref_squeeze %dma_wait3A_233 : memref<1x120xi32, #tpu.memory_space<vmem>> -> memref<120xi32, #tpu.memory_space<vmem>>
        %dma_wait3A_235 = arith.constant 0 : i32
        %dma_wait3A_236 = arith.constant 0 : i32
        %dma_wait3A_237 = tpu.memref_slice %arg11[%dma_wait3A_235, %dma_wait3A_236] : memref<10240x128xf32, #tpu.memory_space<vmem_shared>> -> memref<10240x128xf32, #tpu.memory_space<vmem_shared>>
        tpu.wait_indirect_dma semaphore(%run_scoped3A_225 : memref<!tpu.dma_semaphore, #tpu.memory_space<semaphore_mem>>) src(%arg9 : memref<120x128xf32, #tpu.memory_space<vmem>>) dst(%dma_wait3A_237 : memref<10240x128xf32, #tpu.memory_space<vmem_shared>>)
        tpu.yield
      }) : () -> ()
      %add3A_99 = arith.constant 3 : i32
      %add3A_100 = arith.addi %add3A_87, %add3A_99 : i32
      %lt3A_101 = arith.cmpi slt, %add3A_100, %select_n3A : i32
      %convert_element_type3A_102 = arith.extui %lt3A_101 : i1 to i32
      %cond3A_103 = arith.constant 0 : i32
      %cond3A_104 = arith.cmpi ne, %convert_element_type3A_102, %cond3A_103 : i32
      scf.if %cond3A_104 {
        %add3A_225 = arith.addi %select_n3A_33, %add3A_87 : i32
        %add3A_226 = arith.constant 3 : i32
        %add3A_227 = arith.addi %add3A_225, %add3A_226 : i32
        %dma_start3A_228 = arith.constant 0 : i32
        %dma_start3A_229 = arith.constant 0 : i32
        %dma_start3A_230 = tpu.memref_slice %arg3[%add3A_227, %dma_start3A_228, %dma_start3A_229] : memref<2688x2x120xi32, #tpu.memory_space<hbm>> -> memref<1x2x120xi32, #tpu.memory_space<hbm>>
        %dma_start3A_231 = tpu.memref_squeeze %dma_start3A_230 : memref<1x2x120xi32, #tpu.memory_space<hbm>> -> memref<2x120xi32, #tpu.memory_space<hbm>>
        %dma_start3A_232 = arith.constant 0 : i32
        %dma_start3A_233 = arith.constant 0 : i32
        %dma_start3A_234 = tpu.memref_slice %arg3[%add3A_227, %dma_start3A_232, %dma_start3A_233] : memref<2688x2x120xi32, #tpu.memory_space<hbm>> -> memref<1x2x120xi32, #tpu.memory_space<hbm>>
        %dma_start3A_235 = tpu.memref_squeeze %dma_start3A_234 : memref<1x2x120xi32, #tpu.memory_space<hbm>> -> memref<2x120xi32, #tpu.memory_space<hbm>>
        tpu.enqueue_dma source(%dma_start3A_235 : memref<2x120xi32, #tpu.memory_space<hbm>>) target(%arg6 : memref<2x120xi32, #tpu.memory_space<vmem>>) target_semaphore(%arg12 : memref<!tpu.dma_semaphore, #tpu.memory_space<semaphore_mem>>)
      } else {
      }
      %mul3A_105 = arith.constant 6 : i32
      %mul3A_106 = arith.muli %while3A_83, %mul3A_105 : i32
      %add3A_107 = arith.constant 1 : i32
      %add3A_108 = arith.addi %mul3A_106, %add3A_107 : i32
      %add3A_109 = arith.constant 1 : i32
      %add3A_110 = arith.addi %add3A_108, %add3A_109 : i32
      %lt3A_111 = arith.cmpi slt, %add3A_110, %select_n3A : i32
      %convert_element_type3A_112 = arith.extui %lt3A_111 : i1 to i32
      %cond3A_113 = arith.constant 0 : i32
      %cond3A_114 = arith.cmpi ne, %convert_element_type3A_112, %cond3A_113 : i32
      scf.if %cond3A_114 {
        %add3A_225 = arith.addi %select_n3A_33, %add3A_108 : i32
        %add3A_226 = arith.constant 1 : i32
        %add3A_227 = arith.addi %add3A_225, %add3A_226 : i32
        %dma_wait3A_228 = arith.constant 0 : i32
        %dma_wait3A_229 = arith.constant 0 : i32
        %dma_wait3A_230 = tpu.memref_slice %arg3[%add3A_227, %dma_wait3A_228, %dma_wait3A_229] : memref<2688x2x120xi32, #tpu.memory_space<hbm>> -> memref<1x2x120xi32, #tpu.memory_space<hbm>>
        %dma_wait3A_231 = tpu.memref_squeeze %dma_wait3A_230 : memref<1x2x120xi32, #tpu.memory_space<hbm>> -> memref<2x120xi32, #tpu.memory_space<hbm>>
        %dma_wait3A_232 = arith.constant 0 : i32
        %dma_wait3A_233 = arith.constant 0 : i32
        %dma_wait3A_234 = tpu.memref_slice %arg3[%add3A_227, %dma_wait3A_232, %dma_wait3A_233] : memref<2688x2x120xi32, #tpu.memory_space<hbm>> -> memref<1x2x120xi32, #tpu.memory_space<hbm>>
        %dma_wait3A_235 = tpu.memref_squeeze %dma_wait3A_234 : memref<1x2x120xi32, #tpu.memory_space<hbm>> -> memref<2x120xi32, #tpu.memory_space<hbm>>
        tpu.wait_dma2 semaphore(%arg14 : memref<!tpu.dma_semaphore, #tpu.memory_space<semaphore_mem>>) src(%dma_wait3A_235 : memref<2x120xi32, #tpu.memory_space<hbm>>) dst(%arg8 : memref<2x120xi32, #tpu.memory_space<vmem>>)
        %dma_start3A_236 = arith.constant 0 : i32
        %dma_start3A_237 = arith.constant 0 : i32
        %dma_start3A_238 = tpu.memref_slice %arg8[%dma_start3A_236, %dma_start3A_237] : memref<2x120xi32, #tpu.memory_space<vmem>> -> memref<1x120xi32, #tpu.memory_space<vmem>>
        %dma_start3A_239 = tpu.memref_squeeze %dma_start3A_238 : memref<1x120xi32, #tpu.memory_space<vmem>> -> memref<120xi32, #tpu.memory_space<vmem>>
        %dma_start3A_240 = arith.constant 0 : i32
        %dma_start3A_241 = arith.constant 0 : i32
        %dma_start3A_242 = tpu.memref_slice %arg2[%dma_start3A_240, %dma_start3A_241] : memref<10000x128xf32, #tpu.memory_space<hbm>> -> memref<10000x128xf32, #tpu.memory_space<hbm>>
        tpu.enqueue_indirect_dma source(%dma_start3A_242 : memref<10000x128xf32, #tpu.memory_space<hbm>>) target(%arg9 : memref<120x128xf32, #tpu.memory_space<vmem>>) offsets(%dma_start3A_239 : memref<120xi32, #tpu.memory_space<vmem>>) semaphore(%arg15 : memref<!tpu.dma_semaphore, #tpu.memory_space<semaphore_mem>>)
      } else {
      }
      %dma_wait3A_115 = arith.constant 0 : i32
      %dma_wait3A_116 = arith.constant 0 : i32
      %dma_wait3A_117 = tpu.memref_slice %arg7[%dma_wait3A_115, %dma_wait3A_116] : memref<2x120xi32, #tpu.memory_space<vmem>> -> memref<1x120xi32, #tpu.memory_space<vmem>>
      %dma_wait3A_118 = tpu.memref_squeeze %dma_wait3A_117 : memref<1x120xi32, #tpu.memory_space<vmem>> -> memref<120xi32, #tpu.memory_space<vmem>>
      %dma_wait3A_119 = arith.constant 0 : i32
      %dma_wait3A_120 = arith.constant 0 : i32
      %dma_wait3A_121 = tpu.memref_slice %arg2[%dma_wait3A_119, %dma_wait3A_120] : memref<10000x128xf32, #tpu.memory_space<hbm>> -> memref<10000x128xf32, #tpu.memory_space<hbm>>
      tpu.wait_indirect_dma semaphore(%arg16 : memref<!tpu.dma_semaphore, #tpu.memory_space<semaphore_mem>>) src(%dma_wait3A_121 : memref<10000x128xf32, #tpu.memory_space<hbm>>) dst(%arg10 : memref<120x128xf32, #tpu.memory_space<vmem>>)
      %run_scoped3A_122 = arith.constant 1 : i32
      "tpu.region"() ({
        %run_scoped3A_225 = tpu.sem_alloc : memref<!tpu.dma_semaphore, #tpu.memory_space<semaphore_mem>>
        %dma_start3A_226 = arith.constant 0 : i32
        %dma_start3A_227 = tpu.memref_slice %arg7[%run_scoped3A_122, %dma_start3A_226] : memref<2x120xi32, #tpu.memory_space<vmem>> -> memref<1x120xi32, #tpu.memory_space<vmem>>
        %dma_start3A_228 = tpu.memref_squeeze %dma_start3A_227 : memref<1x120xi32, #tpu.memory_space<vmem>> -> memref<120xi32, #tpu.memory_space<vmem>>
        %dma_start3A_229 = arith.constant 0 : i32
        %dma_start3A_230 = arith.constant 0 : i32
        %dma_start3A_231 = tpu.memref_slice %arg11[%dma_start3A_229, %dma_start3A_230] : memref<10240x128xf32, #tpu.memory_space<vmem_shared>> -> memref<10240x128xf32, #tpu.memory_space<vmem_shared>>
        tpu.enqueue_indirect_dma source(%arg10 : memref<120x128xf32, #tpu.memory_space<vmem>>) target(%dma_start3A_231 : memref<10240x128xf32, #tpu.memory_space<vmem_shared>>) offsets(%dma_start3A_228 : memref<120xi32, #tpu.memory_space<vmem>>) semaphore(%run_scoped3A_225 : memref<!tpu.dma_semaphore, #tpu.memory_space<semaphore_mem>>) {add = true}
        %dma_wait3A_232 = arith.constant 0 : i32
        %dma_wait3A_233 = tpu.memref_slice %arg7[%run_scoped3A_122, %dma_wait3A_232] : memref<2x120xi32, #tpu.memory_space<vmem>> -> memref<1x120xi32, #tpu.memory_space<vmem>>
        %dma_wait3A_234 = tpu.memref_squeeze %dma_wait3A_233 : memref<1x120xi32, #tpu.memory_space<vmem>> -> memref<120xi32, #tpu.memory_space<vmem>>
        %dma_wait3A_235 = arith.constant 0 : i32
        %dma_wait3A_236 = arith.constant 0 : i32
        %dma_wait3A_237 = tpu.memref_slice %arg11[%dma_wait3A_235, %dma_wait3A_236] : memref<10240x128xf32, #tpu.memory_space<vmem_shared>> -> memref<10240x128xf32, #tpu.memory_space<vmem_shared>>
        tpu.wait_indirect_dma semaphore(%run_scoped3A_225 : memref<!tpu.dma_semaphore, #tpu.memory_space<semaphore_mem>>) src(%arg10 : memref<120x128xf32, #tpu.memory_space<vmem>>) dst(%dma_wait3A_237 : memref<10240x128xf32, #tpu.memory_space<vmem_shared>>)
        tpu.yield
      }) : () -> ()
      %add3A_123 = arith.constant 3 : i32
      %add3A_124 = arith.addi %add3A_108, %add3A_123 : i32
      %lt3A_125 = arith.cmpi slt, %add3A_124, %select_n3A : i32
      %convert_element_type3A_126 = arith.extui %lt3A_125 : i1 to i32
      %cond3A_127 = arith.constant 0 : i32
      %cond3A_128 = arith.cmpi ne, %convert_element_type3A_126, %cond3A_127 : i32
      scf.if %cond3A_128 {
        %add3A_225 = arith.addi %select_n3A_33, %add3A_108 : i32
        %add3A_226 = arith.constant 3 : i32
        %add3A_227 = arith.addi %add3A_225, %add3A_226 : i32
        %dma_start3A_228 = arith.constant 0 : i32
        %dma_start3A_229 = arith.constant 0 : i32
        %dma_start3A_230 = tpu.memref_slice %arg3[%add3A_227, %dma_start3A_228, %dma_start3A_229] : memref<2688x2x120xi32, #tpu.memory_space<hbm>> -> memref<1x2x120xi32, #tpu.memory_space<hbm>>
        %dma_start3A_231 = tpu.memref_squeeze %dma_start3A_230 : memref<1x2x120xi32, #tpu.memory_space<hbm>> -> memref<2x120xi32, #tpu.memory_space<hbm>>
        %dma_start3A_232 = arith.constant 0 : i32
        %dma_start3A_233 = arith.constant 0 : i32
        %dma_start3A_234 = tpu.memref_slice %arg3[%add3A_227, %dma_start3A_232, %dma_start3A_233] : memref<2688x2x120xi32, #tpu.memory_space<hbm>> -> memref<1x2x120xi32, #tpu.memory_space<hbm>>
        %dma_start3A_235 = tpu.memref_squeeze %dma_start3A_234 : memref<1x2x120xi32, #tpu.memory_space<hbm>> -> memref<2x120xi32, #tpu.memory_space<hbm>>
        tpu.enqueue_dma source(%dma_start3A_235 : memref<2x120xi32, #tpu.memory_space<hbm>>) target(%arg7 : memref<2x120xi32, #tpu.memory_space<vmem>>) target_semaphore(%arg13 : memref<!tpu.dma_semaphore, #tpu.memory_space<semaphore_mem>>)
      } else {
      }
      %mul3A_129 = arith.constant 6 : i32
      %mul3A_130 = arith.muli %while3A_83, %mul3A_129 : i32
      %add3A_131 = arith.constant 2 : i32
      %add3A_132 = arith.addi %mul3A_130, %add3A_131 : i32
      %add3A_133 = arith.constant 1 : i32
      %add3A_134 = arith.addi %add3A_132, %add3A_133 : i32
      %lt3A_135 = arith.cmpi slt, %add3A_134, %select_n3A : i32
      %convert_element_type3A_136 = arith.extui %lt3A_135 : i1 to i32
      %cond3A_137 = arith.constant 0 : i32
      %cond3A_138 = arith.cmpi ne, %convert_element_type3A_136, %cond3A_137 : i32
      scf.if %cond3A_138 {
        %add3A_225 = arith.addi %select_n3A_33, %add3A_132 : i32
        %add3A_226 = arith.constant 1 : i32
        %add3A_227 = arith.addi %add3A_225, %add3A_226 : i32
        %dma_wait3A_228 = arith.constant 0 : i32
        %dma_wait3A_229 = arith.constant 0 : i32
        %dma_wait3A_230 = tpu.memref_slice %arg3[%add3A_227, %dma_wait3A_228, %dma_wait3A_229] : memref<2688x2x120xi32, #tpu.memory_space<hbm>> -> memref<1x2x120xi32, #tpu.memory_space<hbm>>
        %dma_wait3A_231 = tpu.memref_squeeze %dma_wait3A_230 : memref<1x2x120xi32, #tpu.memory_space<hbm>> -> memref<2x120xi32, #tpu.memory_space<hbm>>
        %dma_wait3A_232 = arith.constant 0 : i32
        %dma_wait3A_233 = arith.constant 0 : i32
        %dma_wait3A_234 = tpu.memref_slice %arg3[%add3A_227, %dma_wait3A_232, %dma_wait3A_233] : memref<2688x2x120xi32, #tpu.memory_space<hbm>> -> memref<1x2x120xi32, #tpu.memory_space<hbm>>
        %dma_wait3A_235 = tpu.memref_squeeze %dma_wait3A_234 : memref<1x2x120xi32, #tpu.memory_space<hbm>> -> memref<2x120xi32, #tpu.memory_space<hbm>>
        tpu.wait_dma2 semaphore(%arg12 : memref<!tpu.dma_semaphore, #tpu.memory_space<semaphore_mem>>) src(%dma_wait3A_235 : memref<2x120xi32, #tpu.memory_space<hbm>>) dst(%arg6 : memref<2x120xi32, #tpu.memory_space<vmem>>)
        %dma_start3A_236 = arith.constant 0 : i32
        %dma_start3A_237 = arith.constant 0 : i32
        %dma_start3A_238 = tpu.memref_slice %arg6[%dma_start3A_236, %dma_start3A_237] : memref<2x120xi32, #tpu.memory_space<vmem>> -> memref<1x120xi32, #tpu.memory_space<vmem>>
        %dma_start3A_239 = tpu.memref_squeeze %dma_start3A_238 : memref<1x120xi32, #tpu.memory_space<vmem>> -> memref<120xi32, #tpu.memory_space<vmem>>
        %dma_start3A_240 = arith.constant 0 : i32
        %dma_start3A_241 = arith.constant 0 : i32
        %dma_start3A_242 = tpu.memref_slice %arg2[%dma_start3A_240, %dma_start3A_241] : memref<10000x128xf32, #tpu.memory_space<hbm>> -> memref<10000x128xf32, #tpu.memory_space<hbm>>
        tpu.enqueue_indirect_dma source(%dma_start3A_242 : memref<10000x128xf32, #tpu.memory_space<hbm>>) target(%arg10 : memref<120x128xf32, #tpu.memory_space<vmem>>) offsets(%dma_start3A_239 : memref<120xi32, #tpu.memory_space<vmem>>) semaphore(%arg16 : memref<!tpu.dma_semaphore, #tpu.memory_space<semaphore_mem>>)
      } else {
      }
      %dma_wait3A_139 = arith.constant 0 : i32
      %dma_wait3A_140 = arith.constant 0 : i32
      %dma_wait3A_141 = tpu.memref_slice %arg8[%dma_wait3A_139, %dma_wait3A_140] : memref<2x120xi32, #tpu.memory_space<vmem>> -> memref<1x120xi32, #tpu.memory_space<vmem>>
      %dma_wait3A_142 = tpu.memref_squeeze %dma_wait3A_141 : memref<1x120xi32, #tpu.memory_space<vmem>> -> memref<120xi32, #tpu.memory_space<vmem>>
      %dma_wait3A_143 = arith.constant 0 : i32
      %dma_wait3A_144 = arith.constant 0 : i32
      %dma_wait3A_145 = tpu.memref_slice %arg2[%dma_wait3A_143, %dma_wait3A_144] : memref<10000x128xf32, #tpu.memory_space<hbm>> -> memref<10000x128xf32, #tpu.memory_space<hbm>>
      tpu.wait_indirect_dma semaphore(%arg15 : memref<!tpu.dma_semaphore, #tpu.memory_space<semaphore_mem>>) src(%dma_wait3A_145 : memref<10000x128xf32, #tpu.memory_space<hbm>>) dst(%arg9 : memref<120x128xf32, #tpu.memory_space<vmem>>)
      %run_scoped3A_146 = arith.constant 1 : i32
      "tpu.region"() ({
        %run_scoped3A_225 = tpu.sem_alloc : memref<!tpu.dma_semaphore, #tpu.memory_space<semaphore_mem>>
        %dma_start3A_226 = arith.constant 0 : i32
        %dma_start3A_227 = tpu.memref_slice %arg8[%run_scoped3A_146, %dma_start3A_226] : memref<2x120xi32, #tpu.memory_space<vmem>> -> memref<1x120xi32, #tpu.memory_space<vmem>>
        %dma_start3A_228 = tpu.memref_squeeze %dma_start3A_227 : memref<1x120xi32, #tpu.memory_space<vmem>> -> memref<120xi32, #tpu.memory_space<vmem>>
        %dma_start3A_229 = arith.constant 0 : i32
        %dma_start3A_230 = arith.constant 0 : i32
        %dma_start3A_231 = tpu.memref_slice %arg11[%dma_start3A_229, %dma_start3A_230] : memref<10240x128xf32, #tpu.memory_space<vmem_shared>> -> memref<10240x128xf32, #tpu.memory_space<vmem_shared>>
        tpu.enqueue_indirect_dma source(%arg9 : memref<120x128xf32, #tpu.memory_space<vmem>>) target(%dma_start3A_231 : memref<10240x128xf32, #tpu.memory_space<vmem_shared>>) offsets(%dma_start3A_228 : memref<120xi32, #tpu.memory_space<vmem>>) semaphore(%run_scoped3A_225 : memref<!tpu.dma_semaphore, #tpu.memory_space<semaphore_mem>>) {add = true}
        %dma_wait3A_232 = arith.constant 0 : i32
        %dma_wait3A_233 = tpu.memref_slice %arg8[%run_scoped3A_146, %dma_wait3A_232] : memref<2x120xi32, #tpu.memory_space<vmem>> -> memref<1x120xi32, #tpu.memory_space<vmem>>
        %dma_wait3A_234 = tpu.memref_squeeze %dma_wait3A_233 : memref<1x120xi32, #tpu.memory_space<vmem>> -> memref<120xi32, #tpu.memory_space<vmem>>
        %dma_wait3A_235 = arith.constant 0 : i32
        %dma_wait3A_236 = arith.constant 0 : i32
        %dma_wait3A_237 = tpu.memref_slice %arg11[%dma_wait3A_235, %dma_wait3A_236] : memref<10240x128xf32, #tpu.memory_space<vmem_shared>> -> memref<10240x128xf32, #tpu.memory_space<vmem_shared>>
        tpu.wait_indirect_dma semaphore(%run_scoped3A_225 : memref<!tpu.dma_semaphore, #tpu.memory_space<semaphore_mem>>) src(%arg9 : memref<120x128xf32, #tpu.memory_space<vmem>>) dst(%dma_wait3A_237 : memref<10240x128xf32, #tpu.memory_space<vmem_shared>>)
        tpu.yield
      }) : () -> ()
      %add3A_147 = arith.constant 3 : i32
      %add3A_148 = arith.addi %add3A_132, %add3A_147 : i32
      %lt3A_149 = arith.cmpi slt, %add3A_148, %select_n3A : i32
      %convert_element_type3A_150 = arith.extui %lt3A_149 : i1 to i32
      %cond3A_151 = arith.constant 0 : i32
      %cond3A_152 = arith.cmpi ne, %convert_element_type3A_150, %cond3A_151 : i32
      scf.if %cond3A_152 {
        %add3A_225 = arith.addi %select_n3A_33, %add3A_132 : i32
        %add3A_226 = arith.constant 3 : i32
        %add3A_227 = arith.addi %add3A_225, %add3A_226 : i32
        %dma_start3A_228 = arith.constant 0 : i32
        %dma_start3A_229 = arith.constant 0 : i32
        %dma_start3A_230 = tpu.memref_slice %arg3[%add3A_227, %dma_start3A_228, %dma_start3A_229] : memref<2688x2x120xi32, #tpu.memory_space<hbm>> -> memref<1x2x120xi32, #tpu.memory_space<hbm>>
        %dma_start3A_231 = tpu.memref_squeeze %dma_start3A_230 : memref<1x2x120xi32, #tpu.memory_space<hbm>> -> memref<2x120xi32, #tpu.memory_space<hbm>>
        %dma_start3A_232 = arith.constant 0 : i32
        %dma_start3A_233 = arith.constant 0 : i32
        %dma_start3A_234 = tpu.memref_slice %arg3[%add3A_227, %dma_start3A_232, %dma_start3A_233] : memref<2688x2x120xi32, #tpu.memory_space<hbm>> -> memref<1x2x120xi32, #tpu.memory_space<hbm>>
        %dma_start3A_235 = tpu.memref_squeeze %dma_start3A_234 : memref<1x2x120xi32, #tpu.memory_space<hbm>> -> memref<2x120xi32, #tpu.memory_space<hbm>>
        tpu.enqueue_dma source(%dma_start3A_235 : memref<2x120xi32, #tpu.memory_space<hbm>>) target(%arg8 : memref<2x120xi32, #tpu.memory_space<vmem>>) target_semaphore(%arg14 : memref<!tpu.dma_semaphore, #tpu.memory_space<semaphore_mem>>)
      } else {
      }
      %mul3A_153 = arith.constant 6 : i32
      %mul3A_154 = arith.muli %while3A_83, %mul3A_153 : i32
      %add3A_155 = arith.constant 3 : i32
      %add3A_156 = arith.addi %mul3A_154, %add3A_155 : i32
      %add3A_157 = arith.constant 1 : i32
      %add3A_158 = arith.addi %add3A_156, %add3A_157 : i32
      %lt3A_159 = arith.cmpi slt, %add3A_158, %select_n3A : i32
      %convert_element_type3A_160 = arith.extui %lt3A_159 : i1 to i32
      %cond3A_161 = arith.constant 0 : i32
      %cond3A_162 = arith.cmpi ne, %convert_element_type3A_160, %cond3A_161 : i32
      scf.if %cond3A_162 {
        %add3A_225 = arith.addi %select_n3A_33, %add3A_156 : i32
        %add3A_226 = arith.constant 1 : i32
        %add3A_227 = arith.addi %add3A_225, %add3A_226 : i32
        %dma_wait3A_228 = arith.constant 0 : i32
        %dma_wait3A_229 = arith.constant 0 : i32
        %dma_wait3A_230 = tpu.memref_slice %arg3[%add3A_227, %dma_wait3A_228, %dma_wait3A_229] : memref<2688x2x120xi32, #tpu.memory_space<hbm>> -> memref<1x2x120xi32, #tpu.memory_space<hbm>>
        %dma_wait3A_231 = tpu.memref_squeeze %dma_wait3A_230 : memref<1x2x120xi32, #tpu.memory_space<hbm>> -> memref<2x120xi32, #tpu.memory_space<hbm>>
        %dma_wait3A_232 = arith.constant 0 : i32
        %dma_wait3A_233 = arith.constant 0 : i32
        %dma_wait3A_234 = tpu.memref_slice %arg3[%add3A_227, %dma_wait3A_232, %dma_wait3A_233] : memref<2688x2x120xi32, #tpu.memory_space<hbm>> -> memref<1x2x120xi32, #tpu.memory_space<hbm>>
        %dma_wait3A_235 = tpu.memref_squeeze %dma_wait3A_234 : memref<1x2x120xi32, #tpu.memory_space<hbm>> -> memref<2x120xi32, #tpu.memory_space<hbm>>
        tpu.wait_dma2 semaphore(%arg13 : memref<!tpu.dma_semaphore, #tpu.memory_space<semaphore_mem>>) src(%dma_wait3A_235 : memref<2x120xi32, #tpu.memory_space<hbm>>) dst(%arg7 : memref<2x120xi32, #tpu.memory_space<vmem>>)
        %dma_start3A_236 = arith.constant 0 : i32
        %dma_start3A_237 = arith.constant 0 : i32
        %dma_start3A_238 = tpu.memref_slice %arg7[%dma_start3A_236, %dma_start3A_237] : memref<2x120xi32, #tpu.memory_space<vmem>> -> memref<1x120xi32, #tpu.memory_space<vmem>>
        %dma_start3A_239 = tpu.memref_squeeze %dma_start3A_238 : memref<1x120xi32, #tpu.memory_space<vmem>> -> memref<120xi32, #tpu.memory_space<vmem>>
        %dma_start3A_240 = arith.constant 0 : i32
        %dma_start3A_241 = arith.constant 0 : i32
        %dma_start3A_242 = tpu.memref_slice %arg2[%dma_start3A_240, %dma_start3A_241] : memref<10000x128xf32, #tpu.memory_space<hbm>> -> memref<10000x128xf32, #tpu.memory_space<hbm>>
        tpu.enqueue_indirect_dma source(%dma_start3A_242 : memref<10000x128xf32, #tpu.memory_space<hbm>>) target(%arg9 : memref<120x128xf32, #tpu.memory_space<vmem>>) offsets(%dma_start3A_239 : memref<120xi32, #tpu.memory_space<vmem>>) semaphore(%arg15 : memref<!tpu.dma_semaphore, #tpu.memory_space<semaphore_mem>>)
      } else {
      }
      %dma_wait3A_163 = arith.constant 0 : i32
      %dma_wait3A_164 = arith.constant 0 : i32
      %dma_wait3A_165 = tpu.memref_slice %arg6[%dma_wait3A_163, %dma_wait3A_164] : memref<2x120xi32, #tpu.memory_space<vmem>> -> memref<1x120xi32, #tpu.memory_space<vmem>>
      %dma_wait3A_166 = tpu.memref_squeeze %dma_wait3A_165 : memref<1x120xi32, #tpu.memory_space<vmem>> -> memref<120xi32, #tpu.memory_space<vmem>>
      %dma_wait3A_167 = arith.constant 0 : i32
      %dma_wait3A_168 = arith.constant 0 : i32
      %dma_wait3A_169 = tpu.memref_slice %arg2[%dma_wait3A_167, %dma_wait3A_168] : memref<10000x128xf32, #tpu.memory_space<hbm>> -> memref<10000x128xf32, #tpu.memory_space<hbm>>
      tpu.wait_indirect_dma semaphore(%arg16 : memref<!tpu.dma_semaphore, #tpu.memory_space<semaphore_mem>>) src(%dma_wait3A_169 : memref<10000x128xf32, #tpu.memory_space<hbm>>) dst(%arg10 : memref<120x128xf32, #tpu.memory_space<vmem>>)
      %run_scoped3A_170 = arith.constant 1 : i32
      "tpu.region"() ({
        %run_scoped3A_225 = tpu.sem_alloc : memref<!tpu.dma_semaphore, #tpu.memory_space<semaphore_mem>>
        %dma_start3A_226 = arith.constant 0 : i32
        %dma_start3A_227 = tpu.memref_slice %arg6[%run_scoped3A_170, %dma_start3A_226] : memref<2x120xi32, #tpu.memory_space<vmem>> -> memref<1x120xi32, #tpu.memory_space<vmem>>
        %dma_start3A_228 = tpu.memref_squeeze %dma_start3A_227 : memref<1x120xi32, #tpu.memory_space<vmem>> -> memref<120xi32, #tpu.memory_space<vmem>>
        %dma_start3A_229 = arith.constant 0 : i32
        %dma_start3A_230 = arith.constant 0 : i32
        %dma_start3A_231 = tpu.memref_slice %arg11[%dma_start3A_229, %dma_start3A_230] : memref<10240x128xf32, #tpu.memory_space<vmem_shared>> -> memref<10240x128xf32, #tpu.memory_space<vmem_shared>>
        tpu.enqueue_indirect_dma source(%arg10 : memref<120x128xf32, #tpu.memory_space<vmem>>) target(%dma_start3A_231 : memref<10240x128xf32, #tpu.memory_space<vmem_shared>>) offsets(%dma_start3A_228 : memref<120xi32, #tpu.memory_space<vmem>>) semaphore(%run_scoped3A_225 : memref<!tpu.dma_semaphore, #tpu.memory_space<semaphore_mem>>) {add = true}
        %dma_wait3A_232 = arith.constant 0 : i32
        %dma_wait3A_233 = tpu.memref_slice %arg6[%run_scoped3A_170, %dma_wait3A_232] : memref<2x120xi32, #tpu.memory_space<vmem>> -> memref<1x120xi32, #tpu.memory_space<vmem>>
        %dma_wait3A_234 = tpu.memref_squeeze %dma_wait3A_233 : memref<1x120xi32, #tpu.memory_space<vmem>> -> memref<120xi32, #tpu.memory_space<vmem>>
        %dma_wait3A_235 = arith.constant 0 : i32
        %dma_wait3A_236 = arith.constant 0 : i32
        %dma_wait3A_237 = tpu.memref_slice %arg11[%dma_wait3A_235, %dma_wait3A_236] : memref<10240x128xf32, #tpu.memory_space<vmem_shared>> -> memref<10240x128xf32, #tpu.memory_space<vmem_shared>>
        tpu.wait_indirect_dma semaphore(%run_scoped3A_225 : memref<!tpu.dma_semaphore, #tpu.memory_space<semaphore_mem>>) src(%arg10 : memref<120x128xf32, #tpu.memory_space<vmem>>) dst(%dma_wait3A_237 : memref<10240x128xf32, #tpu.memory_space<vmem_shared>>)
        tpu.yield
      }) : () -> ()
      %add3A_171 = arith.constant 3 : i32
      %add3A_172 = arith.addi %add3A_156, %add3A_171 : i32
      %lt3A_173 = arith.cmpi slt, %add3A_172, %select_n3A : i32
      %convert_element_type3A_174 = arith.extui %lt3A_173 : i1 to i32
      %cond3A_175 = arith.constant 0 : i32
      %cond3A_176 = arith.cmpi ne, %convert_element_type3A_174, %cond3A_175 : i32
      scf.if %cond3A_176 {
        %add3A_225 = arith.addi %select_n3A_33, %add3A_156 : i32
        %add3A_226 = arith.constant 3 : i32
        %add3A_227 = arith.addi %add3A_225, %add3A_226 : i32
        %dma_start3A_228 = arith.constant 0 : i32
        %dma_start3A_229 = arith.constant 0 : i32
        %dma_start3A_230 = tpu.memref_slice %arg3[%add3A_227, %dma_start3A_228, %dma_start3A_229] : memref<2688x2x120xi32, #tpu.memory_space<hbm>> -> memref<1x2x120xi32, #tpu.memory_space<hbm>>
        %dma_start3A_231 = tpu.memref_squeeze %dma_start3A_230 : memref<1x2x120xi32, #tpu.memory_space<hbm>> -> memref<2x120xi32, #tpu.memory_space<hbm>>
        %dma_start3A_232 = arith.constant 0 : i32
        %dma_start3A_233 = arith.constant 0 : i32
        %dma_start3A_234 = tpu.memref_slice %arg3[%add3A_227, %dma_start3A_232, %dma_start3A_233] : memref<2688x2x120xi32, #tpu.memory_space<hbm>> -> memref<1x2x120xi32, #tpu.memory_space<hbm>>
        %dma_start3A_235 = tpu.memref_squeeze %dma_start3A_234 : memref<1x2x120xi32, #tpu.memory_space<hbm>> -> memref<2x120xi32, #tpu.memory_space<hbm>>
        tpu.enqueue_dma source(%dma_start3A_235 : memref<2x120xi32, #tpu.memory_space<hbm>>) target(%arg6 : memref<2x120xi32, #tpu.memory_space<vmem>>) target_semaphore(%arg12 : memref<!tpu.dma_semaphore, #tpu.memory_space<semaphore_mem>>)
      } else {
      }
      %mul3A_177 = arith.constant 6 : i32
      %mul3A_178 = arith.muli %while3A_83, %mul3A_177 : i32
      %add3A_179 = arith.constant 4 : i32
      %add3A_180 = arith.addi %mul3A_178, %add3A_179 : i32
      %add3A_181 = arith.constant 1 : i32
      %add3A_182 = arith.addi %add3A_180, %add3A_181 : i32
      %lt3A_183 = arith.cmpi slt, %add3A_182, %select_n3A : i32
      %convert_element_type3A_184 = arith.extui %lt3A_183 : i1 to i32
      %cond3A_185 = arith.constant 0 : i32
      %cond3A_186 = arith.cmpi ne, %convert_element_type3A_184, %cond3A_185 : i32
      scf.if %cond3A_186 {
        %add3A_225 = arith.addi %select_n3A_33, %add3A_180 : i32
        %add3A_226 = arith.constant 1 : i32
        %add3A_227 = arith.addi %add3A_225, %add3A_226 : i32
        %dma_wait3A_228 = arith.constant 0 : i32
        %dma_wait3A_229 = arith.constant 0 : i32
        %dma_wait3A_230 = tpu.memref_slice %arg3[%add3A_227, %dma_wait3A_228, %dma_wait3A_229] : memref<2688x2x120xi32, #tpu.memory_space<hbm>> -> memref<1x2x120xi32, #tpu.memory_space<hbm>>
        %dma_wait3A_231 = tpu.memref_squeeze %dma_wait3A_230 : memref<1x2x120xi32, #tpu.memory_space<hbm>> -> memref<2x120xi32, #tpu.memory_space<hbm>>
        %dma_wait3A_232 = arith.constant 0 : i32
        %dma_wait3A_233 = arith.constant 0 : i32
        %dma_wait3A_234 = tpu.memref_slice %arg3[%add3A_227, %dma_wait3A_232, %dma_wait3A_233] : memref<2688x2x120xi32, #tpu.memory_space<hbm>> -> memref<1x2x120xi32, #tpu.memory_space<hbm>>
        %dma_wait3A_235 = tpu.memref_squeeze %dma_wait3A_234 : memref<1x2x120xi32, #tpu.memory_space<hbm>> -> memref<2x120xi32, #tpu.memory_space<hbm>>
        tpu.wait_dma2 semaphore(%arg14 : memref<!tpu.dma_semaphore, #tpu.memory_space<semaphore_mem>>) src(%dma_wait3A_235 : memref<2x120xi32, #tpu.memory_space<hbm>>) dst(%arg8 : memref<2x120xi32, #tpu.memory_space<vmem>>)
        %dma_start3A_236 = arith.constant 0 : i32
        %dma_start3A_237 = arith.constant 0 : i32
        %dma_start3A_238 = tpu.memref_slice %arg8[%dma_start3A_236, %dma_start3A_237] : memref<2x120xi32, #tpu.memory_space<vmem>> -> memref<1x120xi32, #tpu.memory_space<vmem>>
        %dma_start3A_239 = tpu.memref_squeeze %dma_start3A_238 : memref<1x120xi32, #tpu.memory_space<vmem>> -> memref<120xi32, #tpu.memory_space<vmem>>
        %dma_start3A_240 = arith.constant 0 : i32
        %dma_start3A_241 = arith.constant 0 : i32
        %dma_start3A_242 = tpu.memref_slice %arg2[%dma_start3A_240, %dma_start3A_241] : memref<10000x128xf32, #tpu.memory_space<hbm>> -> memref<10000x128xf32, #tpu.memory_space<hbm>>
        tpu.enqueue_indirect_dma source(%dma_start3A_242 : memref<10000x128xf32, #tpu.memory_space<hbm>>) target(%arg10 : memref<120x128xf32, #tpu.memory_space<vmem>>) offsets(%dma_start3A_239 : memref<120xi32, #tpu.memory_space<vmem>>) semaphore(%arg16 : memref<!tpu.dma_semaphore, #tpu.memory_space<semaphore_mem>>)
      } else {
      }
      %dma_wait3A_187 = arith.constant 0 : i32
      %dma_wait3A_188 = arith.constant 0 : i32
      %dma_wait3A_189 = tpu.memref_slice %arg7[%dma_wait3A_187, %dma_wait3A_188] : memref<2x120xi32, #tpu.memory_space<vmem>> -> memref<1x120xi32, #tpu.memory_space<vmem>>
      %dma_wait3A_190 = tpu.memref_squeeze %dma_wait3A_189 : memref<1x120xi32, #tpu.memory_space<vmem>> -> memref<120xi32, #tpu.memory_space<vmem>>
      %dma_wait3A_191 = arith.constant 0 : i32
      %dma_wait3A_192 = arith.constant 0 : i32
      %dma_wait3A_193 = tpu.memref_slice %arg2[%dma_wait3A_191, %dma_wait3A_192] : memref<10000x128xf32, #tpu.memory_space<hbm>> -> memref<10000x128xf32, #tpu.memory_space<hbm>>
      tpu.wait_indirect_dma semaphore(%arg15 : memref<!tpu.dma_semaphore, #tpu.memory_space<semaphore_mem>>) src(%dma_wait3A_193 : memref<10000x128xf32, #tpu.memory_space<hbm>>) dst(%arg9 : memref<120x128xf32, #tpu.memory_space<vmem>>)
      %run_scoped3A_194 = arith.constant 1 : i32
      "tpu.region"() ({
        %run_scoped3A_225 = tpu.sem_alloc : memref<!tpu.dma_semaphore, #tpu.memory_space<semaphore_mem>>
        %dma_start3A_226 = arith.constant 0 : i32
        %dma_start3A_227 = tpu.memref_slice %arg7[%run_scoped3A_194, %dma_start3A_226] : memref<2x120xi32, #tpu.memory_space<vmem>> -> memref<1x120xi32, #tpu.memory_space<vmem>>
        %dma_start3A_228 = tpu.memref_squeeze %dma_start3A_227 : memref<1x120xi32, #tpu.memory_space<vmem>> -> memref<120xi32, #tpu.memory_space<vmem>>
        %dma_start3A_229 = arith.constant 0 : i32
        %dma_start3A_230 = arith.constant 0 : i32
        %dma_start3A_231 = tpu.memref_slice %arg11[%dma_start3A_229, %dma_start3A_230] : memref<10240x128xf32, #tpu.memory_space<vmem_shared>> -> memref<10240x128xf32, #tpu.memory_space<vmem_shared>>
        tpu.enqueue_indirect_dma source(%arg9 : memref<120x128xf32, #tpu.memory_space<vmem>>) target(%dma_start3A_231 : memref<10240x128xf32, #tpu.memory_space<vmem_shared>>) offsets(%dma_start3A_228 : memref<120xi32, #tpu.memory_space<vmem>>) semaphore(%run_scoped3A_225 : memref<!tpu.dma_semaphore, #tpu.memory_space<semaphore_mem>>) {add = true}
        %dma_wait3A_232 = arith.constant 0 : i32
        %dma_wait3A_233 = tpu.memref_slice %arg7[%run_scoped3A_194, %dma_wait3A_232] : memref<2x120xi32, #tpu.memory_space<vmem>> -> memref<1x120xi32, #tpu.memory_space<vmem>>
        %dma_wait3A_234 = tpu.memref_squeeze %dma_wait3A_233 : memref<1x120xi32, #tpu.memory_space<vmem>> -> memref<120xi32, #tpu.memory_space<vmem>>
        %dma_wait3A_235 = arith.constant 0 : i32
        %dma_wait3A_236 = arith.constant 0 : i32
        %dma_wait3A_237 = tpu.memref_slice %arg11[%dma_wait3A_235, %dma_wait3A_236] : memref<10240x128xf32, #tpu.memory_space<vmem_shared>> -> memref<10240x128xf32, #tpu.memory_space<vmem_shared>>
        tpu.wait_indirect_dma semaphore(%run_scoped3A_225 : memref<!tpu.dma_semaphore, #tpu.memory_space<semaphore_mem>>) src(%arg9 : memref<120x128xf32, #tpu.memory_space<vmem>>) dst(%dma_wait3A_237 : memref<10240x128xf32, #tpu.memory_space<vmem_shared>>)
        tpu.yield
      }) : () -> ()
      %add3A_195 = arith.constant 3 : i32
      %add3A_196 = arith.addi %add3A_180, %add3A_195 : i32
      %lt3A_197 = arith.cmpi slt, %add3A_196, %select_n3A : i32
      %convert_element_type3A_198 = arith.extui %lt3A_197 : i1 to i32
      %cond3A_199 = arith.constant 0 : i32
      %cond3A_200 = arith.cmpi ne, %convert_element_type3A_198, %cond3A_199 : i32
      scf.if %cond3A_200 {
        %add3A_225 = arith.addi %select_n3A_33, %add3A_180 : i32
        %add3A_226 = arith.constant 3 : i32
        %add3A_227 = arith.addi %add3A_225, %add3A_226 : i32
        %dma_start3A_228 = arith.constant 0 : i32
        %dma_start3A_229 = arith.constant 0 : i32
        %dma_start3A_230 = tpu.memref_slice %arg3[%add3A_227, %dma_start3A_228, %dma_start3A_229] : memref<2688x2x120xi32, #tpu.memory_space<hbm>> -> memref<1x2x120xi32, #tpu.memory_space<hbm>>
        %dma_start3A_231 = tpu.memref_squeeze %dma_start3A_230 : memref<1x2x120xi32, #tpu.memory_space<hbm>> -> memref<2x120xi32, #tpu.memory_space<hbm>>
        %dma_start3A_232 = arith.constant 0 : i32
        %dma_start3A_233 = arith.constant 0 : i32
        %dma_start3A_234 = tpu.memref_slice %arg3[%add3A_227, %dma_start3A_232, %dma_start3A_233] : memref<2688x2x120xi32, #tpu.memory_space<hbm>> -> memref<1x2x120xi32, #tpu.memory_space<hbm>>
        %dma_start3A_235 = tpu.memref_squeeze %dma_start3A_234 : memref<1x2x120xi32, #tpu.memory_space<hbm>> -> memref<2x120xi32, #tpu.memory_space<hbm>>
        tpu.enqueue_dma source(%dma_start3A_235 : memref<2x120xi32, #tpu.memory_space<hbm>>) target(%arg7 : memref<2x120xi32, #tpu.memory_space<vmem>>) target_semaphore(%arg13 : memref<!tpu.dma_semaphore, #tpu.memory_space<semaphore_mem>>)
      } else {
      }
      %mul3A_201 = arith.constant 6 : i32
      %mul3A_202 = arith.muli %while3A_83, %mul3A_201 : i32
      %add3A_203 = arith.constant 5 : i32
      %add3A_204 = arith.addi %mul3A_202, %add3A_203 : i32
      %add3A_205 = arith.constant 1 : i32
      %add3A_206 = arith.addi %add3A_204, %add3A_205 : i32
      %lt3A_207 = arith.cmpi slt, %add3A_206, %select_n3A : i32
      %convert_element_type3A_208 = arith.extui %lt3A_207 : i1 to i32
      %cond3A_209 = arith.constant 0 : i32
      %cond3A_210 = arith.cmpi ne, %convert_element_type3A_208, %cond3A_209 : i32
      scf.if %cond3A_210 {
        %add3A_225 = arith.addi %select_n3A_33, %add3A_204 : i32
        %add3A_226 = arith.constant 1 : i32
        %add3A_227 = arith.addi %add3A_225, %add3A_226 : i32
        %dma_wait3A_228 = arith.constant 0 : i32
        %dma_wait3A_229 = arith.constant 0 : i32
        %dma_wait3A_230 = tpu.memref_slice %arg3[%add3A_227, %dma_wait3A_228, %dma_wait3A_229] : memref<2688x2x120xi32, #tpu.memory_space<hbm>> -> memref<1x2x120xi32, #tpu.memory_space<hbm>>
        %dma_wait3A_231 = tpu.memref_squeeze %dma_wait3A_230 : memref<1x2x120xi32, #tpu.memory_space<hbm>> -> memref<2x120xi32, #tpu.memory_space<hbm>>
        %dma_wait3A_232 = arith.constant 0 : i32
        %dma_wait3A_233 = arith.constant 0 : i32
        %dma_wait3A_234 = tpu.memref_slice %arg3[%add3A_227, %dma_wait3A_232, %dma_wait3A_233] : memref<2688x2x120xi32, #tpu.memory_space<hbm>> -> memref<1x2x120xi32, #tpu.memory_space<hbm>>
        %dma_wait3A_235 = tpu.memref_squeeze %dma_wait3A_234 : memref<1x2x120xi32, #tpu.memory_space<hbm>> -> memref<2x120xi32, #tpu.memory_space<hbm>>
        tpu.wait_dma2 semaphore(%arg12 : memref<!tpu.dma_semaphore, #tpu.memory_space<semaphore_mem>>) src(%dma_wait3A_235 : memref<2x120xi32, #tpu.memory_space<hbm>>) dst(%arg6 : memref<2x120xi32, #tpu.memory_space<vmem>>)
        %dma_start3A_236 = arith.constant 0 : i32
        %dma_start3A_237 = arith.constant 0 : i32
        %dma_start3A_238 = tpu.memref_slice %arg6[%dma_start3A_236, %dma_start3A_237] : memref<2x120xi32, #tpu.memory_space<vmem>> -> memref<1x120xi32, #tpu.memory_space<vmem>>
        %dma_start3A_239 = tpu.memref_squeeze %dma_start3A_238 : memref<1x120xi32, #tpu.memory_space<vmem>> -> memref<120xi32, #tpu.memory_space<vmem>>
        %dma_start3A_240 = arith.constant 0 : i32
        %dma_start3A_241 = arith.constant 0 : i32
        %dma_start3A_242 = tpu.memref_slice %arg2[%dma_start3A_240, %dma_start3A_241] : memref<10000x128xf32, #tpu.memory_space<hbm>> -> memref<10000x128xf32, #tpu.memory_space<hbm>>
        tpu.enqueue_indirect_dma source(%dma_start3A_242 : memref<10000x128xf32, #tpu.memory_space<hbm>>) target(%arg9 : memref<120x128xf32, #tpu.memory_space<vmem>>) offsets(%dma_start3A_239 : memref<120xi32, #tpu.memory_space<vmem>>) semaphore(%arg15 : memref<!tpu.dma_semaphore, #tpu.memory_space<semaphore_mem>>)
      } else {
      }
      %dma_wait3A_211 = arith.constant 0 : i32
      %dma_wait3A_212 = arith.constant 0 : i32
      %dma_wait3A_213 = tpu.memref_slice %arg8[%dma_wait3A_211, %dma_wait3A_212] : memref<2x120xi32, #tpu.memory_space<vmem>> -> memref<1x120xi32, #tpu.memory_space<vmem>>
      %dma_wait3A_214 = tpu.memref_squeeze %dma_wait3A_213 : memref<1x120xi32, #tpu.memory_space<vmem>> -> memref<120xi32, #tpu.memory_space<vmem>>
      %dma_wait3A_215 = arith.constant 0 : i32
      %dma_wait3A_216 = arith.constant 0 : i32
      %dma_wait3A_217 = tpu.memref_slice %arg2[%dma_wait3A_215, %dma_wait3A_216] : memref<10000x128xf32, #tpu.memory_space<hbm>> -> memref<10000x128xf32, #tpu.memory_space<hbm>>
      tpu.wait_indirect_dma semaphore(%arg16 : memref<!tpu.dma_semaphore, #tpu.memory_space<semaphore_mem>>) src(%dma_wait3A_217 : memref<10000x128xf32, #tpu.memory_space<hbm>>) dst(%arg10 : memref<120x128xf32, #tpu.memory_space<vmem>>)
      %run_scoped3A_218 = arith.constant 1 : i32
      "tpu.region"() ({
        %run_scoped3A_225 = tpu.sem_alloc : memref<!tpu.dma_semaphore, #tpu.memory_space<semaphore_mem>>
        %dma_start3A_226 = arith.constant 0 : i32
        %dma_start3A_227 = tpu.memref_slice %arg8[%run_scoped3A_218, %dma_start3A_226] : memref<2x120xi32, #tpu.memory_space<vmem>> -> memref<1x120xi32, #tpu.memory_space<vmem>>
        %dma_start3A_228 = tpu.memref_squeeze %dma_start3A_227 : memref<1x120xi32, #tpu.memory_space<vmem>> -> memref<120xi32, #tpu.memory_space<vmem>>
        %dma_start3A_229 = arith.constant 0 : i32
        %dma_start3A_230 = arith.constant 0 : i32
        %dma_start3A_231 = tpu.memref_slice %arg11[%dma_start3A_229, %dma_start3A_230] : memref<10240x128xf32, #tpu.memory_space<vmem_shared>> -> memref<10240x128xf32, #tpu.memory_space<vmem_shared>>
        tpu.enqueue_indirect_dma source(%arg10 : memref<120x128xf32, #tpu.memory_space<vmem>>) target(%dma_start3A_231 : memref<10240x128xf32, #tpu.memory_space<vmem_shared>>) offsets(%dma_start3A_228 : memref<120xi32, #tpu.memory_space<vmem>>) semaphore(%run_scoped3A_225 : memref<!tpu.dma_semaphore, #tpu.memory_space<semaphore_mem>>) {add = true}
        %dma_wait3A_232 = arith.constant 0 : i32
        %dma_wait3A_233 = tpu.memref_slice %arg8[%run_scoped3A_218, %dma_wait3A_232] : memref<2x120xi32, #tpu.memory_space<vmem>> -> memref<1x120xi32, #tpu.memory_space<vmem>>
        %dma_wait3A_234 = tpu.memref_squeeze %dma_wait3A_233 : memref<1x120xi32, #tpu.memory_space<vmem>> -> memref<120xi32, #tpu.memory_space<vmem>>
        %dma_wait3A_235 = arith.constant 0 : i32
        %dma_wait3A_236 = arith.constant 0 : i32
        %dma_wait3A_237 = tpu.memref_slice %arg11[%dma_wait3A_235, %dma_wait3A_236] : memref<10240x128xf32, #tpu.memory_space<vmem_shared>> -> memref<10240x128xf32, #tpu.memory_space<vmem_shared>>
        tpu.wait_indirect_dma semaphore(%run_scoped3A_225 : memref<!tpu.dma_semaphore, #tpu.memory_space<semaphore_mem>>) src(%arg10 : memref<120x128xf32, #tpu.memory_space<vmem>>) dst(%dma_wait3A_237 : memref<10240x128xf32, #tpu.memory_space<vmem_shared>>)
        tpu.yield
      }) : () -> ()
      %add3A_219 = arith.constant 3 : i32
      %add3A_220 = arith.addi %add3A_204, %add3A_219 : i32
      %lt3A_221 = arith.cmpi slt, %add3A_220, %select_n3A : i32
      %convert_element_type3A_222 = arith.extui %lt3A_221 : i1 to i32
      %cond3A_223 = arith.constant 0 : i32
      %cond3A_224 = arith.cmpi ne, %convert_element_type3A_222, %cond3A_223 : i32
      scf.if %cond3A_224 {
        %add3A_225 = arith.addi %select_n3A_33, %add3A_204 : i32
        %add3A_226 = arith.constant 3 : i32
        %add3A_227 = arith.addi %add3A_225, %add3A_226 : i32
        %dma_start3A_228 = arith.constant 0 : i32
        %dma_start3A_229 = arith.constant 0 : i32
        %dma_start3A_230 = tpu.memref_slice %arg3[%add3A_227, %dma_start3A_228, %dma_start3A_229] : memref<2688x2x120xi32, #tpu.memory_space<hbm>> -> memref<1x2x120xi32, #tpu.memory_space<hbm>>
        %dma_start3A_231 = tpu.memref_squeeze %dma_start3A_230 : memref<1x2x120xi32, #tpu.memory_space<hbm>> -> memref<2x120xi32, #tpu.memory_space<hbm>>
        %dma_start3A_232 = arith.constant 0 : i32
        %dma_start3A_233 = arith.constant 0 : i32
        %dma_start3A_234 = tpu.memref_slice %arg3[%add3A_227, %dma_start3A_232, %dma_start3A_233] : memref<2688x2x120xi32, #tpu.memory_space<hbm>> -> memref<1x2x120xi32, #tpu.memory_space<hbm>>
        %dma_start3A_235 = tpu.memref_squeeze %dma_start3A_234 : memref<1x2x120xi32, #tpu.memory_space<hbm>> -> memref<2x120xi32, #tpu.memory_space<hbm>>
        tpu.enqueue_dma source(%dma_start3A_235 : memref<2x120xi32, #tpu.memory_space<hbm>>) target(%arg8 : memref<2x120xi32, #tpu.memory_space<vmem>>) target_semaphore(%arg14 : memref<!tpu.dma_semaphore, #tpu.memory_space<semaphore_mem>>)
      } else {
      }
    }
    %while3A_74 = arith.constant 1 : i32
    scf.for %while3A_83 = %while3A_72 to %while3A_68 step %while3A_74  : i32 {
      %mul3A_84 = arith.constant 6 : i32
      %mul3A_85 = arith.muli %while3A_83, %mul3A_84 : i32
      %add3A_86 = arith.constant 0 : i32
      %add3A_87 = arith.addi %mul3A_85, %add3A_86 : i32
      %add3A_88 = arith.constant 1 : i32
      %add3A_89 = arith.addi %add3A_87, %add3A_88 : i32
      %lt3A = arith.cmpi slt, %add3A_89, %select_n3A : i32
      %convert_element_type3A_90 = arith.extui %lt3A : i1 to i32
      %cond3A_91 = arith.constant 0 : i32
      %cond3A_92 = arith.cmpi ne, %convert_element_type3A_90, %cond3A_91 : i32
      scf.if %cond3A_92 {
        %add3A_225 = arith.addi %select_n3A_33, %add3A_87 : i32
        %add3A_226 = arith.constant 1 : i32
        %add3A_227 = arith.addi %add3A_225, %add3A_226 : i32
        %dma_wait3A_228 = arith.constant 0 : i32
        %dma_wait3A_229 = arith.constant 0 : i32
        %dma_wait3A_230 = tpu.memref_slice %arg3[%add3A_227, %dma_wait3A_228, %dma_wait3A_229] : memref<2688x2x120xi32, #tpu.memory_space<hbm>> -> memref<1x2x120xi32, #tpu.memory_space<hbm>>
        %dma_wait3A_231 = tpu.memref_squeeze %dma_wait3A_230 : memref<1x2x120xi32, #tpu.memory_space<hbm>> -> memref<2x120xi32, #tpu.memory_space<hbm>>
        %dma_wait3A_232 = arith.constant 0 : i32
        %dma_wait3A_233 = arith.constant 0 : i32
        %dma_wait3A_234 = tpu.memref_slice %arg3[%add3A_227, %dma_wait3A_232, %dma_wait3A_233] : memref<2688x2x120xi32, #tpu.memory_space<hbm>> -> memref<1x2x120xi32, #tpu.memory_space<hbm>>
        %dma_wait3A_235 = tpu.memref_squeeze %dma_wait3A_234 : memref<1x2x120xi32, #tpu.memory_space<hbm>> -> memref<2x120xi32, #tpu.memory_space<hbm>>
        tpu.wait_dma2 semaphore(%arg13 : memref<!tpu.dma_semaphore, #tpu.memory_space<semaphore_mem>>) src(%dma_wait3A_235 : memref<2x120xi32, #tpu.memory_space<hbm>>) dst(%arg7 : memref<2x120xi32, #tpu.memory_space<vmem>>)
        %dma_start3A_236 = arith.constant 0 : i32
        %dma_start3A_237 = arith.constant 0 : i32
        %dma_start3A_238 = tpu.memref_slice %arg7[%dma_start3A_236, %dma_start3A_237] : memref<2x120xi32, #tpu.memory_space<vmem>> -> memref<1x120xi32, #tpu.memory_space<vmem>>
        %dma_start3A_239 = tpu.memref_squeeze %dma_start3A_238 : memref<1x120xi32, #tpu.memory_space<vmem>> -> memref<120xi32, #tpu.memory_space<vmem>>
        %dma_start3A_240 = arith.constant 0 : i32
        %dma_start3A_241 = arith.constant 0 : i32
        %dma_start3A_242 = tpu.memref_slice %arg2[%dma_start3A_240, %dma_start3A_241] : memref<10000x128xf32, #tpu.memory_space<hbm>> -> memref<10000x128xf32, #tpu.memory_space<hbm>>
        tpu.enqueue_indirect_dma source(%dma_start3A_242 : memref<10000x128xf32, #tpu.memory_space<hbm>>) target(%arg10 : memref<120x128xf32, #tpu.memory_space<vmem>>) offsets(%dma_start3A_239 : memref<120xi32, #tpu.memory_space<vmem>>) semaphore(%arg16 : memref<!tpu.dma_semaphore, #tpu.memory_space<semaphore_mem>>)
      } else {
      }
      %dma_wait3A = arith.constant 0 : i32
      %dma_wait3A_93 = arith.constant 0 : i32
      %dma_wait3A_94 = tpu.memref_slice %arg6[%dma_wait3A, %dma_wait3A_93] : memref<2x120xi32, #tpu.memory_space<vmem>> -> memref<1x120xi32, #tpu.memory_space<vmem>>
      %dma_wait3A_95 = tpu.memref_squeeze %dma_wait3A_94 : memref<1x120xi32, #tpu.memory_space<vmem>> -> memref<120xi32, #tpu.memory_space<vmem>>
      %dma_wait3A_96 = arith.constant 0 : i32
      %dma_wait3A_97 = arith.constant 0 : i32
      %dma_wait3A_98 = tpu.memref_slice %arg2[%dma_wait3A_96, %dma_wait3A_97] : memref<10000x128xf32, #tpu.memory_space<hbm>> -> memref<10000x128xf32, #tpu.memory_space<hbm>>
      tpu.wait_indirect_dma semaphore(%arg15 : memref<!tpu.dma_semaphore, #tpu.memory_space<semaphore_mem>>) src(%dma_wait3A_98 : memref<10000x128xf32, #tpu.memory_space<hbm>>) dst(%arg9 : memref<120x128xf32, #tpu.memory_space<vmem>>)
      %run_scoped3A = arith.constant 1 : i32
      "tpu.region"() ({
        %run_scoped3A_225 = tpu.sem_alloc : memref<!tpu.dma_semaphore, #tpu.memory_space<semaphore_mem>>
        %dma_start3A_226 = arith.constant 0 : i32
        %dma_start3A_227 = tpu.memref_slice %arg6[%run_scoped3A, %dma_start3A_226] : memref<2x120xi32, #tpu.memory_space<vmem>> -> memref<1x120xi32, #tpu.memory_space<vmem>>
        %dma_start3A_228 = tpu.memref_squeeze %dma_start3A_227 : memref<1x120xi32, #tpu.memory_space<vmem>> -> memref<120xi32, #tpu.memory_space<vmem>>
        %dma_start3A_229 = arith.constant 0 : i32
        %dma_start3A_230 = arith.constant 0 : i32
        %dma_start3A_231 = tpu.memref_slice %arg11[%dma_start3A_229, %dma_start3A_230] : memref<10240x128xf32, #tpu.memory_space<vmem_shared>> -> memref<10240x128xf32, #tpu.memory_space<vmem_shared>>
        tpu.enqueue_indirect_dma source(%arg9 : memref<120x128xf32, #tpu.memory_space<vmem>>) target(%dma_start3A_231 : memref<10240x128xf32, #tpu.memory_space<vmem_shared>>) offsets(%dma_start3A_228 : memref<120xi32, #tpu.memory_space<vmem>>) semaphore(%run_scoped3A_225 : memref<!tpu.dma_semaphore, #tpu.memory_space<semaphore_mem>>) {add = true}
        %dma_wait3A_232 = arith.constant 0 : i32
        %dma_wait3A_233 = tpu.memref_slice %arg6[%run_scoped3A, %dma_wait3A_232] : memref<2x120xi32, #tpu.memory_space<vmem>> -> memref<1x120xi32, #tpu.memory_space<vmem>>
        %dma_wait3A_234 = tpu.memref_squeeze %dma_wait3A_233 : memref<1x120xi32, #tpu.memory_space<vmem>> -> memref<120xi32, #tpu.memory_space<vmem>>
        %dma_wait3A_235 = arith.constant 0 : i32
        %dma_wait3A_236 = arith.constant 0 : i32
        %dma_wait3A_237 = tpu.memref_slice %arg11[%dma_wait3A_235, %dma_wait3A_236] : memref<10240x128xf32, #tpu.memory_space<vmem_shared>> -> memref<10240x128xf32, #tpu.memory_space<vmem_shared>>
        tpu.wait_indirect_dma semaphore(%run_scoped3A_225 : memref<!tpu.dma_semaphore, #tpu.memory_space<semaphore_mem>>) src(%arg9 : memref<120x128xf32, #tpu.memory_space<vmem>>) dst(%dma_wait3A_237 : memref<10240x128xf32, #tpu.memory_space<vmem_shared>>)
        tpu.yield
      }) : () -> ()
      %add3A_99 = arith.constant 3 : i32
      %add3A_100 = arith.addi %add3A_87, %add3A_99 : i32
      %lt3A_101 = arith.cmpi slt, %add3A_100, %select_n3A : i32
      %convert_element_type3A_102 = arith.extui %lt3A_101 : i1 to i32
      %cond3A_103 = arith.constant 0 : i32
      %cond3A_104 = arith.cmpi ne, %convert_element_type3A_102, %cond3A_103 : i32
      scf.if %cond3A_104 {
        %add3A_225 = arith.addi %select_n3A_33, %add3A_87 : i32
        %add3A_226 = arith.constant 3 : i32
        %add3A_227 = arith.addi %add3A_225, %add3A_226 : i32
        %dma_start3A_228 = arith.constant 0 : i32
        %dma_start3A_229 = arith.constant 0 : i32
        %dma_start3A_230 = tpu.memref_slice %arg3[%add3A_227, %dma_start3A_228, %dma_start3A_229] : memref<2688x2x120xi32, #tpu.memory_space<hbm>> -> memref<1x2x120xi32, #tpu.memory_space<hbm>>
        %dma_start3A_231 = tpu.memref_squeeze %dma_start3A_230 : memref<1x2x120xi32, #tpu.memory_space<hbm>> -> memref<2x120xi32, #tpu.memory_space<hbm>>
        %dma_start3A_232 = arith.constant 0 : i32
        %dma_start3A_233 = arith.constant 0 : i32
        %dma_start3A_234 = tpu.memref_slice %arg3[%add3A_227, %dma_start3A_232, %dma_start3A_233] : memref<2688x2x120xi32, #tpu.memory_space<hbm>> -> memref<1x2x120xi32, #tpu.memory_space<hbm>>
        %dma_start3A_235 = tpu.memref_squeeze %dma_start3A_234 : memref<1x2x120xi32, #tpu.memory_space<hbm>> -> memref<2x120xi32, #tpu.memory_space<hbm>>
        tpu.enqueue_dma source(%dma_start3A_235 : memref<2x120xi32, #tpu.memory_space<hbm>>) target(%arg6 : memref<2x120xi32, #tpu.memory_space<vmem>>) target_semaphore(%arg12 : memref<!tpu.dma_semaphore, #tpu.memory_space<semaphore_mem>>)
      } else {
      }
      %mul3A_105 = arith.constant 6 : i32
      %mul3A_106 = arith.muli %while3A_83, %mul3A_105 : i32
      %add3A_107 = arith.constant 1 : i32
      %add3A_108 = arith.addi %mul3A_106, %add3A_107 : i32
      %add3A_109 = arith.constant 1 : i32
      %add3A_110 = arith.addi %add3A_108, %add3A_109 : i32
      %lt3A_111 = arith.cmpi slt, %add3A_110, %select_n3A : i32
      %convert_element_type3A_112 = arith.extui %lt3A_111 : i1 to i32
      %cond3A_113 = arith.constant 0 : i32
      %cond3A_114 = arith.cmpi ne, %convert_element_type3A_112, %cond3A_113 : i32
      scf.if %cond3A_114 {
        %add3A_225 = arith.addi %select_n3A_33, %add3A_108 : i32
        %add3A_226 = arith.constant 1 : i32
        %add3A_227 = arith.addi %add3A_225, %add3A_226 : i32
        %dma_wait3A_228 = arith.constant 0 : i32
        %dma_wait3A_229 = arith.constant 0 : i32
        %dma_wait3A_230 = tpu.memref_slice %arg3[%add3A_227, %dma_wait3A_228, %dma_wait3A_229] : memref<2688x2x120xi32, #tpu.memory_space<hbm>> -> memref<1x2x120xi32, #tpu.memory_space<hbm>>
        %dma_wait3A_231 = tpu.memref_squeeze %dma_wait3A_230 : memref<1x2x120xi32, #tpu.memory_space<hbm>> -> memref<2x120xi32, #tpu.memory_space<hbm>>
        %dma_wait3A_232 = arith.constant 0 : i32
        %dma_wait3A_233 = arith.constant 0 : i32
        %dma_wait3A_234 = tpu.memref_slice %arg3[%add3A_227, %dma_wait3A_232, %dma_wait3A_233] : memref<2688x2x120xi32, #tpu.memory_space<hbm>> -> memref<1x2x120xi32, #tpu.memory_space<hbm>>
        %dma_wait3A_235 = tpu.memref_squeeze %dma_wait3A_234 : memref<1x2x120xi32, #tpu.memory_space<hbm>> -> memref<2x120xi32, #tpu.memory_space<hbm>>
        tpu.wait_dma2 semaphore(%arg14 : memref<!tpu.dma_semaphore, #tpu.memory_space<semaphore_mem>>) src(%dma_wait3A_235 : memref<2x120xi32, #tpu.memory_space<hbm>>) dst(%arg8 : memref<2x120xi32, #tpu.memory_space<vmem>>)
        %dma_start3A_236 = arith.constant 0 : i32
        %dma_start3A_237 = arith.constant 0 : i32
        %dma_start3A_238 = tpu.memref_slice %arg8[%dma_start3A_236, %dma_start3A_237] : memref<2x120xi32, #tpu.memory_space<vmem>> -> memref<1x120xi32, #tpu.memory_space<vmem>>
        %dma_start3A_239 = tpu.memref_squeeze %dma_start3A_238 : memref<1x120xi32, #tpu.memory_space<vmem>> -> memref<120xi32, #tpu.memory_space<vmem>>
        %dma_start3A_240 = arith.constant 0 : i32
        %dma_start3A_241 = arith.constant 0 : i32
        %dma_start3A_242 = tpu.memref_slice %arg2[%dma_start3A_240, %dma_start3A_241] : memref<10000x128xf32, #tpu.memory_space<hbm>> -> memref<10000x128xf32, #tpu.memory_space<hbm>>
        tpu.enqueue_indirect_dma source(%dma_start3A_242 : memref<10000x128xf32, #tpu.memory_space<hbm>>) target(%arg9 : memref<120x128xf32, #tpu.memory_space<vmem>>) offsets(%dma_start3A_239 : memref<120xi32, #tpu.memory_space<vmem>>) semaphore(%arg15 : memref<!tpu.dma_semaphore, #tpu.memory_space<semaphore_mem>>)
      } else {
      }
      %dma_wait3A_115 = arith.constant 0 : i32
      %dma_wait3A_116 = arith.constant 0 : i32
      %dma_wait3A_117 = tpu.memref_slice %arg7[%dma_wait3A_115, %dma_wait3A_116] : memref<2x120xi32, #tpu.memory_space<vmem>> -> memref<1x120xi32, #tpu.memory_space<vmem>>
      %dma_wait3A_118 = tpu.memref_squeeze %dma_wait3A_117 : memref<1x120xi32, #tpu.memory_space<vmem>> -> memref<120xi32, #tpu.memory_space<vmem>>
      %dma_wait3A_119 = arith.constant 0 : i32
      %dma_wait3A_120 = arith.constant 0 : i32
      %dma_wait3A_121 = tpu.memref_slice %arg2[%dma_wait3A_119, %dma_wait3A_120] : memref<10000x128xf32, #tpu.memory_space<hbm>> -> memref<10000x128xf32, #tpu.memory_space<hbm>>
      tpu.wait_indirect_dma semaphore(%arg16 : memref<!tpu.dma_semaphore, #tpu.memory_space<semaphore_mem>>) src(%dma_wait3A_121 : memref<10000x128xf32, #tpu.memory_space<hbm>>) dst(%arg10 : memref<120x128xf32, #tpu.memory_space<vmem>>)
      %run_scoped3A_122 = arith.constant 1 : i32
      "tpu.region"() ({
        %run_scoped3A_225 = tpu.sem_alloc : memref<!tpu.dma_semaphore, #tpu.memory_space<semaphore_mem>>
        %dma_start3A_226 = arith.constant 0 : i32
        %dma_start3A_227 = tpu.memref_slice %arg7[%run_scoped3A_122, %dma_start3A_226] : memref<2x120xi32, #tpu.memory_space<vmem>> -> memref<1x120xi32, #tpu.memory_space<vmem>>
        %dma_start3A_228 = tpu.memref_squeeze %dma_start3A_227 : memref<1x120xi32, #tpu.memory_space<vmem>> -> memref<120xi32, #tpu.memory_space<vmem>>
        %dma_start3A_229 = arith.constant 0 : i32
        %dma_start3A_230 = arith.constant 0 : i32
        %dma_start3A_231 = tpu.memref_slice %arg11[%dma_start3A_229, %dma_start3A_230] : memref<10240x128xf32, #tpu.memory_space<vmem_shared>> -> memref<10240x128xf32, #tpu.memory_space<vmem_shared>>
        tpu.enqueue_indirect_dma source(%arg10 : memref<120x128xf32, #tpu.memory_space<vmem>>) target(%dma_start3A_231 : memref<10240x128xf32, #tpu.memory_space<vmem_shared>>) offsets(%dma_start3A_228 : memref<120xi32, #tpu.memory_space<vmem>>) semaphore(%run_scoped3A_225 : memref<!tpu.dma_semaphore, #tpu.memory_space<semaphore_mem>>) {add = true}
        %dma_wait3A_232 = arith.constant 0 : i32
        %dma_wait3A_233 = tpu.memref_slice %arg7[%run_scoped3A_122, %dma_wait3A_232] : memref<2x120xi32, #tpu.memory_space<vmem>> -> memref<1x120xi32, #tpu.memory_space<vmem>>
        %dma_wait3A_234 = tpu.memref_squeeze %dma_wait3A_233 : memref<1x120xi32, #tpu.memory_space<vmem>> -> memref<120xi32, #tpu.memory_space<vmem>>
        %dma_wait3A_235 = arith.constant 0 : i32
        %dma_wait3A_236 = arith.constant 0 : i32
        %dma_wait3A_237 = tpu.memref_slice %arg11[%dma_wait3A_235, %dma_wait3A_236] : memref<10240x128xf32, #tpu.memory_space<vmem_shared>> -> memref<10240x128xf32, #tpu.memory_space<vmem_shared>>
        tpu.wait_indirect_dma semaphore(%run_scoped3A_225 : memref<!tpu.dma_semaphore, #tpu.memory_space<semaphore_mem>>) src(%arg10 : memref<120x128xf32, #tpu.memory_space<vmem>>) dst(%dma_wait3A_237 : memref<10240x128xf32, #tpu.memory_space<vmem_shared>>)
        tpu.yield
      }) : () -> ()
      %add3A_123 = arith.constant 3 : i32
      %add3A_124 = arith.addi %add3A_108, %add3A_123 : i32
      %lt3A_125 = arith.cmpi slt, %add3A_124, %select_n3A : i32
      %convert_element_type3A_126 = arith.extui %lt3A_125 : i1 to i32
      %cond3A_127 = arith.constant 0 : i32
      %cond3A_128 = arith.cmpi ne, %convert_element_type3A_126, %cond3A_127 : i32
      scf.if %cond3A_128 {
        %add3A_225 = arith.addi %select_n3A_33, %add3A_108 : i32
        %add3A_226 = arith.constant 3 : i32
        %add3A_227 = arith.addi %add3A_225, %add3A_226 : i32
        %dma_start3A_228 = arith.constant 0 : i32
        %dma_start3A_229 = arith.constant 0 : i32
        %dma_start3A_230 = tpu.memref_slice %arg3[%add3A_227, %dma_start3A_228, %dma_start3A_229] : memref<2688x2x120xi32, #tpu.memory_space<hbm>> -> memref<1x2x120xi32, #tpu.memory_space<hbm>>
        %dma_start3A_231 = tpu.memref_squeeze %dma_start3A_230 : memref<1x2x120xi32, #tpu.memory_space<hbm>> -> memref<2x120xi32, #tpu.memory_space<hbm>>
        %dma_start3A_232 = arith.constant 0 : i32
        %dma_start3A_233 = arith.constant 0 : i32
        %dma_start3A_234 = tpu.memref_slice %arg3[%add3A_227, %dma_start3A_232, %dma_start3A_233] : memref<2688x2x120xi32, #tpu.memory_space<hbm>> -> memref<1x2x120xi32, #tpu.memory_space<hbm>>
        %dma_start3A_235 = tpu.memref_squeeze %dma_start3A_234 : memref<1x2x120xi32, #tpu.memory_space<hbm>> -> memref<2x120xi32, #tpu.memory_space<hbm>>
        tpu.enqueue_dma source(%dma_start3A_235 : memref<2x120xi32, #tpu.memory_space<hbm>>) target(%arg7 : memref<2x120xi32, #tpu.memory_space<vmem>>) target_semaphore(%arg13 : memref<!tpu.dma_semaphore, #tpu.memory_space<semaphore_mem>>)
      } else {
      }
      %mul3A_129 = arith.constant 6 : i32
      %mul3A_130 = arith.muli %while3A_83, %mul3A_129 : i32
      %add3A_131 = arith.constant 2 : i32
      %add3A_132 = arith.addi %mul3A_130, %add3A_131 : i32
      %add3A_133 = arith.constant 1 : i32
      %add3A_134 = arith.addi %add3A_132, %add3A_133 : i32
      %lt3A_135 = arith.cmpi slt, %add3A_134, %select_n3A : i32
      %convert_element_type3A_136 = arith.extui %lt3A_135 : i1 to i32
      %cond3A_137 = arith.constant 0 : i32
      %cond3A_138 = arith.cmpi ne, %convert_element_type3A_136, %cond3A_137 : i32
      scf.if %cond3A_138 {
        %add3A_225 = arith.addi %select_n3A_33, %add3A_132 : i32
        %add3A_226 = arith.constant 1 : i32
        %add3A_227 = arith.addi %add3A_225, %add3A_226 : i32
        %dma_wait3A_228 = arith.constant 0 : i32
        %dma_wait3A_229 = arith.constant 0 : i32
        %dma_wait3A_230 = tpu.memref_slice %arg3[%add3A_227, %dma_wait3A_228, %dma_wait3A_229] : memref<2688x2x120xi32, #tpu.memory_space<hbm>> -> memref<1x2x120xi32, #tpu.memory_space<hbm>>
        %dma_wait3A_231 = tpu.memref_squeeze %dma_wait3A_230 : memref<1x2x120xi32, #tpu.memory_space<hbm>> -> memref<2x120xi32, #tpu.memory_space<hbm>>
        %dma_wait3A_232 = arith.constant 0 : i32
        %dma_wait3A_233 = arith.constant 0 : i32
        %dma_wait3A_234 = tpu.memref_slice %arg3[%add3A_227, %dma_wait3A_232, %dma_wait3A_233] : memref<2688x2x120xi32, #tpu.memory_space<hbm>> -> memref<1x2x120xi32, #tpu.memory_space<hbm>>
        %dma_wait3A_235 = tpu.memref_squeeze %dma_wait3A_234 : memref<1x2x120xi32, #tpu.memory_space<hbm>> -> memref<2x120xi32, #tpu.memory_space<hbm>>
        tpu.wait_dma2 semaphore(%arg12 : memref<!tpu.dma_semaphore, #tpu.memory_space<semaphore_mem>>) src(%dma_wait3A_235 : memref<2x120xi32, #tpu.memory_space<hbm>>) dst(%arg6 : memref<2x120xi32, #tpu.memory_space<vmem>>)
        %dma_start3A_236 = arith.constant 0 : i32
        %dma_start3A_237 = arith.constant 0 : i32
        %dma_start3A_238 = tpu.memref_slice %arg6[%dma_start3A_236, %dma_start3A_237] : memref<2x120xi32, #tpu.memory_space<vmem>> -> memref<1x120xi32, #tpu.memory_space<vmem>>
        %dma_start3A_239 = tpu.memref_squeeze %dma_start3A_238 : memref<1x120xi32, #tpu.memory_space<vmem>> -> memref<120xi32, #tpu.memory_space<vmem>>
        %dma_start3A_240 = arith.constant 0 : i32
        %dma_start3A_241 = arith.constant 0 : i32
        %dma_start3A_242 = tpu.memref_slice %arg2[%dma_start3A_240, %dma_start3A_241] : memref<10000x128xf32, #tpu.memory_space<hbm>> -> memref<10000x128xf32, #tpu.memory_space<hbm>>
        tpu.enqueue_indirect_dma source(%dma_start3A_242 : memref<10000x128xf32, #tpu.memory_space<hbm>>) target(%arg10 : memref<120x128xf32, #tpu.memory_space<vmem>>) offsets(%dma_start3A_239 : memref<120xi32, #tpu.memory_space<vmem>>) semaphore(%arg16 : memref<!tpu.dma_semaphore, #tpu.memory_space<semaphore_mem>>)
      } else {
      }
      %dma_wait3A_139 = arith.constant 0 : i32
      %dma_wait3A_140 = arith.constant 0 : i32
      %dma_wait3A_141 = tpu.memref_slice %arg8[%dma_wait3A_139, %dma_wait3A_140] : memref<2x120xi32, #tpu.memory_space<vmem>> -> memref<1x120xi32, #tpu.memory_space<vmem>>
      %dma_wait3A_142 = tpu.memref_squeeze %dma_wait3A_141 : memref<1x120xi32, #tpu.memory_space<vmem>> -> memref<120xi32, #tpu.memory_space<vmem>>
      %dma_wait3A_143 = arith.constant 0 : i32
      %dma_wait3A_144 = arith.constant 0 : i32
      %dma_wait3A_145 = tpu.memref_slice %arg2[%dma_wait3A_143, %dma_wait3A_144] : memref<10000x128xf32, #tpu.memory_space<hbm>> -> memref<10000x128xf32, #tpu.memory_space<hbm>>
      tpu.wait_indirect_dma semaphore(%arg15 : memref<!tpu.dma_semaphore, #tpu.memory_space<semaphore_mem>>) src(%dma_wait3A_145 : memref<10000x128xf32, #tpu.memory_space<hbm>>) dst(%arg9 : memref<120x128xf32, #tpu.memory_space<vmem>>)
      %run_scoped3A_146 = arith.constant 1 : i32
      "tpu.region"() ({
        %run_scoped3A_225 = tpu.sem_alloc : memref<!tpu.dma_semaphore, #tpu.memory_space<semaphore_mem>>
        %dma_start3A_226 = arith.constant 0 : i32
        %dma_start3A_227 = tpu.memref_slice %arg8[%run_scoped3A_146, %dma_start3A_226] : memref<2x120xi32, #tpu.memory_space<vmem>> -> memref<1x120xi32, #tpu.memory_space<vmem>>
        %dma_start3A_228 = tpu.memref_squeeze %dma_start3A_227 : memref<1x120xi32, #tpu.memory_space<vmem>> -> memref<120xi32, #tpu.memory_space<vmem>>
        %dma_start3A_229 = arith.constant 0 : i32
        %dma_start3A_230 = arith.constant 0 : i32
        %dma_start3A_231 = tpu.memref_slice %arg11[%dma_start3A_229, %dma_start3A_230] : memref<10240x128xf32, #tpu.memory_space<vmem_shared>> -> memref<10240x128xf32, #tpu.memory_space<vmem_shared>>
        tpu.enqueue_indirect_dma source(%arg9 : memref<120x128xf32, #tpu.memory_space<vmem>>) target(%dma_start3A_231 : memref<10240x128xf32, #tpu.memory_space<vmem_shared>>) offsets(%dma_start3A_228 : memref<120xi32, #tpu.memory_space<vmem>>) semaphore(%run_scoped3A_225 : memref<!tpu.dma_semaphore, #tpu.memory_space<semaphore_mem>>) {add = true}
        %dma_wait3A_232 = arith.constant 0 : i32
        %dma_wait3A_233 = tpu.memref_slice %arg8[%run_scoped3A_146, %dma_wait3A_232] : memref<2x120xi32, #tpu.memory_space<vmem>> -> memref<1x120xi32, #tpu.memory_space<vmem>>
        %dma_wait3A_234 = tpu.memref_squeeze %dma_wait3A_233 : memref<1x120xi32, #tpu.memory_space<vmem>> -> memref<120xi32, #tpu.memory_space<vmem>>
        %dma_wait3A_235 = arith.constant 0 : i32
        %dma_wait3A_236 = arith.constant 0 : i32
        %dma_wait3A_237 = tpu.memref_slice %arg11[%dma_wait3A_235, %dma_wait3A_236] : memref<10240x128xf32, #tpu.memory_space<vmem_shared>> -> memref<10240x128xf32, #tpu.memory_space<vmem_shared>>
        tpu.wait_indirect_dma semaphore(%run_scoped3A_225 : memref<!tpu.dma_semaphore, #tpu.memory_space<semaphore_mem>>) src(%arg9 : memref<120x128xf32, #tpu.memory_space<vmem>>) dst(%dma_wait3A_237 : memref<10240x128xf32, #tpu.memory_space<vmem_shared>>)
        tpu.yield
      }) : () -> ()
      %add3A_147 = arith.constant 3 : i32
      %add3A_148 = arith.addi %add3A_132, %add3A_147 : i32
      %lt3A_149 = arith.cmpi slt, %add3A_148, %select_n3A : i32
      %convert_element_type3A_150 = arith.extui %lt3A_149 : i1 to i32
      %cond3A_151 = arith.constant 0 : i32
      %cond3A_152 = arith.cmpi ne, %convert_element_type3A_150, %cond3A_151 : i32
      scf.if %cond3A_152 {
        %add3A_225 = arith.addi %select_n3A_33, %add3A_132 : i32
        %add3A_226 = arith.constant 3 : i32
        %add3A_227 = arith.addi %add3A_225, %add3A_226 : i32
        %dma_start3A_228 = arith.constant 0 : i32
        %dma_start3A_229 = arith.constant 0 : i32
        %dma_start3A_230 = tpu.memref_slice %arg3[%add3A_227, %dma_start3A_228, %dma_start3A_229] : memref<2688x2x120xi32, #tpu.memory_space<hbm>> -> memref<1x2x120xi32, #tpu.memory_space<hbm>>
        %dma_start3A_231 = tpu.memref_squeeze %dma_start3A_230 : memref<1x2x120xi32, #tpu.memory_space<hbm>> -> memref<2x120xi32, #tpu.memory_space<hbm>>
        %dma_start3A_232 = arith.constant 0 : i32
        %dma_start3A_233 = arith.constant 0 : i32
        %dma_start3A_234 = tpu.memref_slice %arg3[%add3A_227, %dma_start3A_232, %dma_start3A_233] : memref<2688x2x120xi32, #tpu.memory_space<hbm>> -> memref<1x2x120xi32, #tpu.memory_space<hbm>>
        %dma_start3A_235 = tpu.memref_squeeze %dma_start3A_234 : memref<1x2x120xi32, #tpu.memory_space<hbm>> -> memref<2x120xi32, #tpu.memory_space<hbm>>
        tpu.enqueue_dma source(%dma_start3A_235 : memref<2x120xi32, #tpu.memory_space<hbm>>) target(%arg8 : memref<2x120xi32, #tpu.memory_space<vmem>>) target_semaphore(%arg14 : memref<!tpu.dma_semaphore, #tpu.memory_space<semaphore_mem>>)
      } else {
      }
      %mul3A_153 = arith.constant 6 : i32
      %mul3A_154 = arith.muli %while3A_83, %mul3A_153 : i32
      %add3A_155 = arith.constant 3 : i32
      %add3A_156 = arith.addi %mul3A_154, %add3A_155 : i32
      %add3A_157 = arith.constant 1 : i32
      %add3A_158 = arith.addi %add3A_156, %add3A_157 : i32
      %lt3A_159 = arith.cmpi slt, %add3A_158, %select_n3A : i32
      %convert_element_type3A_160 = arith.extui %lt3A_159 : i1 to i32
      %cond3A_161 = arith.constant 0 : i32
      %cond3A_162 = arith.cmpi ne, %convert_element_type3A_160, %cond3A_161 : i32
      scf.if %cond3A_162 {
        %add3A_225 = arith.addi %select_n3A_33, %add3A_156 : i32
        %add3A_226 = arith.constant 1 : i32
        %add3A_227 = arith.addi %add3A_225, %add3A_226 : i32
        %dma_wait3A_228 = arith.constant 0 : i32
        %dma_wait3A_229 = arith.constant 0 : i32
        %dma_wait3A_230 = tpu.memref_slice %arg3[%add3A_227, %dma_wait3A_228, %dma_wait3A_229] : memref<2688x2x120xi32, #tpu.memory_space<hbm>> -> memref<1x2x120xi32, #tpu.memory_space<hbm>>
        %dma_wait3A_231 = tpu.memref_squeeze %dma_wait3A_230 : memref<1x2x120xi32, #tpu.memory_space<hbm>> -> memref<2x120xi32, #tpu.memory_space<hbm>>
        %dma_wait3A_232 = arith.constant 0 : i32
        %dma_wait3A_233 = arith.constant 0 : i32
        %dma_wait3A_234 = tpu.memref_slice %arg3[%add3A_227, %dma_wait3A_232, %dma_wait3A_233] : memref<2688x2x120xi32, #tpu.memory_space<hbm>> -> memref<1x2x120xi32, #tpu.memory_space<hbm>>
        %dma_wait3A_235 = tpu.memref_squeeze %dma_wait3A_234 : memref<1x2x120xi32, #tpu.memory_space<hbm>> -> memref<2x120xi32, #tpu.memory_space<hbm>>
        tpu.wait_dma2 semaphore(%arg13 : memref<!tpu.dma_semaphore, #tpu.memory_space<semaphore_mem>>) src(%dma_wait3A_235 : memref<2x120xi32, #tpu.memory_space<hbm>>) dst(%arg7 : memref<2x120xi32, #tpu.memory_space<vmem>>)
        %dma_start3A_236 = arith.constant 0 : i32
        %dma_start3A_237 = arith.constant 0 : i32
        %dma_start3A_238 = tpu.memref_slice %arg7[%dma_start3A_236, %dma_start3A_237] : memref<2x120xi32, #tpu.memory_space<vmem>> -> memref<1x120xi32, #tpu.memory_space<vmem>>
        %dma_start3A_239 = tpu.memref_squeeze %dma_start3A_238 : memref<1x120xi32, #tpu.memory_space<vmem>> -> memref<120xi32, #tpu.memory_space<vmem>>
        %dma_start3A_240 = arith.constant 0 : i32
        %dma_start3A_241 = arith.constant 0 : i32
        %dma_start3A_242 = tpu.memref_slice %arg2[%dma_start3A_240, %dma_start3A_241] : memref<10000x128xf32, #tpu.memory_space<hbm>> -> memref<10000x128xf32, #tpu.memory_space<hbm>>
        tpu.enqueue_indirect_dma source(%dma_start3A_242 : memref<10000x128xf32, #tpu.memory_space<hbm>>) target(%arg9 : memref<120x128xf32, #tpu.memory_space<vmem>>) offsets(%dma_start3A_239 : memref<120xi32, #tpu.memory_space<vmem>>) semaphore(%arg15 : memref<!tpu.dma_semaphore, #tpu.memory_space<semaphore_mem>>)
      } else {
      }
      %dma_wait3A_163 = arith.constant 0 : i32
      %dma_wait3A_164 = arith.constant 0 : i32
      %dma_wait3A_165 = tpu.memref_slice %arg6[%dma_wait3A_163, %dma_wait3A_164] : memref<2x120xi32, #tpu.memory_space<vmem>> -> memref<1x120xi32, #tpu.memory_space<vmem>>
      %dma_wait3A_166 = tpu.memref_squeeze %dma_wait3A_165 : memref<1x120xi32, #tpu.memory_space<vmem>> -> memref<120xi32, #tpu.memory_space<vmem>>
      %dma_wait3A_167 = arith.constant 0 : i32
      %dma_wait3A_168 = arith.constant 0 : i32
      %dma_wait3A_169 = tpu.memref_slice %arg2[%dma_wait3A_167, %dma_wait3A_168] : memref<10000x128xf32, #tpu.memory_space<hbm>> -> memref<10000x128xf32, #tpu.memory_space<hbm>>
      tpu.wait_indirect_dma semaphore(%arg16 : memref<!tpu.dma_semaphore, #tpu.memory_space<semaphore_mem>>) src(%dma_wait3A_169 : memref<10000x128xf32, #tpu.memory_space<hbm>>) dst(%arg10 : memref<120x128xf32, #tpu.memory_space<vmem>>)
      %run_scoped3A_170 = arith.constant 1 : i32
      "tpu.region"() ({
        %run_scoped3A_225 = tpu.sem_alloc : memref<!tpu.dma_semaphore, #tpu.memory_space<semaphore_mem>>
        %dma_start3A_226 = arith.constant 0 : i32
        %dma_start3A_227 = tpu.memref_slice %arg6[%run_scoped3A_170, %dma_start3A_226] : memref<2x120xi32, #tpu.memory_space<vmem>> -> memref<1x120xi32, #tpu.memory_space<vmem>>
        %dma_start3A_228 = tpu.memref_squeeze %dma_start3A_227 : memref<1x120xi32, #tpu.memory_space<vmem>> -> memref<120xi32, #tpu.memory_space<vmem>>
        %dma_start3A_229 = arith.constant 0 : i32
        %dma_start3A_230 = arith.constant 0 : i32
        %dma_start3A_231 = tpu.memref_slice %arg11[%dma_start3A_229, %dma_start3A_230] : memref<10240x128xf32, #tpu.memory_space<vmem_shared>> -> memref<10240x128xf32, #tpu.memory_space<vmem_shared>>
        tpu.enqueue_indirect_dma source(%arg10 : memref<120x128xf32, #tpu.memory_space<vmem>>) target(%dma_start3A_231 : memref<10240x128xf32, #tpu.memory_space<vmem_shared>>) offsets(%dma_start3A_228 : memref<120xi32, #tpu.memory_space<vmem>>) semaphore(%run_scoped3A_225 : memref<!tpu.dma_semaphore, #tpu.memory_space<semaphore_mem>>) {add = true}
        %dma_wait3A_232 = arith.constant 0 : i32
        %dma_wait3A_233 = tpu.memref_slice %arg6[%run_scoped3A_170, %dma_wait3A_232] : memref<2x120xi32, #tpu.memory_space<vmem>> -> memref<1x120xi32, #tpu.memory_space<vmem>>
        %dma_wait3A_234 = tpu.memref_squeeze %dma_wait3A_233 : memref<1x120xi32, #tpu.memory_space<vmem>> -> memref<120xi32, #tpu.memory_space<vmem>>
        %dma_wait3A_235 = arith.constant 0 : i32
        %dma_wait3A_236 = arith.constant 0 : i32
        %dma_wait3A_237 = tpu.memref_slice %arg11[%dma_wait3A_235, %dma_wait3A_236] : memref<10240x128xf32, #tpu.memory_space<vmem_shared>> -> memref<10240x128xf32, #tpu.memory_space<vmem_shared>>
        tpu.wait_indirect_dma semaphore(%run_scoped3A_225 : memref<!tpu.dma_semaphore, #tpu.memory_space<semaphore_mem>>) src(%arg10 : memref<120x128xf32, #tpu.memory_space<vmem>>) dst(%dma_wait3A_237 : memref<10240x128xf32, #tpu.memory_space<vmem_shared>>)
        tpu.yield
      }) : () -> ()
      %add3A_171 = arith.constant 3 : i32
      %add3A_172 = arith.addi %add3A_156, %add3A_171 : i32
      %lt3A_173 = arith.cmpi slt, %add3A_172, %select_n3A : i32
      %convert_element_type3A_174 = arith.extui %lt3A_173 : i1 to i32
      %cond3A_175 = arith.constant 0 : i32
      %cond3A_176 = arith.cmpi ne, %convert_element_type3A_174, %cond3A_175 : i32
      scf.if %cond3A_176 {
        %add3A_225 = arith.addi %select_n3A_33, %add3A_156 : i32
        %add3A_226 = arith.constant 3 : i32
        %add3A_227 = arith.addi %add3A_225, %add3A_226 : i32
        %dma_start3A_228 = arith.constant 0 : i32
        %dma_start3A_229 = arith.constant 0 : i32
        %dma_start3A_230 = tpu.memref_slice %arg3[%add3A_227, %dma_start3A_228, %dma_start3A_229] : memref<2688x2x120xi32, #tpu.memory_space<hbm>> -> memref<1x2x120xi32, #tpu.memory_space<hbm>>
        %dma_start3A_231 = tpu.memref_squeeze %dma_start3A_230 : memref<1x2x120xi32, #tpu.memory_space<hbm>> -> memref<2x120xi32, #tpu.memory_space<hbm>>
        %dma_start3A_232 = arith.constant 0 : i32
        %dma_start3A_233 = arith.constant 0 : i32
        %dma_start3A_234 = tpu.memref_slice %arg3[%add3A_227, %dma_start3A_232, %dma_start3A_233] : memref<2688x2x120xi32, #tpu.memory_space<hbm>> -> memref<1x2x120xi32, #tpu.memory_space<hbm>>
        %dma_start3A_235 = tpu.memref_squeeze %dma_start3A_234 : memref<1x2x120xi32, #tpu.memory_space<hbm>> -> memref<2x120xi32, #tpu.memory_space<hbm>>
        tpu.enqueue_dma source(%dma_start3A_235 : memref<2x120xi32, #tpu.memory_space<hbm>>) target(%arg6 : memref<2x120xi32, #tpu.memory_space<vmem>>) target_semaphore(%arg12 : memref<!tpu.dma_semaphore, #tpu.memory_space<semaphore_mem>>)
      } else {
      }
      %mul3A_177 = arith.constant 6 : i32
      %mul3A_178 = arith.muli %while3A_83, %mul3A_177 : i32
      %add3A_179 = arith.constant 4 : i32
      %add3A_180 = arith.addi %mul3A_178, %add3A_179 : i32
      %add3A_181 = arith.constant 1 : i32
      %add3A_182 = arith.addi %add3A_180, %add3A_181 : i32
      %lt3A_183 = arith.cmpi slt, %add3A_182, %select_n3A : i32
      %convert_element_type3A_184 = arith.extui %lt3A_183 : i1 to i32
      %cond3A_185 = arith.constant 0 : i32
      %cond3A_186 = arith.cmpi ne, %convert_element_type3A_184, %cond3A_185 : i32
      scf.if %cond3A_186 {
        %add3A_225 = arith.addi %select_n3A_33, %add3A_180 : i32
        %add3A_226 = arith.constant 1 : i32
        %add3A_227 = arith.addi %add3A_225, %add3A_226 : i32
        %dma_wait3A_228 = arith.constant 0 : i32
        %dma_wait3A_229 = arith.constant 0 : i32
        %dma_wait3A_230 = tpu.memref_slice %arg3[%add3A_227, %dma_wait3A_228, %dma_wait3A_229] : memref<2688x2x120xi32, #tpu.memory_space<hbm>> -> memref<1x2x120xi32, #tpu.memory_space<hbm>>
        %dma_wait3A_231 = tpu.memref_squeeze %dma_wait3A_230 : memref<1x2x120xi32, #tpu.memory_space<hbm>> -> memref<2x120xi32, #tpu.memory_space<hbm>>
        %dma_wait3A_232 = arith.constant 0 : i32
        %dma_wait3A_233 = arith.constant 0 : i32
        %dma_wait3A_234 = tpu.memref_slice %arg3[%add3A_227, %dma_wait3A_232, %dma_wait3A_233] : memref<2688x2x120xi32, #tpu.memory_space<hbm>> -> memref<1x2x120xi32, #tpu.memory_space<hbm>>
        %dma_wait3A_235 = tpu.memref_squeeze %dma_wait3A_234 : memref<1x2x120xi32, #tpu.memory_space<hbm>> -> memref<2x120xi32, #tpu.memory_space<hbm>>
        tpu.wait_dma2 semaphore(%arg14 : memref<!tpu.dma_semaphore, #tpu.memory_space<semaphore_mem>>) src(%dma_wait3A_235 : memref<2x120xi32, #tpu.memory_space<hbm>>) dst(%arg8 : memref<2x120xi32, #tpu.memory_space<vmem>>)
        %dma_start3A_236 = arith.constant 0 : i32
        %dma_start3A_237 = arith.constant 0 : i32
        %dma_start3A_238 = tpu.memref_slice %arg8[%dma_start3A_236, %dma_start3A_237] : memref<2x120xi32, #tpu.memory_space<vmem>> -> memref<1x120xi32, #tpu.memory_space<vmem>>
        %dma_start3A_239 = tpu.memref_squeeze %dma_start3A_238 : memref<1x120xi32, #tpu.memory_space<vmem>> -> memref<120xi32, #tpu.memory_space<vmem>>
        %dma_start3A_240 = arith.constant 0 : i32
        %dma_start3A_241 = arith.constant 0 : i32
        %dma_start3A_242 = tpu.memref_slice %arg2[%dma_start3A_240, %dma_start3A_241] : memref<10000x128xf32, #tpu.memory_space<hbm>> -> memref<10000x128xf32, #tpu.memory_space<hbm>>
        tpu.enqueue_indirect_dma source(%dma_start3A_242 : memref<10000x128xf32, #tpu.memory_space<hbm>>) target(%arg10 : memref<120x128xf32, #tpu.memory_space<vmem>>) offsets(%dma_start3A_239 : memref<120xi32, #tpu.memory_space<vmem>>) semaphore(%arg16 : memref<!tpu.dma_semaphore, #tpu.memory_space<semaphore_mem>>)
      } else {
      }
      %dma_wait3A_187 = arith.constant 0 : i32
      %dma_wait3A_188 = arith.constant 0 : i32
      %dma_wait3A_189 = tpu.memref_slice %arg7[%dma_wait3A_187, %dma_wait3A_188] : memref<2x120xi32, #tpu.memory_space<vmem>> -> memref<1x120xi32, #tpu.memory_space<vmem>>
      %dma_wait3A_190 = tpu.memref_squeeze %dma_wait3A_189 : memref<1x120xi32, #tpu.memory_space<vmem>> -> memref<120xi32, #tpu.memory_space<vmem>>
      %dma_wait3A_191 = arith.constant 0 : i32
      %dma_wait3A_192 = arith.constant 0 : i32
      %dma_wait3A_193 = tpu.memref_slice %arg2[%dma_wait3A_191, %dma_wait3A_192] : memref<10000x128xf32, #tpu.memory_space<hbm>> -> memref<10000x128xf32, #tpu.memory_space<hbm>>
      tpu.wait_indirect_dma semaphore(%arg15 : memref<!tpu.dma_semaphore, #tpu.memory_space<semaphore_mem>>) src(%dma_wait3A_193 : memref<10000x128xf32, #tpu.memory_space<hbm>>) dst(%arg9 : memref<120x128xf32, #tpu.memory_space<vmem>>)
      %run_scoped3A_194 = arith.constant 1 : i32
      "tpu.region"() ({
        %run_scoped3A_225 = tpu.sem_alloc : memref<!tpu.dma_semaphore, #tpu.memory_space<semaphore_mem>>
        %dma_start3A_226 = arith.constant 0 : i32
        %dma_start3A_227 = tpu.memref_slice %arg7[%run_scoped3A_194, %dma_start3A_226] : memref<2x120xi32, #tpu.memory_space<vmem>> -> memref<1x120xi32, #tpu.memory_space<vmem>>
        %dma_start3A_228 = tpu.memref_squeeze %dma_start3A_227 : memref<1x120xi32, #tpu.memory_space<vmem>> -> memref<120xi32, #tpu.memory_space<vmem>>
        %dma_start3A_229 = arith.constant 0 : i32
        %dma_start3A_230 = arith.constant 0 : i32
        %dma_start3A_231 = tpu.memref_slice %arg11[%dma_start3A_229, %dma_start3A_230] : memref<10240x128xf32, #tpu.memory_space<vmem_shared>> -> memref<10240x128xf32, #tpu.memory_space<vmem_shared>>
        tpu.enqueue_indirect_dma source(%arg9 : memref<120x128xf32, #tpu.memory_space<vmem>>) target(%dma_start3A_231 : memref<10240x128xf32, #tpu.memory_space<vmem_shared>>) offsets(%dma_start3A_228 : memref<120xi32, #tpu.memory_space<vmem>>) semaphore(%run_scoped3A_225 : memref<!tpu.dma_semaphore, #tpu.memory_space<semaphore_mem>>) {add = true}
        %dma_wait3A_232 = arith.constant 0 : i32
        %dma_wait3A_233 = tpu.memref_slice %arg7[%run_scoped3A_194, %dma_wait3A_232] : memref<2x120xi32, #tpu.memory_space<vmem>> -> memref<1x120xi32, #tpu.memory_space<vmem>>
        %dma_wait3A_234 = tpu.memref_squeeze %dma_wait3A_233 : memref<1x120xi32, #tpu.memory_space<vmem>> -> memref<120xi32, #tpu.memory_space<vmem>>
        %dma_wait3A_235 = arith.constant 0 : i32
        %dma_wait3A_236 = arith.constant 0 : i32
        %dma_wait3A_237 = tpu.memref_slice %arg11[%dma_wait3A_235, %dma_wait3A_236] : memref<10240x128xf32, #tpu.memory_space<vmem_shared>> -> memref<10240x128xf32, #tpu.memory_space<vmem_shared>>
        tpu.wait_indirect_dma semaphore(%run_scoped3A_225 : memref<!tpu.dma_semaphore, #tpu.memory_space<semaphore_mem>>) src(%arg9 : memref<120x128xf32, #tpu.memory_space<vmem>>) dst(%dma_wait3A_237 : memref<10240x128xf32, #tpu.memory_space<vmem_shared>>)
        tpu.yield
      }) : () -> ()
      %add3A_195 = arith.constant 3 : i32
      %add3A_196 = arith.addi %add3A_180, %add3A_195 : i32
      %lt3A_197 = arith.cmpi slt, %add3A_196, %select_n3A : i32
      %convert_element_type3A_198 = arith.extui %lt3A_197 : i1 to i32
      %cond3A_199 = arith.constant 0 : i32
      %cond3A_200 = arith.cmpi ne, %convert_element_type3A_198, %cond3A_199 : i32
      scf.if %cond3A_200 {
        %add3A_225 = arith.addi %select_n3A_33, %add3A_180 : i32
        %add3A_226 = arith.constant 3 : i32
        %add3A_227 = arith.addi %add3A_225, %add3A_226 : i32
        %dma_start3A_228 = arith.constant 0 : i32
        %dma_start3A_229 = arith.constant 0 : i32
        %dma_start3A_230 = tpu.memref_slice %arg3[%add3A_227, %dma_start3A_228, %dma_start3A_229] : memref<2688x2x120xi32, #tpu.memory_space<hbm>> -> memref<1x2x120xi32, #tpu.memory_space<hbm>>
        %dma_start3A_231 = tpu.memref_squeeze %dma_start3A_230 : memref<1x2x120xi32, #tpu.memory_space<hbm>> -> memref<2x120xi32, #tpu.memory_space<hbm>>
        %dma_start3A_232 = arith.constant 0 : i32
        %dma_start3A_233 = arith.constant 0 : i32
        %dma_start3A_234 = tpu.memref_slice %arg3[%add3A_227, %dma_start3A_232, %dma_start3A_233] : memref<2688x2x120xi32, #tpu.memory_space<hbm>> -> memref<1x2x120xi32, #tpu.memory_space<hbm>>
        %dma_start3A_235 = tpu.memref_squeeze %dma_start3A_234 : memref<1x2x120xi32, #tpu.memory_space<hbm>> -> memref<2x120xi32, #tpu.memory_space<hbm>>
        tpu.enqueue_dma source(%dma_start3A_235 : memref<2x120xi32, #tpu.memory_space<hbm>>) target(%arg7 : memref<2x120xi32, #tpu.memory_space<vmem>>) target_semaphore(%arg13 : memref<!tpu.dma_semaphore, #tpu.memory_space<semaphore_mem>>)
      } else {
      }
      %mul3A_201 = arith.constant 6 : i32
      %mul3A_202 = arith.muli %while3A_83, %mul3A_201 : i32
      %add3A_203 = arith.constant 5 : i32
      %add3A_204 = arith.addi %mul3A_202, %add3A_203 : i32
      %add3A_205 = arith.constant 1 : i32
      %add3A_206 = arith.addi %add3A_204, %add3A_205 : i32
      %lt3A_207 = arith.cmpi slt, %add3A_206, %select_n3A : i32
      %convert_element_type3A_208 = arith.extui %lt3A_207 : i1 to i32
      %cond3A_209 = arith.constant 0 : i32
      %cond3A_210 = arith.cmpi ne, %convert_element_type3A_208, %cond3A_209 : i32
      scf.if %cond3A_210 {
        %add3A_225 = arith.addi %select_n3A_33, %add3A_204 : i32
        %add3A_226 = arith.constant 1 : i32
        %add3A_227 = arith.addi %add3A_225, %add3A_226 : i32
        %dma_wait3A_228 = arith.constant 0 : i32
        %dma_wait3A_229 = arith.constant 0 : i32
        %dma_wait3A_230 = tpu.memref_slice %arg3[%add3A_227, %dma_wait3A_228, %dma_wait3A_229] : memref<2688x2x120xi32, #tpu.memory_space<hbm>> -> memref<1x2x120xi32, #tpu.memory_space<hbm>>
        %dma_wait3A_231 = tpu.memref_squeeze %dma_wait3A_230 : memref<1x2x120xi32, #tpu.memory_space<hbm>> -> memref<2x120xi32, #tpu.memory_space<hbm>>
        %dma_wait3A_232 = arith.constant 0 : i32
        %dma_wait3A_233 = arith.constant 0 : i32
        %dma_wait3A_234 = tpu.memref_slice %arg3[%add3A_227, %dma_wait3A_232, %dma_wait3A_233] : memref<2688x2x120xi32, #tpu.memory_space<hbm>> -> memref<1x2x120xi32, #tpu.memory_space<hbm>>
        %dma_wait3A_235 = tpu.memref_squeeze %dma_wait3A_234 : memref<1x2x120xi32, #tpu.memory_space<hbm>> -> memref<2x120xi32, #tpu.memory_space<hbm>>
        tpu.wait_dma2 semaphore(%arg12 : memref<!tpu.dma_semaphore, #tpu.memory_space<semaphore_mem>>) src(%dma_wait3A_235 : memref<2x120xi32, #tpu.memory_space<hbm>>) dst(%arg6 : memref<2x120xi32, #tpu.memory_space<vmem>>)
        %dma_start3A_236 = arith.constant 0 : i32
        %dma_start3A_237 = arith.constant 0 : i32
        %dma_start3A_238 = tpu.memref_slice %arg6[%dma_start3A_236, %dma_start3A_237] : memref<2x120xi32, #tpu.memory_space<vmem>> -> memref<1x120xi32, #tpu.memory_space<vmem>>
        %dma_start3A_239 = tpu.memref_squeeze %dma_start3A_238 : memref<1x120xi32, #tpu.memory_space<vmem>> -> memref<120xi32, #tpu.memory_space<vmem>>
        %dma_start3A_240 = arith.constant 0 : i32
        %dma_start3A_241 = arith.constant 0 : i32
        %dma_start3A_242 = tpu.memref_slice %arg2[%dma_start3A_240, %dma_start3A_241] : memref<10000x128xf32, #tpu.memory_space<hbm>> -> memref<10000x128xf32, #tpu.memory_space<hbm>>
        tpu.enqueue_indirect_dma source(%dma_start3A_242 : memref<10000x128xf32, #tpu.memory_space<hbm>>) target(%arg9 : memref<120x128xf32, #tpu.memory_space<vmem>>) offsets(%dma_start3A_239 : memref<120xi32, #tpu.memory_space<vmem>>) semaphore(%arg15 : memref<!tpu.dma_semaphore, #tpu.memory_space<semaphore_mem>>)
      } else {
      }
      %dma_wait3A_211 = arith.constant 0 : i32
      %dma_wait3A_212 = arith.constant 0 : i32
      %dma_wait3A_213 = tpu.memref_slice %arg8[%dma_wait3A_211, %dma_wait3A_212] : memref<2x120xi32, #tpu.memory_space<vmem>> -> memref<1x120xi32, #tpu.memory_space<vmem>>
      %dma_wait3A_214 = tpu.memref_squeeze %dma_wait3A_213 : memref<1x120xi32, #tpu.memory_space<vmem>> -> memref<120xi32, #tpu.memory_space<vmem>>
      %dma_wait3A_215 = arith.constant 0 : i32
      %dma_wait3A_216 = arith.constant 0 : i32
      %dma_wait3A_217 = tpu.memref_slice %arg2[%dma_wait3A_215, %dma_wait3A_216] : memref<10000x128xf32, #tpu.memory_space<hbm>> -> memref<10000x128xf32, #tpu.memory_space<hbm>>
      tpu.wait_indirect_dma semaphore(%arg16 : memref<!tpu.dma_semaphore, #tpu.memory_space<semaphore_mem>>) src(%dma_wait3A_217 : memref<10000x128xf32, #tpu.memory_space<hbm>>) dst(%arg10 : memref<120x128xf32, #tpu.memory_space<vmem>>)
      %run_scoped3A_218 = arith.constant 1 : i32
      "tpu.region"() ({
        %run_scoped3A_225 = tpu.sem_alloc : memref<!tpu.dma_semaphore, #tpu.memory_space<semaphore_mem>>
        %dma_start3A_226 = arith.constant 0 : i32
        %dma_start3A_227 = tpu.memref_slice %arg8[%run_scoped3A_218, %dma_start3A_226] : memref<2x120xi32, #tpu.memory_space<vmem>> -> memref<1x120xi32, #tpu.memory_space<vmem>>
        %dma_start3A_228 = tpu.memref_squeeze %dma_start3A_227 : memref<1x120xi32, #tpu.memory_space<vmem>> -> memref<120xi32, #tpu.memory_space<vmem>>
        %dma_start3A_229 = arith.constant 0 : i32
        %dma_start3A_230 = arith.constant 0 : i32
        %dma_start3A_231 = tpu.memref_slice %arg11[%dma_start3A_229, %dma_start3A_230] : memref<10240x128xf32, #tpu.memory_space<vmem_shared>> -> memref<10240x128xf32, #tpu.memory_space<vmem_shared>>
        tpu.enqueue_indirect_dma source(%arg10 : memref<120x128xf32, #tpu.memory_space<vmem>>) target(%dma_start3A_231 : memref<10240x128xf32, #tpu.memory_space<vmem_shared>>) offsets(%dma_start3A_228 : memref<120xi32, #tpu.memory_space<vmem>>) semaphore(%run_scoped3A_225 : memref<!tpu.dma_semaphore, #tpu.memory_space<semaphore_mem>>) {add = true}
        %dma_wait3A_232 = arith.constant 0 : i32
        %dma_wait3A_233 = tpu.memref_slice %arg8[%run_scoped3A_218, %dma_wait3A_232] : memref<2x120xi32, #tpu.memory_space<vmem>> -> memref<1x120xi32, #tpu.memory_space<vmem>>
        %dma_wait3A_234 = tpu.memref_squeeze %dma_wait3A_233 : memref<1x120xi32, #tpu.memory_space<vmem>> -> memref<120xi32, #tpu.memory_space<vmem>>
        %dma_wait3A_235 = arith.constant 0 : i32
        %dma_wait3A_236 = arith.constant 0 : i32
        %dma_wait3A_237 = tpu.memref_slice %arg11[%dma_wait3A_235, %dma_wait3A_236] : memref<10240x128xf32, #tpu.memory_space<vmem_shared>> -> memref<10240x128xf32, #tpu.memory_space<vmem_shared>>
        tpu.wait_indirect_dma semaphore(%run_scoped3A_225 : memref<!tpu.dma_semaphore, #tpu.memory_space<semaphore_mem>>) src(%arg10 : memref<120x128xf32, #tpu.memory_space<vmem>>) dst(%dma_wait3A_237 : memref<10240x128xf32, #tpu.memory_space<vmem_shared>>)
        tpu.yield
      }) : () -> ()
      %add3A_219 = arith.constant 3 : i32
      %add3A_220 = arith.addi %add3A_204, %add3A_219 : i32
      %lt3A_221 = arith.cmpi slt, %add3A_220, %select_n3A : i32
      %convert_element_type3A_222 = arith.extui %lt3A_221 : i1 to i32
      %cond3A_223 = arith.constant 0 : i32
      %cond3A_224 = arith.cmpi ne, %convert_element_type3A_222, %cond3A_223 : i32
      scf.if %cond3A_224 {
        %add3A_225 = arith.addi %select_n3A_33, %add3A_204 : i32
        %add3A_226 = arith.constant 3 : i32
        %add3A_227 = arith.addi %add3A_225, %add3A_226 : i32
        %dma_start3A_228 = arith.constant 0 : i32
        %dma_start3A_229 = arith.constant 0 : i32
        %dma_start3A_230 = tpu.memref_slice %arg3[%add3A_227, %dma_start3A_228, %dma_start3A_229] : memref<2688x2x120xi32, #tpu.memory_space<hbm>> -> memref<1x2x120xi32, #tpu.memory_space<hbm>>
        %dma_start3A_231 = tpu.memref_squeeze %dma_start3A_230 : memref<1x2x120xi32, #tpu.memory_space<hbm>> -> memref<2x120xi32, #tpu.memory_space<hbm>>
        %dma_start3A_232 = arith.constant 0 : i32
        %dma_start3A_233 = arith.constant 0 : i32
        %dma_start3A_234 = tpu.memref_slice %arg3[%add3A_227, %dma_start3A_232, %dma_start3A_233] : memref<2688x2x120xi32, #tpu.memory_space<hbm>> -> memref<1x2x120xi32, #tpu.memory_space<hbm>>
        %dma_start3A_235 = tpu.memref_squeeze %dma_start3A_234 : memref<1x2x120xi32, #tpu.memory_space<hbm>> -> memref<2x120xi32, #tpu.memory_space<hbm>>
        tpu.enqueue_dma source(%dma_start3A_235 : memref<2x120xi32, #tpu.memory_space<hbm>>) target(%arg8 : memref<2x120xi32, #tpu.memory_space<vmem>>) target_semaphore(%arg14 : memref<!tpu.dma_semaphore, #tpu.memory_space<semaphore_mem>>)
      } else {
      }
    }
    %barrier3A_75 = arith.constant 0 : index
    tpu.barrier barrier_id(%barrier3A_75)
    %mul3A_76 = arith.constant 640 : i32
    %mul3A_77 = arith.muli %arg1, %mul3A_76 : i32
    %mul3A_78 = arith.constant 10240 : i32
    %mul3A_79 = arith.muli %arg0, %mul3A_78 : i32
    %mul3A_80 = arith.constant 640 : i32
    %mul3A_81 = arith.muli %arg1, %mul3A_80 : i32
    %add3A_82 = arith.addi %mul3A_79, %mul3A_81 : i32
    "tpu.region"() ({
      %run_scoped3A = tpu.sem_alloc : memref<!tpu.dma_semaphore, #tpu.memory_space<semaphore_mem>>
      %dma_start3A_83 = arith.constant 0 : i32
      %dma_start3A_84 = tpu.memref_slice %arg5[%add3A_82, %dma_start3A_83] : memref<20480x128xf32, #tpu.memory_space<hbm>> -> memref<640x128xf32, #tpu.memory_space<hbm>>
      %dma_start3A_85 = arith.constant 0 : i32
      %dma_start3A_86 = tpu.memref_slice %arg11[%mul3A_77, %dma_start3A_85] : memref<10240x128xf32, #tpu.memory_space<vmem_shared>> -> memref<640x128xf32, #tpu.memory_space<vmem_shared>>
      tpu.enqueue_dma source(%dma_start3A_86 : memref<640x128xf32, #tpu.memory_space<vmem_shared>>) target(%dma_start3A_84 : memref<640x128xf32, #tpu.memory_space<hbm>>) target_semaphore(%run_scoped3A : memref<!tpu.dma_semaphore, #tpu.memory_space<semaphore_mem>>)
      %dma_wait3A = arith.constant 0 : i32
      %dma_wait3A_87 = tpu.memref_slice %arg5[%add3A_82, %dma_wait3A] : memref<20480x128xf32, #tpu.memory_space<hbm>> -> memref<640x128xf32, #tpu.memory_space<hbm>>
      %dma_wait3A_88 = arith.constant 0 : i32
      %dma_wait3A_89 = tpu.memref_slice %arg11[%mul3A_77, %dma_wait3A_88] : memref<10240x128xf32, #tpu.memory_space<vmem_shared>> -> memref<640x128xf32, #tpu.memory_space<vmem_shared>>
      tpu.wait_dma2 semaphore(%run_scoped3A : memref<!tpu.dma_semaphore, #tpu.memory_space<semaphore_mem>>) src(%dma_wait3A_89 : memref<640x128xf32, #tpu.memory_space<vmem_shared>>) dst(%dma_wait3A_87 : memref<640x128xf32, #tpu.memory_space<hbm>>)
      tpu.yield
    }) : () -> ()
    return
  }
}

module attributes {stable_mosaic.version = 14 : i64} {
  func.func @_linear_body(%arg0: memref<10000x128xf32, #tpu.memory_space<vmem>>, %arg1: memref<128x128xf32, #tpu.memory_space<vmem>>, %arg2: memref<1x128xf32, #tpu.memory_space<vmem>>, %arg3: memref<10000x128xf32, #tpu.memory_space<vmem>>) attributes {dimension_semantics = [], scalar_prefetch = 0 : i64, scratch_operands = 0 : i64, tpu.core_type = #tpu.core_type<tc>} {
    %get3A = arith.constant 0 : index
    %get3A_0 = arith.constant 0 : index
    %get3A_1 = vector.load %arg0[%get3A, %get3A_0] : memref<10000x128xf32, #tpu.memory_space<vmem>>, vector<10000x128xf32>
    %get3A_2 = arith.constant 0 : index
    %get3A_3 = arith.constant 0 : index
    %get3A_4 = vector.load %arg1[%get3A_2, %get3A_3] : memref<128x128xf32, #tpu.memory_space<vmem>>, vector<128x128xf32>
    %dot_general3A = arith.constant dense<0.000000e+00> : vector<10000x128xf32>
    %dot_general3A_5 = tpu.matmul %get3A_1, %get3A_4, %dot_general3A {dimension_numbers = #tpu.dot_dimension_numbers<[1], [0], [0], [1], [0, 0, 1, 1], [], []>, transpose_lhs_hint = false} : vector<10000x128xf32>, vector<128x128xf32>, vector<10000x128xf32> -> vector<10000x128xf32>
    %get3A_6 = arith.constant 0 : index
    %get3A_7 = arith.constant 0 : index
    %get3A_8 = vector.load %arg2[%get3A_6, %get3A_7] : memref<1x128xf32, #tpu.memory_space<vmem>>, vector<1x128xf32>
    %add3A = vector.broadcast %get3A_8 : vector<1x128xf32> to vector<10000x128xf32>
    %add3A_9 = arith.addf %dot_general3A_5, %add3A : vector<10000x128xf32>
    %swap3A = arith.constant 0 : index
    %swap3A_10 = arith.constant 0 : index
    %swap3A_11 = vector.load %arg3[%swap3A, %swap3A_10] : memref<10000x128xf32, #tpu.memory_space<vmem>>, vector<10000x128xf32>
    tpu.vector_store %arg3[%swap3A, %swap3A_10], %add3A_9 {strides = array<i32>} : memref<10000x128xf32, #tpu.memory_space<vmem>>, vector<10000x128xf32>,
    return
  }
}

module attributes {stable_mosaic.version = 14 : i64} {
  func.func @_mlp_body(%arg0: memref<10000x128xf32, #tpu.memory_space<vmem>>, %arg1: memref<20480x128xf32, #tpu.memory_space<vmem>>, %arg2: memref<128x128xf32, #tpu.memory_space<vmem>>, %arg3: memref<1x128xf32, #tpu.memory_space<vmem>>, %arg4: memref<1x128xf32, #tpu.memory_space<vmem>>, %arg5: memref<1x128xf32, #tpu.memory_space<vmem>>, %arg6: memref<128x128xf32, #tpu.memory_space<vmem>>, %arg7: memref<1x128xf32, #tpu.memory_space<vmem>>, %arg8: memref<1x128xf32, #tpu.memory_space<vmem>>, %arg9: memref<1x128xf32, #tpu.memory_space<vmem>>, %arg10: memref<10000x128xf32, #tpu.memory_space<vmem>>) attributes {dimension_semantics = [], scalar_prefetch = 0 : i64, scratch_operands = 0 : i64, tpu.core_type = #tpu.core_type<tc>} {
    %get3A = arith.constant 0 : index
    %get3A_0 = arith.constant 0 : index
    %get3A_1 = vector.load %arg0[%get3A, %get3A_0] : memref<10000x128xf32, #tpu.memory_space<vmem>>, vector<10000x128xf32>
    %get3A_2 = arith.constant 0 : index
    %get3A_3 = arith.constant 0 : index
    %get3A_4 = vector.load %arg1[%get3A_2, %get3A_3] : memref<20480x128xf32, #tpu.memory_space<vmem>>, vector<10000x128xf32>
    %add3A = arith.addf %get3A_1, %get3A_4 : vector<10000x128xf32>
    %get3A_5 = arith.constant 10240 : index
    %get3A_6 = arith.constant 0 : index
    %get3A_7 = vector.load %arg1[%get3A_5, %get3A_6] : memref<20480x128xf32, #tpu.memory_space<vmem>>, vector<10000x128xf32>
    %add3A_8 = arith.addf %add3A, %get3A_7 : vector<10000x128xf32>
    %get3A_9 = arith.constant 0 : index
    %get3A_10 = arith.constant 0 : index
    %get3A_11 = vector.load %arg2[%get3A_9, %get3A_10] : memref<128x128xf32, #tpu.memory_space<vmem>>, vector<128x128xf32>
    %dot_general3A = arith.constant dense<0.000000e+00> : vector<10000x128xf32>
    %dot_general3A_12 = tpu.matmul %add3A_8, %get3A_11, %dot_general3A {dimension_numbers = #tpu.dot_dimension_numbers<[1], [0], [0], [1], [0, 0, 1, 1], [], []>, transpose_lhs_hint = false} : vector<10000x128xf32>, vector<128x128xf32>, vector<10000x128xf32> -> vector<10000x128xf32>
    %get3A_13 = arith.constant 0 : index
    %get3A_14 = arith.constant 0 : index
    %get3A_15 = vector.load %arg3[%get3A_13, %get3A_14] : memref<1x128xf32, #tpu.memory_space<vmem>>, vector<1x128xf32>
    %add3A_16 = vector.broadcast %get3A_15 : vector<1x128xf32> to vector<10000x128xf32>
    %add3A_17 = arith.addf %dot_general3A_12, %add3A_16 : vector<10000x128xf32>
    %get3A_18 = arith.constant 0 : index
    %get3A_19 = arith.constant 0 : index
    %get3A_20 = vector.load %arg4[%get3A_18, %get3A_19] : memref<1x128xf32, #tpu.memory_space<vmem>>, vector<1x128xf32>
    %get3A_21 = arith.constant 0 : index
    %get3A_22 = arith.constant 0 : index
    %get3A_23 = vector.load %arg5[%get3A_21, %get3A_22] : memref<1x128xf32, #tpu.memory_space<vmem>>, vector<1x128xf32>
    %reduce_sum3A = arith.constant dense<0.000000e+00> : vector<128xf32>
    %reduce_sum3A_24 = vector.multi_reduction <add>, %add3A_17, %reduce_sum3A [0] : vector<10000x128xf32> to vector<128xf32>
    %broadcast_in_dim3A = vector.shape_cast %reduce_sum3A_24 : vector<128xf32> to vector<1x128xf32>
    %div3A = arith.constant 1.000000e+04 : f32
    %div3A_25 = vector.broadcast %div3A : f32 to vector<1x128xf32>
    %div3A_26 = arith.divf %broadcast_in_dim3A, %div3A_25 : vector<1x128xf32>
    %sub3A = vector.broadcast %div3A_26 : vector<1x128xf32> to vector<10000x128xf32>
    %sub3A_27 = arith.subf %add3A_17, %sub3A : vector<10000x128xf32>
    %square3A = arith.mulf %sub3A_27, %sub3A_27 : vector<10000x128xf32>
    %reduce_sum3A_28 = arith.constant dense<0.000000e+00> : vector<128xf32>
    %reduce_sum3A_29 = vector.multi_reduction <add>, %square3A, %reduce_sum3A_28 [0] : vector<10000x128xf32> to vector<128xf32>
    %broadcast_in_dim3A_30 = vector.shape_cast %reduce_sum3A_29 : vector<128xf32> to vector<1x128xf32>
    %div3A_31 = arith.constant 1.000000e+04 : f32
    %div3A_32 = vector.broadcast %div3A_31 : f32 to vector<1x128xf32>
    %div3A_33 = arith.divf %broadcast_in_dim3A_30, %div3A_32 : vector<1x128xf32>
    %sub3A_34 = vector.broadcast %div3A_26 : vector<1x128xf32> to vector<10000x128xf32>
    %sub3A_35 = arith.subf %add3A_17, %sub3A_34 : vector<10000x128xf32>
    %add3A_36 = arith.constant 9.99999974E-6 : f32
    %add3A_37 = vector.broadcast %add3A_36 : f32 to vector<1x128xf32>
    %add3A_38 = arith.addf %div3A_33, %add3A_37 : vector<1x128xf32>
    %rsqrt3A = math.rsqrt %add3A_38 : vector<1x128xf32>
    %mul3A = arith.mulf %get3A_20, %rsqrt3A : vector<1x128xf32>
    %mul3A_39 = vector.broadcast %mul3A : vector<1x128xf32> to vector<10000x128xf32>
    %mul3A_40 = arith.mulf %sub3A_35, %mul3A_39 : vector<10000x128xf32>
    %add3A_41 = vector.broadcast %get3A_23 : vector<1x128xf32> to vector<10000x128xf32>
    %add3A_42 = arith.addf %mul3A_40, %add3A_41 : vector<10000x128xf32>
    %max3A = arith.constant 0.000000e+00 : f32
    %max3A_43 = vector.broadcast %max3A : f32 to vector<10000x128xf32>
    %max3A_44 = arith.maximumf %add3A_42, %max3A_43 : vector<10000x128xf32>
    %get3A_45 = arith.constant 0 : index
    %get3A_46 = arith.constant 0 : index
    %get3A_47 = vector.load %arg6[%get3A_45, %get3A_46] : memref<128x128xf32, #tpu.memory_space<vmem>>, vector<128x128xf32>
    %dot_general3A_48 = arith.constant dense<0.000000e+00> : vector<10000x128xf32>
    %dot_general3A_49 = tpu.matmul %max3A_44, %get3A_47, %dot_general3A_48 {dimension_numbers = #tpu.dot_dimension_numbers<[1], [0], [0], [1], [0, 0, 1, 1], [], []>, transpose_lhs_hint = false} : vector<10000x128xf32>, vector<128x128xf32>, vector<10000x128xf32> -> vector<10000x128xf32>
    %get3A_50 = arith.constant 0 : index
    %get3A_51 = arith.constant 0 : index
    %get3A_52 = vector.load %arg7[%get3A_50, %get3A_51] : memref<1x128xf32, #tpu.memory_space<vmem>>, vector<1x128xf32>
    %add3A_53 = vector.broadcast %get3A_52 : vector<1x128xf32> to vector<10000x128xf32>
    %add3A_54 = arith.addf %dot_general3A_49, %add3A_53 : vector<10000x128xf32>
    %get3A_55 = arith.constant 0 : index
    %get3A_56 = arith.constant 0 : index
    %get3A_57 = vector.load %arg8[%get3A_55, %get3A_56] : memref<1x128xf32, #tpu.memory_space<vmem>>, vector<1x128xf32>
    %get3A_58 = arith.constant 0 : index
    %get3A_59 = arith.constant 0 : index
    %get3A_60 = vector.load %arg9[%get3A_58, %get3A_59] : memref<1x128xf32, #tpu.memory_space<vmem>>, vector<1x128xf32>
    %reduce_sum3A_61 = arith.constant dense<0.000000e+00> : vector<128xf32>
    %reduce_sum3A_62 = vector.multi_reduction <add>, %add3A_54, %reduce_sum3A_61 [0] : vector<10000x128xf32> to vector<128xf32>
    %broadcast_in_dim3A_63 = vector.shape_cast %reduce_sum3A_62 : vector<128xf32> to vector<1x128xf32>
    %div3A_64 = arith.constant 1.000000e+04 : f32
    %div3A_65 = vector.broadcast %div3A_64 : f32 to vector<1x128xf32>
    %div3A_66 = arith.divf %broadcast_in_dim3A_63, %div3A_65 : vector<1x128xf32>
    %sub3A_67 = vector.broadcast %div3A_66 : vector<1x128xf32> to vector<10000x128xf32>
    %sub3A_68 = arith.subf %add3A_54, %sub3A_67 : vector<10000x128xf32>
    %square3A_69 = arith.mulf %sub3A_68, %sub3A_68 : vector<10000x128xf32>
    %reduce_sum3A_70 = arith.constant dense<0.000000e+00> : vector<128xf32>
    %reduce_sum3A_71 = vector.multi_reduction <add>, %square3A_69, %reduce_sum3A_70 [0] : vector<10000x128xf32> to vector<128xf32>
    %broadcast_in_dim3A_72 = vector.shape_cast %reduce_sum3A_71 : vector<128xf32> to vector<1x128xf32>
    %div3A_73 = arith.constant 1.000000e+04 : f32
    %div3A_74 = vector.broadcast %div3A_73 : f32 to vector<1x128xf32>
    %div3A_75 = arith.divf %broadcast_in_dim3A_72, %div3A_74 : vector<1x128xf32>
    %sub3A_76 = vector.broadcast %div3A_66 : vector<1x128xf32> to vector<10000x128xf32>
    %sub3A_77 = arith.subf %add3A_54, %sub3A_76 : vector<10000x128xf32>
    %add3A_78 = arith.constant 9.99999974E-6 : f32
    %add3A_79 = vector.broadcast %add3A_78 : f32 to vector<1x128xf32>
    %add3A_80 = arith.addf %div3A_75, %add3A_79 : vector<1x128xf32>
    %rsqrt3A_81 = math.rsqrt %add3A_80 : vector<1x128xf32>
    %mul3A_82 = arith.mulf %get3A_57, %rsqrt3A_81 : vector<1x128xf32>
    %mul3A_83 = vector.broadcast %mul3A_82 : vector<1x128xf32> to vector<10000x128xf32>
    %mul3A_84 = arith.mulf %sub3A_77, %mul3A_83 : vector<10000x128xf32>
    %add3A_85 = vector.broadcast %get3A_60 : vector<1x128xf32> to vector<10000x128xf32>
    %add3A_86 = arith.addf %mul3A_84, %add3A_85 : vector<10000x128xf32>
    %max3A_87 = arith.constant 0.000000e+00 : f32
    %max3A_88 = vector.broadcast %max3A_87 : f32 to vector<10000x128xf32>
    %max3A_89 = arith.maximumf %add3A_86, %max3A_88 : vector<10000x128xf32>
    %swap3A = arith.constant 0 : index
    %swap3A_90 = arith.constant 0 : index
    %swap3A_91 = vector.load %arg10[%swap3A, %swap3A_90] : memref<10000x128xf32, #tpu.memory_space<vmem>>, vector<10000x128xf32>
    tpu.vector_store %arg10[%swap3A, %swap3A_90], %max3A_89 {strides = array<i32>} : memref<10000x128xf32, #tpu.memory_space<vmem>>, vector<10000x128xf32>,
    return
  }
}

module attributes {stable_mosaic.version = 14 : i64} {
  func.func @_mlp_final_body(%arg0: memref<10000x128xf32, #tpu.memory_space<vmem>>, %arg1: memref<20480x128xf32, #tpu.memory_space<vmem>>, %arg2: memref<128x128xf32, #tpu.memory_space<vmem>>, %arg3: memref<1x128xf32, #tpu.memory_space<vmem>>, %arg4: memref<1x128xf32, #tpu.memory_space<vmem>>, %arg5: memref<1x128xf32, #tpu.memory_space<vmem>>, %arg6: memref<128x128xf32, #tpu.memory_space<vmem>>, %arg7: memref<1x128xf32, #tpu.memory_space<vmem>>, %arg8: memref<1x128xf32, #tpu.memory_space<vmem>>, %arg9: memref<1x128xf32, #tpu.memory_space<vmem>>, %arg10: memref<10000x1xf32, #tpu.memory_space<vmem>>, %arg11: memref<128x16xf32, #tpu.memory_space<vmem>>, %arg12: memref<1x16xf32, #tpu.memory_space<vmem>>, %arg13: memref<10000x16xf32, #tpu.memory_space<vmem>>) attributes {dimension_semantics = [], scalar_prefetch = 0 : i64, scratch_operands = 0 : i64, tpu.core_type = #tpu.core_type<tc>} {
    %get3A = arith.constant 0 : index
    %get3A_0 = arith.constant 0 : index
    %get3A_1 = vector.load %arg0[%get3A, %get3A_0] : memref<10000x128xf32, #tpu.memory_space<vmem>>, vector<10000x128xf32>
    %get3A_2 = arith.constant 0 : index
    %get3A_3 = arith.constant 0 : index
    %get3A_4 = vector.load %arg1[%get3A_2, %get3A_3] : memref<20480x128xf32, #tpu.memory_space<vmem>>, vector<10000x128xf32>
    %add3A = arith.addf %get3A_1, %get3A_4 : vector<10000x128xf32>
    %get3A_5 = arith.constant 10240 : index
    %get3A_6 = arith.constant 0 : index
    %get3A_7 = vector.load %arg1[%get3A_5, %get3A_6] : memref<20480x128xf32, #tpu.memory_space<vmem>>, vector<10000x128xf32>
    %add3A_8 = arith.addf %add3A, %get3A_7 : vector<10000x128xf32>
    %get3A_9 = arith.constant 0 : index
    %get3A_10 = arith.constant 0 : index
    %get3A_11 = vector.load %arg2[%get3A_9, %get3A_10] : memref<128x128xf32, #tpu.memory_space<vmem>>, vector<128x128xf32>
    %dot_general3A = arith.constant dense<0.000000e+00> : vector<10000x128xf32>
    %dot_general3A_12 = tpu.matmul %add3A_8, %get3A_11, %dot_general3A {dimension_numbers = #tpu.dot_dimension_numbers<[1], [0], [0], [1], [0, 0, 1, 1], [], []>, transpose_lhs_hint = false} : vector<10000x128xf32>, vector<128x128xf32>, vector<10000x128xf32> -> vector<10000x128xf32>
    %get3A_13 = arith.constant 0 : index
    %get3A_14 = arith.constant 0 : index
    %get3A_15 = vector.load %arg3[%get3A_13, %get3A_14] : memref<1x128xf32, #tpu.memory_space<vmem>>, vector<1x128xf32>
    %add3A_16 = vector.broadcast %get3A_15 : vector<1x128xf32> to vector<10000x128xf32>
    %add3A_17 = arith.addf %dot_general3A_12, %add3A_16 : vector<10000x128xf32>
    %get3A_18 = arith.constant 0 : index
    %get3A_19 = arith.constant 0 : index
    %get3A_20 = vector.load %arg4[%get3A_18, %get3A_19] : memref<1x128xf32, #tpu.memory_space<vmem>>, vector<1x128xf32>
    %get3A_21 = arith.constant 0 : index
    %get3A_22 = arith.constant 0 : index
    %get3A_23 = vector.load %arg5[%get3A_21, %get3A_22] : memref<1x128xf32, #tpu.memory_space<vmem>>, vector<1x128xf32>
    %reduce_sum3A = arith.constant dense<0.000000e+00> : vector<128xf32>
    %reduce_sum3A_24 = vector.multi_reduction <add>, %add3A_17, %reduce_sum3A [0] : vector<10000x128xf32> to vector<128xf32>
    %broadcast_in_dim3A = vector.shape_cast %reduce_sum3A_24 : vector<128xf32> to vector<1x128xf32>
    %div3A = arith.constant 1.000000e+04 : f32
    %div3A_25 = vector.broadcast %div3A : f32 to vector<1x128xf32>
    %div3A_26 = arith.divf %broadcast_in_dim3A, %div3A_25 : vector<1x128xf32>
    %sub3A = vector.broadcast %div3A_26 : vector<1x128xf32> to vector<10000x128xf32>
    %sub3A_27 = arith.subf %add3A_17, %sub3A : vector<10000x128xf32>
    %square3A = arith.mulf %sub3A_27, %sub3A_27 : vector<10000x128xf32>
    %reduce_sum3A_28 = arith.constant dense<0.000000e+00> : vector<128xf32>
    %reduce_sum3A_29 = vector.multi_reduction <add>, %square3A, %reduce_sum3A_28 [0] : vector<10000x128xf32> to vector<128xf32>
    %broadcast_in_dim3A_30 = vector.shape_cast %reduce_sum3A_29 : vector<128xf32> to vector<1x128xf32>
    %div3A_31 = arith.constant 1.000000e+04 : f32
    %div3A_32 = vector.broadcast %div3A_31 : f32 to vector<1x128xf32>
    %div3A_33 = arith.divf %broadcast_in_dim3A_30, %div3A_32 : vector<1x128xf32>
    %sub3A_34 = vector.broadcast %div3A_26 : vector<1x128xf32> to vector<10000x128xf32>
    %sub3A_35 = arith.subf %add3A_17, %sub3A_34 : vector<10000x128xf32>
    %add3A_36 = arith.constant 9.99999974E-6 : f32
    %add3A_37 = vector.broadcast %add3A_36 : f32 to vector<1x128xf32>
    %add3A_38 = arith.addf %div3A_33, %add3A_37 : vector<1x128xf32>
    %rsqrt3A = math.rsqrt %add3A_38 : vector<1x128xf32>
    %mul3A = arith.mulf %get3A_20, %rsqrt3A : vector<1x128xf32>
    %mul3A_39 = vector.broadcast %mul3A : vector<1x128xf32> to vector<10000x128xf32>
    %mul3A_40 = arith.mulf %sub3A_35, %mul3A_39 : vector<10000x128xf32>
    %add3A_41 = vector.broadcast %get3A_23 : vector<1x128xf32> to vector<10000x128xf32>
    %add3A_42 = arith.addf %mul3A_40, %add3A_41 : vector<10000x128xf32>
    %max3A = arith.constant 0.000000e+00 : f32
    %max3A_43 = vector.broadcast %max3A : f32 to vector<10000x128xf32>
    %max3A_44 = arith.maximumf %add3A_42, %max3A_43 : vector<10000x128xf32>
    %get3A_45 = arith.constant 0 : index
    %get3A_46 = arith.constant 0 : index
    %get3A_47 = vector.load %arg6[%get3A_45, %get3A_46] : memref<128x128xf32, #tpu.memory_space<vmem>>, vector<128x128xf32>
    %dot_general3A_48 = arith.constant dense<0.000000e+00> : vector<10000x128xf32>
    %dot_general3A_49 = tpu.matmul %max3A_44, %get3A_47, %dot_general3A_48 {dimension_numbers = #tpu.dot_dimension_numbers<[1], [0], [0], [1], [0, 0, 1, 1], [], []>, transpose_lhs_hint = false} : vector<10000x128xf32>, vector<128x128xf32>, vector<10000x128xf32> -> vector<10000x128xf32>
    %get3A_50 = arith.constant 0 : index
    %get3A_51 = arith.constant 0 : index
    %get3A_52 = vector.load %arg7[%get3A_50, %get3A_51] : memref<1x128xf32, #tpu.memory_space<vmem>>, vector<1x128xf32>
    %add3A_53 = vector.broadcast %get3A_52 : vector<1x128xf32> to vector<10000x128xf32>
    %add3A_54 = arith.addf %dot_general3A_49, %add3A_53 : vector<10000x128xf32>
    %get3A_55 = arith.constant 0 : index
    %get3A_56 = arith.constant 0 : index
    %get3A_57 = vector.load %arg8[%get3A_55, %get3A_56] : memref<1x128xf32, #tpu.memory_space<vmem>>, vector<1x128xf32>
    %get3A_58 = arith.constant 0 : index
    %get3A_59 = arith.constant 0 : index
    %get3A_60 = vector.load %arg9[%get3A_58, %get3A_59] : memref<1x128xf32, #tpu.memory_space<vmem>>, vector<1x128xf32>
    %reduce_sum3A_61 = arith.constant dense<0.000000e+00> : vector<128xf32>
    %reduce_sum3A_62 = vector.multi_reduction <add>, %add3A_54, %reduce_sum3A_61 [0] : vector<10000x128xf32> to vector<128xf32>
    %broadcast_in_dim3A_63 = vector.shape_cast %reduce_sum3A_62 : vector<128xf32> to vector<1x128xf32>
    %div3A_64 = arith.constant 1.000000e+04 : f32
    %div3A_65 = vector.broadcast %div3A_64 : f32 to vector<1x128xf32>
    %div3A_66 = arith.divf %broadcast_in_dim3A_63, %div3A_65 : vector<1x128xf32>
    %sub3A_67 = vector.broadcast %div3A_66 : vector<1x128xf32> to vector<10000x128xf32>
    %sub3A_68 = arith.subf %add3A_54, %sub3A_67 : vector<10000x128xf32>
    %square3A_69 = arith.mulf %sub3A_68, %sub3A_68 : vector<10000x128xf32>
    %reduce_sum3A_70 = arith.constant dense<0.000000e+00> : vector<128xf32>
    %reduce_sum3A_71 = vector.multi_reduction <add>, %square3A_69, %reduce_sum3A_70 [0] : vector<10000x128xf32> to vector<128xf32>
    %broadcast_in_dim3A_72 = vector.shape_cast %reduce_sum3A_71 : vector<128xf32> to vector<1x128xf32>
    %div3A_73 = arith.constant 1.000000e+04 : f32
    %div3A_74 = vector.broadcast %div3A_73 : f32 to vector<1x128xf32>
    %div3A_75 = arith.divf %broadcast_in_dim3A_72, %div3A_74 : vector<1x128xf32>
    %sub3A_76 = vector.broadcast %div3A_66 : vector<1x128xf32> to vector<10000x128xf32>
    %sub3A_77 = arith.subf %add3A_54, %sub3A_76 : vector<10000x128xf32>
    %add3A_78 = arith.constant 9.99999974E-6 : f32
    %add3A_79 = vector.broadcast %add3A_78 : f32 to vector<1x128xf32>
    %add3A_80 = arith.addf %div3A_75, %add3A_79 : vector<1x128xf32>
    %rsqrt3A_81 = math.rsqrt %add3A_80 : vector<1x128xf32>
    %mul3A_82 = arith.mulf %get3A_57, %rsqrt3A_81 : vector<1x128xf32>
    %mul3A_83 = vector.broadcast %mul3A_82 : vector<1x128xf32> to vector<10000x128xf32>
    %mul3A_84 = arith.mulf %sub3A_77, %mul3A_83 : vector<10000x128xf32>
    %add3A_85 = vector.broadcast %get3A_60 : vector<1x128xf32> to vector<10000x128xf32>
    %add3A_86 = arith.addf %mul3A_84, %add3A_85 : vector<10000x128xf32>
    %max3A_87 = arith.constant 0.000000e+00 : f32
    %max3A_88 = vector.broadcast %max3A_87 : f32 to vector<10000x128xf32>
    %max3A_89 = arith.maximumf %add3A_86, %max3A_88 : vector<10000x128xf32>
    %get3A_90 = arith.constant 0 : index
    %get3A_91 = arith.constant 0 : index
    %get3A_92 = vector.load %arg10[%get3A_90, %get3A_91] : memref<10000x1xf32, #tpu.memory_space<vmem>>, vector<10000x1xf32>
    %mul3A_93 = vector.broadcast %get3A_92 : vector<10000x1xf32> to vector<10000x128xf32>
    %mul3A_94 = arith.mulf %max3A_89, %mul3A_93 : vector<10000x128xf32>
    %get3A_95 = arith.constant 0 : index
    %get3A_96 = arith.constant 0 : index
    %get3A_97 = vector.load %arg11[%get3A_95, %get3A_96] : memref<128x16xf32, #tpu.memory_space<vmem>>, vector<128x16xf32>
    %dot_general3A_98 = arith.constant dense<0.000000e+00> : vector<10000x16xf32>
    %dot_general3A_99 = tpu.matmul %mul3A_94, %get3A_97, %dot_general3A_98 {dimension_numbers = #tpu.dot_dimension_numbers<[1], [0], [0], [1], [0, 0, 1, 1], [], []>, transpose_lhs_hint = false} : vector<10000x128xf32>, vector<128x16xf32>, vector<10000x16xf32> -> vector<10000x16xf32>
    %get3A_100 = arith.constant 0 : index
    %get3A_101 = arith.constant 0 : index
    %get3A_102 = vector.load %arg12[%get3A_100, %get3A_101] : memref<1x16xf32, #tpu.memory_space<vmem>>, vector<1x16xf32>
    %add3A_103 = vector.broadcast %get3A_102 : vector<1x16xf32> to vector<10000x16xf32>
    %add3A_104 = arith.addf %dot_general3A_99, %add3A_103 : vector<10000x16xf32>
    %swap3A = arith.constant 0 : index
    %swap3A_105 = arith.constant 0 : index
    %swap3A_106 = vector.load %arg13[%swap3A, %swap3A_105] : memref<10000x16xf32, #tpu.memory_space<vmem>>, vector<10000x16xf32>
    tpu.vector_store %arg13[%swap3A, %swap3A_105], %add3A_104 {strides = array<i32>} : memref<10000x16xf32, #tpu.memory_space<vmem>>, vector<10000x16xf32>,
    return
  }
}

</mosaic_0001>

<sc_bundles>
// kernel: kernel.12.cloned.1.call-start
scs
__scs_entry_jumppad:
0x0: {  	(pc) =	sbr.rel $0x88, $3  }
0x1: {  	(tag) =	ssettag $0x0;
	lr =	simm.s32 $0x1  }
0x2: {  	[smem:$0x3F82] =	sst lr;
	_ =	strace $0xD0000000  }
0x3: {  	_ = 	snop  }
0x4: {  	_ = 	snop  }
0x5: {  	_ = 	snop  }
0x6: {  	_ = 	snop  }
0x7: {  	_ = 	snop  }
__scs_overlays_trampoline_lowered:
0x8: {  	[smem:$0x3F91] =	sst s0  }
0x9: {  	[smem:$0x3F92] =	sst s1  }
0xa: {  	[smem:$0x3F93] =	sst s2  }
0xb: {  	[smem:$0x3F94] =	sst s3  }
0xc: {  	[smem:$0x3F95] =	sst s4  }
0xd: {  	[smem:$0x3F96] =	sst s5  }
0xe: {  	[smem:$0x3F97] =	sst s6  }
0xf: {  	[smem:$0x3F98] =	sst s7  }
0x10: {  	[smem:$0x3F99] =	sst s8  }
0x11: {  	[smem:$0x3F9A] =	sst s9;
	s0 =	simm.s32 @!p0 $0x0  }
0x12: {  	s1 =	sld [smem:$0x3F80];
	s0 =	simm.s32 @p0 $0x1  }
0x13: {  	[smem:$0x3F9B] =	sst s0;
	s0 =	simm.s32 @!p1 $0x0  }
0x14: {  	s2 =	sld [smem:$0x3F7F];
	s0 =	simm.s32 @p1 $0x1  }
0x15: {  	[smem:$0x3F9C] =	sst s0;
	s0 =	simm.s32 @!p2 $0x0  }
0x16: {  	s3 =	sld [smem:$0x3FDB];
	s0 =	simm.s32 @p2 $0x1  }
0x17: {  	s4 =	simm.s32 $0x1BF5;
	[smem:$0x3F9E] =	sst s0  }
0x18: {  	s0 =	sld [smem:$0x3F81];
	_ =	swait.ge [sflag:s4], $0x0  }
0x19: {  	s7 =	sld [smem:$0x3F82]  }
0x1a: {  	s8 =	sadd.s32 $0xFFFFE003, lr  }
0x1b: {  	s9 =	sadd.s32 $0xFFFFFEF7, lr;
	s5 =	simm.s32 $0xFFFFFFFF;
	p2 =	slt.u32 s8, $0xFFFFF086  }
0x1c: {  	p1 =	slt.u32 s9, $0xF7A;
	s5 =	simm.s32 @!p2 $0x0  }
0x1d: {  	s5 =	simm.s32 @p1 $0x1;
	p0 =	seq.s32 s7, s2  }
0x1e: {  	s7 =	smul.u32 @!p0 $0xF7A, s2;
	p2 =	seq.s32 @!p0 s5, $0x0  }
0x1f: {  	s9 =	smul.u32 $0xF7A, s1;
	s8 =	simm.s32 @!p0 $0x1BF5;
	p2 =	por !p2, p0  }
0x20: {  	[sflag:s8] =	ssyncset.s32 @!p0 $0xFFFFF086;
	s6 =	sadd.s32 @!p0 s3, s7;
	s7 =	simm.s32 @!p0 $0x108  }
0x21: {  	s3 =	sadd.s32 s3, s9;
	s6 =	sadd.s32 @!p0 $0x88, s6;
	s7 =	simm.s32 @p2 $0x1082  }
0x22: {  	[simem:s7], [sflag:s8] =	dma.local @!p0 [hbm:s6], $0xF7A  }
0x23: {  	s9 =	sor.u32 $0xD0000000, s2;
	s6 =	simm.s32 $0x108;
	_ =	swait.ge @!p0 [sflag:s8], $0x0  }
0x24: {  	s3 =	sadd.s32 $0x88, s3;
	s6 =	simm.s32 @!p1 $0x1082;
	[sflag:s4] =	ssyncset.s32 $0xFFFFF086  }
0x25: {  	[simem:s6], [sflag:s4] =	dma.local [hbm:s3], $0xF7A  }
0x26: {  	[smem:$0x3F82] =	sst s1;
	(tag) =	ssettag s2;
	_ =	strace s9  }
0x27: {  	s1 =	sld [smem:$0x3F92]  }
0x28: {  	s2 =	sld [smem:$0x3F93]  }
0x29: {  	s4 =	sld [smem:$0x3F95]  }
0x2a: {  	p0 =	seq.s32 s5, $0x0;
	s5 =	sld [smem:$0x3F96]  }
0x2b: {  	s6 =	sld [smem:$0x3F97]  }
0x2c: {  	s7 =	sld [smem:$0x3F98]  }
0x2d: {  	s3 =	simm.s32 $0x108;
	s8 =	sld [smem:$0x3F99]  }
0x2e: {  	s3 =	simm.s32 @!p0 $0x1082;
	s9 =	sld [smem:$0x3F9A]  }
0x2f: {  	lr =	sadd.s32 s0, s3;
	s0 =	sld [smem:$0x3F91]  }
0x30: {  	s3 =	sld [smem:$0x3F94]  }
0x31: {  	[smem:$0x3F9D] =	sst s10  }
0x32: {  	s10 =	sld [smem:$0x3F9B];
	_ =	sdelay $0x3  }
0x33: {  	p0 =	seq.s32 s10, $0x1;
	s10 =	sld [smem:$0x3F9D];
	_ =	sdelay $0x3  }
0x34: {  	[smem:$0x3F9D] =	sst s10  }
0x35: {  	s10 =	sld [smem:$0x3F9C];
	_ =	sdelay $0x3  }
0x36: {  	p1 =	seq.s32 s10, $0x1;
	s10 =	sld [smem:$0x3F9D];
	_ =	sdelay $0x3  }
0x37: {  	[smem:$0x3F9D] =	sst s10  }
0x38: {  	s10 =	sld [smem:$0x3F9E]  }
0x39: {  	_ = 	snop;
	(pc) =	sbr.ind lr, $3  }
0x3a: {  	_ = 	snop  }
0x3b: {  	_ = 	snop  }
0x3c: {  	p2 =	seq.s32 s10, $0x1;
	s10 =	sld [smem:$0x3F9D]  }
0x3d: {  	_ =	shalt  }
0x3e: {  	_ =	shalt  }
0x3f: {  	_ =	shalt  }
0x40: {  	_ =	shalt  }
0x41: {  	_ =	shalt  }
0x42: {  	_ =	shalt  }
0x43: {  	_ =	shalt  }
0x44: {  	_ =	shalt  }
0x45: {  	_ =	shalt  }
0x46: {  	_ =	shalt  }
0x47: {  	_ =	shalt  }
0x48: {  	_ =	shalt  }
0x49: {  	_ =	shalt  }
0x4a: {  	_ =	shalt  }
0x4b: {  	_ =	shalt  }
0x4c: {  	_ =	shalt  }
0x4d: {  	_ =	shalt  }
0x4e: {  	_ =	shalt  }
0x4f: {  	_ =	shalt  }
0x50: {  	_ =	shalt  }
0x51: {  	_ =	shalt  }
0x52: {  	_ =	shalt  }
0x53: {  	_ =	shalt  }
0x54: {  	_ =	shalt  }
0x55: {  	_ =	shalt  }
0x56: {  	_ =	shalt  }
0x57: {  	_ =	shalt  }
0x58: {  	_ =	shalt  }
0x59: {  	_ =	shalt  }
0x5a: {  	_ =	shalt  }
0x5b: {  	_ =	shalt  }
0x5c: {  	_ =	shalt  }
0x5d: {  	_ =	shalt  }
0x5e: {  	_ =	shalt  }
0x5f: {  	_ =	shalt  }
0x60: {  	_ =	shalt  }
0x61: {  	_ =	shalt  }
0x62: {  	_ =	shalt  }
0x63: {  	_ =	shalt  }
0x64: {  	_ =	shalt  }
0x65: {  	_ =	shalt  }
0x66: {  	_ =	shalt  }
0x67: {  	_ =	shalt  }
0x68: {  	_ =	shalt  }
0x69: {  	_ =	shalt  }
0x6a: {  	_ =	shalt  }
0x6b: {  	_ =	shalt  }
0x6c: {  	_ =	shalt  }
0x6d: {  	_ =	shalt  }
0x6e: {  	_ =	shalt  }
0x6f: {  	_ =	shalt  }
0x70: {  	_ =	shalt  }
0x71: {  	_ =	shalt  }
0x72: {  	_ =	shalt  }
0x73: {  	_ =	shalt  }
0x74: {  	_ =	shalt  }
0x75: {  	_ =	shalt  }
0x76: {  	_ =	shalt  }
0x77: {  	_ =	shalt  }
0x78: {  	_ =	shalt  }
0x79: {  	_ =	shalt  }
0x7a: {  	_ =	shalt  }
0x7b: {  	_ =	shalt  }
0x7c: {  	_ =	shalt  }
0x7d: {  	_ =	shalt  }
0x7e: {  	_ =	shalt  }
0x7f: {  	_ =	shalt  }
0x80: {  	_ =	shalt  }
0x81: {  	_ =	shalt  }
0x82: {  	_ =	shalt  }
0x83: {  	_ =	shalt  }
0x84: {  	_ =	shalt  }
0x85: {  	_ =	shalt  }
0x86: {  	_ =	shalt  }
0x87: {  	_ =	shalt  }
.Lfunc_end0:
.L_simem_size_0:
called_computation.1_lowered:
.L_overlay_start_0:
0x88: {  	s2 =	sld [smem:$0x3FD9]  }
0x89: {  	s3 =	sld [smem:$0x3FFE];
	_ =	sdelay $0x1  }
0x8a: {  	s1 =	srdreg.scid  }
0x8b: {  	s0 =	sand.u32 $0x1, s1  }
0x8c: {  	s17 =	sshll.u32 s0, $0xA;
	s2 =	sadd.s32 s3, s2  }
0x8d: {  	s2 =	sadd.s32 s2, s17  }
0x8e: {  	[smem:$0x3FA9] =	sst s2  }
0x8f: {  	_ = 	snop  }
0x90: {  	s2 =	sld [smem:$0x3FD0];
	(tm) =	ssettm $0x1  }
0x91: {  	s18 =	sld [smem:$0x3FFB];
	_ =	sdelay $0x3  }
0x92: {  	_ =	strace s18  }
0x93: {  	s3 =	sld [smem:$0x3FFC];
	_ =	sdelay $0x3  }
0x94: {  	_ =	strace s3  }
0x95: {  	s3 =	sld [smem:$0x3FFD];
	_ =	sdelay $0x3  }
0x96: {  	_ =	strace s3  }
0x97: {  	_ =	strace $0x8FFFFFFF  }
0x98: {  	s19 =	sld [smem:$0x3FDB];
	_ =	sdelay $0x1  }
0x99: {  	s4 =	simm.s32 $_scs_section_size  }
0x9a: {  	s5 =	simm.s32 $_size__tile_overlayer_lowered;
	s6 =	simm.s32 $_tile_overlayer_lowered  }
0x9b: {  	s22 =	simm.s32 $0x1BFF;
	s21 =	sshll.u32 s6, $0x1;
	s3 =	sadd.s32 s4, s19  }
0x9c: {  	s7 =	simm.s32 $0x0;
	s20 =	sshll.u32 s5, $0x1;
	s5 =	sadd.s32 s21, s3  }
0x9d: {  	[timem:s7], [sflag:s22] =	dma.local [hbm:s5], s20  }
0x9e: {  	_ =	swait.ge [sflag:s22], s20  }
0x9f: {  	s4 =	ssub.s32 $0x0, s20;
	[sflag:s22] =	ssyncset.done $0x0  }
0xa0: {  	[sflag:s22] =	ssyncadd.s32 s4;
	_ =	sdelay $0x1  }
0xa1: {  	s23 =	simm.s32 $0x1B8B  }
0xa2: {  	_ =	swait.ge [sflag:s23], $0x1  }
0xa3: {  	[sflag:s23] =	ssyncset.done $0x0  }
0xa4: {  	s25 =	simm.s32 $0x1B8E;
	s24 =	sld [smem:$0x3FFE];
	[sflag:s23] =	ssyncadd.s32 $0xFFFFFFFF  }
0xa5: {  	s26 =	simm.s32 $execute0_lowered;
	[smem:$0x3FD2] =	sst s25  }
0xa6: {  	s5 =	sshll.u32 s26, $0x1;
	_ =	strace $0x80000049;
	[dreg:$0x1] =	wrdreg $0xFFFFFFFF  }
0xa7: {  	s28 =	simm.s32 $_size_execute0_lowered;
	s3 =	sadd.s32 s3, s5;
	[dreg:$0x0] =	wrdreg $0x0  }
0xa8: {  	s5 =	sshll.u32 s28, $0x1;
	[dreg:$0x2] =	wrdreg s3  }
0xa9: {  	[dreg:$0x3] =	wrdreg s5  }
0xaa: {  	[dreg:$0x4] =	wrdreg $0xC0  }
0xab: {  	_ =	task [dreg:s7], $0x5FFFF  }
0xac: {  	[dreg:$0x1] =	wrdreg $0xFFFFFFFF  }
0xad: {  	[dreg:$0x0] =	wrdreg $0x60  }
0xae: {  	[dreg:$0x2] =	wrdreg s24  }
0xaf: {  	[dreg:$0x3] =	wrdreg s2  }
0xb0: {  	[dreg:$0x4] =	wrdreg $0x7B000  }
0xb1: {  	[dreg:$0x5] =	wrdreg $0x9  }
0xb2: {  	_ =	task.clear_ibuf [dreg:s7], $0x6FFFF;
	_ =	strace $0x90000049  }
0xb3: {  	s29 =	simm.s32 $0x9;
	_ =	strace $0x8000004B  }
0xb4: {  	_ =	swait.ge [sflag:s29], $0x1  }
0xb5: {  	[sflag:s29] =	ssyncadd.s32 $0xFFFFFFFF  }
0xb6: {  	_ =	strace $0x9000004B  }
0xb7: {  	_ =	sfence  }
0xb8: {  	s30 =	sld [smem:$0x0];
	_ =	sdelay $0x2  }
0xb9: {  	s31 =	sshll.u32 s1, $0xD;
	s1 =	sshrl.u32 s1, $0x2  }
0xba: {  	s3 =	sand.u32 $0x4000, s31;
	s1 =	sadd.s32 s1, s30  }
0xbb: {  	s0 =	sor.u32 s3, s0;
	s1 =	sshll.u32 s1, $0x11  }
0xbc: {  	s0 =	sor.u32 s1, s0  }
0xbd: {  	s0 =	sadd.s32 $0x8F2B, s0  }
0xbe: {  	[sflag:s0] =	ssyncadd.remote.s32 $0x1  }
0xbf: {  	_ =	sfence.sel $0xFFFF  }
0xc0: {  	[dreg:$0x0] =	wrdreg $0xFFFFFFFF;
	(pc) =	sbr.abs _section_cstart, $3  }
0xc1: {  	[dreg:$0x1] =	wrdreg $0xFFFFFFFF  }
0xc2: {  	_ =	task.clear_ibuf [dreg:s7], $0x2FFFF;
	_ =	strace $0x9FFFFFFF  }
0xc3: {  	(tm) =	ssettm $0x7FFFFFFF  }
tec
execute0_lowered:
.L_overlay_start_1:
0x0: {  	(tag) =	ssettag $0x1  }
0x1: {  	s0 =	rddreg [dreg:$0x0]  }
0x2: {  	s3 =	rddreg [dreg:$0x2]  }
0x3: {  	s1 =	srdreg.scid;
	s9 =	stileid.u32;
	s4 =	simm.s32 $0x0  }
0x4: {  	s11 =	simm.s32 $0x84;
	s28 =	simm.s32 $0x5;
	s2 =	smul.u32 $0x2800, s9  }
0x5: {  	s29 =	simm.s32 $0x180;
	s30 =	simm.s32 $0x3F00;
	s8 =	smul.u32 $0x50000, s9  }
0x6: {  	s31 =	simm.s32 $0x280;
	s1 =	sand.u32 $0x1, s1;
	s10 =	smul.u32 $0x24, s9  }
0x7: {  	[smem:$0x7FF] =	sst s4;
	s5 =	sadd.s32 $0x1AC00, s0;
	s12 =	smul.u32 $0x84, s9  }
0x8: {  	s6 =	sadd.s32 $0x5C00, s0;
	s7 =	smul.u32 $0x28000, s1;
	_ =	strace $0x8000004A  }
0x9: {  	s19 =	ssub.s32 $0x2, s1;
	p0 =	seq.s32 s1, $0x0;
	s20 =	sshrl.u32 s8, $0x2  }
0xa: {  	s21 =	sshrl.u32 s19, $0x1;
	s1 =	sadd.s32 $0x840, s10;
	s11 =	simm.s32 @!p0 $0x24  }
0xb: {  	s2 =	sadd.s32 s2, s7;
	s7 =	sadd.s32 s20, s3;
	s1 =	smov.u32 @p0 s12  }
0xc: {  	s17 =	smul.u32 $0xAB, s11;
	s18 =	sadd.s32 $0xFFFFFFFA, s11;
	s24 =	sadd.s32 $0xFFFFFFF9, s11  }
0xd: {  	s25 =	sadd.s32 $0xFFFFFFF8, s11;
	s20 =	simm.s32 $0x300;
	s0 =	sadd.s32 s2, s0  }
0xe: {  	s2 =	ssub.s32 s19, s21;
	s22 =	sadd.s32 $0x3C00, s7;
	[dreg:$0x4] =	wrdreg s18  }
0xf: {  	s23 =	sadd.s32 $0x7800, s7;
	s10 =	sadd.s32 $0xB400, s7;
	[dreg:$0x5] =	wrdreg s24  }
0x10: {  	s12 =	sadd.s32 $0xF000, s7;
	s14 =	sshll.u32 s1, $0x5;
	[dreg:$0x6] =	wrdreg s25  }
0x11: {  	s13 =	sadd.s32 $0x12C00, s7;
	s26 =	sshll.u32 s1, $0x8;
	[dreg:$0x8] =	wrdreg s22  }
0x12: {  	s21 =	simm.s32 $0x6;
	s25 =	simm.s32 $0x4;
	[dreg:$0x9] =	wrdreg s23  }
0x13: {  	s14 =	sadd.s32 s6, s14;
	s17 =	sshrl.u32 s17, $0xA;
	s18 =	smax.u32 s2, $0x1  }
0x14: {  	s2 =	sadd.s32 $0x400, s26;
	s22 =	simm.s32 $0x78;
	s19 =	smul.u32 $0x6, s17  }
0x15: {  	s26 =	simm.s32 $0x80;
	s15 =	sadd.s32 $0x20, s14;
	s16 =	sadd.s32 $0x40, s14  }
0x16: {  	s17 =	sadd.s32 $0x41E00, s0;
	s0 =	simm.s32 $0x0;
	[dreg:$0x7] =	wrdreg s19  }
.LBB2_1:
0x17: {  	s1 =	rddreg [dreg:$0x1]  }
0x18: {  	[tilespmem:s20], [sflag:$0x6] =	stream.linear.gather [hbm4b:s1+s4], $0x3C00, $0x38;
	[tilespmem:$0x1BB00] =	vst v63  }
0x19: {  	_ =	swait.ge [sflag:s21], $0x3C00  }
0x1a: {  	[sflag:s21] =	ssyncset.done $0x0  }
0x1b: {  	[sflag:s21] =	ssyncadd.s32 $0xFFFFC400  }
0x1c: {  	[spmem:s7] =	stream.linear.scatter [tilespmem:s20], [sflag:$0x6], $0x3C00, $0x38;
	[tilespmem:$0x1BB00] =	vst v63  }
0x1d: {  	_ =	swait.ge [sflag:s21], $0x3C00  }
0x1e: {  	[sflag:s21] =	ssyncset.done $0x0  }
0x1f: {  	s9 =	rddreg [dreg:$0x8];
	[sflag:s21] =	ssyncadd.s32 $0xFFFFC400  }
0x20: {  	[spmem:s9] =	stream.linear.scatter [tilespmem:s20], [sflag:$0x6], $0x3C00, $0x38;
	[tilespmem:$0x1BB00] =	vst v63  }
0x21: {  	_ =	swait.ge [sflag:s21], $0x3C00  }
0x22: {  	[sflag:s21] =	ssyncset.done $0x0  }
0x23: {  	s19 =	rddreg [dreg:$0x9];
	[sflag:s21] =	ssyncadd.s32 $0xFFFFC400  }
0x24: {  	[spmem:s19] =	stream.linear.scatter [tilespmem:s20], [sflag:$0x6], $0x3C00, $0x38;
	[tilespmem:$0x1BB00] =	vst v63  }
0x25: {  	_ =	swait.ge [sflag:s21], $0x3C00  }
0x26: {  	[sflag:s21] =	ssyncset.done $0x0  }
0x27: {  	[sflag:s21] =	ssyncadd.s32 $0xFFFFC400  }
0x28: {  	[spmem:s10] =	stream.linear.scatter [tilespmem:s20], [sflag:$0x6], $0x3C00, $0x38;
	[tilespmem:$0x1BB00] =	vst v63  }
0x29: {  	_ =	swait.ge [sflag:s21], $0x3C00  }
0x2a: {  	[sflag:s21] =	ssyncset.done $0x0  }
0x2b: {  	[sflag:s21] =	ssyncadd.s32 $0xFFFFC400  }
0x2c: {  	[spmem:s12] =	stream.linear.scatter [tilespmem:s20], [sflag:$0x6], $0x3C00, $0x38;
	[tilespmem:$0x1BB00] =	vst v63  }
0x2d: {  	_ =	swait.ge [sflag:s21], $0x3C00  }
0x2e: {  	[sflag:s21] =	ssyncset.done $0x0  }
0x2f: {  	[sflag:s21] =	ssyncadd.s32 $0xFFFFC400  }
0x30: {  	[spmem:s13] =	stream.linear.scatter [tilespmem:s20], [sflag:$0x6], $0x1400, $0x38;
	[tilespmem:$0x1BB00] =	vst v63  }
0x31: {  	_ =	swait.ge [sflag:s21], $0x1400  }
0x32: {  	[sflag:s21] =	ssyncset.done $0x0  }
0x33: {  	[sflag:s21] =	ssyncadd.s32 $0xFFFFEC00  }
0x34: {  	[bflag:$0x0] =	sbarrier.arrive $0xFFFF  }
0x35: {  	[tilespmem:s4], [sflag:$0x6] =	stream.linear.gather [hbm4b:s14+s4], $0x100, $0x38;
	[tilespmem:$0x1BB00] =	vst v63  }
0x36: {  	_ =	swait.ge [sflag:s21], $0x100  }
0x37: {  	[sflag:s21] =	ssyncset.done $0x0  }
0x38: {  	[sflag:s21] =	ssyncadd.s32 $0xFFFFFF00  }
0x39: {  	[tilespmem:s20], [sflag:$0x4] =	stream.indirect.gather [hbm4b:s5+s22], $0x80, s4, s22, $0xb8;
	[tilespmem:$0x1BB00] =	vst v63  }
0x3a: {  	s23 =	simm.s32 $0x100  }
0x3b: {  	[tilespmem:s23], [sflag:$0x2] =	stream.linear.gather [hbm4b:s15+s4], $0x100, $0x38;
	[tilespmem:$0x1BB00] =	vst v63  }
0x3c: {  	s24 =	simm.s32 $0x200;
	s1 =	simm.s32 $0x0;
	s19 =	smov.u32 s2  }
0x3d: {  	[tilespmem:s24], [sflag:$0x3] =	stream.linear.gather [hbm4b:s16+s4], $0x100, $0x38;
	[tilespmem:$0x1BB00] =	vst v63  }
.LBB2_2:
0x3e: {  	s23 =	sadd.s32 $0x1, s1  }
0x3f: {  	p0 =	sge.u32 s23, s11  }
0x40: {  	s23 =	simm.s32 @!p0 $0x2  }
0x41: {  	_ =	swait.ge @!p0 [sflag:s23], $0x100  }
0x42: {  	s24 =	simm.s32 @!p0 $0x100;
	[sflag:s23] =	ssyncset.done @!p0 $0x0  }
0x43: {  	s8 =	simm.s32 @!p0 $0x3F00;
	[sflag:s23] =	ssyncadd.s32 @!p0 $0xFFFFFF00;
	s23 =	simm.s32 @!p0 $0x78  }
0x44: {  	[tilespmem:s8], [sflag:$0x5] =	stream.indirect.gather @!p0 [hbm4b:s5+s23], $0x80, s24, s23, $0xb8;
	[tilespmem:$0x1BB00] =	vst v63  }
0x45: {  	_ =	swait.ge [sflag:s25], $0x3C00  }
0x46: {  	s23 =	sadd.s32 $0x3, s1;
	[sflag:s25] =	ssyncset.done $0x0  }
0x47: {  	p0 =	sge.u32 s23, s11;
	[sflag:s25] =	ssyncadd.s32 $0xFFFFC400  }
0x48: {  	[spmem:s3] =	stream.indirect.scatter.add.f32 [tilespmem:s20], [sflag:$0x6], $0x80, s26, s22, $0xb8;
	[tilespmem:$0x1BB00] =	vst v63  }
0x49: {  	s24 =	sadd.s32 $0x2, s1;
	s8 =	sadd.s32 @!p0 $0xFFFFFF00, s19;
	_ =	swait.ge [sflag:s21], $0x3C00  }
0x4a: {  	p1 =	sge.u32 s24, s11;
	s8 =	sshrl.u32 @!p0 s8, $0x3;
	[sflag:s21] =	ssyncset.done $0x0  }
0x4b: {  	s23 =	simm.s32 @!p0 $0x0;
	s8 =	sadd.s32 @!p0 s6, s8;
	[sflag:s21] =	ssyncadd.s32 $0xFFFFC400  }
0x4c: {  	[tilespmem:s23], [sflag:$0x1] =	stream.linear.gather @!p0 [hbm4b:s8+s23], $0x100, $0x38;
	[tilespmem:$0x1BB00] =	vst v63  }
0x4d: {  	s8 =	simm.s32 @!p1 $0x3  }
0x4e: {  	_ =	swait.ge @!p1 [sflag:s8], $0x100  }
0x4f: {  	s24 =	simm.s32 @!p1 $0x200;
	[sflag:s8] =	ssyncset.done @!p1 $0x0  }
0x50: {  	s9 =	simm.s32 @!p1 $0x300;
	[sflag:s8] =	ssyncadd.s32 @!p1 $0xFFFFFF00;
	s8 =	simm.s32 @!p1 $0x78  }
0x51: {  	[tilespmem:s9], [sflag:$0x4] =	stream.indirect.gather @!p1 [hbm4b:s5+s8], $0x80, s24, s8, $0xb8;
	[tilespmem:$0x1BB00] =	vst v63  }
0x52: {  	_ =	swait.ge [sflag:s28], $0x3C00  }
0x53: {  	[sflag:s28] =	ssyncset.done $0x0  }
0x54: {  	s9 =	sadd.s32 $0x4, s1;
	[sflag:s28] =	ssyncadd.s32 $0xFFFFC400  }
0x55: {  	[spmem:s3] =	stream.indirect.scatter.add.f32 [tilespmem:s30], [sflag:$0x6], $0x80, s29, s22, $0xb8;
	[tilespmem:$0x1BB00] =	vst v63  }
0x56: {  	p1 =	sge.u32 s9, s11;
	_ =	swait.ge [sflag:s21], $0x3C00  }
0x57: {  	s8 =	sshrl.u32 @!p1 s19, $0x3;
	s9 =	simm.s32 @!p1 $0x0;
	[sflag:s21] =	ssyncset.done $0x0  }
0x58: {  	s24 =	simm.s32 @!p1 $0x100;
	s8 =	sadd.s32 @!p1 s6, s8;
	[sflag:s21] =	ssyncadd.s32 $0xFFFFC400  }
0x59: {  	[tilespmem:s24], [sflag:$0x2] =	stream.linear.gather @!p1 [hbm4b:s8+s9], $0x100, $0x38;
	[tilespmem:$0x1BB00] =	vst v63  }
0x5a: {  	s8 =	simm.s32 @!p0 $0x1  }
0x5b: {  	_ =	swait.ge @!p0 [sflag:s8], $0x100  }
0x5c: {  	[sflag:s8] =	ssyncset.done @!p0 $0x0  }
0x5d: {  	s9 =	simm.s32 @!p0 $0x3F00;
	[sflag:s8] =	ssyncadd.s32 @!p0 $0xFFFFFF00;
	s8 =	simm.s32 @!p0 $0x78  }
0x5e: {  	[tilespmem:s9], [sflag:$0x5] =	stream.indirect.gather @!p0 [hbm4b:s5+s8], $0x80, s23, s8, $0xb8;
	[tilespmem:$0x1BB00] =	vst v63  }
0x5f: {  	_ =	swait.ge [sflag:s25], $0x3C00  }
0x60: {  	s23 =	sadd.s32 $0x5, s1;
	[sflag:s25] =	ssyncset.done $0x0  }
0x61: {  	p0 =	sge.u32 s23, s11;
	[sflag:s25] =	ssyncadd.s32 $0xFFFFC400  }
0x62: {  	[spmem:s3] =	stream.indirect.scatter.add.f32 [tilespmem:s20], [sflag:$0x6], $0x80, s31, s22, $0xb8;
	[tilespmem:$0x1BB00] =	vst v63  }
0x63: {  	s8 =	sadd.s32 @!p0 $0x100, s19;
	_ =	swait.ge [sflag:s21], $0x3C00  }
0x64: {  	s9 =	simm.s32 @!p0 $0x0;
	s8 =	sshrl.u32 @!p0 s8, $0x3;
	[sflag:s21] =	ssyncset.done $0x0  }
0x65: {  	s23 =	simm.s32 @!p0 $0x200;
	s8 =	sadd.s32 @!p0 s6, s8;
	[sflag:s21] =	ssyncadd.s32 $0xFFFFC400  }
0x66: {  	[tilespmem:s23], [sflag:$0x3] =	stream.linear.gather @!p0 [hbm4b:s8+s9], $0x100, $0x38;
	[tilespmem:$0x1BB00] =	vst v63  }
0x67: {  	s8 =	simm.s32 @!p1 $0x2  }
0x68: {  	_ =	swait.ge @!p1 [sflag:s8], $0x100  }
0x69: {  	[sflag:s8] =	ssyncset.done @!p1 $0x0  }
0x6a: {  	s9 =	simm.s32 @!p1 $0x300;
	[sflag:s8] =	ssyncadd.s32 @!p1 $0xFFFFFF00;
	s8 =	simm.s32 @!p1 $0x78  }
0x6b: {  	[tilespmem:s9], [sflag:$0x4] =	stream.indirect.gather @!p1 [hbm4b:s5+s8], $0x80, s24, s8, $0xb8;
	[tilespmem:$0x1BB00] =	vst v63  }
0x6c: {  	_ =	swait.ge [sflag:s28], $0x3C00  }
0x6d: {  	[sflag:s28] =	ssyncset.done $0x0  }
0x6e: {  	[sflag:s28] =	ssyncadd.s32 $0xFFFFC400  }
0x6f: {  	[spmem:s3] =	stream.indirect.scatter.add.f32 [tilespmem:s30], [sflag:$0x6], $0x80, s26, s22, $0xb8;
	[tilespmem:$0x1BB00] =	vst v63  }
0x70: {  	_ =	swait.ge [sflag:s21], $0x3C00  }
0x71: {  	s9 =	rddreg [dreg:$0x4]  }
0x72: {  	p1 =	sge.u32 s1, s9  }
0x73: {  	s8 =	sadd.s32 @!p1 $0x200, s19  }
0x74: {  	[sflag:s21] =	ssyncset.done $0x0;
	s8 =	sshrl.u32 @!p1 s8, $0x3  }
0x75: {  	[sflag:s21] =	ssyncadd.s32 $0xFFFFC400;
	s9 =	simm.s32 @!p1 $0x0;
	s8 =	sadd.s32 @!p1 s6, s8  }
0x76: {  	[tilespmem:s9], [sflag:$0x1] =	stream.linear.gather @!p1 [hbm4b:s8+s9], $0x100, $0x38;
	[tilespmem:$0x1BB00] =	vst v63  }
0x77: {  	s8 =	simm.s32 @!p0 $0x3  }
0x78: {  	_ =	swait.ge @!p0 [sflag:s8], $0x100  }
0x79: {  	[sflag:s8] =	ssyncset.done @!p0 $0x0  }
0x7a: {  	s24 =	simm.s32 @!p0 $0x3F00;
	[sflag:s8] =	ssyncadd.s32 @!p0 $0xFFFFFF00;
	s8 =	simm.s32 @!p0 $0x78  }
0x7b: {  	[tilespmem:s24], [sflag:$0x5] =	stream.indirect.gather @!p0 [hbm4b:s5+s8], $0x80, s23, s8, $0xb8;
	[tilespmem:$0x1BB00] =	vst v63  }
0x7c: {  	_ =	swait.ge [sflag:s25], $0x3C00  }
0x7d: {  	[sflag:s25] =	ssyncset.done $0x0  }
0x7e: {  	[sflag:s25] =	ssyncadd.s32 $0xFFFFC400  }
0x7f: {  	[spmem:s3] =	stream.indirect.scatter.add.f32 [tilespmem:s20], [sflag:$0x6], $0x80, s29, s22, $0xb8;
	[tilespmem:$0x1BB00] =	vst v63  }
0x80: {  	_ =	swait.ge [sflag:s21], $0x3C00  }
0x81: {  	s23 =	rddreg [dreg:$0x5]  }
0x82: {  	p0 =	sge.u32 s1, s23  }
0x83: {  	[sflag:s21] =	ssyncset.done $0x0;
	s8 =	sadd.s32 @!p0 $0x300, s19  }
0x84: {  	[sflag:s21] =	ssyncadd.s32 $0xFFFFC400;
	s8 =	sshrl.u32 @!p0 s8, $0x3  }
0x85: {  	s23 =	simm.s32 @!p0 $0x0;
	s24 =	simm.s32 @!p0 $0x100;
	s8 =	sadd.s32 @!p0 s6, s8  }
0x86: {  	[tilespmem:s24], [sflag:$0x2] =	stream.linear.gather @!p0 [hbm4b:s8+s23], $0x100, $0x38;
	[tilespmem:$0x1BB00] =	vst v63  }
0x87: {  	s8 =	simm.s32 @!p1 $0x1  }
0x88: {  	_ =	swait.ge @!p1 [sflag:s8], $0x100  }
0x89: {  	[sflag:s8] =	ssyncset.done @!p1 $0x0  }
0x8a: {  	s23 =	simm.s32 @!p1 $0x300;
	[sflag:s8] =	ssyncadd.s32 @!p1 $0xFFFFFF00;
	s8 =	simm.s32 @!p1 $0x78  }
0x8b: {  	[tilespmem:s23], [sflag:$0x4] =	stream.indirect.gather @!p1 [hbm4b:s5+s8], $0x80, s9, s8, $0xb8;
	[tilespmem:$0x1BB00] =	vst v63  }
0x8c: {  	_ =	swait.ge [sflag:s28], $0x3C00  }
0x8d: {  	[sflag:s28] =	ssyncset.done $0x0  }
0x8e: {  	[sflag:s28] =	ssyncadd.s32 $0xFFFFC400  }
0x8f: {  	[spmem:s3] =	stream.indirect.scatter.add.f32 [tilespmem:s30], [sflag:$0x6], $0x80, s31, s22, $0xb8;
	[tilespmem:$0x1BB00] =	vst v63  }
0x90: {  	_ =	swait.ge [sflag:s21], $0x3C00  }
0x91: {  	s24 =	rddreg [dreg:$0x6]  }
0x92: {  	[sflag:s21] =	ssyncset.done $0x0;
	p0 =	sge.u32 s1, s24  }
0x93: {  	[sflag:s21] =	ssyncadd.s32 $0xFFFFC400;
	s8 =	sadd.s32 @!p0 $0x400, s19  }
0x94: {  	s24 =	rddreg [dreg:$0x7];
	s1 =	sadd.s32 $0x6, s1;
	s8 =	sshrl.u32 @!p0 s8, $0x3  }
0x95: {  	s9 =	simm.s32 @!p0 $0x0;
	s23 =	simm.s32 @!p0 $0x200;
	s8 =	sadd.s32 @!p0 s6, s8  }
0x96: {  	[tilespmem:s23], [sflag:$0x3] =	stream.linear.gather @!p0 [hbm4b:s8+s9], $0x100, $0x38;
	[tilespmem:$0x1BB00] =	vst v63  }
0x97: {  	p0 =	sne.s32 s24, s1  }
.Ltmp0:
0x98: {  	_ = 	snop;
	(pc) =	sbr.rel @p0 .LBB2_2-.Ltmp0, $2  }
0x99: {  	_ =	sdelay $0x2  }
0x9a: {  	s19 =	sadd.s32 $0x600, s19  }
0x9b: {  	s1 =	stileid.u32;
	s0 =	sadd.s32 $0x1, s0  }
0x9c: {  	[bflag:$0x0] =	sbarrier.arrive $0xFFFF;
	s1 =	sshll.u32 s1, $0x6;
	p0 =	sne.s32 s0, s18  }
.Ltmp1:
0x9d: {  	s8 =	sshrl.u32 s7, $0x3;
	s1 =	sor.u32 $0x1C06, s1;
	(pc) =	sbr.rel @p0 .LBB2_1-.Ltmp1, $4  }
0x9e: {  	[hbm:s17], [sflag:s1] =	dma.local [spmem:s8], $0x2800  }
0x9f: {  	_ =	swait.ge [sflag:s21], $0x2800  }
0xa0: {  	[sflag:s21] =	ssyncset.done $0x0  }
0xa1: {  	[sflag:s21] =	ssyncadd.s32 $0xFFFFD800  }
0xa2: {  	_ =	sfence.sel $0x180000  }
0xa3: {  	[bflag:$0x0] =	sbarrier.arrive $0xFFFF  }
0xa4: {  	_ =	strace $0x9000004A  }
0xa5: {  	s0 =	stileid.u32;
	[bflag:$0x2] =	sbarrier.arrive $0xFFFF  }
0xa6: {  	p0 =	sne.s32 s0, $0x0;
	s0 =	rddreg [dreg:$0x3]  }
0xa7: {  	s0 =	sadd.s32 @!p0 $0x100000, s0  }
0xa8: {  	[sflag:s0] =	ssyncadd.tile.s32 @!p0 $0x1;
	_ =	shalt  }
.Lfunc_end2:
_tile_overlayer_lowered:
.L_overlay_start_2:
0xa9: {  	(tag) =	ssettag $0x2  }
0xaa: {  	s0 =	rddreg [dreg:$0x0];
	s2 =	stileid.u32  }
0xab: {  	s1 =	rddreg [dreg:$0x1];
	p0 =	sne.s32 s2, $0x0  }
0xac: {  	s3 =	rddreg [dreg:$0x2];
	[bflag:$0x3] =	sbarrier.arrive $0xFFFF;
	s2 =	simm.s32 @!p0 $0x1C06  }
0xad: {  	[timem:s3], [sflag:s2] =	dma.local @!p0 [hbm:s0], s1  }
0xae: {  	s0 =	simm.s32 @!p0 $0x6  }
0xaf: {  	_ =	swait.ge @!p0 [sflag:s0], s1  }
0xb0: {  	s1 =	ssub.s32 @!p0 $0x0, s1;
	[sflag:s0] =	ssyncset.done @!p0 $0x0  }
0xb1: {  	[sflag:s0] =	ssyncadd.s32 @!p0 s1  }
0xb2: {  	[bflag:$0x3] =	sbarrier.arrive $0xFFFF  }
0xb3: {  	_ =	shalt  }

// kernel: kernel.15.cloned.1.call-start
scs
__scs_entry_jumppad:
0x0: {  	(pc) =	sbr.rel $0x88, $3  }
0x1: {  	(tag) =	ssettag $0x0;
	lr =	simm.s32 $0x1  }
0x2: {  	[smem:$0x3F82] =	sst lr;
	_ =	strace $0xD0000000  }
0x3: {  	_ = 	snop  }
0x4: {  	_ = 	snop  }
0x5: {  	_ = 	snop  }
0x6: {  	_ = 	snop  }
0x7: {  	_ = 	snop  }
__scs_overlays_trampoline_lowered:
0x8: {  	[smem:$0x3F91] =	sst s0  }
0x9: {  	[smem:$0x3F92] =	sst s1  }
0xa: {  	[smem:$0x3F93] =	sst s2  }
0xb: {  	[smem:$0x3F94] =	sst s3  }
0xc: {  	[smem:$0x3F95] =	sst s4  }
0xd: {  	[smem:$0x3F96] =	sst s5  }
0xe: {  	[smem:$0x3F97] =	sst s6  }
0xf: {  	[smem:$0x3F98] =	sst s7  }
0x10: {  	[smem:$0x3F99] =	sst s8  }
0x11: {  	[smem:$0x3F9A] =	sst s9;
	s0 =	simm.s32 @!p0 $0x0  }
0x12: {  	s1 =	sld [smem:$0x3F80];
	s0 =	simm.s32 @p0 $0x1  }
0x13: {  	[smem:$0x3F9B] =	sst s0;
	s0 =	simm.s32 @!p1 $0x0  }
0x14: {  	s2 =	sld [smem:$0x3F7F];
	s0 =	simm.s32 @p1 $0x1  }
0x15: {  	[smem:$0x3F9C] =	sst s0;
	s0 =	simm.s32 @!p2 $0x0  }
0x16: {  	s3 =	sld [smem:$0x3FDB];
	s0 =	simm.s32 @p2 $0x1  }
0x17: {  	s4 =	simm.s32 $0x1BF5;
	[smem:$0x3F9E] =	sst s0  }
0x18: {  	s0 =	sld [smem:$0x3F81];
	_ =	swait.ge [sflag:s4], $0x0  }
0x19: {  	s7 =	sld [smem:$0x3F82]  }
0x1a: {  	s8 =	sadd.s32 $0xFFFFE003, lr  }
0x1b: {  	s9 =	sadd.s32 $0xFFFFFEF7, lr;
	s5 =	simm.s32 $0xFFFFFFFF;
	p2 =	slt.u32 s8, $0xFFFFF086  }
0x1c: {  	p1 =	slt.u32 s9, $0xF7A;
	s5 =	simm.s32 @!p2 $0x0  }
0x1d: {  	s5 =	simm.s32 @p1 $0x1;
	p0 =	seq.s32 s7, s2  }
0x1e: {  	s7 =	smul.u32 @!p0 $0xF7A, s2;
	p2 =	seq.s32 @!p0 s5, $0x0  }
0x1f: {  	s9 =	smul.u32 $0xF7A, s1;
	s8 =	simm.s32 @!p0 $0x1BF5;
	p2 =	por !p2, p0  }
0x20: {  	[sflag:s8] =	ssyncset.s32 @!p0 $0xFFFFF086;
	s6 =	sadd.s32 @!p0 s3, s7;
	s7 =	simm.s32 @!p0 $0x108  }
0x21: {  	s3 =	sadd.s32 s3, s9;
	s6 =	sadd.s32 @!p0 $0x88, s6;
	s7 =	simm.s32 @p2 $0x1082  }
0x22: {  	[simem:s7], [sflag:s8] =	dma.local @!p0 [hbm:s6], $0xF7A  }
0x23: {  	s9 =	sor.u32 $0xD0000000, s2;
	s6 =	simm.s32 $0x108;
	_ =	swait.ge @!p0 [sflag:s8], $0x0  }
0x24: {  	s3 =	sadd.s32 $0x88, s3;
	s6 =	simm.s32 @!p1 $0x1082;
	[sflag:s4] =	ssyncset.s32 $0xFFFFF086  }
0x25: {  	[simem:s6], [sflag:s4] =	dma.local [hbm:s3], $0xF7A  }
0x26: {  	[smem:$0x3F82] =	sst s1;
	(tag) =	ssettag s2;
	_ =	strace s9  }
0x27: {  	s1 =	sld [smem:$0x3F92]  }
0x28: {  	s2 =	sld [smem:$0x3F93]  }
0x29: {  	s4 =	sld [smem:$0x3F95]  }
0x2a: {  	p0 =	seq.s32 s5, $0x0;
	s5 =	sld [smem:$0x3F96]  }
0x2b: {  	s6 =	sld [smem:$0x3F97]  }
0x2c: {  	s7 =	sld [smem:$0x3F98]  }
0x2d: {  	s3 =	simm.s32 $0x108;
	s8 =	sld [smem:$0x3F99]  }
0x2e: {  	s3 =	simm.s32 @!p0 $0x1082;
	s9 =	sld [smem:$0x3F9A]  }
0x2f: {  	lr =	sadd.s32 s0, s3;
	s0 =	sld [smem:$0x3F91]  }
0x30: {  	s3 =	sld [smem:$0x3F94]  }
0x31: {  	[smem:$0x3F9D] =	sst s10  }
0x32: {  	s10 =	sld [smem:$0x3F9B];
	_ =	sdelay $0x3  }
0x33: {  	p0 =	seq.s32 s10, $0x1;
	s10 =	sld [smem:$0x3F9D];
	_ =	sdelay $0x3  }
0x34: {  	[smem:$0x3F9D] =	sst s10  }
0x35: {  	s10 =	sld [smem:$0x3F9C];
	_ =	sdelay $0x3  }
0x36: {  	p1 =	seq.s32 s10, $0x1;
	s10 =	sld [smem:$0x3F9D];
	_ =	sdelay $0x3  }
0x37: {  	[smem:$0x3F9D] =	sst s10  }
0x38: {  	s10 =	sld [smem:$0x3F9E]  }
0x39: {  	_ = 	snop;
	(pc) =	sbr.ind lr, $3  }
0x3a: {  	_ = 	snop  }
0x3b: {  	_ = 	snop  }
0x3c: {  	p2 =	seq.s32 s10, $0x1;
	s10 =	sld [smem:$0x3F9D]  }
0x3d: {  	_ =	shalt  }
0x3e: {  	_ =	shalt  }
0x3f: {  	_ =	shalt  }
0x40: {  	_ =	shalt  }
0x41: {  	_ =	shalt  }
0x42: {  	_ =	shalt  }
0x43: {  	_ =	shalt  }
0x44: {  	_ =	shalt  }
0x45: {  	_ =	shalt  }
0x46: {  	_ =	shalt  }
0x47: {  	_ =	shalt  }
0x48: {  	_ =	shalt  }
0x49: {  	_ =	shalt  }
0x4a: {  	_ =	shalt  }
0x4b: {  	_ =	shalt  }
0x4c: {  	_ =	shalt  }
0x4d: {  	_ =	shalt  }
0x4e: {  	_ =	shalt  }
0x4f: {  	_ =	shalt  }
0x50: {  	_ =	shalt  }
0x51: {  	_ =	shalt  }
0x52: {  	_ =	shalt  }
0x53: {  	_ =	shalt  }
0x54: {  	_ =	shalt  }
0x55: {  	_ =	shalt  }
0x56: {  	_ =	shalt  }
0x57: {  	_ =	shalt  }
0x58: {  	_ =	shalt  }
0x59: {  	_ =	shalt  }
0x5a: {  	_ =	shalt  }
0x5b: {  	_ =	shalt  }
0x5c: {  	_ =	shalt  }
0x5d: {  	_ =	shalt  }
0x5e: {  	_ =	shalt  }
0x5f: {  	_ =	shalt  }
0x60: {  	_ =	shalt  }
0x61: {  	_ =	shalt  }
0x62: {  	_ =	shalt  }
0x63: {  	_ =	shalt  }
0x64: {  	_ =	shalt  }
0x65: {  	_ =	shalt  }
0x66: {  	_ =	shalt  }
0x67: {  	_ =	shalt  }
0x68: {  	_ =	shalt  }
0x69: {  	_ =	shalt  }
0x6a: {  	_ =	shalt  }
0x6b: {  	_ =	shalt  }
0x6c: {  	_ =	shalt  }
0x6d: {  	_ =	shalt  }
0x6e: {  	_ =	shalt  }
0x6f: {  	_ =	shalt  }
0x70: {  	_ =	shalt  }
0x71: {  	_ =	shalt  }
0x72: {  	_ =	shalt  }
0x73: {  	_ =	shalt  }
0x74: {  	_ =	shalt  }
0x75: {  	_ =	shalt  }
0x76: {  	_ =	shalt  }
0x77: {  	_ =	shalt  }
0x78: {  	_ =	shalt  }
0x79: {  	_ =	shalt  }
0x7a: {  	_ =	shalt  }
0x7b: {  	_ =	shalt  }
0x7c: {  	_ =	shalt  }
0x7d: {  	_ =	shalt  }
0x7e: {  	_ =	shalt  }
0x7f: {  	_ =	shalt  }
0x80: {  	_ =	shalt  }
0x81: {  	_ =	shalt  }
0x82: {  	_ =	shalt  }
0x83: {  	_ =	shalt  }
0x84: {  	_ =	shalt  }
0x85: {  	_ =	shalt  }
0x86: {  	_ =	shalt  }
0x87: {  	_ =	shalt  }
.Lfunc_end0:
.L_simem_size_0:
called_computation.2_lowered:
.L_overlay_start_0:
0x88: {  	s2 =	sld [smem:$0x3FD9]  }
0x89: {  	s3 =	sld [smem:$0x3FFE];
	_ =	sdelay $0x1  }
0x8a: {  	s1 =	srdreg.scid  }
0x8b: {  	s0 =	sand.u32 $0x1, s1  }
0x8c: {  	s17 =	sshll.u32 s0, $0xA;
	s2 =	sadd.s32 s3, s2  }
0x8d: {  	s2 =	sadd.s32 s2, s17  }
0x8e: {  	[smem:$0x3FA9] =	sst s2  }
0x8f: {  	_ = 	snop  }
0x90: {  	s2 =	sld [smem:$0x3FD0];
	(tm) =	ssettm $0x1  }
0x91: {  	s18 =	sld [smem:$0x3FFB];
	_ =	sdelay $0x3  }
0x92: {  	_ =	strace s18  }
0x93: {  	s3 =	sld [smem:$0x3FFC];
	_ =	sdelay $0x3  }
0x94: {  	_ =	strace s3  }
0x95: {  	s3 =	sld [smem:$0x3FFD];
	_ =	sdelay $0x3  }
0x96: {  	_ =	strace s3  }
0x97: {  	_ =	strace $0x8FFFFFFF  }
0x98: {  	s19 =	sld [smem:$0x3FDB];
	_ =	sdelay $0x1  }
0x99: {  	s4 =	simm.s32 $_scs_section_size  }
0x9a: {  	s5 =	simm.s32 $_size__tile_overlayer_lowered;
	s6 =	simm.s32 $_tile_overlayer_lowered  }
0x9b: {  	s22 =	simm.s32 $0x1BFF;
	s21 =	sshll.u32 s6, $0x1;
	s3 =	sadd.s32 s4, s19  }
0x9c: {  	s7 =	simm.s32 $0x0;
	s20 =	sshll.u32 s5, $0x1;
	s5 =	sadd.s32 s21, s3  }
0x9d: {  	[timem:s7], [sflag:s22] =	dma.local [hbm:s5], s20  }
0x9e: {  	_ =	swait.ge [sflag:s22], s20  }
0x9f: {  	s4 =	ssub.s32 $0x0, s20;
	[sflag:s22] =	ssyncset.done $0x0  }
0xa0: {  	[sflag:s22] =	ssyncadd.s32 s4;
	_ =	sdelay $0x1  }
0xa1: {  	s23 =	simm.s32 $0x1B8B  }
0xa2: {  	_ =	swait.ge [sflag:s23], $0x1  }
0xa3: {  	[sflag:s23] =	ssyncset.done $0x0  }
0xa4: {  	s25 =	simm.s32 $0x1B8E;
	s24 =	sld [smem:$0x3FFE];
	[sflag:s23] =	ssyncadd.s32 $0xFFFFFFFF  }
0xa5: {  	s26 =	simm.s32 $execute0_lowered;
	[smem:$0x3FD2] =	sst s25  }
0xa6: {  	s5 =	sshll.u32 s26, $0x1;
	_ =	strace $0x8000004C;
	[dreg:$0x1] =	wrdreg $0xFFFFFFFF  }
0xa7: {  	s28 =	simm.s32 $_size_execute0_lowered;
	s3 =	sadd.s32 s3, s5;
	[dreg:$0x0] =	wrdreg $0x0  }
0xa8: {  	s5 =	sshll.u32 s28, $0x1;
	[dreg:$0x2] =	wrdreg s3  }
0xa9: {  	[dreg:$0x3] =	wrdreg s5  }
0xaa: {  	[dreg:$0x4] =	wrdreg $0xC0  }
0xab: {  	_ =	task [dreg:s7], $0x5FFFF  }
0xac: {  	[dreg:$0x1] =	wrdreg $0xFFFFFFFF  }
0xad: {  	[dreg:$0x0] =	wrdreg $0x60  }
0xae: {  	[dreg:$0x2] =	wrdreg s24  }
0xaf: {  	[dreg:$0x3] =	wrdreg s2  }
0xb0: {  	[dreg:$0x4] =	wrdreg $0x7B000  }
0xb1: {  	[dreg:$0x5] =	wrdreg $0x9  }
0xb2: {  	_ =	task.clear_ibuf [dreg:s7], $0x6FFFF;
	_ =	strace $0x9000004C  }
0xb3: {  	s29 =	simm.s32 $0x9;
	_ =	strace $0x8000004E  }
0xb4: {  	_ =	swait.ge [sflag:s29], $0x1  }
0xb5: {  	[sflag:s29] =	ssyncadd.s32 $0xFFFFFFFF  }
0xb6: {  	_ =	strace $0x9000004E  }
0xb7: {  	_ =	sfence  }
0xb8: {  	s30 =	sld [smem:$0x0];
	_ =	sdelay $0x2  }
0xb9: {  	s31 =	sshll.u32 s1, $0xD;
	s1 =	sshrl.u32 s1, $0x2  }
0xba: {  	s3 =	sand.u32 $0x4000, s31;
	s1 =	sadd.s32 s1, s30  }
0xbb: {  	s0 =	sor.u32 s3, s0;
	s1 =	sshll.u32 s1, $0x11  }
0xbc: {  	s0 =	sor.u32 s1, s0  }
0xbd: {  	s0 =	sadd.s32 $0x8F2B, s0  }
0xbe: {  	[sflag:s0] =	ssyncadd.remote.s32 $0x1  }
0xbf: {  	_ =	sfence.sel $0xFFFF  }
0xc0: {  	[dreg:$0x0] =	wrdreg $0xFFFFFFFF;
	(pc) =	sbr.abs _section_cstart, $3  }
0xc1: {  	[dreg:$0x1] =	wrdreg $0xFFFFFFFF  }
0xc2: {  	_ =	task.clear_ibuf [dreg:s7], $0x2FFFF;
	_ =	strace $0x9FFFFFFF  }
0xc3: {  	(tm) =	ssettm $0x7FFFFFFF  }
tec
execute0_lowered:
.L_overlay_start_1:
0x0: {  	(tag) =	ssettag $0x1  }
0x1: {  	s0 =	rddreg [dreg:$0x0]  }
0x2: {  	s3 =	rddreg [dreg:$0x2]  }
0x3: {  	s1 =	srdreg.scid;
	s9 =	stileid.u32;
	s4 =	simm.s32 $0x0  }
0x4: {  	s11 =	simm.s32 $0x84;
	s28 =	simm.s32 $0x5;
	s2 =	smul.u32 $0x2800, s9  }
0x5: {  	s29 =	simm.s32 $0x180;
	s30 =	simm.s32 $0x3F00;
	s8 =	smul.u32 $0x50000, s9  }
0x6: {  	s31 =	simm.s32 $0x280;
	s1 =	sand.u32 $0x1, s1;
	s10 =	smul.u32 $0x24, s9  }
0x7: {  	[smem:$0x7FF] =	sst s4;
	s5 =	sadd.s32 $0x1AC00, s0;
	s12 =	smul.u32 $0x84, s9  }
0x8: {  	s6 =	sadd.s32 $0x5C00, s0;
	s7 =	smul.u32 $0x28000, s1;
	_ =	strace $0x8000004D  }
0x9: {  	s19 =	ssub.s32 $0x2, s1;
	p0 =	seq.s32 s1, $0x0;
	s20 =	sshrl.u32 s8, $0x2  }
0xa: {  	s21 =	sshrl.u32 s19, $0x1;
	s1 =	sadd.s32 $0x840, s10;
	s11 =	simm.s32 @!p0 $0x24  }
0xb: {  	s2 =	sadd.s32 s2, s7;
	s7 =	sadd.s32 s20, s3;
	s1 =	smov.u32 @p0 s12  }
0xc: {  	s17 =	smul.u32 $0xAB, s11;
	s18 =	sadd.s32 $0xFFFFFFFA, s11;
	s24 =	sadd.s32 $0xFFFFFFF9, s11  }
0xd: {  	s25 =	sadd.s32 $0xFFFFFFF8, s11;
	s20 =	simm.s32 $0x300;
	s0 =	sadd.s32 s2, s0  }
0xe: {  	s2 =	ssub.s32 s19, s21;
	s22 =	sadd.s32 $0x3C00, s7;
	[dreg:$0x4] =	wrdreg s18  }
0xf: {  	s23 =	sadd.s32 $0x7800, s7;
	s10 =	sadd.s32 $0xB400, s7;
	[dreg:$0x5] =	wrdreg s24  }
0x10: {  	s12 =	sadd.s32 $0xF000, s7;
	s14 =	sshll.u32 s1, $0x5;
	[dreg:$0x6] =	wrdreg s25  }
0x11: {  	s13 =	sadd.s32 $0x12C00, s7;
	s26 =	sshll.u32 s1, $0x8;
	[dreg:$0x8] =	wrdreg s22  }
0x12: {  	s21 =	simm.s32 $0x6;
	s25 =	simm.s32 $0x4;
	[dreg:$0x9] =	wrdreg s23  }
0x13: {  	s14 =	sadd.s32 s6, s14;
	s17 =	sshrl.u32 s17, $0xA;
	s18 =	smax.u32 s2, $0x1  }
0x14: {  	s2 =	sadd.s32 $0x400, s26;
	s22 =	simm.s32 $0x78;
	s19 =	smul.u32 $0x6, s17  }
0x15: {  	s26 =	simm.s32 $0x80;
	s15 =	sadd.s32 $0x20, s14;
	s16 =	sadd.s32 $0x40, s14  }
0x16: {  	s17 =	sadd.s32 $0x41E00, s0;
	s0 =	simm.s32 $0x0;
	[dreg:$0x7] =	wrdreg s19  }
.LBB2_1:
0x17: {  	s1 =	rddreg [dreg:$0x1]  }
0x18: {  	[tilespmem:s20], [sflag:$0x6] =	stream.linear.gather [hbm4b:s1+s4], $0x3C00, $0x38;
	[tilespmem:$0x1BB00] =	vst v63  }
0x19: {  	_ =	swait.ge [sflag:s21], $0x3C00  }
0x1a: {  	[sflag:s21] =	ssyncset.done $0x0  }
0x1b: {  	[sflag:s21] =	ssyncadd.s32 $0xFFFFC400  }
0x1c: {  	[spmem:s7] =	stream.linear.scatter [tilespmem:s20], [sflag:$0x6], $0x3C00, $0x38;
	[tilespmem:$0x1BB00] =	vst v63  }
0x1d: {  	_ =	swait.ge [sflag:s21], $0x3C00  }
0x1e: {  	[sflag:s21] =	ssyncset.done $0x0  }
0x1f: {  	s9 =	rddreg [dreg:$0x8];
	[sflag:s21] =	ssyncadd.s32 $0xFFFFC400  }
0x20: {  	[spmem:s9] =	stream.linear.scatter [tilespmem:s20], [sflag:$0x6], $0x3C00, $0x38;
	[tilespmem:$0x1BB00] =	vst v63  }
0x21: {  	_ =	swait.ge [sflag:s21], $0x3C00  }
0x22: {  	[sflag:s21] =	ssyncset.done $0x0  }
0x23: {  	s19 =	rddreg [dreg:$0x9];
	[sflag:s21] =	ssyncadd.s32 $0xFFFFC400  }
0x24: {  	[spmem:s19] =	stream.linear.scatter [tilespmem:s20], [sflag:$0x6], $0x3C00, $0x38;
	[tilespmem:$0x1BB00] =	vst v63  }
0x25: {  	_ =	swait.ge [sflag:s21], $0x3C00  }
0x26: {  	[sflag:s21] =	ssyncset.done $0x0  }
0x27: {  	[sflag:s21] =	ssyncadd.s32 $0xFFFFC400  }
0x28: {  	[spmem:s10] =	stream.linear.scatter [tilespmem:s20], [sflag:$0x6], $0x3C00, $0x38;
	[tilespmem:$0x1BB00] =	vst v63  }
0x29: {  	_ =	swait.ge [sflag:s21], $0x3C00  }
0x2a: {  	[sflag:s21] =	ssyncset.done $0x0  }
0x2b: {  	[sflag:s21] =	ssyncadd.s32 $0xFFFFC400  }
0x2c: {  	[spmem:s12] =	stream.linear.scatter [tilespmem:s20], [sflag:$0x6], $0x3C00, $0x38;
	[tilespmem:$0x1BB00] =	vst v63  }
0x2d: {  	_ =	swait.ge [sflag:s21], $0x3C00  }
0x2e: {  	[sflag:s21] =	ssyncset.done $0x0  }
0x2f: {  	[sflag:s21] =	ssyncadd.s32 $0xFFFFC400  }
0x30: {  	[spmem:s13] =	stream.linear.scatter [tilespmem:s20], [sflag:$0x6], $0x1400, $0x38;
	[tilespmem:$0x1BB00] =	vst v63  }
0x31: {  	_ =	swait.ge [sflag:s21], $0x1400  }
0x32: {  	[sflag:s21] =	ssyncset.done $0x0  }
0x33: {  	[sflag:s21] =	ssyncadd.s32 $0xFFFFEC00  }
0x34: {  	[bflag:$0x0] =	sbarrier.arrive $0xFFFF  }
0x35: {  	[tilespmem:s4], [sflag:$0x6] =	stream.linear.gather [hbm4b:s14+s4], $0x100, $0x38;
	[tilespmem:$0x1BB00] =	vst v63  }
0x36: {  	_ =	swait.ge [sflag:s21], $0x100  }
0x37: {  	[sflag:s21] =	ssyncset.done $0x0  }
0x38: {  	[sflag:s21] =	ssyncadd.s32 $0xFFFFFF00  }
0x39: {  	[tilespmem:s20], [sflag:$0x4] =	stream.indirect.gather [hbm4b:s5+s22], $0x80, s4, s22, $0xb8;
	[tilespmem:$0x1BB00] =	vst v63  }
0x3a: {  	s23 =	simm.s32 $0x100  }
0x3b: {  	[tilespmem:s23], [sflag:$0x2] =	stream.linear.gather [hbm4b:s15+s4], $0x100, $0x38;
	[tilespmem:$0x1BB00] =	vst v63  }
0x3c: {  	s24 =	simm.s32 $0x200;
	s1 =	simm.s32 $0x0;
	s19 =	smov.u32 s2  }
0x3d: {  	[tilespmem:s24], [sflag:$0x3] =	stream.linear.gather [hbm4b:s16+s4], $0x100, $0x38;
	[tilespmem:$0x1BB00] =	vst v63  }
.LBB2_2:
0x3e: {  	s23 =	sadd.s32 $0x1, s1  }
0x3f: {  	p0 =	sge.u32 s23, s11  }
0x40: {  	s23 =	simm.s32 @!p0 $0x2  }
0x41: {  	_ =	swait.ge @!p0 [sflag:s23], $0x100  }
0x42: {  	s24 =	simm.s32 @!p0 $0x100;
	[sflag:s23] =	ssyncset.done @!p0 $0x0  }
0x43: {  	s8 =	simm.s32 @!p0 $0x3F00;
	[sflag:s23] =	ssyncadd.s32 @!p0 $0xFFFFFF00;
	s23 =	simm.s32 @!p0 $0x78  }
0x44: {  	[tilespmem:s8], [sflag:$0x5] =	stream.indirect.gather @!p0 [hbm4b:s5+s23], $0x80, s24, s23, $0xb8;
	[tilespmem:$0x1BB00] =	vst v63  }
0x45: {  	_ =	swait.ge [sflag:s25], $0x3C00  }
0x46: {  	s23 =	sadd.s32 $0x3, s1;
	[sflag:s25] =	ssyncset.done $0x0  }
0x47: {  	p0 =	sge.u32 s23, s11;
	[sflag:s25] =	ssyncadd.s32 $0xFFFFC400  }
0x48: {  	[spmem:s3] =	stream.indirect.scatter.add.f32 [tilespmem:s20], [sflag:$0x6], $0x80, s26, s22, $0xb8;
	[tilespmem:$0x1BB00] =	vst v63  }
0x49: {  	s24 =	sadd.s32 $0x2, s1;
	s8 =	sadd.s32 @!p0 $0xFFFFFF00, s19;
	_ =	swait.ge [sflag:s21], $0x3C00  }
0x4a: {  	p1 =	sge.u32 s24, s11;
	s8 =	sshrl.u32 @!p0 s8, $0x3;
	[sflag:s21] =	ssyncset.done $0x0  }
0x4b: {  	s23 =	simm.s32 @!p0 $0x0;
	s8 =	sadd.s32 @!p0 s6, s8;
	[sflag:s21] =	ssyncadd.s32 $0xFFFFC400  }
0x4c: {  	[tilespmem:s23], [sflag:$0x1] =	stream.linear.gather @!p0 [hbm4b:s8+s23], $0x100, $0x38;
	[tilespmem:$0x1BB00] =	vst v63  }
0x4d: {  	s8 =	simm.s32 @!p1 $0x3  }
0x4e: {  	_ =	swait.ge @!p1 [sflag:s8], $0x100  }
0x4f: {  	s24 =	simm.s32 @!p1 $0x200;
	[sflag:s8] =	ssyncset.done @!p1 $0x0  }
0x50: {  	s9 =	simm.s32 @!p1 $0x300;
	[sflag:s8] =	ssyncadd.s32 @!p1 $0xFFFFFF00;
	s8 =	simm.s32 @!p1 $0x78  }
0x51: {  	[tilespmem:s9], [sflag:$0x4] =	stream.indirect.gather @!p1 [hbm4b:s5+s8], $0x80, s24, s8, $0xb8;
	[tilespmem:$0x1BB00] =	vst v63  }
0x52: {  	_ =	swait.ge [sflag:s28], $0x3C00  }
0x53: {  	[sflag:s28] =	ssyncset.done $0x0  }
0x54: {  	s9 =	sadd.s32 $0x4, s1;
	[sflag:s28] =	ssyncadd.s32 $0xFFFFC400  }
0x55: {  	[spmem:s3] =	stream.indirect.scatter.add.f32 [tilespmem:s30], [sflag:$0x6], $0x80, s29, s22, $0xb8;
	[tilespmem:$0x1BB00] =	vst v63  }
0x56: {  	p1 =	sge.u32 s9, s11;
	_ =	swait.ge [sflag:s21], $0x3C00  }
0x57: {  	s8 =	sshrl.u32 @!p1 s19, $0x3;
	s9 =	simm.s32 @!p1 $0x0;
	[sflag:s21] =	ssyncset.done $0x0  }
0x58: {  	s24 =	simm.s32 @!p1 $0x100;
	s8 =	sadd.s32 @!p1 s6, s8;
	[sflag:s21] =	ssyncadd.s32 $0xFFFFC400  }
0x59: {  	[tilespmem:s24], [sflag:$0x2] =	stream.linear.gather @!p1 [hbm4b:s8+s9], $0x100, $0x38;
	[tilespmem:$0x1BB00] =	vst v63  }
0x5a: {  	s8 =	simm.s32 @!p0 $0x1  }
0x5b: {  	_ =	swait.ge @!p0 [sflag:s8], $0x100  }
0x5c: {  	[sflag:s8] =	ssyncset.done @!p0 $0x0  }
0x5d: {  	s9 =	simm.s32 @!p0 $0x3F00;
	[sflag:s8] =	ssyncadd.s32 @!p0 $0xFFFFFF00;
	s8 =	simm.s32 @!p0 $0x78  }
0x5e: {  	[tilespmem:s9], [sflag:$0x5] =	stream.indirect.gather @!p0 [hbm4b:s5+s8], $0x80, s23, s8, $0xb8;
	[tilespmem:$0x1BB00] =	vst v63  }
0x5f: {  	_ =	swait.ge [sflag:s25], $0x3C00  }
0x60: {  	s23 =	sadd.s32 $0x5, s1;
	[sflag:s25] =	ssyncset.done $0x0  }
0x61: {  	p0 =	sge.u32 s23, s11;
	[sflag:s25] =	ssyncadd.s32 $0xFFFFC400  }
0x62: {  	[spmem:s3] =	stream.indirect.scatter.add.f32 [tilespmem:s20], [sflag:$0x6], $0x80, s31, s22, $0xb8;
	[tilespmem:$0x1BB00] =	vst v63  }
0x63: {  	s8 =	sadd.s32 @!p0 $0x100, s19;
	_ =	swait.ge [sflag:s21], $0x3C00  }
0x64: {  	s9 =	simm.s32 @!p0 $0x0;
	s8 =	sshrl.u32 @!p0 s8, $0x3;
	[sflag:s21] =	ssyncset.done $0x0  }
0x65: {  	s23 =	simm.s32 @!p0 $0x200;
	s8 =	sadd.s32 @!p0 s6, s8;
	[sflag:s21] =	ssyncadd.s32 $0xFFFFC400  }
0x66: {  	[tilespmem:s23], [sflag:$0x3] =	stream.linear.gather @!p0 [hbm4b:s8+s9], $0x100, $0x38;
	[tilespmem:$0x1BB00] =	vst v63  }
0x67: {  	s8 =	simm.s32 @!p1 $0x2  }
0x68: {  	_ =	swait.ge @!p1 [sflag:s8], $0x100  }
0x69: {  	[sflag:s8] =	ssyncset.done @!p1 $0x0  }
0x6a: {  	s9 =	simm.s32 @!p1 $0x300;
	[sflag:s8] =	ssyncadd.s32 @!p1 $0xFFFFFF00;
	s8 =	simm.s32 @!p1 $0x78  }
0x6b: {  	[tilespmem:s9], [sflag:$0x4] =	stream.indirect.gather @!p1 [hbm4b:s5+s8], $0x80, s24, s8, $0xb8;
	[tilespmem:$0x1BB00] =	vst v63  }
0x6c: {  	_ =	swait.ge [sflag:s28], $0x3C00  }
0x6d: {  	[sflag:s28] =	ssyncset.done $0x0  }
0x6e: {  	[sflag:s28] =	ssyncadd.s32 $0xFFFFC400  }
0x6f: {  	[spmem:s3] =	stream.indirect.scatter.add.f32 [tilespmem:s30], [sflag:$0x6], $0x80, s26, s22, $0xb8;
	[tilespmem:$0x1BB00] =	vst v63  }
0x70: {  	_ =	swait.ge [sflag:s21], $0x3C00  }
0x71: {  	s9 =	rddreg [dreg:$0x4]  }
0x72: {  	p1 =	sge.u32 s1, s9  }
0x73: {  	s8 =	sadd.s32 @!p1 $0x200, s19  }
0x74: {  	[sflag:s21] =	ssyncset.done $0x0;
	s8 =	sshrl.u32 @!p1 s8, $0x3  }
0x75: {  	[sflag:s21] =	ssyncadd.s32 $0xFFFFC400;
	s9 =	simm.s32 @!p1 $0x0;
	s8 =	sadd.s32 @!p1 s6, s8  }
0x76: {  	[tilespmem:s9], [sflag:$0x1] =	stream.linear.gather @!p1 [hbm4b:s8+s9], $0x100, $0x38;
	[tilespmem:$0x1BB00] =	vst v63  }
0x77: {  	s8 =	simm.s32 @!p0 $0x3  }
0x78: {  	_ =	swait.ge @!p0 [sflag:s8], $0x100  }
0x79: {  	[sflag:s8] =	ssyncset.done @!p0 $0x0  }
0x7a: {  	s24 =	simm.s32 @!p0 $0x3F00;
	[sflag:s8] =	ssyncadd.s32 @!p0 $0xFFFFFF00;
	s8 =	simm.s32 @!p0 $0x78  }
0x7b: {  	[tilespmem:s24], [sflag:$0x5] =	stream.indirect.gather @!p0 [hbm4b:s5+s8], $0x80, s23, s8, $0xb8;
	[tilespmem:$0x1BB00] =	vst v63  }
0x7c: {  	_ =	swait.ge [sflag:s25], $0x3C00  }
0x7d: {  	[sflag:s25] =	ssyncset.done $0x0  }
0x7e: {  	[sflag:s25] =	ssyncadd.s32 $0xFFFFC400  }
0x7f: {  	[spmem:s3] =	stream.indirect.scatter.add.f32 [tilespmem:s20], [sflag:$0x6], $0x80, s29, s22, $0xb8;
	[tilespmem:$0x1BB00] =	vst v63  }
0x80: {  	_ =	swait.ge [sflag:s21], $0x3C00  }
0x81: {  	s23 =	rddreg [dreg:$0x5]  }
0x82: {  	p0 =	sge.u32 s1, s23  }
0x83: {  	[sflag:s21] =	ssyncset.done $0x0;
	s8 =	sadd.s32 @!p0 $0x300, s19  }
0x84: {  	[sflag:s21] =	ssyncadd.s32 $0xFFFFC400;
	s8 =	sshrl.u32 @!p0 s8, $0x3  }
0x85: {  	s23 =	simm.s32 @!p0 $0x0;
	s24 =	simm.s32 @!p0 $0x100;
	s8 =	sadd.s32 @!p0 s6, s8  }
0x86: {  	[tilespmem:s24], [sflag:$0x2] =	stream.linear.gather @!p0 [hbm4b:s8+s23], $0x100, $0x38;
	[tilespmem:$0x1BB00] =	vst v63  }
0x87: {  	s8 =	simm.s32 @!p1 $0x1  }
0x88: {  	_ =	swait.ge @!p1 [sflag:s8], $0x100  }
0x89: {  	[sflag:s8] =	ssyncset.done @!p1 $0x0  }
0x8a: {  	s23 =	simm.s32 @!p1 $0x300;
	[sflag:s8] =	ssyncadd.s32 @!p1 $0xFFFFFF00;
	s8 =	simm.s32 @!p1 $0x78  }
0x8b: {  	[tilespmem:s23], [sflag:$0x4] =	stream.indirect.gather @!p1 [hbm4b:s5+s8], $0x80, s9, s8, $0xb8;
	[tilespmem:$0x1BB00] =	vst v63  }
0x8c: {  	_ =	swait.ge [sflag:s28], $0x3C00  }
0x8d: {  	[sflag:s28] =	ssyncset.done $0x0  }
0x8e: {  	[sflag:s28] =	ssyncadd.s32 $0xFFFFC400  }
0x8f: {  	[spmem:s3] =	stream.indirect.scatter.add.f32 [tilespmem:s30], [sflag:$0x6], $0x80, s31, s22, $0xb8;
	[tilespmem:$0x1BB00] =	vst v63  }
0x90: {  	_ =	swait.ge [sflag:s21], $0x3C00  }
0x91: {  	s24 =	rddreg [dreg:$0x6]  }
0x92: {  	[sflag:s21] =	ssyncset.done $0x0;
	p0 =	sge.u32 s1, s24  }
0x93: {  	[sflag:s21] =	ssyncadd.s32 $0xFFFFC400;
	s8 =	sadd.s32 @!p0 $0x400, s19  }
0x94: {  	s24 =	rddreg [dreg:$0x7];
	s1 =	sadd.s32 $0x6, s1;
	s8 =	sshrl.u32 @!p0 s8, $0x3  }
0x95: {  	s9 =	simm.s32 @!p0 $0x0;
	s23 =	simm.s32 @!p0 $0x200;
	s8 =	sadd.s32 @!p0 s6, s8  }
0x96: {  	[tilespmem:s23], [sflag:$0x3] =	stream.linear.gather @!p0 [hbm4b:s8+s9], $0x100, $0x38;
	[tilespmem:$0x1BB00] =	vst v63  }
0x97: {  	p0 =	sne.s32 s24, s1  }
.Ltmp0:
0x98: {  	_ = 	snop;
	(pc) =	sbr.rel @p0 .LBB2_2-.Ltmp0, $2  }
0x99: {  	_ =	sdelay $0x2  }
0x9a: {  	s19 =	sadd.s32 $0x600, s19  }
0x9b: {  	s1 =	stileid.u32;
	s0 =	sadd.s32 $0x1, s0  }
0x9c: {  	[bflag:$0x0] =	sbarrier.arrive $0xFFFF;
	s1 =	sshll.u32 s1, $0x6;
	p0 =	sne.s32 s0, s18  }
.Ltmp1:
0x9d: {  	s8 =	sshrl.u32 s7, $0x3;
	s1 =	sor.u32 $0x1C06, s1;
	(pc) =	sbr.rel @p0 .LBB2_1-.Ltmp1, $4  }
0x9e: {  	[hbm:s17], [sflag:s1] =	dma.local [spmem:s8], $0x2800  }
0x9f: {  	_ =	swait.ge [sflag:s21], $0x2800  }
0xa0: {  	[sflag:s21] =	ssyncset.done $0x0  }
0xa1: {  	[sflag:s21] =	ssyncadd.s32 $0xFFFFD800  }
0xa2: {  	_ =	sfence.sel $0x180000  }
0xa3: {  	[bflag:$0x0] =	sbarrier.arrive $0xFFFF  }
0xa4: {  	_ =	strace $0x9000004D  }
0xa5: {  	s0 =	stileid.u32;
	[bflag:$0x2] =	sbarrier.arrive $0xFFFF  }
0xa6: {  	p0 =	sne.s32 s0, $0x0;
	s0 =	rddreg [dreg:$0x3]  }
0xa7: {  	s0 =	sadd.s32 @!p0 $0x100000, s0  }
0xa8: {  	[sflag:s0] =	ssyncadd.tile.s32 @!p0 $0x1;
	_ =	shalt  }
.Lfunc_end2:
_tile_overlayer_lowered:
.L_overlay_start_2:
0xa9: {  	(tag) =	ssettag $0x2  }
0xaa: {  	s0 =	rddreg [dreg:$0x0];
	s2 =	stileid.u32  }
0xab: {  	s1 =	rddreg [dreg:$0x1];
	p0 =	sne.s32 s2, $0x0  }
0xac: {  	s3 =	rddreg [dreg:$0x2];
	[bflag:$0x3] =	sbarrier.arrive $0xFFFF;
	s2 =	simm.s32 @!p0 $0x1C06  }
0xad: {  	[timem:s3], [sflag:s2] =	dma.local @!p0 [hbm:s0], s1  }
0xae: {  	s0 =	simm.s32 @!p0 $0x6  }
0xaf: {  	_ =	swait.ge @!p0 [sflag:s0], s1  }
0xb0: {  	s1 =	ssub.s32 @!p0 $0x0, s1;
	[sflag:s0] =	ssyncset.done @!p0 $0x0  }
0xb1: {  	[sflag:s0] =	ssyncadd.s32 @!p0 s1  }
0xb2: {  	[bflag:$0x3] =	sbarrier.arrive $0xFFFF  }
0xb3: {  	_ =	shalt  }

// kernel: kernel.9.cloned.1.call-start
scs
__scs_entry_jumppad:
0x0: {  	(pc) =	sbr.rel $0x88, $3  }
0x1: {  	(tag) =	ssettag $0x0;
	lr =	simm.s32 $0x1  }
0x2: {  	[smem:$0x3F82] =	sst lr;
	_ =	strace $0xD0000000  }
0x3: {  	_ = 	snop  }
0x4: {  	_ = 	snop  }
0x5: {  	_ = 	snop  }
0x6: {  	_ = 	snop  }
0x7: {  	_ = 	snop  }
__scs_overlays_trampoline_lowered:
0x8: {  	[smem:$0x3F91] =	sst s0  }
0x9: {  	[smem:$0x3F92] =	sst s1  }
0xa: {  	[smem:$0x3F93] =	sst s2  }
0xb: {  	[smem:$0x3F94] =	sst s3  }
0xc: {  	[smem:$0x3F95] =	sst s4  }
0xd: {  	[smem:$0x3F96] =	sst s5  }
0xe: {  	[smem:$0x3F97] =	sst s6  }
0xf: {  	[smem:$0x3F98] =	sst s7  }
0x10: {  	[smem:$0x3F99] =	sst s8  }
0x11: {  	[smem:$0x3F9A] =	sst s9;
	s0 =	simm.s32 @!p0 $0x0  }
0x12: {  	s1 =	sld [smem:$0x3F80];
	s0 =	simm.s32 @p0 $0x1  }
0x13: {  	[smem:$0x3F9B] =	sst s0;
	s0 =	simm.s32 @!p1 $0x0  }
0x14: {  	s2 =	sld [smem:$0x3F7F];
	s0 =	simm.s32 @p1 $0x1  }
0x15: {  	[smem:$0x3F9C] =	sst s0;
	s0 =	simm.s32 @!p2 $0x0  }
0x16: {  	s3 =	sld [smem:$0x3FDB];
	s0 =	simm.s32 @p2 $0x1  }
0x17: {  	s4 =	simm.s32 $0x1BF5;
	[smem:$0x3F9E] =	sst s0  }
0x18: {  	s0 =	sld [smem:$0x3F81];
	_ =	swait.ge [sflag:s4], $0x0  }
0x19: {  	s7 =	sld [smem:$0x3F82]  }
0x1a: {  	s8 =	sadd.s32 $0xFFFFE003, lr  }
0x1b: {  	s9 =	sadd.s32 $0xFFFFFEF7, lr;
	s5 =	simm.s32 $0xFFFFFFFF;
	p2 =	slt.u32 s8, $0xFFFFF086  }
0x1c: {  	p1 =	slt.u32 s9, $0xF7A;
	s5 =	simm.s32 @!p2 $0x0  }
0x1d: {  	s5 =	simm.s32 @p1 $0x1;
	p0 =	seq.s32 s7, s2  }
0x1e: {  	s7 =	smul.u32 @!p0 $0xF7A, s2;
	p2 =	seq.s32 @!p0 s5, $0x0  }
0x1f: {  	s9 =	smul.u32 $0xF7A, s1;
	s8 =	simm.s32 @!p0 $0x1BF5;
	p2 =	por !p2, p0  }
0x20: {  	[sflag:s8] =	ssyncset.s32 @!p0 $0xFFFFF086;
	s6 =	sadd.s32 @!p0 s3, s7;
	s7 =	simm.s32 @!p0 $0x108  }
0x21: {  	s3 =	sadd.s32 s3, s9;
	s6 =	sadd.s32 @!p0 $0x88, s6;
	s7 =	simm.s32 @p2 $0x1082  }
0x22: {  	[simem:s7], [sflag:s8] =	dma.local @!p0 [hbm:s6], $0xF7A  }
0x23: {  	s9 =	sor.u32 $0xD0000000, s2;
	s6 =	simm.s32 $0x108;
	_ =	swait.ge @!p0 [sflag:s8], $0x0  }
0x24: {  	s3 =	sadd.s32 $0x88, s3;
	s6 =	simm.s32 @!p1 $0x1082;
	[sflag:s4] =	ssyncset.s32 $0xFFFFF086  }
0x25: {  	[simem:s6], [sflag:s4] =	dma.local [hbm:s3], $0xF7A  }
0x26: {  	[smem:$0x3F82] =	sst s1;
	(tag) =	ssettag s2;
	_ =	strace s9  }
0x27: {  	s1 =	sld [smem:$0x3F92]  }
0x28: {  	s2 =	sld [smem:$0x3F93]  }
0x29: {  	s4 =	sld [smem:$0x3F95]  }
0x2a: {  	p0 =	seq.s32 s5, $0x0;
	s5 =	sld [smem:$0x3F96]  }
0x2b: {  	s6 =	sld [smem:$0x3F97]  }
0x2c: {  	s7 =	sld [smem:$0x3F98]  }
0x2d: {  	s3 =	simm.s32 $0x108;
	s8 =	sld [smem:$0x3F99]  }
0x2e: {  	s3 =	simm.s32 @!p0 $0x1082;
	s9 =	sld [smem:$0x3F9A]  }
0x2f: {  	lr =	sadd.s32 s0, s3;
	s0 =	sld [smem:$0x3F91]  }
0x30: {  	s3 =	sld [smem:$0x3F94]  }
0x31: {  	[smem:$0x3F9D] =	sst s10  }
0x32: {  	s10 =	sld [smem:$0x3F9B];
	_ =	sdelay $0x3  }
0x33: {  	p0 =	seq.s32 s10, $0x1;
	s10 =	sld [smem:$0x3F9D];
	_ =	sdelay $0x3  }
0x34: {  	[smem:$0x3F9D] =	sst s10  }
0x35: {  	s10 =	sld [smem:$0x3F9C];
	_ =	sdelay $0x3  }
0x36: {  	p1 =	seq.s32 s10, $0x1;
	s10 =	sld [smem:$0x3F9D];
	_ =	sdelay $0x3  }
0x37: {  	[smem:$0x3F9D] =	sst s10  }
0x38: {  	s10 =	sld [smem:$0x3F9E]  }
0x39: {  	_ = 	snop;
	(pc) =	sbr.ind lr, $3  }
0x3a: {  	_ = 	snop  }
0x3b: {  	_ = 	snop  }
0x3c: {  	p2 =	seq.s32 s10, $0x1;
	s10 =	sld [smem:$0x3F9D]  }
0x3d: {  	_ =	shalt  }
0x3e: {  	_ =	shalt  }
0x3f: {  	_ =	shalt  }
0x40: {  	_ =	shalt  }
0x41: {  	_ =	shalt  }
0x42: {  	_ =	shalt  }
0x43: {  	_ =	shalt  }
0x44: {  	_ =	shalt  }
0x45: {  	_ =	shalt  }
0x46: {  	_ =	shalt  }
0x47: {  	_ =	shalt  }
0x48: {  	_ =	shalt  }
0x49: {  	_ =	shalt  }
0x4a: {  	_ =	shalt  }
0x4b: {  	_ =	shalt  }
0x4c: {  	_ =	shalt  }
0x4d: {  	_ =	shalt  }
0x4e: {  	_ =	shalt  }
0x4f: {  	_ =	shalt  }
0x50: {  	_ =	shalt  }
0x51: {  	_ =	shalt  }
0x52: {  	_ =	shalt  }
0x53: {  	_ =	shalt  }
0x54: {  	_ =	shalt  }
0x55: {  	_ =	shalt  }
0x56: {  	_ =	shalt  }
0x57: {  	_ =	shalt  }
0x58: {  	_ =	shalt  }
0x59: {  	_ =	shalt  }
0x5a: {  	_ =	shalt  }
0x5b: {  	_ =	shalt  }
0x5c: {  	_ =	shalt  }
0x5d: {  	_ =	shalt  }
0x5e: {  	_ =	shalt  }
0x5f: {  	_ =	shalt  }
0x60: {  	_ =	shalt  }
0x61: {  	_ =	shalt  }
0x62: {  	_ =	shalt  }
0x63: {  	_ =	shalt  }
0x64: {  	_ =	shalt  }
0x65: {  	_ =	shalt  }
0x66: {  	_ =	shalt  }
0x67: {  	_ =	shalt  }
0x68: {  	_ =	shalt  }
0x69: {  	_ =	shalt  }
0x6a: {  	_ =	shalt  }
0x6b: {  	_ =	shalt  }
0x6c: {  	_ =	shalt  }
0x6d: {  	_ =	shalt  }
0x6e: {  	_ =	shalt  }
0x6f: {  	_ =	shalt  }
0x70: {  	_ =	shalt  }
0x71: {  	_ =	shalt  }
0x72: {  	_ =	shalt  }
0x73: {  	_ =	shalt  }
0x74: {  	_ =	shalt  }
0x75: {  	_ =	shalt  }
0x76: {  	_ =	shalt  }
0x77: {  	_ =	shalt  }
0x78: {  	_ =	shalt  }
0x79: {  	_ =	shalt  }
0x7a: {  	_ =	shalt  }
0x7b: {  	_ =	shalt  }
0x7c: {  	_ =	shalt  }
0x7d: {  	_ =	shalt  }
0x7e: {  	_ =	shalt  }
0x7f: {  	_ =	shalt  }
0x80: {  	_ =	shalt  }
0x81: {  	_ =	shalt  }
0x82: {  	_ =	shalt  }
0x83: {  	_ =	shalt  }
0x84: {  	_ =	shalt  }
0x85: {  	_ =	shalt  }
0x86: {  	_ =	shalt  }
0x87: {  	_ =	shalt  }
.Lfunc_end0:
.L_simem_size_0:
called_computation_lowered:
.L_overlay_start_0:
0x88: {  	s2 =	sld [smem:$0x3FD9]  }
0x89: {  	s3 =	sld [smem:$0x3FFE];
	_ =	sdelay $0x1  }
0x8a: {  	s1 =	srdreg.scid  }
0x8b: {  	s0 =	sand.u32 $0x1, s1  }
0x8c: {  	s17 =	sshll.u32 s0, $0xA;
	s2 =	sadd.s32 s3, s2  }
0x8d: {  	s2 =	sadd.s32 s2, s17  }
0x8e: {  	[smem:$0x3FA9] =	sst s2  }
0x8f: {  	_ = 	snop  }
0x90: {  	s2 =	sld [smem:$0x3FD0];
	(tm) =	ssettm $0x1  }
0x91: {  	s18 =	sld [smem:$0x3FFB];
	_ =	sdelay $0x3  }
0x92: {  	_ =	strace s18  }
0x93: {  	s3 =	sld [smem:$0x3FFC];
	_ =	sdelay $0x3  }
0x94: {  	_ =	strace s3  }
0x95: {  	s3 =	sld [smem:$0x3FFD];
	_ =	sdelay $0x3  }
0x96: {  	_ =	strace s3  }
0x97: {  	_ =	strace $0x8FFFFFFF  }
0x98: {  	s19 =	sld [smem:$0x3FDB];
	_ =	sdelay $0x1  }
0x99: {  	s4 =	simm.s32 $_scs_section_size  }
0x9a: {  	s5 =	simm.s32 $_size__tile_overlayer_lowered;
	s6 =	simm.s32 $_tile_overlayer_lowered  }
0x9b: {  	s22 =	simm.s32 $0x1BFF;
	s21 =	sshll.u32 s6, $0x1;
	s3 =	sadd.s32 s4, s19  }
0x9c: {  	s7 =	simm.s32 $0x0;
	s20 =	sshll.u32 s5, $0x1;
	s5 =	sadd.s32 s21, s3  }
0x9d: {  	[timem:s7], [sflag:s22] =	dma.local [hbm:s5], s20  }
0x9e: {  	_ =	swait.ge [sflag:s22], s20  }
0x9f: {  	s4 =	ssub.s32 $0x0, s20;
	[sflag:s22] =	ssyncset.done $0x0  }
0xa0: {  	[sflag:s22] =	ssyncadd.s32 s4;
	_ =	sdelay $0x1  }
0xa1: {  	s23 =	simm.s32 $0x1B8B  }
0xa2: {  	_ =	swait.ge [sflag:s23], $0x1  }
0xa3: {  	[sflag:s23] =	ssyncset.done $0x0  }
0xa4: {  	s25 =	simm.s32 $0x1B8E;
	s24 =	sld [smem:$0x3FFE];
	[sflag:s23] =	ssyncadd.s32 $0xFFFFFFFF  }
0xa5: {  	s26 =	simm.s32 $execute0_lowered;
	[smem:$0x3FD2] =	sst s25  }
0xa6: {  	s5 =	sshll.u32 s26, $0x1;
	_ =	strace $0x80000046;
	[dreg:$0x1] =	wrdreg $0xFFFFFFFF  }
0xa7: {  	s28 =	simm.s32 $_size_execute0_lowered;
	s3 =	sadd.s32 s3, s5;
	[dreg:$0x0] =	wrdreg $0x0  }
0xa8: {  	s5 =	sshll.u32 s28, $0x1;
	[dreg:$0x2] =	wrdreg s3  }
0xa9: {  	[dreg:$0x3] =	wrdreg s5  }
0xaa: {  	[dreg:$0x4] =	wrdreg $0xC0  }
0xab: {  	_ =	task [dreg:s7], $0x5FFFF  }
0xac: {  	[dreg:$0x1] =	wrdreg $0xFFFFFFFF  }
0xad: {  	[dreg:$0x0] =	wrdreg $0x60  }
0xae: {  	[dreg:$0x2] =	wrdreg s24  }
0xaf: {  	[dreg:$0x3] =	wrdreg s2  }
0xb0: {  	[dreg:$0x4] =	wrdreg $0x7B000  }
0xb1: {  	[dreg:$0x5] =	wrdreg $0x9  }
0xb2: {  	_ =	task.clear_ibuf [dreg:s7], $0x6FFFF;
	_ =	strace $0x90000046  }
0xb3: {  	s29 =	simm.s32 $0x9;
	_ =	strace $0x80000048  }
0xb4: {  	_ =	swait.ge [sflag:s29], $0x1  }
0xb5: {  	[sflag:s29] =	ssyncadd.s32 $0xFFFFFFFF  }
0xb6: {  	_ =	strace $0x90000048  }
0xb7: {  	_ =	sfence  }
0xb8: {  	s30 =	sld [smem:$0x0];
	_ =	sdelay $0x2  }
0xb9: {  	s31 =	sshll.u32 s1, $0xD;
	s1 =	sshrl.u32 s1, $0x2  }
0xba: {  	s3 =	sand.u32 $0x4000, s31;
	s1 =	sadd.s32 s1, s30  }
0xbb: {  	s0 =	sor.u32 s3, s0;
	s1 =	sshll.u32 s1, $0x11  }
0xbc: {  	s0 =	sor.u32 s1, s0  }
0xbd: {  	s0 =	sadd.s32 $0x8F2B, s0  }
0xbe: {  	[sflag:s0] =	ssyncadd.remote.s32 $0x1  }
0xbf: {  	_ =	sfence.sel $0xFFFF  }
0xc0: {  	[dreg:$0x0] =	wrdreg $0xFFFFFFFF;
	(pc) =	sbr.abs _section_cstart, $3  }
0xc1: {  	[dreg:$0x1] =	wrdreg $0xFFFFFFFF  }
0xc2: {  	_ =	task.clear_ibuf [dreg:s7], $0x2FFFF;
	_ =	strace $0x9FFFFFFF  }
0xc3: {  	(tm) =	ssettm $0x7FFFFFFF  }
tec
execute0_lowered:
.L_overlay_start_1:
0x0: {  	(tag) =	ssettag $0x1  }
0x1: {  	s0 =	rddreg [dreg:$0x0]  }
0x2: {  	s3 =	rddreg [dreg:$0x2]  }
0x3: {  	s1 =	srdreg.scid;
	s9 =	stileid.u32;
	s4 =	simm.s32 $0x0  }
0x4: {  	s11 =	simm.s32 $0x84;
	s28 =	simm.s32 $0x5;
	s2 =	smul.u32 $0x2800, s9  }
0x5: {  	s29 =	simm.s32 $0x180;
	s30 =	simm.s32 $0x3F00;
	s8 =	smul.u32 $0x50000, s9  }
0x6: {  	s31 =	simm.s32 $0x280;
	s1 =	sand.u32 $0x1, s1;
	s10 =	smul.u32 $0x24, s9  }
0x7: {  	[smem:$0x7FF] =	sst s4;
	s5 =	sadd.s32 $0x1AC00, s0;
	s12 =	smul.u32 $0x84, s9  }
0x8: {  	s6 =	sadd.s32 $0x5C00, s0;
	s7 =	smul.u32 $0x28000, s1;
	_ =	strace $0x80000047  }
0x9: {  	s19 =	ssub.s32 $0x2, s1;
	p0 =	seq.s32 s1, $0x0;
	s20 =	sshrl.u32 s8, $0x2  }
0xa: {  	s21 =	sshrl.u32 s19, $0x1;
	s1 =	sadd.s32 $0x840, s10;
	s11 =	simm.s32 @!p0 $0x24  }
0xb: {  	s2 =	sadd.s32 s2, s7;
	s7 =	sadd.s32 s20, s3;
	s1 =	smov.u32 @p0 s12  }
0xc: {  	s17 =	smul.u32 $0xAB, s11;
	s18 =	sadd.s32 $0xFFFFFFFA, s11;
	s24 =	sadd.s32 $0xFFFFFFF9, s11  }
0xd: {  	s25 =	sadd.s32 $0xFFFFFFF8, s11;
	s20 =	simm.s32 $0x300;
	s0 =	sadd.s32 s2, s0  }
0xe: {  	s2 =	ssub.s32 s19, s21;
	s22 =	sadd.s32 $0x3C00, s7;
	[dreg:$0x4] =	wrdreg s18  }
0xf: {  	s23 =	sadd.s32 $0x7800, s7;
	s10 =	sadd.s32 $0xB400, s7;
	[dreg:$0x5] =	wrdreg s24  }
0x10: {  	s12 =	sadd.s32 $0xF000, s7;
	s14 =	sshll.u32 s1, $0x5;
	[dreg:$0x6] =	wrdreg s25  }
0x11: {  	s13 =	sadd.s32 $0x12C00, s7;
	s26 =	sshll.u32 s1, $0x8;
	[dreg:$0x8] =	wrdreg s22  }
0x12: {  	s21 =	simm.s32 $0x6;
	s25 =	simm.s32 $0x4;
	[dreg:$0x9] =	wrdreg s23  }
0x13: {  	s14 =	sadd.s32 s6, s14;
	s17 =	sshrl.u32 s17, $0xA;
	s18 =	smax.u32 s2, $0x1  }
0x14: {  	s2 =	sadd.s32 $0x400, s26;
	s22 =	simm.s32 $0x78;
	s19 =	smul.u32 $0x6, s17  }
0x15: {  	s26 =	simm.s32 $0x80;
	s15 =	sadd.s32 $0x20, s14;
	s16 =	sadd.s32 $0x40, s14  }
0x16: {  	s17 =	sadd.s32 $0x41E00, s0;
	s0 =	simm.s32 $0x0;
	[dreg:$0x7] =	wrdreg s19  }
.LBB2_1:
0x17: {  	s1 =	rddreg [dreg:$0x1]  }
0x18: {  	[tilespmem:s20], [sflag:$0x6] =	stream.linear.gather [hbm4b:s1+s4], $0x3C00, $0x38;
	[tilespmem:$0x1BB00] =	vst v63  }
0x19: {  	_ =	swait.ge [sflag:s21], $0x3C00  }
0x1a: {  	[sflag:s21] =	ssyncset.done $0x0  }
0x1b: {  	[sflag:s21] =	ssyncadd.s32 $0xFFFFC400  }
0x1c: {  	[spmem:s7] =	stream.linear.scatter [tilespmem:s20], [sflag:$0x6], $0x3C00, $0x38;
	[tilespmem:$0x1BB00] =	vst v63  }
0x1d: {  	_ =	swait.ge [sflag:s21], $0x3C00  }
0x1e: {  	[sflag:s21] =	ssyncset.done $0x0  }
0x1f: {  	s9 =	rddreg [dreg:$0x8];
	[sflag:s21] =	ssyncadd.s32 $0xFFFFC400  }
0x20: {  	[spmem:s9] =	stream.linear.scatter [tilespmem:s20], [sflag:$0x6], $0x3C00, $0x38;
	[tilespmem:$0x1BB00] =	vst v63  }
0x21: {  	_ =	swait.ge [sflag:s21], $0x3C00  }
0x22: {  	[sflag:s21] =	ssyncset.done $0x0  }
0x23: {  	s19 =	rddreg [dreg:$0x9];
	[sflag:s21] =	ssyncadd.s32 $0xFFFFC400  }
0x24: {  	[spmem:s19] =	stream.linear.scatter [tilespmem:s20], [sflag:$0x6], $0x3C00, $0x38;
	[tilespmem:$0x1BB00] =	vst v63  }
0x25: {  	_ =	swait.ge [sflag:s21], $0x3C00  }
0x26: {  	[sflag:s21] =	ssyncset.done $0x0  }
0x27: {  	[sflag:s21] =	ssyncadd.s32 $0xFFFFC400  }
0x28: {  	[spmem:s10] =	stream.linear.scatter [tilespmem:s20], [sflag:$0x6], $0x3C00, $0x38;
	[tilespmem:$0x1BB00] =	vst v63  }
0x29: {  	_ =	swait.ge [sflag:s21], $0x3C00  }
0x2a: {  	[sflag:s21] =	ssyncset.done $0x0  }
0x2b: {  	[sflag:s21] =	ssyncadd.s32 $0xFFFFC400  }
0x2c: {  	[spmem:s12] =	stream.linear.scatter [tilespmem:s20], [sflag:$0x6], $0x3C00, $0x38;
	[tilespmem:$0x1BB00] =	vst v63  }
0x2d: {  	_ =	swait.ge [sflag:s21], $0x3C00  }
0x2e: {  	[sflag:s21] =	ssyncset.done $0x0  }
0x2f: {  	[sflag:s21] =	ssyncadd.s32 $0xFFFFC400  }
0x30: {  	[spmem:s13] =	stream.linear.scatter [tilespmem:s20], [sflag:$0x6], $0x1400, $0x38;
	[tilespmem:$0x1BB00] =	vst v63  }
0x31: {  	_ =	swait.ge [sflag:s21], $0x1400  }
0x32: {  	[sflag:s21] =	ssyncset.done $0x0  }
0x33: {  	[sflag:s21] =	ssyncadd.s32 $0xFFFFEC00  }
0x34: {  	[bflag:$0x0] =	sbarrier.arrive $0xFFFF  }
0x35: {  	[tilespmem:s4], [sflag:$0x6] =	stream.linear.gather [hbm4b:s14+s4], $0x100, $0x38;
	[tilespmem:$0x1BB00] =	vst v63  }
0x36: {  	_ =	swait.ge [sflag:s21], $0x100  }
0x37: {  	[sflag:s21] =	ssyncset.done $0x0  }
0x38: {  	[sflag:s21] =	ssyncadd.s32 $0xFFFFFF00  }
0x39: {  	[tilespmem:s20], [sflag:$0x4] =	stream.indirect.gather [hbm4b:s5+s22], $0x80, s4, s22, $0xb8;
	[tilespmem:$0x1BB00] =	vst v63  }
0x3a: {  	s23 =	simm.s32 $0x100  }
0x3b: {  	[tilespmem:s23], [sflag:$0x2] =	stream.linear.gather [hbm4b:s15+s4], $0x100, $0x38;
	[tilespmem:$0x1BB00] =	vst v63  }
0x3c: {  	s24 =	simm.s32 $0x200;
	s1 =	simm.s32 $0x0;
	s19 =	smov.u32 s2  }
0x3d: {  	[tilespmem:s24], [sflag:$0x3] =	stream.linear.gather [hbm4b:s16+s4], $0x100, $0x38;
	[tilespmem:$0x1BB00] =	vst v63  }
.LBB2_2:
0x3e: {  	s23 =	sadd.s32 $0x1, s1  }
0x3f: {  	p0 =	sge.u32 s23, s11  }
0x40: {  	s23 =	simm.s32 @!p0 $0x2  }
0x41: {  	_ =	swait.ge @!p0 [sflag:s23], $0x100  }
0x42: {  	s24 =	simm.s32 @!p0 $0x100;
	[sflag:s23] =	ssyncset.done @!p0 $0x0  }
0x43: {  	s8 =	simm.s32 @!p0 $0x3F00;
	[sflag:s23] =	ssyncadd.s32 @!p0 $0xFFFFFF00;
	s23 =	simm.s32 @!p0 $0x78  }
0x44: {  	[tilespmem:s8], [sflag:$0x5] =	stream.indirect.gather @!p0 [hbm4b:s5+s23], $0x80, s24, s23, $0xb8;
	[tilespmem:$0x1BB00] =	vst v63  }
0x45: {  	_ =	swait.ge [sflag:s25], $0x3C00  }
0x46: {  	s23 =	sadd.s32 $0x3, s1;
	[sflag:s25] =	ssyncset.done $0x0  }
0x47: {  	p0 =	sge.u32 s23, s11;
	[sflag:s25] =	ssyncadd.s32 $0xFFFFC400  }
0x48: {  	[spmem:s3] =	stream.indirect.scatter.add.f32 [tilespmem:s20], [sflag:$0x6], $0x80, s26, s22, $0xb8;
	[tilespmem:$0x1BB00] =	vst v63  }
0x49: {  	s24 =	sadd.s32 $0x2, s1;
	s8 =	sadd.s32 @!p0 $0xFFFFFF00, s19;
	_ =	swait.ge [sflag:s21], $0x3C00  }
0x4a: {  	p1 =	sge.u32 s24, s11;
	s8 =	sshrl.u32 @!p0 s8, $0x3;
	[sflag:s21] =	ssyncset.done $0x0  }
0x4b: {  	s23 =	simm.s32 @!p0 $0x0;
	s8 =	sadd.s32 @!p0 s6, s8;
	[sflag:s21] =	ssyncadd.s32 $0xFFFFC400  }
0x4c: {  	[tilespmem:s23], [sflag:$0x1] =	stream.linear.gather @!p0 [hbm4b:s8+s23], $0x100, $0x38;
	[tilespmem:$0x1BB00] =	vst v63  }
0x4d: {  	s8 =	simm.s32 @!p1 $0x3  }
0x4e: {  	_ =	swait.ge @!p1 [sflag:s8], $0x100  }
0x4f: {  	s24 =	simm.s32 @!p1 $0x200;
	[sflag:s8] =	ssyncset.done @!p1 $0x0  }
0x50: {  	s9 =	simm.s32 @!p1 $0x300;
	[sflag:s8] =	ssyncadd.s32 @!p1 $0xFFFFFF00;
	s8 =	simm.s32 @!p1 $0x78  }
0x51: {  	[tilespmem:s9], [sflag:$0x4] =	stream.indirect.gather @!p1 [hbm4b:s5+s8], $0x80, s24, s8, $0xb8;
	[tilespmem:$0x1BB00] =	vst v63  }
0x52: {  	_ =	swait.ge [sflag:s28], $0x3C00  }
0x53: {  	[sflag:s28] =	ssyncset.done $0x0  }
0x54: {  	s9 =	sadd.s32 $0x4, s1;
	[sflag:s28] =	ssyncadd.s32 $0xFFFFC400  }
0x55: {  	[spmem:s3] =	stream.indirect.scatter.add.f32 [tilespmem:s30], [sflag:$0x6], $0x80, s29, s22, $0xb8;
	[tilespmem:$0x1BB00] =	vst v63  }
0x56: {  	p1 =	sge.u32 s9, s11;
	_ =	swait.ge [sflag:s21], $0x3C00  }
0x57: {  	s8 =	sshrl.u32 @!p1 s19, $0x3;
	s9 =	simm.s32 @!p1 $0x0;
	[sflag:s21] =	ssyncset.done $0x0  }
0x58: {  	s24 =	simm.s32 @!p1 $0x100;
	s8 =	sadd.s32 @!p1 s6, s8;
	[sflag:s21] =	ssyncadd.s32 $0xFFFFC400  }
0x59: {  	[tilespmem:s24], [sflag:$0x2] =	stream.linear.gather @!p1 [hbm4b:s8+s9], $0x100, $0x38;
	[tilespmem:$0x1BB00] =	vst v63  }
0x5a: {  	s8 =	simm.s32 @!p0 $0x1  }
0x5b: {  	_ =	swait.ge @!p0 [sflag:s8], $0x100  }
0x5c: {  	[sflag:s8] =	ssyncset.done @!p0 $0x0  }
0x5d: {  	s9 =	simm.s32 @!p0 $0x3F00;
	[sflag:s8] =	ssyncadd.s32 @!p0 $0xFFFFFF00;
	s8 =	simm.s32 @!p0 $0x78  }
0x5e: {  	[tilespmem:s9], [sflag:$0x5] =	stream.indirect.gather @!p0 [hbm4b:s5+s8], $0x80, s23, s8, $0xb8;
	[tilespmem:$0x1BB00] =	vst v63  }
0x5f: {  	_ =	swait.ge [sflag:s25], $0x3C00  }
0x60: {  	s23 =	sadd.s32 $0x5, s1;
	[sflag:s25] =	ssyncset.done $0x0  }
0x61: {  	p0 =	sge.u32 s23, s11;
	[sflag:s25] =	ssyncadd.s32 $0xFFFFC400  }
0x62: {  	[spmem:s3] =	stream.indirect.scatter.add.f32 [tilespmem:s20], [sflag:$0x6], $0x80, s31, s22, $0xb8;
	[tilespmem:$0x1BB00] =	vst v63  }
0x63: {  	s8 =	sadd.s32 @!p0 $0x100, s19;
	_ =	swait.ge [sflag:s21], $0x3C00  }
0x64: {  	s9 =	simm.s32 @!p0 $0x0;
	s8 =	sshrl.u32 @!p0 s8, $0x3;
	[sflag:s21] =	ssyncset.done $0x0  }
0x65: {  	s23 =	simm.s32 @!p0 $0x200;
	s8 =	sadd.s32 @!p0 s6, s8;
	[sflag:s21] =	ssyncadd.s32 $0xFFFFC400  }
0x66: {  	[tilespmem:s23], [sflag:$0x3] =	stream.linear.gather @!p0 [hbm4b:s8+s9], $0x100, $0x38;
	[tilespmem:$0x1BB00] =	vst v63  }
0x67: {  	s8 =	simm.s32 @!p1 $0x2  }
0x68: {  	_ =	swait.ge @!p1 [sflag:s8], $0x100  }
0x69: {  	[sflag:s8] =	ssyncset.done @!p1 $0x0  }
0x6a: {  	s9 =	simm.s32 @!p1 $0x300;
	[sflag:s8] =	ssyncadd.s32 @!p1 $0xFFFFFF00;
	s8 =	simm.s32 @!p1 $0x78  }
0x6b: {  	[tilespmem:s9], [sflag:$0x4] =	stream.indirect.gather @!p1 [hbm4b:s5+s8], $0x80, s24, s8, $0xb8;
	[tilespmem:$0x1BB00] =	vst v63  }
0x6c: {  	_ =	swait.ge [sflag:s28], $0x3C00  }
0x6d: {  	[sflag:s28] =	ssyncset.done $0x0  }
0x6e: {  	[sflag:s28] =	ssyncadd.s32 $0xFFFFC400  }
0x6f: {  	[spmem:s3] =	stream.indirect.scatter.add.f32 [tilespmem:s30], [sflag:$0x6], $0x80, s26, s22, $0xb8;
	[tilespmem:$0x1BB00] =	vst v63  }
0x70: {  	_ =	swait.ge [sflag:s21], $0x3C00  }
0x71: {  	s9 =	rddreg [dreg:$0x4]  }
0x72: {  	p1 =	sge.u32 s1, s9  }
0x73: {  	s8 =	sadd.s32 @!p1 $0x200, s19  }
0x74: {  	[sflag:s21] =	ssyncset.done $0x0;
	s8 =	sshrl.u32 @!p1 s8, $0x3  }
0x75: {  	[sflag:s21] =	ssyncadd.s32 $0xFFFFC400;
	s9 =	simm.s32 @!p1 $0x0;
	s8 =	sadd.s32 @!p1 s6, s8  }
0x76: {  	[tilespmem:s9], [sflag:$0x1] =	stream.linear.gather @!p1 [hbm4b:s8+s9], $0x100, $0x38;
	[tilespmem:$0x1BB00] =	vst v63  }
0x77: {  	s8 =	simm.s32 @!p0 $0x3  }
0x78: {  	_ =	swait.ge @!p0 [sflag:s8], $0x100  }
0x79: {  	[sflag:s8] =	ssyncset.done @!p0 $0x0  }
0x7a: {  	s24 =	simm.s32 @!p0 $0x3F00;
	[sflag:s8] =	ssyncadd.s32 @!p0 $0xFFFFFF00;
	s8 =	simm.s32 @!p0 $0x78  }
0x7b: {  	[tilespmem:s24], [sflag:$0x5] =	stream.indirect.gather @!p0 [hbm4b:s5+s8], $0x80, s23, s8, $0xb8;
	[tilespmem:$0x1BB00] =	vst v63  }
0x7c: {  	_ =	swait.ge [sflag:s25], $0x3C00  }
0x7d: {  	[sflag:s25] =	ssyncset.done $0x0  }
0x7e: {  	[sflag:s25] =	ssyncadd.s32 $0xFFFFC400  }
0x7f: {  	[spmem:s3] =	stream.indirect.scatter.add.f32 [tilespmem:s20], [sflag:$0x6], $0x80, s29, s22, $0xb8;
	[tilespmem:$0x1BB00] =	vst v63  }
0x80: {  	_ =	swait.ge [sflag:s21], $0x3C00  }
0x81: {  	s23 =	rddreg [dreg:$0x5]  }
0x82: {  	p0 =	sge.u32 s1, s23  }
0x83: {  	[sflag:s21] =	ssyncset.done $0x0;
	s8 =	sadd.s32 @!p0 $0x300, s19  }
0x84: {  	[sflag:s21] =	ssyncadd.s32 $0xFFFFC400;
	s8 =	sshrl.u32 @!p0 s8, $0x3  }
0x85: {  	s23 =	simm.s32 @!p0 $0x0;
	s24 =	simm.s32 @!p0 $0x100;
	s8 =	sadd.s32 @!p0 s6, s8  }
0x86: {  	[tilespmem:s24], [sflag:$0x2] =	stream.linear.gather @!p0 [hbm4b:s8+s23], $0x100, $0x38;
	[tilespmem:$0x1BB00] =	vst v63  }
0x87: {  	s8 =	simm.s32 @!p1 $0x1  }
0x88: {  	_ =	swait.ge @!p1 [sflag:s8], $0x100  }
0x89: {  	[sflag:s8] =	ssyncset.done @!p1 $0x0  }
0x8a: {  	s23 =	simm.s32 @!p1 $0x300;
	[sflag:s8] =	ssyncadd.s32 @!p1 $0xFFFFFF00;
	s8 =	simm.s32 @!p1 $0x78  }
0x8b: {  	[tilespmem:s23], [sflag:$0x4] =	stream.indirect.gather @!p1 [hbm4b:s5+s8], $0x80, s9, s8, $0xb8;
	[tilespmem:$0x1BB00] =	vst v63  }
0x8c: {  	_ =	swait.ge [sflag:s28], $0x3C00  }
0x8d: {  	[sflag:s28] =	ssyncset.done $0x0  }
0x8e: {  	[sflag:s28] =	ssyncadd.s32 $0xFFFFC400  }
0x8f: {  	[spmem:s3] =	stream.indirect.scatter.add.f32 [tilespmem:s30], [sflag:$0x6], $0x80, s31, s22, $0xb8;
	[tilespmem:$0x1BB00] =	vst v63  }
0x90: {  	_ =	swait.ge [sflag:s21], $0x3C00  }
0x91: {  	s24 =	rddreg [dreg:$0x6]  }
0x92: {  	[sflag:s21] =	ssyncset.done $0x0;
	p0 =	sge.u32 s1, s24  }
0x93: {  	[sflag:s21] =	ssyncadd.s32 $0xFFFFC400;
	s8 =	sadd.s32 @!p0 $0x400, s19  }
0x94: {  	s24 =	rddreg [dreg:$0x7];
	s1 =	sadd.s32 $0x6, s1;
	s8 =	sshrl.u32 @!p0 s8, $0x3  }
0x95: {  	s9 =	simm.s32 @!p0 $0x0;
	s23 =	simm.s32 @!p0 $0x200;
	s8 =	sadd.s32 @!p0 s6, s8  }
0x96: {  	[tilespmem:s23], [sflag:$0x3] =	stream.linear.gather @!p0 [hbm4b:s8+s9], $0x100, $0x38;
	[tilespmem:$0x1BB00] =	vst v63  }
0x97: {  	p0 =	sne.s32 s24, s1  }
.Ltmp0:
0x98: {  	_ = 	snop;
	(pc) =	sbr.rel @p0 .LBB2_2-.Ltmp0, $2  }
0x99: {  	_ =	sdelay $0x2  }
0x9a: {  	s19 =	sadd.s32 $0x600, s19  }
0x9b: {  	s1 =	stileid.u32;
	s0 =	sadd.s32 $0x1, s0  }
0x9c: {  	[bflag:$0x0] =	sbarrier.arrive $0xFFFF;
	s1 =	sshll.u32 s1, $0x6;
	p0 =	sne.s32 s0, s18  }
.Ltmp1:
0x9d: {  	s8 =	sshrl.u32 s7, $0x3;
	s1 =	sor.u32 $0x1C06, s1;
	(pc) =	sbr.rel @p0 .LBB2_1-.Ltmp1, $4  }
0x9e: {  	[hbm:s17], [sflag:s1] =	dma.local [spmem:s8], $0x2800  }
0x9f: {  	_ =	swait.ge [sflag:s21], $0x2800  }
0xa0: {  	[sflag:s21] =	ssyncset.done $0x0  }
0xa1: {  	[sflag:s21] =	ssyncadd.s32 $0xFFFFD800  }
0xa2: {  	_ =	sfence.sel $0x180000  }
0xa3: {  	[bflag:$0x0] =	sbarrier.arrive $0xFFFF  }
0xa4: {  	_ =	strace $0x90000047  }
0xa5: {  	s0 =	stileid.u32;
	[bflag:$0x2] =	sbarrier.arrive $0xFFFF  }
0xa6: {  	p0 =	sne.s32 s0, $0x0;
	s0 =	rddreg [dreg:$0x3]  }
0xa7: {  	s0 =	sadd.s32 @!p0 $0x100000, s0  }
0xa8: {  	[sflag:s0] =	ssyncadd.tile.s32 @!p0 $0x1;
	_ =	shalt  }
.Lfunc_end2:
_tile_overlayer_lowered:
.L_overlay_start_2:
0xa9: {  	(tag) =	ssettag $0x2  }
0xaa: {  	s0 =	rddreg [dreg:$0x0];
	s2 =	stileid.u32  }
0xab: {  	s1 =	rddreg [dreg:$0x1];
	p0 =	sne.s32 s2, $0x0  }
0xac: {  	s3 =	rddreg [dreg:$0x2];
	[bflag:$0x3] =	sbarrier.arrive $0xFFFF;
	s2 =	simm.s32 @!p0 $0x1C06  }
0xad: {  	[timem:s3], [sflag:s2] =	dma.local @!p0 [hbm:s0], s1  }
0xae: {  	s0 =	simm.s32 @!p0 $0x6  }
0xaf: {  	_ =	swait.ge @!p0 [sflag:s0], s1  }
0xb0: {  	s1 =	ssub.s32 @!p0 $0x0, s1;
	[sflag:s0] =	ssyncset.done @!p0 $0x0  }
0xb1: {  	[sflag:s0] =	ssyncadd.s32 @!p0 s1  }
0xb2: {  	[bflag:$0x3] =	sbarrier.arrive $0xFFFF  }
0xb3: {  	_ =	shalt  }

</sc_bundles>
